<compile_context>
chip_gen: v7x
topology: tpu7x:2x2x1
jax: 0.10.2.dev20260603
libtpu: 0.0.44.dev20260713+nightly
codegen_flags: <defaults>
</compile_context>

<pallas_src>
import functools

import jax
import jax.numpy as jnp
from jax import lax
from jax.experimental import pallas as pl
from jax.experimental.pallas import tpu as pltpu
from jax.experimental.pallas import tpu_sc as plsc

N = 10000
E = 320000
D = 128

NC = 2
NS = 16
NW = NC * NS

NPAD = 10112
ROWS_PER_TEC = NPAD // NS
EB = 128
EPT = 10240
NB = EPT // EB
EPAD = NW * EPT

_mesh = plsc.VectorSubcoreMesh(core_axis_name="c", subcore_axis_name="s")


@functools.partial(
    pl.kernel,
    mesh=_mesh,
    out_type=jax.ShapeDtypeStruct((NC, NPAD, D), jnp.float32),
    scratch_types=[
        pltpu.VMEM((NB, EB), jnp.int32),
        pltpu.VMEM((3, EB), jnp.int32),
        pltpu.VMEM((EB, D), jnp.float32),
        pltpu.VMEM((EB, D), jnp.float32),
        pltpu.VMEM_SHARED((NPAD, D), jnp.float32),
        pltpu.SemaphoreType.DMA((3,)),
        pltpu.SemaphoreType.DMA((3,)),
        pltpu.SemaphoreType.DMA,
    ],
)
def _deg_kernel(src_hbm, dst_hbm, e0_hbm, e1_hbm, zeros_hbm,
                out_hbm,
                srct_v, dstb_v, e0_v, e1_v, sp, idems, sdems, se):
    c = lax.axis_index("c")
    s = lax.axis_index("s")
    wid = c * NS + s
    rbase = s * ROWS_PER_TEC

    pltpu.sync_copy(zeros_hbm.at[pl.ds(rbase, ROWS_PER_TEC)],
                    sp.at[pl.ds(rbase, ROWS_PER_TEC)])
    pltpu.sync_copy(e0_hbm, e0_v)
    pltpu.sync_copy(e1_hbm, e1_v)
    pltpu.sync_copy(src_hbm.at[wid], srct_v)
    plsc.subcore_barrier()

    def _wait_e0():
        pltpu.make_async_copy(e0_v, sp.at[pl.ds(0, EB)], se).wait()

    def _wait_e1(m):
        pltpu.make_async_copy(e0_v, sp.at[pl.ds(0, EB)],
                              sdems.at[lax.rem(m, 3)]).wait()

    pltpu.async_copy(dst_hbm.at[wid, 0], dstb_v.at[0], idems.at[0])

    def body(m, carry):
        @pl.when(m >= 2)
        def _():
            _wait_e0()
            _wait_e1(m - 2)
        @pl.when(m + 1 < NB)
        def _():
            pltpu.async_copy(dst_hbm.at[wid, m + 1],
                             dstb_v.at[lax.rem(m + 1, 3)],
                             idems.at[lax.rem(m + 1, 3)])

        pltpu.async_copy(e0_v, sp.at[srct_v.at[m]], se, add=True)
        pltpu.make_async_copy(dst_hbm.at[wid, 0], dstb_v.at[0],
                              idems.at[lax.rem(m, 3)]).wait()
        pltpu.async_copy(e1_v, sp.at[dstb_v.at[lax.rem(m, 3)]],
                         sdems.at[lax.rem(m, 3)], add=True)
        return carry

    lax.fori_loop(0, NB, body, 0)
    _wait_e0()
    _wait_e0()
    _wait_e1(NB - 2)
    _wait_e1(NB - 1)
    plsc.subcore_barrier()

    pltpu.sync_copy(sp.at[pl.ds(rbase, ROWS_PER_TEC)],
                    out_hbm.at[c, pl.ds(rbase, ROWS_PER_TEC)])


@functools.partial(
    pl.kernel,
    mesh=_mesh,
    out_type=jax.ShapeDtypeStruct((NC, NPAD, D), jnp.float32),
    scratch_types=[
        pltpu.VMEM((3, EB), jnp.int32),
        pltpu.VMEM((4, EB), jnp.int32),
        pltpu.VMEM((3, EB, D), jnp.float32),
        pltpu.VMEM_SHARED((NPAD, D), jnp.float32),
        pltpu.SemaphoreType.DMA((3,)),
        pltpu.SemaphoreType.DMA((4,)),
        pltpu.SemaphoreType.DMA((3,)),
        pltpu.SemaphoreType.DMA((3,)),
    ],
)
def _agg_kernel(src_hbm, dst_hbm, hw_hbm, zeros_hbm,
                out_hbm,
                srcb_v, dstb_v, rows, agg_sp, isems, idems, gsems, ssems):
    c = lax.axis_index("c")
    s = lax.axis_index("s")
    wid = c * NS + s
    rbase = s * ROWS_PER_TEC

    pltpu.sync_copy(zeros_hbm.at[pl.ds(rbase, ROWS_PER_TEC)],
                    agg_sp.at[pl.ds(rbase, ROWS_PER_TEC)])
    plsc.subcore_barrier()

    def _fire_pair(m):
        pltpu.async_copy(src_hbm.at[wid, m], srcb_v.at[lax.rem(m, 3)],
                         isems.at[lax.rem(m, 3)])
        pltpu.async_copy(dst_hbm.at[wid, m], dstb_v.at[lax.rem(m, 4)],
                         idems.at[lax.rem(m, 4)])

    def _drain_pair(m):
        pltpu.make_async_copy(src_hbm.at[wid, 0], srcb_v.at[0],
                              isems.at[lax.rem(m, 3)]).wait()
        pltpu.make_async_copy(src_hbm.at[wid, 0], srcb_v.at[0],
                              idems.at[lax.rem(m, 4)]).wait()

    def _fire_gather(m):
        pltpu.async_copy(hw_hbm.at[srcb_v.at[lax.rem(m, 3)]],
                         rows.at[lax.rem(m, 3)], gsems.at[lax.rem(m, 3)])

    def _drain_gather(m):
        pltpu.make_async_copy(hw_hbm.at[pl.ds(0, EB)], rows.at[0],
                              gsems.at[lax.rem(m, 3)]).wait()

    def _drain_scatter(m):
        pltpu.make_async_copy(rows.at[0], agg_sp.at[pl.ds(0, EB)],
                              ssems.at[lax.rem(m, 3)]).wait()

    def prime(m, carry):
        _fire_pair(m)
        return carry

    lax.fori_loop(0, 3, prime, 0)
    _drain_pair(0)
    _fire_gather(0)
    _drain_pair(1)
    _fire_gather(1)

    def body(m, carry):
        @pl.when(m >= 1)
        def _():
            _drain_scatter(m - 1)

        _drain_gather(m)
        pltpu.async_copy(rows.at[lax.rem(m, 3)],
                         agg_sp.at[dstb_v.at[lax.rem(m, 4)]],
                         ssems.at[lax.rem(m, 3)], add=True)

        @pl.when(m + 3 < NB)
        def _():
            _fire_pair(m + 3)

        @pl.when(m + 2 < NB)
        def _():
            _drain_pair(m + 2)
            _fire_gather(m + 2)

        return carry

    lax.fori_loop(0, NB, body, 0)
    _drain_scatter(NB - 1)
    plsc.subcore_barrier()

    pltpu.sync_copy(agg_sp.at[pl.ds(rbase, ROWS_PER_TEC)],
                    out_hbm.at[c, pl.ds(rbase, ROWS_PER_TEC)])


def _pre_body(deg_ref, h_ref, w_ref, hw_ref, ns_ref, nd_ref):
    co = deg_ref[0, :, 0:1] + deg_ref[1, :, 0:1]
    ci = deg_ref[0, :, 1:2] + deg_ref[1, :, 1:2]
    ns = lax.rsqrt(co + 1.0)
    ns_ref[:] = ns
    nd_ref[:] = lax.rsqrt(ci + 1.0)
    hw_ref[:] = jnp.dot(h_ref[:] * ns, w_ref[:],
                        preferred_element_type=jnp.float32)


def _pre_matmul(deg, h, w):
    return pl.pallas_call(
        _pre_body,
        out_shape=[
            jax.ShapeDtypeStruct((NPAD, D), jnp.float32),
            jax.ShapeDtypeStruct((NPAD, 1), jnp.float32),
            jax.ShapeDtypeStruct((NPAD, 1), jnp.float32),
        ],
    )(deg, h, w)


def _mid_body(p_ref, hw_ref, nd_ref, b_ref, ns_ref, w_ref, o_ref):
    agg = p_ref[0] + p_ref[1] + hw_ref[:]
    h = jnp.maximum(agg * nd_ref[:] + b_ref[:], 0.0) * ns_ref[:]
    o_ref[:] = jnp.dot(h, w_ref[:], preferred_element_type=jnp.float32)


def _mid_matmul(parts, hw, nd, b, ns, w):
    return pl.pallas_call(
        _mid_body,
        out_shape=jax.ShapeDtypeStruct((NPAD, D), jnp.float32),
    )(parts, hw, nd, b, ns, w)


def _fin_body(p_ref, hw_ref, nd_ref, b_ref, o_ref):
    agg = p_ref[0] + p_ref[1] + hw_ref[:]
    o_ref[:] = agg * nd_ref[:] + b_ref[:]


def _fin_combine(parts, hw, nd, b):
    return pl.pallas_call(
        _fin_body,
        out_shape=jax.ShapeDtypeStruct((NPAD, D), jnp.float32),
    )(parts, hw, nd, b)


def kernel(features, edge_index, W1, b1, W2, b2, W3, b3):
    src = edge_index[0].astype(jnp.int32)
    dst = edge_index[1].astype(jnp.int32)
    pad = EPAD - E
    fill = N + (jnp.arange(pad, dtype=jnp.int32) % (NPAD - N))
    srcp = jnp.concatenate([src, fill]).reshape(NW, NB, EB)
    dstp = jnp.concatenate([dst, fill]).reshape(NW, NB, EB)

    featp = jnp.pad(features, ((0, NPAD - N), (0, 0)))
    zerosD = jnp.zeros((NPAD, D), jnp.float32)
    eye2 = jnp.eye(2, D, dtype=jnp.float32)
    e0 = jnp.broadcast_to(eye2[0:1], (EB, D))
    e1 = jnp.broadcast_to(eye2[1:2], (EB, D))

    deg = _deg_kernel(srcp, dstp, e0, e1, zerosD)

    b1r = b1.reshape(1, D)
    b2r = b2.reshape(1, D)
    b3r = b3.reshape(1, D)

    hw, ns, nd = _pre_matmul(deg, featp, W1)
    parts = _agg_kernel(srcp, dstp, hw, zerosD)
    hw = _mid_matmul(parts, hw, nd, b1r, ns, W2)
    parts = _agg_kernel(srcp, dstp, hw, zerosD)
    hw = _mid_matmul(parts, hw, nd, b2r, ns, W2)
    parts = _agg_kernel(srcp, dstp, hw, zerosD)
    hw = _mid_matmul(parts, hw, nd, b2r, ns, W3)
    parts = _agg_kernel(srcp, dstp, hw, zerosD)
    out = _fin_combine(parts, hw, nd, b3r)

    return out[:N]

# --- scband reference (transcript-rebuilt; emitter-appended) ---
"""Pipeline reference for scband-graph-sage-31095563223159 (READ-ONLY COPY).

The authoritative reference and input builder live on the scoring server;
editing this copy changes nothing except your own understanding.
"""

import jax, jax.numpy as jnp
import numpy as np

N = 10000
E = 320000
IN_DIM = 128
HID = 128
OUT = 128


def _glorot(key, fan_in, fan_out):
    limit = np.sqrt(6.0 / (fan_in + fan_out))
    return jax.random.uniform(key, (fan_in, fan_out), dtype=jnp.float32, minval=-limit, maxval=limit)


def setup_inputs(seed: int = 0) -> dict:
    key = jax.random.key(seed)
    ks = jax.random.split(key, 8)
    features = jax.random.normal(ks[0], (N, IN_DIM), dtype=jnp.float32)
    edge_index = jax.random.randint(ks[1], (2, E), 0, N)
    W1 = _glorot(ks[2], IN_DIM, HID)
    b1 = jnp.zeros((HID,), dtype=jnp.float32)
    W2 = _glorot(ks[3], HID, HID)
    b2 = jnp.zeros((HID,), dtype=jnp.float32)
    W3 = _glorot(ks[4], HID, OUT)
    b3 = jnp.zeros((OUT,), dtype=jnp.float32)
    return {"features": features, "edge_index": edge_index,
            "W1": W1, "b1": b1, "W2": W2, "b2": b2, "W3": W3, "b3": b3}


def reference(features, edge_index, W1, b1, W2, b2, W3, b3):
    # DGL: g = dgl.add_self_loop(g)
    src0 = edge_index[0]
    dst0 = edge_index[1]
    loop = jnp.arange(N, dtype=src0.dtype)
    src = jnp.concatenate([src0, loop])
    dst = jnp.concatenate([dst0, loop])

    # GraphConv norm='both': h_src * out_deg^-1/2 -> sum aggregate -> * in_deg^-1/2
    deg_out = jnp.zeros((N,), jnp.float32).at[src].add(1.0)
    deg_in = jnp.zeros((N,), jnp.float32).at[dst].add(1.0)
    norm_src = jax.lax.rsqrt(jnp.maximum(deg_out, 1.0))[:, None]
    norm_dst = jax.lax.rsqrt(jnp.maximum(deg_in, 1.0))[:, None]

    def graph_conv(h, W, b):
        h = h * norm_src
        h = h @ W
        agg = jax.ops.segment_sum(h[src], dst, num_segments=N)
        return agg * norm_dst + b

    h = jax.nn.relu(graph_conv(features, W1, b1))
    h = jax.nn.relu(graph_conv(h, W2, b2))
    # NOTE: source applies conv2 twice (faithful to the snippet)
    h = jax.nn.relu(graph_conv(h, W2, b2))
    h = graph_conv(h, W3, b3)
    return h

if __name__ == "__main__":
    import jax
    _d = setup_inputs()
    print(jax.jit(kernel)(*tuple(_d.values())))

</pallas_src>

<mosaic_0001>
#map = affine_map<(d0, d1) -> (0, 0, 0)>
#map1 = affine_map<(d0, d1) -> (0, 0)>
module attributes {stable_mosaic.version = 14 : i64} {
  func.func @_deg_kernel(%arg0: i32, %arg1: i32, %arg2: memref<32x80x128xi32, #tpu.memory_space<hbm>>, %arg3: memref<32x80x128xi32, #tpu.memory_space<hbm>>, %arg4: memref<128x128xf32, #tpu.memory_space<hbm>>, %arg5: memref<128x128xf32, #tpu.memory_space<hbm>>, %arg6: memref<10112x128xf32, #tpu.memory_space<hbm>>, %arg7: memref<2x10112x128xf32, #tpu.memory_space<hbm>>, %arg8: memref<80x128xi32, #tpu.memory_space<vmem>>, %arg9: memref<3x128xi32, #tpu.memory_space<vmem>>, %arg10: memref<128x128xf32, #tpu.memory_space<vmem>>, %arg11: memref<128x128xf32, #tpu.memory_space<vmem>>, %arg12: memref<10112x128xf32, #tpu.memory_space<vmem_shared>>, %arg13: memref<3x!tpu.dma_semaphore, #tpu.memory_space<semaphore_mem>>, %arg14: memref<3x!tpu.dma_semaphore, #tpu.memory_space<semaphore_mem>>, %arg15: memref<!tpu.dma_semaphore, #tpu.memory_space<semaphore_mem>>) attributes {dimension_semantics = [#tpu.dimension_semantics<core_parallel>, #tpu.dimension_semantics<subcore_parallel>], iteration_bounds = array<i64: 2, 16>, scalar_prefetch = 0 : i64, scratch_operands = 8 : i64, tpu.core_type = #tpu.core_type<sc_vector_subcore>, window_params = [{transform_indices = #map}, {transform_indices = #map}, {transform_indices = #map1}, {transform_indices = #map1}, {transform_indices = #map1}, {transform_indices = #map}]} {
    %mul3A = arith.constant 16 : i32
    %mul3A_0 = arith.muli %arg0, %mul3A : i32
    %add3A = arith.addi %mul3A_0, %arg1 : i32
    %mul3A_1 = arith.constant 632 : i32
    %mul3A_2 = arith.muli %arg1, %mul3A_1 : i32
    "tpu.region"() ({
      %run_scoped3A = tpu.sem_alloc : memref<!tpu.dma_semaphore, #tpu.memory_space<semaphore_mem>>
      %dma_start3A_57 = arith.constant 0 : i32
      %dma_start3A_58 = tpu.memref_slice %arg12[%mul3A_2, %dma_start3A_57] : memref<10112x128xf32, #tpu.memory_space<vmem_shared>> -> memref<632x128xf32, #tpu.memory_space<vmem_shared>>
      %dma_start3A_59 = arith.constant 0 : i32
      %dma_start3A_60 = tpu.memref_slice %arg6[%mul3A_2, %dma_start3A_59] : memref<10112x128xf32, #tpu.memory_space<hbm>> -> memref<632x128xf32, #tpu.memory_space<hbm>>
      tpu.enqueue_dma source(%dma_start3A_60 : memref<632x128xf32, #tpu.memory_space<hbm>>) target(%dma_start3A_58 : memref<632x128xf32, #tpu.memory_space<vmem_shared>>) target_semaphore(%run_scoped3A : memref<!tpu.dma_semaphore, #tpu.memory_space<semaphore_mem>>)
      %dma_wait3A_61 = arith.constant 0 : i32
      %dma_wait3A_62 = tpu.memref_slice %arg12[%mul3A_2, %dma_wait3A_61] : memref<10112x128xf32, #tpu.memory_space<vmem_shared>> -> memref<632x128xf32, #tpu.memory_space<vmem_shared>>
      %dma_wait3A_63 = arith.constant 0 : i32
      %dma_wait3A_64 = tpu.memref_slice %arg6[%mul3A_2, %dma_wait3A_63] : memref<10112x128xf32, #tpu.memory_space<hbm>> -> memref<632x128xf32, #tpu.memory_space<hbm>>
      tpu.wait_dma2 semaphore(%run_scoped3A : memref<!tpu.dma_semaphore, #tpu.memory_space<semaphore_mem>>) src(%dma_wait3A_64 : memref<632x128xf32, #tpu.memory_space<hbm>>) dst(%dma_wait3A_62 : memref<632x128xf32, #tpu.memory_space<vmem_shared>>)
      tpu.yield
    }) : () -> ()
    "tpu.region"() ({
      %run_scoped3A = tpu.sem_alloc : memref<!tpu.dma_semaphore, #tpu.memory_space<semaphore_mem>>
      tpu.enqueue_dma source(%arg4 : memref<128x128xf32, #tpu.memory_space<hbm>>) target(%arg10 : memref<128x128xf32, #tpu.memory_space<vmem>>) target_semaphore(%run_scoped3A : memref<!tpu.dma_semaphore, #tpu.memory_space<semaphore_mem>>)
      tpu.wait_dma2 semaphore(%run_scoped3A : memref<!tpu.dma_semaphore, #tpu.memory_space<semaphore_mem>>) src(%arg4 : memref<128x128xf32, #tpu.memory_space<hbm>>) dst(%arg10 : memref<128x128xf32, #tpu.memory_space<vmem>>)
      tpu.yield
    }) : () -> ()
    "tpu.region"() ({
      %run_scoped3A = tpu.sem_alloc : memref<!tpu.dma_semaphore, #tpu.memory_space<semaphore_mem>>
      tpu.enqueue_dma source(%arg5 : memref<128x128xf32, #tpu.memory_space<hbm>>) target(%arg11 : memref<128x128xf32, #tpu.memory_space<vmem>>) target_semaphore(%run_scoped3A : memref<!tpu.dma_semaphore, #tpu.memory_space<semaphore_mem>>)
      tpu.wait_dma2 semaphore(%run_scoped3A : memref<!tpu.dma_semaphore, #tpu.memory_space<semaphore_mem>>) src(%arg5 : memref<128x128xf32, #tpu.memory_space<hbm>>) dst(%arg11 : memref<128x128xf32, #tpu.memory_space<vmem>>)
      tpu.yield
    }) : () -> ()
    "tpu.region"() ({
      %run_scoped3A = tpu.sem_alloc : memref<!tpu.dma_semaphore, #tpu.memory_space<semaphore_mem>>
      %dma_start3A_57 = arith.constant 0 : i32
      %dma_start3A_58 = arith.constant 0 : i32
      %dma_start3A_59 = tpu.memref_slice %arg2[%add3A, %dma_start3A_57, %dma_start3A_58] : memref<32x80x128xi32, #tpu.memory_space<hbm>> -> memref<1x80x128xi32, #tpu.memory_space<hbm>>
      %dma_start3A_60 = tpu.memref_squeeze %dma_start3A_59 : memref<1x80x128xi32, #tpu.memory_space<hbm>> -> memref<80x128xi32, #tpu.memory_space<hbm>>
      %dma_start3A_61 = arith.constant 0 : i32
      %dma_start3A_62 = arith.constant 0 : i32
      %dma_start3A_63 = tpu.memref_slice %arg2[%add3A, %dma_start3A_61, %dma_start3A_62] : memref<32x80x128xi32, #tpu.memory_space<hbm>> -> memref<1x80x128xi32, #tpu.memory_space<hbm>>
      %dma_start3A_64 = tpu.memref_squeeze %dma_start3A_63 : memref<1x80x128xi32, #tpu.memory_space<hbm>> -> memref<80x128xi32, #tpu.memory_space<hbm>>
      tpu.enqueue_dma source(%dma_start3A_64 : memref<80x128xi32, #tpu.memory_space<hbm>>) target(%arg8 : memref<80x128xi32, #tpu.memory_space<vmem>>) target_semaphore(%run_scoped3A : memref<!tpu.dma_semaphore, #tpu.memory_space<semaphore_mem>>)
      %dma_wait3A_65 = arith.constant 0 : i32
      %dma_wait3A_66 = arith.constant 0 : i32
      %dma_wait3A_67 = tpu.memref_slice %arg2[%add3A, %dma_wait3A_65, %dma_wait3A_66] : memref<32x80x128xi32, #tpu.memory_space<hbm>> -> memref<1x80x128xi32, #tpu.memory_space<hbm>>
      %dma_wait3A_68 = tpu.memref_squeeze %dma_wait3A_67 : memref<1x80x128xi32, #tpu.memory_space<hbm>> -> memref<80x128xi32, #tpu.memory_space<hbm>>
      %dma_wait3A_69 = arith.constant 0 : i32
      %dma_wait3A_70 = arith.constant 0 : i32
      %dma_wait3A_71 = tpu.memref_slice %arg2[%add3A, %dma_wait3A_69, %dma_wait3A_70] : memref<32x80x128xi32, #tpu.memory_space<hbm>> -> memref<1x80x128xi32, #tpu.memory_space<hbm>>
      %dma_wait3A_72 = tpu.memref_squeeze %dma_wait3A_71 : memref<1x80x128xi32, #tpu.memory_space<hbm>> -> memref<80x128xi32, #tpu.memory_space<hbm>>
      tpu.wait_dma2 semaphore(%run_scoped3A : memref<!tpu.dma_semaphore, #tpu.memory_space<semaphore_mem>>) src(%dma_wait3A_72 : memref<80x128xi32, #tpu.memory_space<hbm>>) dst(%arg8 : memref<80x128xi32, #tpu.memory_space<vmem>>)
      tpu.yield
    }) : () -> ()
    %barrier3A = arith.constant 0 : index
    tpu.barrier barrier_id(%barrier3A)
    %dma_start3A = arith.constant 0 : i32
    %dma_start3A_3 = arith.constant 0 : i32
    %dma_start3A_4 = arith.constant 0 : i32
    %dma_start3A_5 = arith.constant 0 : i32
    %dma_start3A_6 = tpu.memref_slice %arg9[%dma_start3A_3, %dma_start3A_5] : memref<3x128xi32, #tpu.memory_space<vmem>> -> memref<1x128xi32, #tpu.memory_space<vmem>>
    %dma_start3A_7 = tpu.memref_squeeze %dma_start3A_6 : memref<1x128xi32, #tpu.memory_space<vmem>> -> memref<128xi32, #tpu.memory_space<vmem>>
    %dma_start3A_8 = arith.constant 0 : i32
    %dma_start3A_9 = tpu.memref_slice %arg3[%add3A, %dma_start3A, %dma_start3A_8] : memref<32x80x128xi32, #tpu.memory_space<hbm>> -> memref<1x1x128xi32, #tpu.memory_space<hbm>>
    %dma_start3A_10 = tpu.memref_squeeze %dma_start3A_9 : memref<1x1x128xi32, #tpu.memory_space<hbm>> -> memref<128xi32, #tpu.memory_space<hbm>>
    %dma_start3A_11 = tpu.memref_slice %arg13[%dma_start3A_4] : memref<3x!tpu.dma_semaphore, #tpu.memory_space<semaphore_mem>> -> memref<1x!tpu.dma_semaphore, #tpu.memory_space<semaphore_mem>>
    %dma_start3A_12 = tpu.memref_squeeze %dma_start3A_11 : memref<1x!tpu.dma_semaphore, #tpu.memory_space<semaphore_mem>> -> memref<!tpu.dma_semaphore, #tpu.memory_space<semaphore_mem>>
    %dma_start3A_13 = arith.constant 0 : i32
    %dma_start3A_14 = tpu.memref_slice %arg9[%dma_start3A_3, %dma_start3A_13] : memref<3x128xi32, #tpu.memory_space<vmem>> -> memref<1x128xi32, #tpu.memory_space<vmem>>
    %dma_start3A_15 = tpu.memref_squeeze %dma_start3A_14 : memref<1x128xi32, #tpu.memory_space<vmem>> -> memref<128xi32, #tpu.memory_space<vmem>>
    %dma_start3A_16 = arith.constant 0 : i32
    %dma_start3A_17 = tpu.memref_slice %arg3[%add3A, %dma_start3A, %dma_start3A_16] : memref<32x80x128xi32, #tpu.memory_space<hbm>> -> memref<1x1x128xi32, #tpu.memory_space<hbm>>
    %dma_start3A_18 = tpu.memref_squeeze %dma_start3A_17 : memref<1x1x128xi32, #tpu.memory_space<hbm>> -> memref<128xi32, #tpu.memory_space<hbm>>
    tpu.enqueue_dma source(%dma_start3A_18 : memref<128xi32, #tpu.memory_space<hbm>>) target(%dma_start3A_15 : memref<128xi32, #tpu.memory_space<vmem>>) target_semaphore(%dma_start3A_12 : memref<!tpu.dma_semaphore, #tpu.memory_space<semaphore_mem>>)
    %scan3A = arith.constant 0 : i32
    %scan3A_19 = arith.constant 0 : i32
    %scan3A_20 = arith.constant 80 : i32
    %scan3A_21 = arith.addi %scan3A_19, %scan3A_20 : i32
    %scan3A_22 = arith.constant 1 : i32
    scf.for %scan3A_57 = %scan3A_19 to %scan3A_21 step %scan3A_22  : i32 {
      %ge3A = arith.constant 2 : i32
      %ge3A_58 = arith.cmpi sge, %scan3A_57, %ge3A : i32
      %convert_element_type3A = arith.extui %ge3A_58 : i1 to i32
      %cond3A = arith.constant 0 : i32
      %cond3A_59 = arith.cmpi ne, %convert_element_type3A, %cond3A : i32
      scf.if %cond3A_59 {
        %dma_wait3A_102 = arith.constant 0 : i32
        %dma_wait3A_103 = arith.constant 0 : i32
        %dma_wait3A_104 = tpu.memref_slice %arg12[%dma_wait3A_102, %dma_wait3A_103] : memref<10112x128xf32, #tpu.memory_space<vmem_shared>> -> memref<128x128xf32, #tpu.memory_space<vmem_shared>>
        %dma_wait3A_105 = arith.constant 0 : i32
        %dma_wait3A_106 = arith.constant 0 : i32
        %dma_wait3A_107 = tpu.memref_slice %arg12[%dma_wait3A_105, %dma_wait3A_106] : memref<10112x128xf32, #tpu.memory_space<vmem_shared>> -> memref<128x128xf32, #tpu.memory_space<vmem_shared>>
        tpu.wait_dma2 semaphore(%arg15 : memref<!tpu.dma_semaphore, #tpu.memory_space<semaphore_mem>>) src(%arg10 : memref<128x128xf32, #tpu.memory_space<vmem>>) dst(%dma_wait3A_107 : memref<128x128xf32, #tpu.memory_space<vmem_shared>>)
        %sub3A = arith.constant 2 : i32
        %sub3A_108 = arith.subi %scan3A_57, %sub3A : i32
        %rem3A_109 = arith.constant 3 : i32
        %rem3A_110 = arith.remsi %sub3A_108, %rem3A_109 : i32
        %dma_wait3A_111 = arith.constant 0 : i32
        %dma_wait3A_112 = arith.constant 0 : i32
        %dma_wait3A_113 = tpu.memref_slice %arg12[%dma_wait3A_111, %dma_wait3A_112] : memref<10112x128xf32, #tpu.memory_space<vmem_shared>> -> memref<128x128xf32, #tpu.memory_space<vmem_shared>>
        %dma_wait3A_114 = tpu.memref_slice %arg14[%rem3A_110] : memref<3x!tpu.dma_semaphore, #tpu.memory_space<semaphore_mem>> -> memref<1x!tpu.dma_semaphore, #tpu.memory_space<semaphore_mem>>
        %dma_wait3A_115 = tpu.memref_squeeze %dma_wait3A_114 : memref<1x!tpu.dma_semaphore, #tpu.memory_space<semaphore_mem>> -> memref<!tpu.dma_semaphore, #tpu.memory_space<semaphore_mem>>
        %dma_wait3A_116 = arith.constant 0 : i32
        %dma_wait3A_117 = arith.constant 0 : i32
        %dma_wait3A_118 = tpu.memref_slice %arg12[%dma_wait3A_116, %dma_wait3A_117] : memref<10112x128xf32, #tpu.memory_space<vmem_shared>> -> memref<128x128xf32, #tpu.memory_space<vmem_shared>>
        tpu.wait_dma2 semaphore(%dma_wait3A_115 : memref<!tpu.dma_semaphore, #tpu.memory_space<semaphore_mem>>) src(%arg10 : memref<128x128xf32, #tpu.memory_space<vmem>>) dst(%dma_wait3A_118 : memref<128x128xf32, #tpu.memory_space<vmem_shared>>)
      } else {
      }
      %add3A_60 = arith.constant 1 : i32
      %add3A_61 = arith.addi %scan3A_57, %add3A_60 : i32
      %lt3A = arith.constant 80 : i32
      %lt3A_62 = arith.cmpi slt, %add3A_61, %lt3A : i32
      %convert_element_type3A_63 = arith.extui %lt3A_62 : i1 to i32
      %cond3A_64 = arith.constant 0 : i32
      %cond3A_65 = arith.cmpi ne, %convert_element_type3A_63, %cond3A_64 : i32
      scf.if %cond3A_65 {
        %add3A_102 = arith.constant 1 : i32
        %add3A_103 = arith.addi %scan3A_57, %add3A_102 : i32
        %add3A_104 = arith.constant 1 : i32
        %add3A_105 = arith.addi %scan3A_57, %add3A_104 : i32
        %rem3A_106 = arith.constant 3 : i32
        %rem3A_107 = arith.remsi %add3A_105, %rem3A_106 : i32
        %add3A_108 = arith.constant 1 : i32
        %add3A_109 = arith.addi %scan3A_57, %add3A_108 : i32
        %rem3A_110 = arith.constant 3 : i32
        %rem3A_111 = arith.remsi %add3A_109, %rem3A_110 : i32
        %dma_start3A_112 = arith.constant 0 : i32
        %dma_start3A_113 = tpu.memref_slice %arg9[%rem3A_107, %dma_start3A_112] : memref<3x128xi32, #tpu.memory_space<vmem>> -> memref<1x128xi32, #tpu.memory_space<vmem>>
        %dma_start3A_114 = tpu.memref_squeeze %dma_start3A_113 : memref<1x128xi32, #tpu.memory_space<vmem>> -> memref<128xi32, #tpu.memory_space<vmem>>
        %dma_start3A_115 = arith.constant 0 : i32
        %dma_start3A_116 = tpu.memref_slice %arg3[%add3A, %add3A_103, %dma_start3A_115] : memref<32x80x128xi32, #tpu.memory_space<hbm>> -> memref<1x1x128xi32, #tpu.memory_space<hbm>>
        %dma_start3A_117 = tpu.memref_squeeze %dma_start3A_116 : memref<1x1x128xi32, #tpu.memory_space<hbm>> -> memref<128xi32, #tpu.memory_space<hbm>>
        %dma_start3A_118 = tpu.memref_slice %arg13[%rem3A_111] : memref<3x!tpu.dma_semaphore, #tpu.memory_space<semaphore_mem>> -> memref<1x!tpu.dma_semaphore, #tpu.memory_space<semaphore_mem>>
        %dma_start3A_119 = tpu.memref_squeeze %dma_start3A_118 : memref<1x!tpu.dma_semaphore, #tpu.memory_space<semaphore_mem>> -> memref<!tpu.dma_semaphore, #tpu.memory_space<semaphore_mem>>
        %dma_start3A_120 = arith.constant 0 : i32
        %dma_start3A_121 = tpu.memref_slice %arg9[%rem3A_107, %dma_start3A_120] : memref<3x128xi32, #tpu.memory_space<vmem>> -> memref<1x128xi32, #tpu.memory_space<vmem>>
        %dma_start3A_122 = tpu.memref_squeeze %dma_start3A_121 : memref<1x128xi32, #tpu.memory_space<vmem>> -> memref<128xi32, #tpu.memory_space<vmem>>
        %dma_start3A_123 = arith.constant 0 : i32
        %dma_start3A_124 = tpu.memref_slice %arg3[%add3A, %add3A_103, %dma_start3A_123] : memref<32x80x128xi32, #tpu.memory_space<hbm>> -> memref<1x1x128xi32, #tpu.memory_space<hbm>>
        %dma_start3A_125 = tpu.memref_squeeze %dma_start3A_124 : memref<1x1x128xi32, #tpu.memory_space<hbm>> -> memref<128xi32, #tpu.memory_space<hbm>>
        tpu.enqueue_dma source(%dma_start3A_125 : memref<128xi32, #tpu.memory_space<hbm>>) target(%dma_start3A_122 : memref<128xi32, #tpu.memory_space<vmem>>) target_semaphore(%dma_start3A_119 : memref<!tpu.dma_semaphore, #tpu.memory_space<semaphore_mem>>)
      } else {
      }
      %dma_start3A_66 = arith.constant 0 : i32
      %dma_start3A_67 = tpu.memref_slice %arg8[%scan3A_57, %dma_start3A_66] : memref<80x128xi32, #tpu.memory_space<vmem>> -> memref<1x128xi32, #tpu.memory_space<vmem>>
      %dma_start3A_68 = tpu.memref_squeeze %dma_start3A_67 : memref<1x128xi32, #tpu.memory_space<vmem>> -> memref<128xi32, #tpu.memory_space<vmem>>
      %dma_start3A_69 = arith.constant 0 : i32
      %dma_start3A_70 = arith.constant 0 : i32
      %dma_start3A_71 = tpu.memref_slice %arg12[%dma_start3A_69, %dma_start3A_70] : memref<10112x128xf32, #tpu.memory_space<vmem_shared>> -> memref<10112x128xf32, #tpu.memory_space<vmem_shared>>
      tpu.enqueue_indirect_dma source(%arg10 : memref<128x128xf32, #tpu.memory_space<vmem>>) target(%dma_start3A_71 : memref<10112x128xf32, #tpu.memory_space<vmem_shared>>) offsets(%dma_start3A_68 : memref<128xi32, #tpu.memory_space<vmem>>) semaphore(%arg15 : memref<!tpu.dma_semaphore, #tpu.memory_space<semaphore_mem>>) {add = true}
      %rem3A_72 = arith.constant 3 : i32
      %rem3A_73 = arith.remsi %scan3A_57, %rem3A_72 : i32
      %dma_wait3A_74 = arith.constant 0 : i32
      %dma_wait3A_75 = arith.constant 0 : i32
      %dma_wait3A_76 = arith.constant 0 : i32
      %dma_wait3A_77 = tpu.memref_slice %arg9[%dma_wait3A_75, %dma_wait3A_76] : memref<3x128xi32, #tpu.memory_space<vmem>> -> memref<1x128xi32, #tpu.memory_space<vmem>>
      %dma_wait3A_78 = tpu.memref_squeeze %dma_wait3A_77 : memref<1x128xi32, #tpu.memory_space<vmem>> -> memref<128xi32, #tpu.memory_space<vmem>>
      %dma_wait3A_79 = arith.constant 0 : i32
      %dma_wait3A_80 = tpu.memref_slice %arg3[%add3A, %dma_wait3A_74, %dma_wait3A_79] : memref<32x80x128xi32, #tpu.memory_space<hbm>> -> memref<1x1x128xi32, #tpu.memory_space<hbm>>
      %dma_wait3A_81 = tpu.memref_squeeze %dma_wait3A_80 : memref<1x1x128xi32, #tpu.memory_space<hbm>> -> memref<128xi32, #tpu.memory_space<hbm>>
      %dma_wait3A_82 = tpu.memref_slice %arg13[%rem3A_73] : memref<3x!tpu.dma_semaphore, #tpu.memory_space<semaphore_mem>> -> memref<1x!tpu.dma_semaphore, #tpu.memory_space<semaphore_mem>>
      %dma_wait3A_83 = tpu.memref_squeeze %dma_wait3A_82 : memref<1x!tpu.dma_semaphore, #tpu.memory_space<semaphore_mem>> -> memref<!tpu.dma_semaphore, #tpu.memory_space<semaphore_mem>>
      %dma_wait3A_84 = arith.constant 0 : i32
      %dma_wait3A_85 = tpu.memref_slice %arg9[%dma_wait3A_75, %dma_wait3A_84] : memref<3x128xi32, #tpu.memory_space<vmem>> -> memref<1x128xi32, #tpu.memory_space<vmem>>
      %dma_wait3A_86 = tpu.memref_squeeze %dma_wait3A_85 : memref<1x128xi32, #tpu.memory_space<vmem>> -> memref<128xi32, #tpu.memory_space<vmem>>
      %dma_wait3A_87 = arith.constant 0 : i32
      %dma_wait3A_88 = tpu.memref_slice %arg3[%add3A, %dma_wait3A_74, %dma_wait3A_87] : memref<32x80x128xi32, #tpu.memory_space<hbm>> -> memref<1x1x128xi32, #tpu.memory_space<hbm>>
      %dma_wait3A_89 = tpu.memref_squeeze %dma_wait3A_88 : memref<1x1x128xi32, #tpu.memory_space<hbm>> -> memref<128xi32, #tpu.memory_space<hbm>>
      tpu.wait_dma2 semaphore(%dma_wait3A_83 : memref<!tpu.dma_semaphore, #tpu.memory_space<semaphore_mem>>) src(%dma_wait3A_89 : memref<128xi32, #tpu.memory_space<hbm>>) dst(%dma_wait3A_86 : memref<128xi32, #tpu.memory_space<vmem>>)
      %rem3A_90 = arith.constant 3 : i32
      %rem3A_91 = arith.remsi %scan3A_57, %rem3A_90 : i32
      %rem3A_92 = arith.constant 3 : i32
      %rem3A_93 = arith.remsi %scan3A_57, %rem3A_92 : i32
      %dma_start3A_94 = arith.constant 0 : i32
      %dma_start3A_95 = tpu.memref_slice %arg9[%rem3A_91, %dma_start3A_94] : memref<3x128xi32, #tpu.memory_space<vmem>> -> memref<1x128xi32, #tpu.memory_space<vmem>>
      %dma_start3A_96 = tpu.memref_squeeze %dma_start3A_95 : memref<1x128xi32, #tpu.memory_space<vmem>> -> memref<128xi32, #tpu.memory_space<vmem>>
      %dma_start3A_97 = arith.constant 0 : i32
      %dma_start3A_98 = arith.constant 0 : i32
      %dma_start3A_99 = tpu.memref_slice %arg12[%dma_start3A_97, %dma_start3A_98] : memref<10112x128xf32, #tpu.memory_space<vmem_shared>> -> memref<10112x128xf32, #tpu.memory_space<vmem_shared>>
      %dma_start3A_100 = tpu.memref_slice %arg14[%rem3A_93] : memref<3x!tpu.dma_semaphore, #tpu.memory_space<semaphore_mem>> -> memref<1x!tpu.dma_semaphore, #tpu.memory_space<semaphore_mem>>
      %dma_start3A_101 = tpu.memref_squeeze %dma_start3A_100 : memref<1x!tpu.dma_semaphore, #tpu.memory_space<semaphore_mem>> -> memref<!tpu.dma_semaphore, #tpu.memory_space<semaphore_mem>>
      tpu.enqueue_indirect_dma source(%arg11 : memref<128x128xf32, #tpu.memory_space<vmem>>) target(%dma_start3A_99 : memref<10112x128xf32, #tpu.memory_space<vmem_shared>>) offsets(%dma_start3A_96 : memref<128xi32, #tpu.memory_space<vmem>>) semaphore(%dma_start3A_101 : memref<!tpu.dma_semaphore, #tpu.memory_space<semaphore_mem>>) {add = true}
    }
    %scan3A_23 = arith.constant 80 : i32
    %dma_wait3A = arith.constant 0 : i32
    %dma_wait3A_24 = arith.constant 0 : i32
    %dma_wait3A_25 = tpu.memref_slice %arg12[%dma_wait3A, %dma_wait3A_24] : memref<10112x128xf32, #tpu.memory_space<vmem_shared>> -> memref<128x128xf32, #tpu.memory_space<vmem_shared>>
    %dma_wait3A_26 = arith.constant 0 : i32
    %dma_wait3A_27 = arith.constant 0 : i32
    %dma_wait3A_28 = tpu.memref_slice %arg12[%dma_wait3A_26, %dma_wait3A_27] : memref<10112x128xf32, #tpu.memory_space<vmem_shared>> -> memref<128x128xf32, #tpu.memory_space<vmem_shared>>
    tpu.wait_dma2 semaphore(%arg15 : memref<!tpu.dma_semaphore, #tpu.memory_space<semaphore_mem>>) src(%arg10 : memref<128x128xf32, #tpu.memory_space<vmem>>) dst(%dma_wait3A_28 : memref<128x128xf32, #tpu.memory_space<vmem_shared>>)
    %dma_wait3A_29 = arith.constant 0 : i32
    %dma_wait3A_30 = arith.constant 0 : i32
    %dma_wait3A_31 = tpu.memref_slice %arg12[%dma_wait3A_29, %dma_wait3A_30] : memref<10112x128xf32, #tpu.memory_space<vmem_shared>> -> memref<128x128xf32, #tpu.memory_space<vmem_shared>>
    %dma_wait3A_32 = arith.constant 0 : i32
    %dma_wait3A_33 = arith.constant 0 : i32
    %dma_wait3A_34 = tpu.memref_slice %arg12[%dma_wait3A_32, %dma_wait3A_33] : memref<10112x128xf32, #tpu.memory_space<vmem_shared>> -> memref<128x128xf32, #tpu.memory_space<vmem_shared>>
    tpu.wait_dma2 semaphore(%arg15 : memref<!tpu.dma_semaphore, #tpu.memory_space<semaphore_mem>>) src(%arg10 : memref<128x128xf32, #tpu.memory_space<vmem>>) dst(%dma_wait3A_34 : memref<128x128xf32, #tpu.memory_space<vmem_shared>>)
    %rem3A = arith.constant 78 : i32
    %rem3A_35 = arith.constant 3 : i32
    %rem3A_36 = arith.remsi %rem3A, %rem3A_35 : i32
    %dma_wait3A_37 = arith.constant 0 : i32
    %dma_wait3A_38 = arith.constant 0 : i32
    %dma_wait3A_39 = tpu.memref_slice %arg12[%dma_wait3A_37, %dma_wait3A_38] : memref<10112x128xf32, #tpu.memory_space<vmem_shared>> -> memref<128x128xf32, #tpu.memory_space<vmem_shared>>
    %dma_wait3A_40 = tpu.memref_slice %arg14[%rem3A_36] : memref<3x!tpu.dma_semaphore, #tpu.memory_space<semaphore_mem>> -> memref<1x!tpu.dma_semaphore, #tpu.memory_space<semaphore_mem>>
    %dma_wait3A_41 = tpu.memref_squeeze %dma_wait3A_40 : memref<1x!tpu.dma_semaphore, #tpu.memory_space<semaphore_mem>> -> memref<!tpu.dma_semaphore, #tpu.memory_space<semaphore_mem>>
    %dma_wait3A_42 = arith.constant 0 : i32
    %dma_wait3A_43 = arith.constant 0 : i32
    %dma_wait3A_44 = tpu.memref_slice %arg12[%dma_wait3A_42, %dma_wait3A_43] : memref<10112x128xf32, #tpu.memory_space<vmem_shared>> -> memref<128x128xf32, #tpu.memory_space<vmem_shared>>
    tpu.wait_dma2 semaphore(%dma_wait3A_41 : memref<!tpu.dma_semaphore, #tpu.memory_space<semaphore_mem>>) src(%arg10 : memref<128x128xf32, #tpu.memory_space<vmem>>) dst(%dma_wait3A_44 : memref<128x128xf32, #tpu.memory_space<vmem_shared>>)
    %rem3A_45 = arith.constant 79 : i32
    %rem3A_46 = arith.constant 3 : i32
    %rem3A_47 = arith.remsi %rem3A_45, %rem3A_46 : i32
    %dma_wait3A_48 = arith.constant 0 : i32
    %dma_wait3A_49 = arith.constant 0 : i32
    %dma_wait3A_50 = tpu.memref_slice %arg12[%dma_wait3A_48, %dma_wait3A_49] : memref<10112x128xf32, #tpu.memory_space<vmem_shared>> -> memref<128x128xf32, #tpu.memory_space<vmem_shared>>
    %dma_wait3A_51 = tpu.memref_slice %arg14[%rem3A_47] : memref<3x!tpu.dma_semaphore, #tpu.memory_space<semaphore_mem>> -> memref<1x!tpu.dma_semaphore, #tpu.memory_space<semaphore_mem>>
    %dma_wait3A_52 = tpu.memref_squeeze %dma_wait3A_51 : memref<1x!tpu.dma_semaphore, #tpu.memory_space<semaphore_mem>> -> memref<!tpu.dma_semaphore, #tpu.memory_space<semaphore_mem>>
    %dma_wait3A_53 = arith.constant 0 : i32
    %dma_wait3A_54 = arith.constant 0 : i32
    %dma_wait3A_55 = tpu.memref_slice %arg12[%dma_wait3A_53, %dma_wait3A_54] : memref<10112x128xf32, #tpu.memory_space<vmem_shared>> -> memref<128x128xf32, #tpu.memory_space<vmem_shared>>
    tpu.wait_dma2 semaphore(%dma_wait3A_52 : memref<!tpu.dma_semaphore, #tpu.memory_space<semaphore_mem>>) src(%arg10 : memref<128x128xf32, #tpu.memory_space<vmem>>) dst(%dma_wait3A_55 : memref<128x128xf32, #tpu.memory_space<vmem_shared>>)
    %barrier3A_56 = arith.constant 0 : index
    tpu.barrier barrier_id(%barrier3A_56)
    "tpu.region"() ({
      %run_scoped3A = tpu.sem_alloc : memref<!tpu.dma_semaphore, #tpu.memory_space<semaphore_mem>>
      %dma_start3A_57 = arith.constant 0 : i32
      %dma_start3A_58 = tpu.memref_slice %arg7[%arg0, %mul3A_2, %dma_start3A_57] : memref<2x10112x128xf32, #tpu.memory_space<hbm>> -> memref<1x632x128xf32, #tpu.memory_space<hbm>>
      %dma_start3A_59 = tpu.memref_squeeze %dma_start3A_58 : memref<1x632x128xf32, #tpu.memory_space<hbm>> -> memref<632x128xf32, #tpu.memory_space<hbm>>
      %dma_start3A_60 = arith.constant 0 : i32
      %dma_start3A_61 = tpu.memref_slice %arg12[%mul3A_2, %dma_start3A_60] : memref<10112x128xf32, #tpu.memory_space<vmem_shared>> -> memref<632x128xf32, #tpu.memory_space<vmem_shared>>
      tpu.enqueue_dma source(%dma_start3A_61 : memref<632x128xf32, #tpu.memory_space<vmem_shared>>) target(%dma_start3A_59 : memref<632x128xf32, #tpu.memory_space<hbm>>) target_semaphore(%run_scoped3A : memref<!tpu.dma_semaphore, #tpu.memory_space<semaphore_mem>>)
      %dma_wait3A_62 = arith.constant 0 : i32
      %dma_wait3A_63 = tpu.memref_slice %arg7[%arg0, %mul3A_2, %dma_wait3A_62] : memref<2x10112x128xf32, #tpu.memory_space<hbm>> -> memref<1x632x128xf32, #tpu.memory_space<hbm>>
      %dma_wait3A_64 = tpu.memref_squeeze %dma_wait3A_63 : memref<1x632x128xf32, #tpu.memory_space<hbm>> -> memref<632x128xf32, #tpu.memory_space<hbm>>
      %dma_wait3A_65 = arith.constant 0 : i32
      %dma_wait3A_66 = tpu.memref_slice %arg12[%mul3A_2, %dma_wait3A_65] : memref<10112x128xf32, #tpu.memory_space<vmem_shared>> -> memref<632x128xf32, #tpu.memory_space<vmem_shared>>
      tpu.wait_dma2 semaphore(%run_scoped3A : memref<!tpu.dma_semaphore, #tpu.memory_space<semaphore_mem>>) src(%dma_wait3A_66 : memref<632x128xf32, #tpu.memory_space<vmem_shared>>) dst(%dma_wait3A_64 : memref<632x128xf32, #tpu.memory_space<hbm>>)
      tpu.yield
    }) : () -> ()
    return
  }
}

#map = affine_map<(d0, d1) -> (0, 0, 0)>
#map1 = affine_map<(d0, d1) -> (0, 0)>
module attributes {stable_mosaic.version = 14 : i64} {
  func.func @_agg_kernel(%arg0: i32, %arg1: i32, %arg2: memref<32x80x128xi32, #tpu.memory_space<hbm>>, %arg3: memref<32x80x128xi32, #tpu.memory_space<hbm>>, %arg4: memref<10112x128xf32, #tpu.memory_space<hbm>>, %arg5: memref<10112x128xf32, #tpu.memory_space<hbm>>, %arg6: memref<2x10112x128xf32, #tpu.memory_space<hbm>>, %arg7: memref<3x128xi32, #tpu.memory_space<vmem>>, %arg8: memref<4x128xi32, #tpu.memory_space<vmem>>, %arg9: memref<3x128x128xf32, #tpu.memory_space<vmem>>, %arg10: memref<10112x128xf32, #tpu.memory_space<vmem_shared>>, %arg11: memref<3x!tpu.dma_semaphore, #tpu.memory_space<semaphore_mem>>, %arg12: memref<4x!tpu.dma_semaphore, #tpu.memory_space<semaphore_mem>>, %arg13: memref<3x!tpu.dma_semaphore, #tpu.memory_space<semaphore_mem>>, %arg14: memref<3x!tpu.dma_semaphore, #tpu.memory_space<semaphore_mem>>) attributes {dimension_semantics = [#tpu.dimension_semantics<core_parallel>, #tpu.dimension_semantics<subcore_parallel>], iteration_bounds = array<i64: 2, 16>, scalar_prefetch = 0 : i64, scratch_operands = 8 : i64, tpu.core_type = #tpu.core_type<sc_vector_subcore>, window_params = [{transform_indices = #map}, {transform_indices = #map}, {transform_indices = #map1}, {transform_indices = #map1}, {transform_indices = #map}]} {
    %mul3A = arith.constant 16 : i32
    %mul3A_0 = arith.muli %arg0, %mul3A : i32
    %add3A = arith.addi %mul3A_0, %arg1 : i32
    %mul3A_1 = arith.constant 632 : i32
    %mul3A_2 = arith.muli %arg1, %mul3A_1 : i32
    "tpu.region"() ({
      %run_scoped3A = tpu.sem_alloc : memref<!tpu.dma_semaphore, #tpu.memory_space<semaphore_mem>>
      %dma_start3A_150 = arith.constant 0 : i32
      %dma_start3A_151 = tpu.memref_slice %arg10[%mul3A_2, %dma_start3A_150] : memref<10112x128xf32, #tpu.memory_space<vmem_shared>> -> memref<632x128xf32, #tpu.memory_space<vmem_shared>>
      %dma_start3A_152 = arith.constant 0 : i32
      %dma_start3A_153 = tpu.memref_slice %arg5[%mul3A_2, %dma_start3A_152] : memref<10112x128xf32, #tpu.memory_space<hbm>> -> memref<632x128xf32, #tpu.memory_space<hbm>>
      tpu.enqueue_dma source(%dma_start3A_153 : memref<632x128xf32, #tpu.memory_space<hbm>>) target(%dma_start3A_151 : memref<632x128xf32, #tpu.memory_space<vmem_shared>>) target_semaphore(%run_scoped3A : memref<!tpu.dma_semaphore, #tpu.memory_space<semaphore_mem>>)
      %dma_wait3A_154 = arith.constant 0 : i32
      %dma_wait3A_155 = tpu.memref_slice %arg10[%mul3A_2, %dma_wait3A_154] : memref<10112x128xf32, #tpu.memory_space<vmem_shared>> -> memref<632x128xf32, #tpu.memory_space<vmem_shared>>
      %dma_wait3A_156 = arith.constant 0 : i32
      %dma_wait3A_157 = tpu.memref_slice %arg5[%mul3A_2, %dma_wait3A_156] : memref<10112x128xf32, #tpu.memory_space<hbm>> -> memref<632x128xf32, #tpu.memory_space<hbm>>
      tpu.wait_dma2 semaphore(%run_scoped3A : memref<!tpu.dma_semaphore, #tpu.memory_space<semaphore_mem>>) src(%dma_wait3A_157 : memref<632x128xf32, #tpu.memory_space<hbm>>) dst(%dma_wait3A_155 : memref<632x128xf32, #tpu.memory_space<vmem_shared>>)
      tpu.yield
    }) : () -> ()
    %barrier3A = arith.constant 0 : index
    tpu.barrier barrier_id(%barrier3A)
    %scan3A = arith.constant 0 : i32
    %scan3A_3 = arith.constant 0 : i32
    %scan3A_4 = arith.constant 3 : i32
    %scan3A_5 = arith.addi %scan3A_3, %scan3A_4 : i32
    %scan3A_6 = arith.constant 1 : i32
    scf.for %scan3A_150 = %scan3A_3 to %scan3A_5 step %scan3A_6  : i32 {
      %rem3A_151 = arith.constant 3 : i32
      %rem3A_152 = arith.remsi %scan3A_150, %rem3A_151 : i32
      %rem3A_153 = arith.constant 3 : i32
      %rem3A_154 = arith.remsi %scan3A_150, %rem3A_153 : i32
      %dma_start3A_155 = arith.constant 0 : i32
      %dma_start3A_156 = tpu.memref_slice %arg7[%rem3A_152, %dma_start3A_155] : memref<3x128xi32, #tpu.memory_space<vmem>> -> memref<1x128xi32, #tpu.memory_space<vmem>>
      %dma_start3A_157 = tpu.memref_squeeze %dma_start3A_156 : memref<1x128xi32, #tpu.memory_space<vmem>> -> memref<128xi32, #tpu.memory_space<vmem>>
      %dma_start3A_158 = arith.constant 0 : i32
      %dma_start3A_159 = tpu.memref_slice %arg2[%add3A, %scan3A_150, %dma_start3A_158] : memref<32x80x128xi32, #tpu.memory_space<hbm>> -> memref<1x1x128xi32, #tpu.memory_space<hbm>>
      %dma_start3A_160 = tpu.memref_squeeze %dma_start3A_159 : memref<1x1x128xi32, #tpu.memory_space<hbm>> -> memref<128xi32, #tpu.memory_space<hbm>>
      %dma_start3A_161 = tpu.memref_slice %arg11[%rem3A_154] : memref<3x!tpu.dma_semaphore, #tpu.memory_space<semaphore_mem>> -> memref<1x!tpu.dma_semaphore, #tpu.memory_space<semaphore_mem>>
      %dma_start3A_162 = tpu.memref_squeeze %dma_start3A_161 : memref<1x!tpu.dma_semaphore, #tpu.memory_space<semaphore_mem>> -> memref<!tpu.dma_semaphore, #tpu.memory_space<semaphore_mem>>
      %dma_start3A_163 = arith.constant 0 : i32
      %dma_start3A_164 = tpu.memref_slice %arg7[%rem3A_152, %dma_start3A_163] : memref<3x128xi32, #tpu.memory_space<vmem>> -> memref<1x128xi32, #tpu.memory_space<vmem>>
      %dma_start3A_165 = tpu.memref_squeeze %dma_start3A_164 : memref<1x128xi32, #tpu.memory_space<vmem>> -> memref<128xi32, #tpu.memory_space<vmem>>
      %dma_start3A_166 = arith.constant 0 : i32
      %dma_start3A_167 = tpu.memref_slice %arg2[%add3A, %scan3A_150, %dma_start3A_166] : memref<32x80x128xi32, #tpu.memory_space<hbm>> -> memref<1x1x128xi32, #tpu.memory_space<hbm>>
      %dma_start3A_168 = tpu.memref_squeeze %dma_start3A_167 : memref<1x1x128xi32, #tpu.memory_space<hbm>> -> memref<128xi32, #tpu.memory_space<hbm>>
      tpu.enqueue_dma source(%dma_start3A_168 : memref<128xi32, #tpu.memory_space<hbm>>) target(%dma_start3A_165 : memref<128xi32, #tpu.memory_space<vmem>>) target_semaphore(%dma_start3A_162 : memref<!tpu.dma_semaphore, #tpu.memory_space<semaphore_mem>>)
      %rem3A_169 = arith.constant 4 : i32
      %rem3A_170 = arith.remsi %scan3A_150, %rem3A_169 : i32
      %rem3A_171 = arith.constant 4 : i32
      %rem3A_172 = arith.remsi %scan3A_150, %rem3A_171 : i32
      %dma_start3A_173 = arith.constant 0 : i32
      %dma_start3A_174 = tpu.memref_slice %arg8[%rem3A_170, %dma_start3A_173] : memref<4x128xi32, #tpu.memory_space<vmem>> -> memref<1x128xi32, #tpu.memory_space<vmem>>
      %dma_start3A_175 = tpu.memref_squeeze %dma_start3A_174 : memref<1x128xi32, #tpu.memory_space<vmem>> -> memref<128xi32, #tpu.memory_space<vmem>>
      %dma_start3A_176 = arith.constant 0 : i32
      %dma_start3A_177 = tpu.memref_slice %arg3[%add3A, %scan3A_150, %dma_start3A_176] : memref<32x80x128xi32, #tpu.memory_space<hbm>> -> memref<1x1x128xi32, #tpu.memory_space<hbm>>
      %dma_start3A_178 = tpu.memref_squeeze %dma_start3A_177 : memref<1x1x128xi32, #tpu.memory_space<hbm>> -> memref<128xi32, #tpu.memory_space<hbm>>
      %dma_start3A_179 = tpu.memref_slice %arg12[%rem3A_172] : memref<4x!tpu.dma_semaphore, #tpu.memory_space<semaphore_mem>> -> memref<1x!tpu.dma_semaphore, #tpu.memory_space<semaphore_mem>>
      %dma_start3A_180 = tpu.memref_squeeze %dma_start3A_179 : memref<1x!tpu.dma_semaphore, #tpu.memory_space<semaphore_mem>> -> memref<!tpu.dma_semaphore, #tpu.memory_space<semaphore_mem>>
      %dma_start3A_181 = arith.constant 0 : i32
      %dma_start3A_182 = tpu.memref_slice %arg8[%rem3A_170, %dma_start3A_181] : memref<4x128xi32, #tpu.memory_space<vmem>> -> memref<1x128xi32, #tpu.memory_space<vmem>>
      %dma_start3A_183 = tpu.memref_squeeze %dma_start3A_182 : memref<1x128xi32, #tpu.memory_space<vmem>> -> memref<128xi32, #tpu.memory_space<vmem>>
      %dma_start3A_184 = arith.constant 0 : i32
      %dma_start3A_185 = tpu.memref_slice %arg3[%add3A, %scan3A_150, %dma_start3A_184] : memref<32x80x128xi32, #tpu.memory_space<hbm>> -> memref<1x1x128xi32, #tpu.memory_space<hbm>>
      %dma_start3A_186 = tpu.memref_squeeze %dma_start3A_185 : memref<1x1x128xi32, #tpu.memory_space<hbm>> -> memref<128xi32, #tpu.memory_space<hbm>>
      tpu.enqueue_dma source(%dma_start3A_186 : memref<128xi32, #tpu.memory_space<hbm>>) target(%dma_start3A_183 : memref<128xi32, #tpu.memory_space<vmem>>) target_semaphore(%dma_start3A_180 : memref<!tpu.dma_semaphore, #tpu.memory_space<semaphore_mem>>)
    }
    %scan3A_7 = arith.constant 3 : i32
    %rem3A = arith.constant 0 : i32
    %rem3A_8 = arith.constant 3 : i32
    %rem3A_9 = arith.remsi %rem3A, %rem3A_8 : i32
    %dma_wait3A = arith.constant 0 : i32
    %dma_wait3A_10 = arith.constant 0 : i32
    %dma_wait3A_11 = arith.constant 0 : i32
    %dma_wait3A_12 = tpu.memref_slice %arg7[%dma_wait3A_10, %dma_wait3A_11] : memref<3x128xi32, #tpu.memory_space<vmem>> -> memref<1x128xi32, #tpu.memory_space<vmem>>
    %dma_wait3A_13 = tpu.memref_squeeze %dma_wait3A_12 : memref<1x128xi32, #tpu.memory_space<vmem>> -> memref<128xi32, #tpu.memory_space<vmem>>
    %dma_wait3A_14 = arith.constant 0 : i32
    %dma_wait3A_15 = tpu.memref_slice %arg2[%add3A, %dma_wait3A, %dma_wait3A_14] : memref<32x80x128xi32, #tpu.memory_space<hbm>> -> memref<1x1x128xi32, #tpu.memory_space<hbm>>
    %dma_wait3A_16 = tpu.memref_squeeze %dma_wait3A_15 : memref<1x1x128xi32, #tpu.memory_space<hbm>> -> memref<128xi32, #tpu.memory_space<hbm>>
    %dma_wait3A_17 = tpu.memref_slice %arg11[%rem3A_9] : memref<3x!tpu.dma_semaphore, #tpu.memory_space<semaphore_mem>> -> memref<1x!tpu.dma_semaphore, #tpu.memory_space<semaphore_mem>>
    %dma_wait3A_18 = tpu.memref_squeeze %dma_wait3A_17 : memref<1x!tpu.dma_semaphore, #tpu.memory_space<semaphore_mem>> -> memref<!tpu.dma_semaphore, #tpu.memory_space<semaphore_mem>>
    %dma_wait3A_19 = arith.constant 0 : i32
    %dma_wait3A_20 = tpu.memref_slice %arg7[%dma_wait3A_10, %dma_wait3A_19] : memref<3x128xi32, #tpu.memory_space<vmem>> -> memref<1x128xi32, #tpu.memory_space<vmem>>
    %dma_wait3A_21 = tpu.memref_squeeze %dma_wait3A_20 : memref<1x128xi32, #tpu.memory_space<vmem>> -> memref<128xi32, #tpu.memory_space<vmem>>
    %dma_wait3A_22 = arith.constant 0 : i32
    %dma_wait3A_23 = tpu.memref_slice %arg2[%add3A, %dma_wait3A, %dma_wait3A_22] : memref<32x80x128xi32, #tpu.memory_space<hbm>> -> memref<1x1x128xi32, #tpu.memory_space<hbm>>
    %dma_wait3A_24 = tpu.memref_squeeze %dma_wait3A_23 : memref<1x1x128xi32, #tpu.memory_space<hbm>> -> memref<128xi32, #tpu.memory_space<hbm>>
    tpu.wait_dma2 semaphore(%dma_wait3A_18 : memref<!tpu.dma_semaphore, #tpu.memory_space<semaphore_mem>>) src(%dma_wait3A_24 : memref<128xi32, #tpu.memory_space<hbm>>) dst(%dma_wait3A_21 : memref<128xi32, #tpu.memory_space<vmem>>)
    %rem3A_25 = arith.constant 0 : i32
    %rem3A_26 = arith.constant 4 : i32
    %rem3A_27 = arith.remsi %rem3A_25, %rem3A_26 : i32
    %dma_wait3A_28 = arith.constant 0 : i32
    %dma_wait3A_29 = arith.constant 0 : i32
    %dma_wait3A_30 = arith.constant 0 : i32
    %dma_wait3A_31 = tpu.memref_slice %arg7[%dma_wait3A_29, %dma_wait3A_30] : memref<3x128xi32, #tpu.memory_space<vmem>> -> memref<1x128xi32, #tpu.memory_space<vmem>>
    %dma_wait3A_32 = tpu.memref_squeeze %dma_wait3A_31 : memref<1x128xi32, #tpu.memory_space<vmem>> -> memref<128xi32, #tpu.memory_space<vmem>>
    %dma_wait3A_33 = arith.constant 0 : i32
    %dma_wait3A_34 = tpu.memref_slice %arg2[%add3A, %dma_wait3A_28, %dma_wait3A_33] : memref<32x80x128xi32, #tpu.memory_space<hbm>> -> memref<1x1x128xi32, #tpu.memory_space<hbm>>
    %dma_wait3A_35 = tpu.memref_squeeze %dma_wait3A_34 : memref<1x1x128xi32, #tpu.memory_space<hbm>> -> memref<128xi32, #tpu.memory_space<hbm>>
    %dma_wait3A_36 = tpu.memref_slice %arg12[%rem3A_27] : memref<4x!tpu.dma_semaphore, #tpu.memory_space<semaphore_mem>> -> memref<1x!tpu.dma_semaphore, #tpu.memory_space<semaphore_mem>>
    %dma_wait3A_37 = tpu.memref_squeeze %dma_wait3A_36 : memref<1x!tpu.dma_semaphore, #tpu.memory_space<semaphore_mem>> -> memref<!tpu.dma_semaphore, #tpu.memory_space<semaphore_mem>>
    %dma_wait3A_38 = arith.constant 0 : i32
    %dma_wait3A_39 = tpu.memref_slice %arg7[%dma_wait3A_29, %dma_wait3A_38] : memref<3x128xi32, #tpu.memory_space<vmem>> -> memref<1x128xi32, #tpu.memory_space<vmem>>
    %dma_wait3A_40 = tpu.memref_squeeze %dma_wait3A_39 : memref<1x128xi32, #tpu.memory_space<vmem>> -> memref<128xi32, #tpu.memory_space<vmem>>
    %dma_wait3A_41 = arith.constant 0 : i32
    %dma_wait3A_42 = tpu.memref_slice %arg2[%add3A, %dma_wait3A_28, %dma_wait3A_41] : memref<32x80x128xi32, #tpu.memory_space<hbm>> -> memref<1x1x128xi32, #tpu.memory_space<hbm>>
    %dma_wait3A_43 = tpu.memref_squeeze %dma_wait3A_42 : memref<1x1x128xi32, #tpu.memory_space<hbm>> -> memref<128xi32, #tpu.memory_space<hbm>>
    tpu.wait_dma2 semaphore(%dma_wait3A_37 : memref<!tpu.dma_semaphore, #tpu.memory_space<semaphore_mem>>) src(%dma_wait3A_43 : memref<128xi32, #tpu.memory_space<hbm>>) dst(%dma_wait3A_40 : memref<128xi32, #tpu.memory_space<vmem>>)
    %rem3A_44 = arith.constant 0 : i32
    %rem3A_45 = arith.constant 3 : i32
    %rem3A_46 = arith.remsi %rem3A_44, %rem3A_45 : i32
    %rem3A_47 = arith.constant 0 : i32
    %rem3A_48 = arith.constant 3 : i32
    %rem3A_49 = arith.remsi %rem3A_47, %rem3A_48 : i32
    %rem3A_50 = arith.constant 0 : i32
    %rem3A_51 = arith.constant 3 : i32
    %rem3A_52 = arith.remsi %rem3A_50, %rem3A_51 : i32
    %dma_start3A = arith.constant 0 : i32
    %dma_start3A_53 = arith.constant 0 : i32
    %dma_start3A_54 = tpu.memref_slice %arg9[%rem3A_49, %dma_start3A, %dma_start3A_53] : memref<3x128x128xf32, #tpu.memory_space<vmem>> -> memref<1x128x128xf32, #tpu.memory_space<vmem>>
    %dma_start3A_55 = tpu.memref_squeeze %dma_start3A_54 : memref<1x128x128xf32, #tpu.memory_space<vmem>> -> memref<128x128xf32, #tpu.memory_space<vmem>>
    %dma_start3A_56 = arith.constant 0 : i32
    %dma_start3A_57 = tpu.memref_slice %arg7[%rem3A_46, %dma_start3A_56] : memref<3x128xi32, #tpu.memory_space<vmem>> -> memref<1x128xi32, #tpu.memory_space<vmem>>
    %dma_start3A_58 = tpu.memref_squeeze %dma_start3A_57 : memref<1x128xi32, #tpu.memory_space<vmem>> -> memref<128xi32, #tpu.memory_space<vmem>>
    %dma_start3A_59 = arith.constant 0 : i32
    %dma_start3A_60 = arith.constant 0 : i32
    %dma_start3A_61 = tpu.memref_slice %arg4[%dma_start3A_59, %dma_start3A_60] : memref<10112x128xf32, #tpu.memory_space<hbm>> -> memref<10112x128xf32, #tpu.memory_space<hbm>>
    %dma_start3A_62 = tpu.memref_slice %arg13[%rem3A_52] : memref<3x!tpu.dma_semaphore, #tpu.memory_space<semaphore_mem>> -> memref<1x!tpu.dma_semaphore, #tpu.memory_space<semaphore_mem>>
    %dma_start3A_63 = tpu.memref_squeeze %dma_start3A_62 : memref<1x!tpu.dma_semaphore, #tpu.memory_space<semaphore_mem>> -> memref<!tpu.dma_semaphore, #tpu.memory_space<semaphore_mem>>
    tpu.enqueue_indirect_dma source(%dma_start3A_61 : memref<10112x128xf32, #tpu.memory_space<hbm>>) target(%dma_start3A_55 : memref<128x128xf32, #tpu.memory_space<vmem>>) offsets(%dma_start3A_58 : memref<128xi32, #tpu.memory_space<vmem>>) semaphore(%dma_start3A_63 : memref<!tpu.dma_semaphore, #tpu.memory_space<semaphore_mem>>)
    %rem3A_64 = arith.constant 1 : i32
    %rem3A_65 = arith.constant 3 : i32
    %rem3A_66 = arith.remsi %rem3A_64, %rem3A_65 : i32
    %dma_wait3A_67 = arith.constant 0 : i32
    %dma_wait3A_68 = arith.constant 0 : i32
    %dma_wait3A_69 = arith.constant 0 : i32
    %dma_wait3A_70 = tpu.memref_slice %arg7[%dma_wait3A_68, %dma_wait3A_69] : memref<3x128xi32, #tpu.memory_space<vmem>> -> memref<1x128xi32, #tpu.memory_space<vmem>>
    %dma_wait3A_71 = tpu.memref_squeeze %dma_wait3A_70 : memref<1x128xi32, #tpu.memory_space<vmem>> -> memref<128xi32, #tpu.memory_space<vmem>>
    %dma_wait3A_72 = arith.constant 0 : i32
    %dma_wait3A_73 = tpu.memref_slice %arg2[%add3A, %dma_wait3A_67, %dma_wait3A_72] : memref<32x80x128xi32, #tpu.memory_space<hbm>> -> memref<1x1x128xi32, #tpu.memory_space<hbm>>
    %dma_wait3A_74 = tpu.memref_squeeze %dma_wait3A_73 : memref<1x1x128xi32, #tpu.memory_space<hbm>> -> memref<128xi32, #tpu.memory_space<hbm>>
    %dma_wait3A_75 = tpu.memref_slice %arg11[%rem3A_66] : memref<3x!tpu.dma_semaphore, #tpu.memory_space<semaphore_mem>> -> memref<1x!tpu.dma_semaphore, #tpu.memory_space<semaphore_mem>>
    %dma_wait3A_76 = tpu.memref_squeeze %dma_wait3A_75 : memref<1x!tpu.dma_semaphore, #tpu.memory_space<semaphore_mem>> -> memref<!tpu.dma_semaphore, #tpu.memory_space<semaphore_mem>>
    %dma_wait3A_77 = arith.constant 0 : i32
    %dma_wait3A_78 = tpu.memref_slice %arg7[%dma_wait3A_68, %dma_wait3A_77] : memref<3x128xi32, #tpu.memory_space<vmem>> -> memref<1x128xi32, #tpu.memory_space<vmem>>
    %dma_wait3A_79 = tpu.memref_squeeze %dma_wait3A_78 : memref<1x128xi32, #tpu.memory_space<vmem>> -> memref<128xi32, #tpu.memory_space<vmem>>
    %dma_wait3A_80 = arith.constant 0 : i32
    %dma_wait3A_81 = tpu.memref_slice %arg2[%add3A, %dma_wait3A_67, %dma_wait3A_80] : memref<32x80x128xi32, #tpu.memory_space<hbm>> -> memref<1x1x128xi32, #tpu.memory_space<hbm>>
    %dma_wait3A_82 = tpu.memref_squeeze %dma_wait3A_81 : memref<1x1x128xi32, #tpu.memory_space<hbm>> -> memref<128xi32, #tpu.memory_space<hbm>>
    tpu.wait_dma2 semaphore(%dma_wait3A_76 : memref<!tpu.dma_semaphore, #tpu.memory_space<semaphore_mem>>) src(%dma_wait3A_82 : memref<128xi32, #tpu.memory_space<hbm>>) dst(%dma_wait3A_79 : memref<128xi32, #tpu.memory_space<vmem>>)
    %rem3A_83 = arith.constant 1 : i32
    %rem3A_84 = arith.constant 4 : i32
    %rem3A_85 = arith.remsi %rem3A_83, %rem3A_84 : i32
    %dma_wait3A_86 = arith.constant 0 : i32
    %dma_wait3A_87 = arith.constant 0 : i32
    %dma_wait3A_88 = arith.constant 0 : i32
    %dma_wait3A_89 = tpu.memref_slice %arg7[%dma_wait3A_87, %dma_wait3A_88] : memref<3x128xi32, #tpu.memory_space<vmem>> -> memref<1x128xi32, #tpu.memory_space<vmem>>
    %dma_wait3A_90 = tpu.memref_squeeze %dma_wait3A_89 : memref<1x128xi32, #tpu.memory_space<vmem>> -> memref<128xi32, #tpu.memory_space<vmem>>
    %dma_wait3A_91 = arith.constant 0 : i32
    %dma_wait3A_92 = tpu.memref_slice %arg2[%add3A, %dma_wait3A_86, %dma_wait3A_91] : memref<32x80x128xi32, #tpu.memory_space<hbm>> -> memref<1x1x128xi32, #tpu.memory_space<hbm>>
    %dma_wait3A_93 = tpu.memref_squeeze %dma_wait3A_92 : memref<1x1x128xi32, #tpu.memory_space<hbm>> -> memref<128xi32, #tpu.memory_space<hbm>>
    %dma_wait3A_94 = tpu.memref_slice %arg12[%rem3A_85] : memref<4x!tpu.dma_semaphore, #tpu.memory_space<semaphore_mem>> -> memref<1x!tpu.dma_semaphore, #tpu.memory_space<semaphore_mem>>
    %dma_wait3A_95 = tpu.memref_squeeze %dma_wait3A_94 : memref<1x!tpu.dma_semaphore, #tpu.memory_space<semaphore_mem>> -> memref<!tpu.dma_semaphore, #tpu.memory_space<semaphore_mem>>
    %dma_wait3A_96 = arith.constant 0 : i32
    %dma_wait3A_97 = tpu.memref_slice %arg7[%dma_wait3A_87, %dma_wait3A_96] : memref<3x128xi32, #tpu.memory_space<vmem>> -> memref<1x128xi32, #tpu.memory_space<vmem>>
    %dma_wait3A_98 = tpu.memref_squeeze %dma_wait3A_97 : memref<1x128xi32, #tpu.memory_space<vmem>> -> memref<128xi32, #tpu.memory_space<vmem>>
    %dma_wait3A_99 = arith.constant 0 : i32
    %dma_wait3A_100 = tpu.memref_slice %arg2[%add3A, %dma_wait3A_86, %dma_wait3A_99] : memref<32x80x128xi32, #tpu.memory_space<hbm>> -> memref<1x1x128xi32, #tpu.memory_space<hbm>>
    %dma_wait3A_101 = tpu.memref_squeeze %dma_wait3A_100 : memref<1x1x128xi32, #tpu.memory_space<hbm>> -> memref<128xi32, #tpu.memory_space<hbm>>
    tpu.wait_dma2 semaphore(%dma_wait3A_95 : memref<!tpu.dma_semaphore, #tpu.memory_space<semaphore_mem>>) src(%dma_wait3A_101 : memref<128xi32, #tpu.memory_space<hbm>>) dst(%dma_wait3A_98 : memref<128xi32, #tpu.memory_space<vmem>>)
    %rem3A_102 = arith.constant 1 : i32
    %rem3A_103 = arith.constant 3 : i32
    %rem3A_104 = arith.remsi %rem3A_102, %rem3A_103 : i32
    %rem3A_105 = arith.constant 1 : i32
    %rem3A_106 = arith.constant 3 : i32
    %rem3A_107 = arith.remsi %rem3A_105, %rem3A_106 : i32
    %rem3A_108 = arith.constant 1 : i32
    %rem3A_109 = arith.constant 3 : i32
    %rem3A_110 = arith.remsi %rem3A_108, %rem3A_109 : i32
    %dma_start3A_111 = arith.constant 0 : i32
    %dma_start3A_112 = arith.constant 0 : i32
    %dma_start3A_113 = tpu.memref_slice %arg9[%rem3A_107, %dma_start3A_111, %dma_start3A_112] : memref<3x128x128xf32, #tpu.memory_space<vmem>> -> memref<1x128x128xf32, #tpu.memory_space<vmem>>
    %dma_start3A_114 = tpu.memref_squeeze %dma_start3A_113 : memref<1x128x128xf32, #tpu.memory_space<vmem>> -> memref<128x128xf32, #tpu.memory_space<vmem>>
    %dma_start3A_115 = arith.constant 0 : i32
    %dma_start3A_116 = tpu.memref_slice %arg7[%rem3A_104, %dma_start3A_115] : memref<3x128xi32, #tpu.memory_space<vmem>> -> memref<1x128xi32, #tpu.memory_space<vmem>>
    %dma_start3A_117 = tpu.memref_squeeze %dma_start3A_116 : memref<1x128xi32, #tpu.memory_space<vmem>> -> memref<128xi32, #tpu.memory_space<vmem>>
    %dma_start3A_118 = arith.constant 0 : i32
    %dma_start3A_119 = arith.constant 0 : i32
    %dma_start3A_120 = tpu.memref_slice %arg4[%dma_start3A_118, %dma_start3A_119] : memref<10112x128xf32, #tpu.memory_space<hbm>> -> memref<10112x128xf32, #tpu.memory_space<hbm>>
    %dma_start3A_121 = tpu.memref_slice %arg13[%rem3A_110] : memref<3x!tpu.dma_semaphore, #tpu.memory_space<semaphore_mem>> -> memref<1x!tpu.dma_semaphore, #tpu.memory_space<semaphore_mem>>
    %dma_start3A_122 = tpu.memref_squeeze %dma_start3A_121 : memref<1x!tpu.dma_semaphore, #tpu.memory_space<semaphore_mem>> -> memref<!tpu.dma_semaphore, #tpu.memory_space<semaphore_mem>>
    tpu.enqueue_indirect_dma source(%dma_start3A_120 : memref<10112x128xf32, #tpu.memory_space<hbm>>) target(%dma_start3A_114 : memref<128x128xf32, #tpu.memory_space<vmem>>) offsets(%dma_start3A_117 : memref<128xi32, #tpu.memory_space<vmem>>) semaphore(%dma_start3A_122 : memref<!tpu.dma_semaphore, #tpu.memory_space<semaphore_mem>>)
    %scan3A_123 = arith.constant 0 : i32
    %scan3A_124 = arith.constant 0 : i32
    %scan3A_125 = arith.constant 80 : i32
    %scan3A_126 = arith.addi %scan3A_124, %scan3A_125 : i32
    %scan3A_127 = arith.constant 1 : i32
    scf.for %scan3A_150 = %scan3A_124 to %scan3A_126 step %scan3A_127  : i32 {
      %ge3A = arith.constant 1 : i32
      %ge3A_151 = arith.cmpi sge, %scan3A_150, %ge3A : i32
      %convert_element_type3A = arith.extui %ge3A_151 : i1 to i32
      %cond3A = arith.constant 0 : i32
      %cond3A_152 = arith.cmpi ne, %convert_element_type3A, %cond3A : i32
      scf.if %cond3A_152 {
        %sub3A = arith.constant 1 : i32
        %sub3A_203 = arith.subi %scan3A_150, %sub3A : i32
        %rem3A_204 = arith.constant 3 : i32
        %rem3A_205 = arith.remsi %sub3A_203, %rem3A_204 : i32
        %dma_wait3A_206 = arith.constant 0 : i32
        %dma_wait3A_207 = arith.constant 0 : i32
        %dma_wait3A_208 = arith.constant 0 : i32
        %dma_wait3A_209 = tpu.memref_slice %arg9[%dma_wait3A_206, %dma_wait3A_207, %dma_wait3A_208] : memref<3x128x128xf32, #tpu.memory_space<vmem>> -> memref<1x128x128xf32, #tpu.memory_space<vmem>>
        %dma_wait3A_210 = tpu.memref_squeeze %dma_wait3A_209 : memref<1x128x128xf32, #tpu.memory_space<vmem>> -> memref<128x128xf32, #tpu.memory_space<vmem>>
        %dma_wait3A_211 = arith.constant 0 : i32
        %dma_wait3A_212 = arith.constant 0 : i32
        %dma_wait3A_213 = tpu.memref_slice %arg10[%dma_wait3A_211, %dma_wait3A_212] : memref<10112x128xf32, #tpu.memory_space<vmem_shared>> -> memref<128x128xf32, #tpu.memory_space<vmem_shared>>
        %dma_wait3A_214 = tpu.memref_slice %arg14[%rem3A_205] : memref<3x!tpu.dma_semaphore, #tpu.memory_space<semaphore_mem>> -> memref<1x!tpu.dma_semaphore, #tpu.memory_space<semaphore_mem>>
        %dma_wait3A_215 = tpu.memref_squeeze %dma_wait3A_214 : memref<1x!tpu.dma_semaphore, #tpu.memory_space<semaphore_mem>> -> memref<!tpu.dma_semaphore, #tpu.memory_space<semaphore_mem>>
        %dma_wait3A_216 = arith.constant 0 : i32
        %dma_wait3A_217 = arith.constant 0 : i32
        %dma_wait3A_218 = tpu.memref_slice %arg10[%dma_wait3A_216, %dma_wait3A_217] : memref<10112x128xf32, #tpu.memory_space<vmem_shared>> -> memref<128x128xf32, #tpu.memory_space<vmem_shared>>
        %dma_wait3A_219 = arith.constant 0 : i32
        %dma_wait3A_220 = arith.constant 0 : i32
        %dma_wait3A_221 = tpu.memref_slice %arg9[%dma_wait3A_206, %dma_wait3A_219, %dma_wait3A_220] : memref<3x128x128xf32, #tpu.memory_space<vmem>> -> memref<1x128x128xf32, #tpu.memory_space<vmem>>
        %dma_wait3A_222 = tpu.memref_squeeze %dma_wait3A_221 : memref<1x128x128xf32, #tpu.memory_space<vmem>> -> memref<128x128xf32, #tpu.memory_space<vmem>>
        tpu.wait_dma2 semaphore(%dma_wait3A_215 : memref<!tpu.dma_semaphore, #tpu.memory_space<semaphore_mem>>) src(%dma_wait3A_222 : memref<128x128xf32, #tpu.memory_space<vmem>>) dst(%dma_wait3A_218 : memref<128x128xf32, #tpu.memory_space<vmem_shared>>)
      } else {
      }
      %rem3A_153 = arith.constant 3 : i32
      %rem3A_154 = arith.remsi %scan3A_150, %rem3A_153 : i32
      %dma_wait3A_155 = arith.constant 0 : i32
      %dma_wait3A_156 = arith.constant 0 : i32
      %dma_wait3A_157 = arith.constant 0 : i32
      %dma_wait3A_158 = tpu.memref_slice %arg9[%dma_wait3A_155, %dma_wait3A_156, %dma_wait3A_157] : memref<3x128x128xf32, #tpu.memory_space<vmem>> -> memref<1x128x128xf32, #tpu.memory_space<vmem>>
      %dma_wait3A_159 = tpu.memref_squeeze %dma_wait3A_158 : memref<1x128x128xf32, #tpu.memory_space<vmem>> -> memref<128x128xf32, #tpu.memory_space<vmem>>
      %dma_wait3A_160 = arith.constant 0 : i32
      %dma_wait3A_161 = arith.constant 0 : i32
      %dma_wait3A_162 = tpu.memref_slice %arg4[%dma_wait3A_160, %dma_wait3A_161] : memref<10112x128xf32, #tpu.memory_space<hbm>> -> memref<128x128xf32, #tpu.memory_space<hbm>>
      %dma_wait3A_163 = tpu.memref_slice %arg13[%rem3A_154] : memref<3x!tpu.dma_semaphore, #tpu.memory_space<semaphore_mem>> -> memref<1x!tpu.dma_semaphore, #tpu.memory_space<semaphore_mem>>
      %dma_wait3A_164 = tpu.memref_squeeze %dma_wait3A_163 : memref<1x!tpu.dma_semaphore, #tpu.memory_space<semaphore_mem>> -> memref<!tpu.dma_semaphore, #tpu.memory_space<semaphore_mem>>
      %dma_wait3A_165 = arith.constant 0 : i32
      %dma_wait3A_166 = arith.constant 0 : i32
      %dma_wait3A_167 = tpu.memref_slice %arg9[%dma_wait3A_155, %dma_wait3A_165, %dma_wait3A_166] : memref<3x128x128xf32, #tpu.memory_space<vmem>> -> memref<1x128x128xf32, #tpu.memory_space<vmem>>
      %dma_wait3A_168 = tpu.memref_squeeze %dma_wait3A_167 : memref<1x128x128xf32, #tpu.memory_space<vmem>> -> memref<128x128xf32, #tpu.memory_space<vmem>>
      %dma_wait3A_169 = arith.constant 0 : i32
      %dma_wait3A_170 = arith.constant 0 : i32
      %dma_wait3A_171 = tpu.memref_slice %arg4[%dma_wait3A_169, %dma_wait3A_170] : memref<10112x128xf32, #tpu.memory_space<hbm>> -> memref<128x128xf32, #tpu.memory_space<hbm>>
      tpu.wait_dma2 semaphore(%dma_wait3A_164 : memref<!tpu.dma_semaphore, #tpu.memory_space<semaphore_mem>>) src(%dma_wait3A_171 : memref<128x128xf32, #tpu.memory_space<hbm>>) dst(%dma_wait3A_168 : memref<128x128xf32, #tpu.memory_space<vmem>>)
      %rem3A_172 = arith.constant 3 : i32
      %rem3A_173 = arith.remsi %scan3A_150, %rem3A_172 : i32
      %rem3A_174 = arith.constant 4 : i32
      %rem3A_175 = arith.remsi %scan3A_150, %rem3A_174 : i32
      %rem3A_176 = arith.constant 3 : i32
      %rem3A_177 = arith.remsi %scan3A_150, %rem3A_176 : i32
      %dma_start3A_178 = arith.constant 0 : i32
      %dma_start3A_179 = arith.constant 0 : i32
      %dma_start3A_180 = tpu.memref_slice %arg9[%rem3A_173, %dma_start3A_178, %dma_start3A_179] : memref<3x128x128xf32, #tpu.memory_space<vmem>> -> memref<1x128x128xf32, #tpu.memory_space<vmem>>
      %dma_start3A_181 = tpu.memref_squeeze %dma_start3A_180 : memref<1x128x128xf32, #tpu.memory_space<vmem>> -> memref<128x128xf32, #tpu.memory_space<vmem>>
      %dma_start3A_182 = arith.constant 0 : i32
      %dma_start3A_183 = tpu.memref_slice %arg8[%rem3A_175, %dma_start3A_182] : memref<4x128xi32, #tpu.memory_space<vmem>> -> memref<1x128xi32, #tpu.memory_space<vmem>>
      %dma_start3A_184 = tpu.memref_squeeze %dma_start3A_183 : memref<1x128xi32, #tpu.memory_space<vmem>> -> memref<128xi32, #tpu.memory_space<vmem>>
      %dma_start3A_185 = arith.constant 0 : i32
      %dma_start3A_186 = arith.constant 0 : i32
      %dma_start3A_187 = tpu.memref_slice %arg10[%dma_start3A_185, %dma_start3A_186] : memref<10112x128xf32, #tpu.memory_space<vmem_shared>> -> memref<10112x128xf32, #tpu.memory_space<vmem_shared>>
      %dma_start3A_188 = tpu.memref_slice %arg14[%rem3A_177] : memref<3x!tpu.dma_semaphore, #tpu.memory_space<semaphore_mem>> -> memref<1x!tpu.dma_semaphore, #tpu.memory_space<semaphore_mem>>
      %dma_start3A_189 = tpu.memref_squeeze %dma_start3A_188 : memref<1x!tpu.dma_semaphore, #tpu.memory_space<semaphore_mem>> -> memref<!tpu.dma_semaphore, #tpu.memory_space<semaphore_mem>>
      tpu.enqueue_indirect_dma source(%dma_start3A_181 : memref<128x128xf32, #tpu.memory_space<vmem>>) target(%dma_start3A_187 : memref<10112x128xf32, #tpu.memory_space<vmem_shared>>) offsets(%dma_start3A_184 : memref<128xi32, #tpu.memory_space<vmem>>) semaphore(%dma_start3A_189 : memref<!tpu.dma_semaphore, #tpu.memory_space<semaphore_mem>>) {add = true}
      %add3A_190 = arith.constant 3 : i32
      %add3A_191 = arith.addi %scan3A_150, %add3A_190 : i32
      %lt3A = arith.constant 80 : i32
      %lt3A_192 = arith.cmpi slt, %add3A_191, %lt3A : i32
      %convert_element_type3A_193 = arith.extui %lt3A_192 : i1 to i32
      %cond3A_194 = arith.constant 0 : i32
      %cond3A_195 = arith.cmpi ne, %convert_element_type3A_193, %cond3A_194 : i32
      scf.if %cond3A_195 {
        %add3A_203 = arith.constant 3 : i32
        %add3A_204 = arith.addi %scan3A_150, %add3A_203 : i32
        %rem3A_205 = arith.constant 3 : i32
        %rem3A_206 = arith.remsi %add3A_204, %rem3A_205 : i32
        %rem3A_207 = arith.constant 3 : i32
        %rem3A_208 = arith.remsi %add3A_204, %rem3A_207 : i32
        %dma_start3A_209 = arith.constant 0 : i32
        %dma_start3A_210 = tpu.memref_slice %arg7[%rem3A_206, %dma_start3A_209] : memref<3x128xi32, #tpu.memory_space<vmem>> -> memref<1x128xi32, #tpu.memory_space<vmem>>
        %dma_start3A_211 = tpu.memref_squeeze %dma_start3A_210 : memref<1x128xi32, #tpu.memory_space<vmem>> -> memref<128xi32, #tpu.memory_space<vmem>>
        %dma_start3A_212 = arith.constant 0 : i32
        %dma_start3A_213 = tpu.memref_slice %arg2[%add3A, %add3A_204, %dma_start3A_212] : memref<32x80x128xi32, #tpu.memory_space<hbm>> -> memref<1x1x128xi32, #tpu.memory_space<hbm>>
        %dma_start3A_214 = tpu.memref_squeeze %dma_start3A_213 : memref<1x1x128xi32, #tpu.memory_space<hbm>> -> memref<128xi32, #tpu.memory_space<hbm>>
        %dma_start3A_215 = tpu.memref_slice %arg11[%rem3A_208] : memref<3x!tpu.dma_semaphore, #tpu.memory_space<semaphore_mem>> -> memref<1x!tpu.dma_semaphore, #tpu.memory_space<semaphore_mem>>
        %dma_start3A_216 = tpu.memref_squeeze %dma_start3A_215 : memref<1x!tpu.dma_semaphore, #tpu.memory_space<semaphore_mem>> -> memref<!tpu.dma_semaphore, #tpu.memory_space<semaphore_mem>>
        %dma_start3A_217 = arith.constant 0 : i32
        %dma_start3A_218 = tpu.memref_slice %arg7[%rem3A_206, %dma_start3A_217] : memref<3x128xi32, #tpu.memory_space<vmem>> -> memref<1x128xi32, #tpu.memory_space<vmem>>
        %dma_start3A_219 = tpu.memref_squeeze %dma_start3A_218 : memref<1x128xi32, #tpu.memory_space<vmem>> -> memref<128xi32, #tpu.memory_space<vmem>>
        %dma_start3A_220 = arith.constant 0 : i32
        %dma_start3A_221 = tpu.memref_slice %arg2[%add3A, %add3A_204, %dma_start3A_220] : memref<32x80x128xi32, #tpu.memory_space<hbm>> -> memref<1x1x128xi32, #tpu.memory_space<hbm>>
        %dma_start3A_222 = tpu.memref_squeeze %dma_start3A_221 : memref<1x1x128xi32, #tpu.memory_space<hbm>> -> memref<128xi32, #tpu.memory_space<hbm>>
        tpu.enqueue_dma source(%dma_start3A_222 : memref<128xi32, #tpu.memory_space<hbm>>) target(%dma_start3A_219 : memref<128xi32, #tpu.memory_space<vmem>>) target_semaphore(%dma_start3A_216 : memref<!tpu.dma_semaphore, #tpu.memory_space<semaphore_mem>>)
        %rem3A_223 = arith.constant 4 : i32
        %rem3A_224 = arith.remsi %add3A_204, %rem3A_223 : i32
        %rem3A_225 = arith.constant 4 : i32
        %rem3A_226 = arith.remsi %add3A_204, %rem3A_225 : i32
        %dma_start3A_227 = arith.constant 0 : i32
        %dma_start3A_228 = tpu.memref_slice %arg8[%rem3A_224, %dma_start3A_227] : memref<4x128xi32, #tpu.memory_space<vmem>> -> memref<1x128xi32, #tpu.memory_space<vmem>>
        %dma_start3A_229 = tpu.memref_squeeze %dma_start3A_228 : memref<1x128xi32, #tpu.memory_space<vmem>> -> memref<128xi32, #tpu.memory_space<vmem>>
        %dma_start3A_230 = arith.constant 0 : i32
        %dma_start3A_231 = tpu.memref_slice %arg3[%add3A, %add3A_204, %dma_start3A_230] : memref<32x80x128xi32, #tpu.memory_space<hbm>> -> memref<1x1x128xi32, #tpu.memory_space<hbm>>
        %dma_start3A_232 = tpu.memref_squeeze %dma_start3A_231 : memref<1x1x128xi32, #tpu.memory_space<hbm>> -> memref<128xi32, #tpu.memory_space<hbm>>
        %dma_start3A_233 = tpu.memref_slice %arg12[%rem3A_226] : memref<4x!tpu.dma_semaphore, #tpu.memory_space<semaphore_mem>> -> memref<1x!tpu.dma_semaphore, #tpu.memory_space<semaphore_mem>>
        %dma_start3A_234 = tpu.memref_squeeze %dma_start3A_233 : memref<1x!tpu.dma_semaphore, #tpu.memory_space<semaphore_mem>> -> memref<!tpu.dma_semaphore, #tpu.memory_space<semaphore_mem>>
        %dma_start3A_235 = arith.constant 0 : i32
        %dma_start3A_236 = tpu.memref_slice %arg8[%rem3A_224, %dma_start3A_235] : memref<4x128xi32, #tpu.memory_space<vmem>> -> memref<1x128xi32, #tpu.memory_space<vmem>>
        %dma_start3A_237 = tpu.memref_squeeze %dma_start3A_236 : memref<1x128xi32, #tpu.memory_space<vmem>> -> memref<128xi32, #tpu.memory_space<vmem>>
        %dma_start3A_238 = arith.constant 0 : i32
        %dma_start3A_239 = tpu.memref_slice %arg3[%add3A, %add3A_204, %dma_start3A_238] : memref<32x80x128xi32, #tpu.memory_space<hbm>> -> memref<1x1x128xi32, #tpu.memory_space<hbm>>
        %dma_start3A_240 = tpu.memref_squeeze %dma_start3A_239 : memref<1x1x128xi32, #tpu.memory_space<hbm>> -> memref<128xi32, #tpu.memory_space<hbm>>
        tpu.enqueue_dma source(%dma_start3A_240 : memref<128xi32, #tpu.memory_space<hbm>>) target(%dma_start3A_237 : memref<128xi32, #tpu.memory_space<vmem>>) target_semaphore(%dma_start3A_234 : memref<!tpu.dma_semaphore, #tpu.memory_space<semaphore_mem>>)
      } else {
      }
      %add3A_196 = arith.constant 2 : i32
      %add3A_197 = arith.addi %scan3A_150, %add3A_196 : i32
      %lt3A_198 = arith.constant 80 : i32
      %lt3A_199 = arith.cmpi slt, %add3A_197, %lt3A_198 : i32
      %convert_element_type3A_200 = arith.extui %lt3A_199 : i1 to i32
      %cond3A_201 = arith.constant 0 : i32
      %cond3A_202 = arith.cmpi ne, %convert_element_type3A_200, %cond3A_201 : i32
      scf.if %cond3A_202 {
        %add3A_203 = arith.constant 2 : i32
        %add3A_204 = arith.addi %scan3A_150, %add3A_203 : i32
        %rem3A_205 = arith.constant 3 : i32
        %rem3A_206 = arith.remsi %add3A_204, %rem3A_205 : i32
        %dma_wait3A_207 = arith.constant 0 : i32
        %dma_wait3A_208 = arith.constant 0 : i32
        %dma_wait3A_209 = arith.constant 0 : i32
        %dma_wait3A_210 = tpu.memref_slice %arg7[%dma_wait3A_208, %dma_wait3A_209] : memref<3x128xi32, #tpu.memory_space<vmem>> -> memref<1x128xi32, #tpu.memory_space<vmem>>
        %dma_wait3A_211 = tpu.memref_squeeze %dma_wait3A_210 : memref<1x128xi32, #tpu.memory_space<vmem>> -> memref<128xi32, #tpu.memory_space<vmem>>
        %dma_wait3A_212 = arith.constant 0 : i32
        %dma_wait3A_213 = tpu.memref_slice %arg2[%add3A, %dma_wait3A_207, %dma_wait3A_212] : memref<32x80x128xi32, #tpu.memory_space<hbm>> -> memref<1x1x128xi32, #tpu.memory_space<hbm>>
        %dma_wait3A_214 = tpu.memref_squeeze %dma_wait3A_213 : memref<1x1x128xi32, #tpu.memory_space<hbm>> -> memref<128xi32, #tpu.memory_space<hbm>>
        %dma_wait3A_215 = tpu.memref_slice %arg11[%rem3A_206] : memref<3x!tpu.dma_semaphore, #tpu.memory_space<semaphore_mem>> -> memref<1x!tpu.dma_semaphore, #tpu.memory_space<semaphore_mem>>
        %dma_wait3A_216 = tpu.memref_squeeze %dma_wait3A_215 : memref<1x!tpu.dma_semaphore, #tpu.memory_space<semaphore_mem>> -> memref<!tpu.dma_semaphore, #tpu.memory_space<semaphore_mem>>
        %dma_wait3A_217 = arith.constant 0 : i32
        %dma_wait3A_218 = tpu.memref_slice %arg7[%dma_wait3A_208, %dma_wait3A_217] : memref<3x128xi32, #tpu.memory_space<vmem>> -> memref<1x128xi32, #tpu.memory_space<vmem>>
        %dma_wait3A_219 = tpu.memref_squeeze %dma_wait3A_218 : memref<1x128xi32, #tpu.memory_space<vmem>> -> memref<128xi32, #tpu.memory_space<vmem>>
        %dma_wait3A_220 = arith.constant 0 : i32
        %dma_wait3A_221 = tpu.memref_slice %arg2[%add3A, %dma_wait3A_207, %dma_wait3A_220] : memref<32x80x128xi32, #tpu.memory_space<hbm>> -> memref<1x1x128xi32, #tpu.memory_space<hbm>>
        %dma_wait3A_222 = tpu.memref_squeeze %dma_wait3A_221 : memref<1x1x128xi32, #tpu.memory_space<hbm>> -> memref<128xi32, #tpu.memory_space<hbm>>
        tpu.wait_dma2 semaphore(%dma_wait3A_216 : memref<!tpu.dma_semaphore, #tpu.memory_space<semaphore_mem>>) src(%dma_wait3A_222 : memref<128xi32, #tpu.memory_space<hbm>>) dst(%dma_wait3A_219 : memref<128xi32, #tpu.memory_space<vmem>>)
        %rem3A_223 = arith.constant 4 : i32
        %rem3A_224 = arith.remsi %add3A_204, %rem3A_223 : i32
        %dma_wait3A_225 = arith.constant 0 : i32
        %dma_wait3A_226 = arith.constant 0 : i32
        %dma_wait3A_227 = arith.constant 0 : i32
        %dma_wait3A_228 = tpu.memref_slice %arg7[%dma_wait3A_226, %dma_wait3A_227] : memref<3x128xi32, #tpu.memory_space<vmem>> -> memref<1x128xi32, #tpu.memory_space<vmem>>
        %dma_wait3A_229 = tpu.memref_squeeze %dma_wait3A_228 : memref<1x128xi32, #tpu.memory_space<vmem>> -> memref<128xi32, #tpu.memory_space<vmem>>
        %dma_wait3A_230 = arith.constant 0 : i32
        %dma_wait3A_231 = tpu.memref_slice %arg2[%add3A, %dma_wait3A_225, %dma_wait3A_230] : memref<32x80x128xi32, #tpu.memory_space<hbm>> -> memref<1x1x128xi32, #tpu.memory_space<hbm>>
        %dma_wait3A_232 = tpu.memref_squeeze %dma_wait3A_231 : memref<1x1x128xi32, #tpu.memory_space<hbm>> -> memref<128xi32, #tpu.memory_space<hbm>>
        %dma_wait3A_233 = tpu.memref_slice %arg12[%rem3A_224] : memref<4x!tpu.dma_semaphore, #tpu.memory_space<semaphore_mem>> -> memref<1x!tpu.dma_semaphore, #tpu.memory_space<semaphore_mem>>
        %dma_wait3A_234 = tpu.memref_squeeze %dma_wait3A_233 : memref<1x!tpu.dma_semaphore, #tpu.memory_space<semaphore_mem>> -> memref<!tpu.dma_semaphore, #tpu.memory_space<semaphore_mem>>
        %dma_wait3A_235 = arith.constant 0 : i32
        %dma_wait3A_236 = tpu.memref_slice %arg7[%dma_wait3A_226, %dma_wait3A_235] : memref<3x128xi32, #tpu.memory_space<vmem>> -> memref<1x128xi32, #tpu.memory_space<vmem>>
        %dma_wait3A_237 = tpu.memref_squeeze %dma_wait3A_236 : memref<1x128xi32, #tpu.memory_space<vmem>> -> memref<128xi32, #tpu.memory_space<vmem>>
        %dma_wait3A_238 = arith.constant 0 : i32
        %dma_wait3A_239 = tpu.memref_slice %arg2[%add3A, %dma_wait3A_225, %dma_wait3A_238] : memref<32x80x128xi32, #tpu.memory_space<hbm>> -> memref<1x1x128xi32, #tpu.memory_space<hbm>>
        %dma_wait3A_240 = tpu.memref_squeeze %dma_wait3A_239 : memref<1x1x128xi32, #tpu.memory_space<hbm>> -> memref<128xi32, #tpu.memory_space<hbm>>
        tpu.wait_dma2 semaphore(%dma_wait3A_234 : memref<!tpu.dma_semaphore, #tpu.memory_space<semaphore_mem>>) src(%dma_wait3A_240 : memref<128xi32, #tpu.memory_space<hbm>>) dst(%dma_wait3A_237 : memref<128xi32, #tpu.memory_space<vmem>>)
        %add3A_241 = arith.constant 2 : i32
        %add3A_242 = arith.addi %scan3A_150, %add3A_241 : i32
        %rem3A_243 = arith.constant 3 : i32
        %rem3A_244 = arith.remsi %add3A_242, %rem3A_243 : i32
        %rem3A_245 = arith.constant 3 : i32
        %rem3A_246 = arith.remsi %add3A_242, %rem3A_245 : i32
        %rem3A_247 = arith.constant 3 : i32
        %rem3A_248 = arith.remsi %add3A_242, %rem3A_247 : i32
        %dma_start3A_249 = arith.constant 0 : i32
        %dma_start3A_250 = arith.constant 0 : i32
        %dma_start3A_251 = tpu.memref_slice %arg9[%rem3A_246, %dma_start3A_249, %dma_start3A_250] : memref<3x128x128xf32, #tpu.memory_space<vmem>> -> memref<1x128x128xf32, #tpu.memory_space<vmem>>
        %dma_start3A_252 = tpu.memref_squeeze %dma_start3A_251 : memref<1x128x128xf32, #tpu.memory_space<vmem>> -> memref<128x128xf32, #tpu.memory_space<vmem>>
        %dma_start3A_253 = arith.constant 0 : i32
        %dma_start3A_254 = tpu.memref_slice %arg7[%rem3A_244, %dma_start3A_253] : memref<3x128xi32, #tpu.memory_space<vmem>> -> memref<1x128xi32, #tpu.memory_space<vmem>>
        %dma_start3A_255 = tpu.memref_squeeze %dma_start3A_254 : memref<1x128xi32, #tpu.memory_space<vmem>> -> memref<128xi32, #tpu.memory_space<vmem>>
        %dma_start3A_256 = arith.constant 0 : i32
        %dma_start3A_257 = arith.constant 0 : i32
        %dma_start3A_258 = tpu.memref_slice %arg4[%dma_start3A_256, %dma_start3A_257] : memref<10112x128xf32, #tpu.memory_space<hbm>> -> memref<10112x128xf32, #tpu.memory_space<hbm>>
        %dma_start3A_259 = tpu.memref_slice %arg13[%rem3A_248] : memref<3x!tpu.dma_semaphore, #tpu.memory_space<semaphore_mem>> -> memref<1x!tpu.dma_semaphore, #tpu.memory_space<semaphore_mem>>
        %dma_start3A_260 = tpu.memref_squeeze %dma_start3A_259 : memref<1x!tpu.dma_semaphore, #tpu.memory_space<semaphore_mem>> -> memref<!tpu.dma_semaphore, #tpu.memory_space<semaphore_mem>>
        tpu.enqueue_indirect_dma source(%dma_start3A_258 : memref<10112x128xf32, #tpu.memory_space<hbm>>) target(%dma_start3A_252 : memref<128x128xf32, #tpu.memory_space<vmem>>) offsets(%dma_start3A_255 : memref<128xi32, #tpu.memory_space<vmem>>) semaphore(%dma_start3A_260 : memref<!tpu.dma_semaphore, #tpu.memory_space<semaphore_mem>>)
      } else {
      }
    }
    %scan3A_128 = arith.constant 80 : i32
    %rem3A_129 = arith.constant 79 : i32
    %rem3A_130 = arith.constant 3 : i32
    %rem3A_131 = arith.remsi %rem3A_129, %rem3A_130 : i32
    %dma_wait3A_132 = arith.constant 0 : i32
    %dma_wait3A_133 = arith.constant 0 : i32
    %dma_wait3A_134 = arith.constant 0 : i32
    %dma_wait3A_135 = tpu.memref_slice %arg9[%dma_wait3A_132, %dma_wait3A_133, %dma_wait3A_134] : memref<3x128x128xf32, #tpu.memory_space<vmem>> -> memref<1x128x128xf32, #tpu.memory_space<vmem>>
    %dma_wait3A_136 = tpu.memref_squeeze %dma_wait3A_135 : memref<1x128x128xf32, #tpu.memory_space<vmem>> -> memref<128x128xf32, #tpu.memory_space<vmem>>
    %dma_wait3A_137 = arith.constant 0 : i32
    %dma_wait3A_138 = arith.constant 0 : i32
    %dma_wait3A_139 = tpu.memref_slice %arg10[%dma_wait3A_137, %dma_wait3A_138] : memref<10112x128xf32, #tpu.memory_space<vmem_shared>> -> memref<128x128xf32, #tpu.memory_space<vmem_shared>>
    %dma_wait3A_140 = tpu.memref_slice %arg14[%rem3A_131] : memref<3x!tpu.dma_semaphore, #tpu.memory_space<semaphore_mem>> -> memref<1x!tpu.dma_semaphore, #tpu.memory_space<semaphore_mem>>
    %dma_wait3A_141 = tpu.memref_squeeze %dma_wait3A_140 : memref<1x!tpu.dma_semaphore, #tpu.memory_space<semaphore_mem>> -> memref<!tpu.dma_semaphore, #tpu.memory_space<semaphore_mem>>
    %dma_wait3A_142 = arith.constant 0 : i32
    %dma_wait3A_143 = arith.constant 0 : i32
    %dma_wait3A_144 = tpu.memref_slice %arg10[%dma_wait3A_142, %dma_wait3A_143] : memref<10112x128xf32, #tpu.memory_space<vmem_shared>> -> memref<128x128xf32, #tpu.memory_space<vmem_shared>>
    %dma_wait3A_145 = arith.constant 0 : i32
    %dma_wait3A_146 = arith.constant 0 : i32
    %dma_wait3A_147 = tpu.memref_slice %arg9[%dma_wait3A_132, %dma_wait3A_145, %dma_wait3A_146] : memref<3x128x128xf32, #tpu.memory_space<vmem>> -> memref<1x128x128xf32, #tpu.memory_space<vmem>>
    %dma_wait3A_148 = tpu.memref_squeeze %dma_wait3A_147 : memref<1x128x128xf32, #tpu.memory_space<vmem>> -> memref<128x128xf32, #tpu.memory_space<vmem>>
    tpu.wait_dma2 semaphore(%dma_wait3A_141 : memref<!tpu.dma_semaphore, #tpu.memory_space<semaphore_mem>>) src(%dma_wait3A_148 : memref<128x128xf32, #tpu.memory_space<vmem>>) dst(%dma_wait3A_144 : memref<128x128xf32, #tpu.memory_space<vmem_shared>>)
    %barrier3A_149 = arith.constant 0 : index
    tpu.barrier barrier_id(%barrier3A_149)
    "tpu.region"() ({
      %run_scoped3A = tpu.sem_alloc : memref<!tpu.dma_semaphore, #tpu.memory_space<semaphore_mem>>
      %dma_start3A_150 = arith.constant 0 : i32
      %dma_start3A_151 = tpu.memref_slice %arg6[%arg0, %mul3A_2, %dma_start3A_150] : memref<2x10112x128xf32, #tpu.memory_space<hbm>> -> memref<1x632x128xf32, #tpu.memory_space<hbm>>
      %dma_start3A_152 = tpu.memref_squeeze %dma_start3A_151 : memref<1x632x128xf32, #tpu.memory_space<hbm>> -> memref<632x128xf32, #tpu.memory_space<hbm>>
      %dma_start3A_153 = arith.constant 0 : i32
      %dma_start3A_154 = tpu.memref_slice %arg10[%mul3A_2, %dma_start3A_153] : memref<10112x128xf32, #tpu.memory_space<vmem_shared>> -> memref<632x128xf32, #tpu.memory_space<vmem_shared>>
      tpu.enqueue_dma source(%dma_start3A_154 : memref<632x128xf32, #tpu.memory_space<vmem_shared>>) target(%dma_start3A_152 : memref<632x128xf32, #tpu.memory_space<hbm>>) target_semaphore(%run_scoped3A : memref<!tpu.dma_semaphore, #tpu.memory_space<semaphore_mem>>)
      %dma_wait3A_155 = arith.constant 0 : i32
      %dma_wait3A_156 = tpu.memref_slice %arg6[%arg0, %mul3A_2, %dma_wait3A_155] : memref<2x10112x128xf32, #tpu.memory_space<hbm>> -> memref<1x632x128xf32, #tpu.memory_space<hbm>>
      %dma_wait3A_157 = tpu.memref_squeeze %dma_wait3A_156 : memref<1x632x128xf32, #tpu.memory_space<hbm>> -> memref<632x128xf32, #tpu.memory_space<hbm>>
      %dma_wait3A_158 = arith.constant 0 : i32
      %dma_wait3A_159 = tpu.memref_slice %arg10[%mul3A_2, %dma_wait3A_158] : memref<10112x128xf32, #tpu.memory_space<vmem_shared>> -> memref<632x128xf32, #tpu.memory_space<vmem_shared>>
      tpu.wait_dma2 semaphore(%run_scoped3A : memref<!tpu.dma_semaphore, #tpu.memory_space<semaphore_mem>>) src(%dma_wait3A_159 : memref<632x128xf32, #tpu.memory_space<vmem_shared>>) dst(%dma_wait3A_157 : memref<632x128xf32, #tpu.memory_space<hbm>>)
      tpu.yield
    }) : () -> ()
    return
  }
}

#map = affine_map<(d0, d1) -> (0, 0, 0)>
#map1 = affine_map<(d0, d1) -> (0, 0)>
module attributes {stable_mosaic.version = 14 : i64} {
  func.func @_agg_kernel(%arg0: i32, %arg1: i32, %arg2: memref<32x80x128xi32, #tpu.memory_space<hbm>>, %arg3: memref<32x80x128xi32, #tpu.memory_space<hbm>>, %arg4: memref<10112x128xf32, #tpu.memory_space<hbm>>, %arg5: memref<10112x128xf32, #tpu.memory_space<hbm>>, %arg6: memref<2x10112x128xf32, #tpu.memory_space<hbm>>, %arg7: memref<3x128xi32, #tpu.memory_space<vmem>>, %arg8: memref<4x128xi32, #tpu.memory_space<vmem>>, %arg9: memref<3x128x128xf32, #tpu.memory_space<vmem>>, %arg10: memref<10112x128xf32, #tpu.memory_space<vmem_shared>>, %arg11: memref<3x!tpu.dma_semaphore, #tpu.memory_space<semaphore_mem>>, %arg12: memref<4x!tpu.dma_semaphore, #tpu.memory_space<semaphore_mem>>, %arg13: memref<3x!tpu.dma_semaphore, #tpu.memory_space<semaphore_mem>>, %arg14: memref<3x!tpu.dma_semaphore, #tpu.memory_space<semaphore_mem>>) attributes {dimension_semantics = [#tpu.dimension_semantics<core_parallel>, #tpu.dimension_semantics<subcore_parallel>], iteration_bounds = array<i64: 2, 16>, scalar_prefetch = 0 : i64, scratch_operands = 8 : i64, tpu.core_type = #tpu.core_type<sc_vector_subcore>, window_params = [{transform_indices = #map}, {transform_indices = #map}, {transform_indices = #map1}, {transform_indices = #map1}, {transform_indices = #map}]} {
    %mul3A = arith.constant 16 : i32
    %mul3A_0 = arith.muli %arg0, %mul3A : i32
    %add3A = arith.addi %mul3A_0, %arg1 : i32
    %mul3A_1 = arith.constant 632 : i32
    %mul3A_2 = arith.muli %arg1, %mul3A_1 : i32
    "tpu.region"() ({
      %run_scoped3A = tpu.sem_alloc : memref<!tpu.dma_semaphore, #tpu.memory_space<semaphore_mem>>
      %dma_start3A_150 = arith.constant 0 : i32
      %dma_start3A_151 = tpu.memref_slice %arg10[%mul3A_2, %dma_start3A_150] : memref<10112x128xf32, #tpu.memory_space<vmem_shared>> -> memref<632x128xf32, #tpu.memory_space<vmem_shared>>
      %dma_start3A_152 = arith.constant 0 : i32
      %dma_start3A_153 = tpu.memref_slice %arg5[%mul3A_2, %dma_start3A_152] : memref<10112x128xf32, #tpu.memory_space<hbm>> -> memref<632x128xf32, #tpu.memory_space<hbm>>
      tpu.enqueue_dma source(%dma_start3A_153 : memref<632x128xf32, #tpu.memory_space<hbm>>) target(%dma_start3A_151 : memref<632x128xf32, #tpu.memory_space<vmem_shared>>) target_semaphore(%run_scoped3A : memref<!tpu.dma_semaphore, #tpu.memory_space<semaphore_mem>>)
      %dma_wait3A_154 = arith.constant 0 : i32
      %dma_wait3A_155 = tpu.memref_slice %arg10[%mul3A_2, %dma_wait3A_154] : memref<10112x128xf32, #tpu.memory_space<vmem_shared>> -> memref<632x128xf32, #tpu.memory_space<vmem_shared>>
      %dma_wait3A_156 = arith.constant 0 : i32
      %dma_wait3A_157 = tpu.memref_slice %arg5[%mul3A_2, %dma_wait3A_156] : memref<10112x128xf32, #tpu.memory_space<hbm>> -> memref<632x128xf32, #tpu.memory_space<hbm>>
      tpu.wait_dma2 semaphore(%run_scoped3A : memref<!tpu.dma_semaphore, #tpu.memory_space<semaphore_mem>>) src(%dma_wait3A_157 : memref<632x128xf32, #tpu.memory_space<hbm>>) dst(%dma_wait3A_155 : memref<632x128xf32, #tpu.memory_space<vmem_shared>>)
      tpu.yield
    }) : () -> ()
    %barrier3A = arith.constant 0 : index
    tpu.barrier barrier_id(%barrier3A)
    %scan3A = arith.constant 0 : i32
    %scan3A_3 = arith.constant 0 : i32
    %scan3A_4 = arith.constant 3 : i32
    %scan3A_5 = arith.addi %scan3A_3, %scan3A_4 : i32
    %scan3A_6 = arith.constant 1 : i32
    scf.for %scan3A_150 = %scan3A_3 to %scan3A_5 step %scan3A_6  : i32 {
      %rem3A_151 = arith.constant 3 : i32
      %rem3A_152 = arith.remsi %scan3A_150, %rem3A_151 : i32
      %rem3A_153 = arith.constant 3 : i32
      %rem3A_154 = arith.remsi %scan3A_150, %rem3A_153 : i32
      %dma_start3A_155 = arith.constant 0 : i32
      %dma_start3A_156 = tpu.memref_slice %arg7[%rem3A_152, %dma_start3A_155] : memref<3x128xi32, #tpu.memory_space<vmem>> -> memref<1x128xi32, #tpu.memory_space<vmem>>
      %dma_start3A_157 = tpu.memref_squeeze %dma_start3A_156 : memref<1x128xi32, #tpu.memory_space<vmem>> -> memref<128xi32, #tpu.memory_space<vmem>>
      %dma_start3A_158 = arith.constant 0 : i32
      %dma_start3A_159 = tpu.memref_slice %arg2[%add3A, %scan3A_150, %dma_start3A_158] : memref<32x80x128xi32, #tpu.memory_space<hbm>> -> memref<1x1x128xi32, #tpu.memory_space<hbm>>
      %dma_start3A_160 = tpu.memref_squeeze %dma_start3A_159 : memref<1x1x128xi32, #tpu.memory_space<hbm>> -> memref<128xi32, #tpu.memory_space<hbm>>
      %dma_start3A_161 = tpu.memref_slice %arg11[%rem3A_154] : memref<3x!tpu.dma_semaphore, #tpu.memory_space<semaphore_mem>> -> memref<1x!tpu.dma_semaphore, #tpu.memory_space<semaphore_mem>>
      %dma_start3A_162 = tpu.memref_squeeze %dma_start3A_161 : memref<1x!tpu.dma_semaphore, #tpu.memory_space<semaphore_mem>> -> memref<!tpu.dma_semaphore, #tpu.memory_space<semaphore_mem>>
      %dma_start3A_163 = arith.constant 0 : i32
      %dma_start3A_164 = tpu.memref_slice %arg7[%rem3A_152, %dma_start3A_163] : memref<3x128xi32, #tpu.memory_space<vmem>> -> memref<1x128xi32, #tpu.memory_space<vmem>>
      %dma_start3A_165 = tpu.memref_squeeze %dma_start3A_164 : memref<1x128xi32, #tpu.memory_space<vmem>> -> memref<128xi32, #tpu.memory_space<vmem>>
      %dma_start3A_166 = arith.constant 0 : i32
      %dma_start3A_167 = tpu.memref_slice %arg2[%add3A, %scan3A_150, %dma_start3A_166] : memref<32x80x128xi32, #tpu.memory_space<hbm>> -> memref<1x1x128xi32, #tpu.memory_space<hbm>>
      %dma_start3A_168 = tpu.memref_squeeze %dma_start3A_167 : memref<1x1x128xi32, #tpu.memory_space<hbm>> -> memref<128xi32, #tpu.memory_space<hbm>>
      tpu.enqueue_dma source(%dma_start3A_168 : memref<128xi32, #tpu.memory_space<hbm>>) target(%dma_start3A_165 : memref<128xi32, #tpu.memory_space<vmem>>) target_semaphore(%dma_start3A_162 : memref<!tpu.dma_semaphore, #tpu.memory_space<semaphore_mem>>)
      %rem3A_169 = arith.constant 4 : i32
      %rem3A_170 = arith.remsi %scan3A_150, %rem3A_169 : i32
      %rem3A_171 = arith.constant 4 : i32
      %rem3A_172 = arith.remsi %scan3A_150, %rem3A_171 : i32
      %dma_start3A_173 = arith.constant 0 : i32
      %dma_start3A_174 = tpu.memref_slice %arg8[%rem3A_170, %dma_start3A_173] : memref<4x128xi32, #tpu.memory_space<vmem>> -> memref<1x128xi32, #tpu.memory_space<vmem>>
      %dma_start3A_175 = tpu.memref_squeeze %dma_start3A_174 : memref<1x128xi32, #tpu.memory_space<vmem>> -> memref<128xi32, #tpu.memory_space<vmem>>
      %dma_start3A_176 = arith.constant 0 : i32
      %dma_start3A_177 = tpu.memref_slice %arg3[%add3A, %scan3A_150, %dma_start3A_176] : memref<32x80x128xi32, #tpu.memory_space<hbm>> -> memref<1x1x128xi32, #tpu.memory_space<hbm>>
      %dma_start3A_178 = tpu.memref_squeeze %dma_start3A_177 : memref<1x1x128xi32, #tpu.memory_space<hbm>> -> memref<128xi32, #tpu.memory_space<hbm>>
      %dma_start3A_179 = tpu.memref_slice %arg12[%rem3A_172] : memref<4x!tpu.dma_semaphore, #tpu.memory_space<semaphore_mem>> -> memref<1x!tpu.dma_semaphore, #tpu.memory_space<semaphore_mem>>
      %dma_start3A_180 = tpu.memref_squeeze %dma_start3A_179 : memref<1x!tpu.dma_semaphore, #tpu.memory_space<semaphore_mem>> -> memref<!tpu.dma_semaphore, #tpu.memory_space<semaphore_mem>>
      %dma_start3A_181 = arith.constant 0 : i32
      %dma_start3A_182 = tpu.memref_slice %arg8[%rem3A_170, %dma_start3A_181] : memref<4x128xi32, #tpu.memory_space<vmem>> -> memref<1x128xi32, #tpu.memory_space<vmem>>
      %dma_start3A_183 = tpu.memref_squeeze %dma_start3A_182 : memref<1x128xi32, #tpu.memory_space<vmem>> -> memref<128xi32, #tpu.memory_space<vmem>>
      %dma_start3A_184 = arith.constant 0 : i32
      %dma_start3A_185 = tpu.memref_slice %arg3[%add3A, %scan3A_150, %dma_start3A_184] : memref<32x80x128xi32, #tpu.memory_space<hbm>> -> memref<1x1x128xi32, #tpu.memory_space<hbm>>
      %dma_start3A_186 = tpu.memref_squeeze %dma_start3A_185 : memref<1x1x128xi32, #tpu.memory_space<hbm>> -> memref<128xi32, #tpu.memory_space<hbm>>
      tpu.enqueue_dma source(%dma_start3A_186 : memref<128xi32, #tpu.memory_space<hbm>>) target(%dma_start3A_183 : memref<128xi32, #tpu.memory_space<vmem>>) target_semaphore(%dma_start3A_180 : memref<!tpu.dma_semaphore, #tpu.memory_space<semaphore_mem>>)
    }
    %scan3A_7 = arith.constant 3 : i32
    %rem3A = arith.constant 0 : i32
    %rem3A_8 = arith.constant 3 : i32
    %rem3A_9 = arith.remsi %rem3A, %rem3A_8 : i32
    %dma_wait3A = arith.constant 0 : i32
    %dma_wait3A_10 = arith.constant 0 : i32
    %dma_wait3A_11 = arith.constant 0 : i32
    %dma_wait3A_12 = tpu.memref_slice %arg7[%dma_wait3A_10, %dma_wait3A_11] : memref<3x128xi32, #tpu.memory_space<vmem>> -> memref<1x128xi32, #tpu.memory_space<vmem>>
    %dma_wait3A_13 = tpu.memref_squeeze %dma_wait3A_12 : memref<1x128xi32, #tpu.memory_space<vmem>> -> memref<128xi32, #tpu.memory_space<vmem>>
    %dma_wait3A_14 = arith.constant 0 : i32
    %dma_wait3A_15 = tpu.memref_slice %arg2[%add3A, %dma_wait3A, %dma_wait3A_14] : memref<32x80x128xi32, #tpu.memory_space<hbm>> -> memref<1x1x128xi32, #tpu.memory_space<hbm>>
    %dma_wait3A_16 = tpu.memref_squeeze %dma_wait3A_15 : memref<1x1x128xi32, #tpu.memory_space<hbm>> -> memref<128xi32, #tpu.memory_space<hbm>>
    %dma_wait3A_17 = tpu.memref_slice %arg11[%rem3A_9] : memref<3x!tpu.dma_semaphore, #tpu.memory_space<semaphore_mem>> -> memref<1x!tpu.dma_semaphore, #tpu.memory_space<semaphore_mem>>
    %dma_wait3A_18 = tpu.memref_squeeze %dma_wait3A_17 : memref<1x!tpu.dma_semaphore, #tpu.memory_space<semaphore_mem>> -> memref<!tpu.dma_semaphore, #tpu.memory_space<semaphore_mem>>
    %dma_wait3A_19 = arith.constant 0 : i32
    %dma_wait3A_20 = tpu.memref_slice %arg7[%dma_wait3A_10, %dma_wait3A_19] : memref<3x128xi32, #tpu.memory_space<vmem>> -> memref<1x128xi32, #tpu.memory_space<vmem>>
    %dma_wait3A_21 = tpu.memref_squeeze %dma_wait3A_20 : memref<1x128xi32, #tpu.memory_space<vmem>> -> memref<128xi32, #tpu.memory_space<vmem>>
    %dma_wait3A_22 = arith.constant 0 : i32
    %dma_wait3A_23 = tpu.memref_slice %arg2[%add3A, %dma_wait3A, %dma_wait3A_22] : memref<32x80x128xi32, #tpu.memory_space<hbm>> -> memref<1x1x128xi32, #tpu.memory_space<hbm>>
    %dma_wait3A_24 = tpu.memref_squeeze %dma_wait3A_23 : memref<1x1x128xi32, #tpu.memory_space<hbm>> -> memref<128xi32, #tpu.memory_space<hbm>>
    tpu.wait_dma2 semaphore(%dma_wait3A_18 : memref<!tpu.dma_semaphore, #tpu.memory_space<semaphore_mem>>) src(%dma_wait3A_24 : memref<128xi32, #tpu.memory_space<hbm>>) dst(%dma_wait3A_21 : memref<128xi32, #tpu.memory_space<vmem>>)
    %rem3A_25 = arith.constant 0 : i32
    %rem3A_26 = arith.constant 4 : i32
    %rem3A_27 = arith.remsi %rem3A_25, %rem3A_26 : i32
    %dma_wait3A_28 = arith.constant 0 : i32
    %dma_wait3A_29 = arith.constant 0 : i32
    %dma_wait3A_30 = arith.constant 0 : i32
    %dma_wait3A_31 = tpu.memref_slice %arg7[%dma_wait3A_29, %dma_wait3A_30] : memref<3x128xi32, #tpu.memory_space<vmem>> -> memref<1x128xi32, #tpu.memory_space<vmem>>
    %dma_wait3A_32 = tpu.memref_squeeze %dma_wait3A_31 : memref<1x128xi32, #tpu.memory_space<vmem>> -> memref<128xi32, #tpu.memory_space<vmem>>
    %dma_wait3A_33 = arith.constant 0 : i32
    %dma_wait3A_34 = tpu.memref_slice %arg2[%add3A, %dma_wait3A_28, %dma_wait3A_33] : memref<32x80x128xi32, #tpu.memory_space<hbm>> -> memref<1x1x128xi32, #tpu.memory_space<hbm>>
    %dma_wait3A_35 = tpu.memref_squeeze %dma_wait3A_34 : memref<1x1x128xi32, #tpu.memory_space<hbm>> -> memref<128xi32, #tpu.memory_space<hbm>>
    %dma_wait3A_36 = tpu.memref_slice %arg12[%rem3A_27] : memref<4x!tpu.dma_semaphore, #tpu.memory_space<semaphore_mem>> -> memref<1x!tpu.dma_semaphore, #tpu.memory_space<semaphore_mem>>
    %dma_wait3A_37 = tpu.memref_squeeze %dma_wait3A_36 : memref<1x!tpu.dma_semaphore, #tpu.memory_space<semaphore_mem>> -> memref<!tpu.dma_semaphore, #tpu.memory_space<semaphore_mem>>
    %dma_wait3A_38 = arith.constant 0 : i32
    %dma_wait3A_39 = tpu.memref_slice %arg7[%dma_wait3A_29, %dma_wait3A_38] : memref<3x128xi32, #tpu.memory_space<vmem>> -> memref<1x128xi32, #tpu.memory_space<vmem>>
    %dma_wait3A_40 = tpu.memref_squeeze %dma_wait3A_39 : memref<1x128xi32, #tpu.memory_space<vmem>> -> memref<128xi32, #tpu.memory_space<vmem>>
    %dma_wait3A_41 = arith.constant 0 : i32
    %dma_wait3A_42 = tpu.memref_slice %arg2[%add3A, %dma_wait3A_28, %dma_wait3A_41] : memref<32x80x128xi32, #tpu.memory_space<hbm>> -> memref<1x1x128xi32, #tpu.memory_space<hbm>>
    %dma_wait3A_43 = tpu.memref_squeeze %dma_wait3A_42 : memref<1x1x128xi32, #tpu.memory_space<hbm>> -> memref<128xi32, #tpu.memory_space<hbm>>
    tpu.wait_dma2 semaphore(%dma_wait3A_37 : memref<!tpu.dma_semaphore, #tpu.memory_space<semaphore_mem>>) src(%dma_wait3A_43 : memref<128xi32, #tpu.memory_space<hbm>>) dst(%dma_wait3A_40 : memref<128xi32, #tpu.memory_space<vmem>>)
    %rem3A_44 = arith.constant 0 : i32
    %rem3A_45 = arith.constant 3 : i32
    %rem3A_46 = arith.remsi %rem3A_44, %rem3A_45 : i32
    %rem3A_47 = arith.constant 0 : i32
    %rem3A_48 = arith.constant 3 : i32
    %rem3A_49 = arith.remsi %rem3A_47, %rem3A_48 : i32
    %rem3A_50 = arith.constant 0 : i32
    %rem3A_51 = arith.constant 3 : i32
    %rem3A_52 = arith.remsi %rem3A_50, %rem3A_51 : i32
    %dma_start3A = arith.constant 0 : i32
    %dma_start3A_53 = arith.constant 0 : i32
    %dma_start3A_54 = tpu.memref_slice %arg9[%rem3A_49, %dma_start3A, %dma_start3A_53] : memref<3x128x128xf32, #tpu.memory_space<vmem>> -> memref<1x128x128xf32, #tpu.memory_space<vmem>>
    %dma_start3A_55 = tpu.memref_squeeze %dma_start3A_54 : memref<1x128x128xf32, #tpu.memory_space<vmem>> -> memref<128x128xf32, #tpu.memory_space<vmem>>
    %dma_start3A_56 = arith.constant 0 : i32
    %dma_start3A_57 = tpu.memref_slice %arg7[%rem3A_46, %dma_start3A_56] : memref<3x128xi32, #tpu.memory_space<vmem>> -> memref<1x128xi32, #tpu.memory_space<vmem>>
    %dma_start3A_58 = tpu.memref_squeeze %dma_start3A_57 : memref<1x128xi32, #tpu.memory_space<vmem>> -> memref<128xi32, #tpu.memory_space<vmem>>
    %dma_start3A_59 = arith.constant 0 : i32
    %dma_start3A_60 = arith.constant 0 : i32
    %dma_start3A_61 = tpu.memref_slice %arg4[%dma_start3A_59, %dma_start3A_60] : memref<10112x128xf32, #tpu.memory_space<hbm>> -> memref<10112x128xf32, #tpu.memory_space<hbm>>
    %dma_start3A_62 = tpu.memref_slice %arg13[%rem3A_52] : memref<3x!tpu.dma_semaphore, #tpu.memory_space<semaphore_mem>> -> memref<1x!tpu.dma_semaphore, #tpu.memory_space<semaphore_mem>>
    %dma_start3A_63 = tpu.memref_squeeze %dma_start3A_62 : memref<1x!tpu.dma_semaphore, #tpu.memory_space<semaphore_mem>> -> memref<!tpu.dma_semaphore, #tpu.memory_space<semaphore_mem>>
    tpu.enqueue_indirect_dma source(%dma_start3A_61 : memref<10112x128xf32, #tpu.memory_space<hbm>>) target(%dma_start3A_55 : memref<128x128xf32, #tpu.memory_space<vmem>>) offsets(%dma_start3A_58 : memref<128xi32, #tpu.memory_space<vmem>>) semaphore(%dma_start3A_63 : memref<!tpu.dma_semaphore, #tpu.memory_space<semaphore_mem>>)
    %rem3A_64 = arith.constant 1 : i32
    %rem3A_65 = arith.constant 3 : i32
    %rem3A_66 = arith.remsi %rem3A_64, %rem3A_65 : i32
    %dma_wait3A_67 = arith.constant 0 : i32
    %dma_wait3A_68 = arith.constant 0 : i32
    %dma_wait3A_69 = arith.constant 0 : i32
    %dma_wait3A_70 = tpu.memref_slice %arg7[%dma_wait3A_68, %dma_wait3A_69] : memref<3x128xi32, #tpu.memory_space<vmem>> -> memref<1x128xi32, #tpu.memory_space<vmem>>
    %dma_wait3A_71 = tpu.memref_squeeze %dma_wait3A_70 : memref<1x128xi32, #tpu.memory_space<vmem>> -> memref<128xi32, #tpu.memory_space<vmem>>
    %dma_wait3A_72 = arith.constant 0 : i32
    %dma_wait3A_73 = tpu.memref_slice %arg2[%add3A, %dma_wait3A_67, %dma_wait3A_72] : memref<32x80x128xi32, #tpu.memory_space<hbm>> -> memref<1x1x128xi32, #tpu.memory_space<hbm>>
    %dma_wait3A_74 = tpu.memref_squeeze %dma_wait3A_73 : memref<1x1x128xi32, #tpu.memory_space<hbm>> -> memref<128xi32, #tpu.memory_space<hbm>>
    %dma_wait3A_75 = tpu.memref_slice %arg11[%rem3A_66] : memref<3x!tpu.dma_semaphore, #tpu.memory_space<semaphore_mem>> -> memref<1x!tpu.dma_semaphore, #tpu.memory_space<semaphore_mem>>
    %dma_wait3A_76 = tpu.memref_squeeze %dma_wait3A_75 : memref<1x!tpu.dma_semaphore, #tpu.memory_space<semaphore_mem>> -> memref<!tpu.dma_semaphore, #tpu.memory_space<semaphore_mem>>
    %dma_wait3A_77 = arith.constant 0 : i32
    %dma_wait3A_78 = tpu.memref_slice %arg7[%dma_wait3A_68, %dma_wait3A_77] : memref<3x128xi32, #tpu.memory_space<vmem>> -> memref<1x128xi32, #tpu.memory_space<vmem>>
    %dma_wait3A_79 = tpu.memref_squeeze %dma_wait3A_78 : memref<1x128xi32, #tpu.memory_space<vmem>> -> memref<128xi32, #tpu.memory_space<vmem>>
    %dma_wait3A_80 = arith.constant 0 : i32
    %dma_wait3A_81 = tpu.memref_slice %arg2[%add3A, %dma_wait3A_67, %dma_wait3A_80] : memref<32x80x128xi32, #tpu.memory_space<hbm>> -> memref<1x1x128xi32, #tpu.memory_space<hbm>>
    %dma_wait3A_82 = tpu.memref_squeeze %dma_wait3A_81 : memref<1x1x128xi32, #tpu.memory_space<hbm>> -> memref<128xi32, #tpu.memory_space<hbm>>
    tpu.wait_dma2 semaphore(%dma_wait3A_76 : memref<!tpu.dma_semaphore, #tpu.memory_space<semaphore_mem>>) src(%dma_wait3A_82 : memref<128xi32, #tpu.memory_space<hbm>>) dst(%dma_wait3A_79 : memref<128xi32, #tpu.memory_space<vmem>>)
    %rem3A_83 = arith.constant 1 : i32
    %rem3A_84 = arith.constant 4 : i32
    %rem3A_85 = arith.remsi %rem3A_83, %rem3A_84 : i32
    %dma_wait3A_86 = arith.constant 0 : i32
    %dma_wait3A_87 = arith.constant 0 : i32
    %dma_wait3A_88 = arith.constant 0 : i32
    %dma_wait3A_89 = tpu.memref_slice %arg7[%dma_wait3A_87, %dma_wait3A_88] : memref<3x128xi32, #tpu.memory_space<vmem>> -> memref<1x128xi32, #tpu.memory_space<vmem>>
    %dma_wait3A_90 = tpu.memref_squeeze %dma_wait3A_89 : memref<1x128xi32, #tpu.memory_space<vmem>> -> memref<128xi32, #tpu.memory_space<vmem>>
    %dma_wait3A_91 = arith.constant 0 : i32
    %dma_wait3A_92 = tpu.memref_slice %arg2[%add3A, %dma_wait3A_86, %dma_wait3A_91] : memref<32x80x128xi32, #tpu.memory_space<hbm>> -> memref<1x1x128xi32, #tpu.memory_space<hbm>>
    %dma_wait3A_93 = tpu.memref_squeeze %dma_wait3A_92 : memref<1x1x128xi32, #tpu.memory_space<hbm>> -> memref<128xi32, #tpu.memory_space<hbm>>
    %dma_wait3A_94 = tpu.memref_slice %arg12[%rem3A_85] : memref<4x!tpu.dma_semaphore, #tpu.memory_space<semaphore_mem>> -> memref<1x!tpu.dma_semaphore, #tpu.memory_space<semaphore_mem>>
    %dma_wait3A_95 = tpu.memref_squeeze %dma_wait3A_94 : memref<1x!tpu.dma_semaphore, #tpu.memory_space<semaphore_mem>> -> memref<!tpu.dma_semaphore, #tpu.memory_space<semaphore_mem>>
    %dma_wait3A_96 = arith.constant 0 : i32
    %dma_wait3A_97 = tpu.memref_slice %arg7[%dma_wait3A_87, %dma_wait3A_96] : memref<3x128xi32, #tpu.memory_space<vmem>> -> memref<1x128xi32, #tpu.memory_space<vmem>>
    %dma_wait3A_98 = tpu.memref_squeeze %dma_wait3A_97 : memref<1x128xi32, #tpu.memory_space<vmem>> -> memref<128xi32, #tpu.memory_space<vmem>>
    %dma_wait3A_99 = arith.constant 0 : i32
    %dma_wait3A_100 = tpu.memref_slice %arg2[%add3A, %dma_wait3A_86, %dma_wait3A_99] : memref<32x80x128xi32, #tpu.memory_space<hbm>> -> memref<1x1x128xi32, #tpu.memory_space<hbm>>
    %dma_wait3A_101 = tpu.memref_squeeze %dma_wait3A_100 : memref<1x1x128xi32, #tpu.memory_space<hbm>> -> memref<128xi32, #tpu.memory_space<hbm>>
    tpu.wait_dma2 semaphore(%dma_wait3A_95 : memref<!tpu.dma_semaphore, #tpu.memory_space<semaphore_mem>>) src(%dma_wait3A_101 : memref<128xi32, #tpu.memory_space<hbm>>) dst(%dma_wait3A_98 : memref<128xi32, #tpu.memory_space<vmem>>)
    %rem3A_102 = arith.constant 1 : i32
    %rem3A_103 = arith.constant 3 : i32
    %rem3A_104 = arith.remsi %rem3A_102, %rem3A_103 : i32
    %rem3A_105 = arith.constant 1 : i32
    %rem3A_106 = arith.constant 3 : i32
    %rem3A_107 = arith.remsi %rem3A_105, %rem3A_106 : i32
    %rem3A_108 = arith.constant 1 : i32
    %rem3A_109 = arith.constant 3 : i32
    %rem3A_110 = arith.remsi %rem3A_108, %rem3A_109 : i32
    %dma_start3A_111 = arith.constant 0 : i32
    %dma_start3A_112 = arith.constant 0 : i32
    %dma_start3A_113 = tpu.memref_slice %arg9[%rem3A_107, %dma_start3A_111, %dma_start3A_112] : memref<3x128x128xf32, #tpu.memory_space<vmem>> -> memref<1x128x128xf32, #tpu.memory_space<vmem>>
    %dma_start3A_114 = tpu.memref_squeeze %dma_start3A_113 : memref<1x128x128xf32, #tpu.memory_space<vmem>> -> memref<128x128xf32, #tpu.memory_space<vmem>>
    %dma_start3A_115 = arith.constant 0 : i32
    %dma_start3A_116 = tpu.memref_slice %arg7[%rem3A_104, %dma_start3A_115] : memref<3x128xi32, #tpu.memory_space<vmem>> -> memref<1x128xi32, #tpu.memory_space<vmem>>
    %dma_start3A_117 = tpu.memref_squeeze %dma_start3A_116 : memref<1x128xi32, #tpu.memory_space<vmem>> -> memref<128xi32, #tpu.memory_space<vmem>>
    %dma_start3A_118 = arith.constant 0 : i32
    %dma_start3A_119 = arith.constant 0 : i32
    %dma_start3A_120 = tpu.memref_slice %arg4[%dma_start3A_118, %dma_start3A_119] : memref<10112x128xf32, #tpu.memory_space<hbm>> -> memref<10112x128xf32, #tpu.memory_space<hbm>>
    %dma_start3A_121 = tpu.memref_slice %arg13[%rem3A_110] : memref<3x!tpu.dma_semaphore, #tpu.memory_space<semaphore_mem>> -> memref<1x!tpu.dma_semaphore, #tpu.memory_space<semaphore_mem>>
    %dma_start3A_122 = tpu.memref_squeeze %dma_start3A_121 : memref<1x!tpu.dma_semaphore, #tpu.memory_space<semaphore_mem>> -> memref<!tpu.dma_semaphore, #tpu.memory_space<semaphore_mem>>
    tpu.enqueue_indirect_dma source(%dma_start3A_120 : memref<10112x128xf32, #tpu.memory_space<hbm>>) target(%dma_start3A_114 : memref<128x128xf32, #tpu.memory_space<vmem>>) offsets(%dma_start3A_117 : memref<128xi32, #tpu.memory_space<vmem>>) semaphore(%dma_start3A_122 : memref<!tpu.dma_semaphore, #tpu.memory_space<semaphore_mem>>)
    %scan3A_123 = arith.constant 0 : i32
    %scan3A_124 = arith.constant 0 : i32
    %scan3A_125 = arith.constant 80 : i32
    %scan3A_126 = arith.addi %scan3A_124, %scan3A_125 : i32
    %scan3A_127 = arith.constant 1 : i32
    scf.for %scan3A_150 = %scan3A_124 to %scan3A_126 step %scan3A_127  : i32 {
      %ge3A = arith.constant 1 : i32
      %ge3A_151 = arith.cmpi sge, %scan3A_150, %ge3A : i32
      %convert_element_type3A = arith.extui %ge3A_151 : i1 to i32
      %cond3A = arith.constant 0 : i32
      %cond3A_152 = arith.cmpi ne, %convert_element_type3A, %cond3A : i32
      scf.if %cond3A_152 {
        %sub3A = arith.constant 1 : i32
        %sub3A_203 = arith.subi %scan3A_150, %sub3A : i32
        %rem3A_204 = arith.constant 3 : i32
        %rem3A_205 = arith.remsi %sub3A_203, %rem3A_204 : i32
        %dma_wait3A_206 = arith.constant 0 : i32
        %dma_wait3A_207 = arith.constant 0 : i32
        %dma_wait3A_208 = arith.constant 0 : i32
        %dma_wait3A_209 = tpu.memref_slice %arg9[%dma_wait3A_206, %dma_wait3A_207, %dma_wait3A_208] : memref<3x128x128xf32, #tpu.memory_space<vmem>> -> memref<1x128x128xf32, #tpu.memory_space<vmem>>
        %dma_wait3A_210 = tpu.memref_squeeze %dma_wait3A_209 : memref<1x128x128xf32, #tpu.memory_space<vmem>> -> memref<128x128xf32, #tpu.memory_space<vmem>>
        %dma_wait3A_211 = arith.constant 0 : i32
        %dma_wait3A_212 = arith.constant 0 : i32
        %dma_wait3A_213 = tpu.memref_slice %arg10[%dma_wait3A_211, %dma_wait3A_212] : memref<10112x128xf32, #tpu.memory_space<vmem_shared>> -> memref<128x128xf32, #tpu.memory_space<vmem_shared>>
        %dma_wait3A_214 = tpu.memref_slice %arg14[%rem3A_205] : memref<3x!tpu.dma_semaphore, #tpu.memory_space<semaphore_mem>> -> memref<1x!tpu.dma_semaphore, #tpu.memory_space<semaphore_mem>>
        %dma_wait3A_215 = tpu.memref_squeeze %dma_wait3A_214 : memref<1x!tpu.dma_semaphore, #tpu.memory_space<semaphore_mem>> -> memref<!tpu.dma_semaphore, #tpu.memory_space<semaphore_mem>>
        %dma_wait3A_216 = arith.constant 0 : i32
        %dma_wait3A_217 = arith.constant 0 : i32
        %dma_wait3A_218 = tpu.memref_slice %arg10[%dma_wait3A_216, %dma_wait3A_217] : memref<10112x128xf32, #tpu.memory_space<vmem_shared>> -> memref<128x128xf32, #tpu.memory_space<vmem_shared>>
        %dma_wait3A_219 = arith.constant 0 : i32
        %dma_wait3A_220 = arith.constant 0 : i32
        %dma_wait3A_221 = tpu.memref_slice %arg9[%dma_wait3A_206, %dma_wait3A_219, %dma_wait3A_220] : memref<3x128x128xf32, #tpu.memory_space<vmem>> -> memref<1x128x128xf32, #tpu.memory_space<vmem>>
        %dma_wait3A_222 = tpu.memref_squeeze %dma_wait3A_221 : memref<1x128x128xf32, #tpu.memory_space<vmem>> -> memref<128x128xf32, #tpu.memory_space<vmem>>
        tpu.wait_dma2 semaphore(%dma_wait3A_215 : memref<!tpu.dma_semaphore, #tpu.memory_space<semaphore_mem>>) src(%dma_wait3A_222 : memref<128x128xf32, #tpu.memory_space<vmem>>) dst(%dma_wait3A_218 : memref<128x128xf32, #tpu.memory_space<vmem_shared>>)
      } else {
      }
      %rem3A_153 = arith.constant 3 : i32
      %rem3A_154 = arith.remsi %scan3A_150, %rem3A_153 : i32
      %dma_wait3A_155 = arith.constant 0 : i32
      %dma_wait3A_156 = arith.constant 0 : i32
      %dma_wait3A_157 = arith.constant 0 : i32
      %dma_wait3A_158 = tpu.memref_slice %arg9[%dma_wait3A_155, %dma_wait3A_156, %dma_wait3A_157] : memref<3x128x128xf32, #tpu.memory_space<vmem>> -> memref<1x128x128xf32, #tpu.memory_space<vmem>>
      %dma_wait3A_159 = tpu.memref_squeeze %dma_wait3A_158 : memref<1x128x128xf32, #tpu.memory_space<vmem>> -> memref<128x128xf32, #tpu.memory_space<vmem>>
      %dma_wait3A_160 = arith.constant 0 : i32
      %dma_wait3A_161 = arith.constant 0 : i32
      %dma_wait3A_162 = tpu.memref_slice %arg4[%dma_wait3A_160, %dma_wait3A_161] : memref<10112x128xf32, #tpu.memory_space<hbm>> -> memref<128x128xf32, #tpu.memory_space<hbm>>
      %dma_wait3A_163 = tpu.memref_slice %arg13[%rem3A_154] : memref<3x!tpu.dma_semaphore, #tpu.memory_space<semaphore_mem>> -> memref<1x!tpu.dma_semaphore, #tpu.memory_space<semaphore_mem>>
      %dma_wait3A_164 = tpu.memref_squeeze %dma_wait3A_163 : memref<1x!tpu.dma_semaphore, #tpu.memory_space<semaphore_mem>> -> memref<!tpu.dma_semaphore, #tpu.memory_space<semaphore_mem>>
      %dma_wait3A_165 = arith.constant 0 : i32
      %dma_wait3A_166 = arith.constant 0 : i32
      %dma_wait3A_167 = tpu.memref_slice %arg9[%dma_wait3A_155, %dma_wait3A_165, %dma_wait3A_166] : memref<3x128x128xf32, #tpu.memory_space<vmem>> -> memref<1x128x128xf32, #tpu.memory_space<vmem>>
      %dma_wait3A_168 = tpu.memref_squeeze %dma_wait3A_167 : memref<1x128x128xf32, #tpu.memory_space<vmem>> -> memref<128x128xf32, #tpu.memory_space<vmem>>
      %dma_wait3A_169 = arith.constant 0 : i32
      %dma_wait3A_170 = arith.constant 0 : i32
      %dma_wait3A_171 = tpu.memref_slice %arg4[%dma_wait3A_169, %dma_wait3A_170] : memref<10112x128xf32, #tpu.memory_space<hbm>> -> memref<128x128xf32, #tpu.memory_space<hbm>>
      tpu.wait_dma2 semaphore(%dma_wait3A_164 : memref<!tpu.dma_semaphore, #tpu.memory_space<semaphore_mem>>) src(%dma_wait3A_171 : memref<128x128xf32, #tpu.memory_space<hbm>>) dst(%dma_wait3A_168 : memref<128x128xf32, #tpu.memory_space<vmem>>)
      %rem3A_172 = arith.constant 3 : i32
      %rem3A_173 = arith.remsi %scan3A_150, %rem3A_172 : i32
      %rem3A_174 = arith.constant 4 : i32
      %rem3A_175 = arith.remsi %scan3A_150, %rem3A_174 : i32
      %rem3A_176 = arith.constant 3 : i32
      %rem3A_177 = arith.remsi %scan3A_150, %rem3A_176 : i32
      %dma_start3A_178 = arith.constant 0 : i32
      %dma_start3A_179 = arith.constant 0 : i32
      %dma_start3A_180 = tpu.memref_slice %arg9[%rem3A_173, %dma_start3A_178, %dma_start3A_179] : memref<3x128x128xf32, #tpu.memory_space<vmem>> -> memref<1x128x128xf32, #tpu.memory_space<vmem>>
      %dma_start3A_181 = tpu.memref_squeeze %dma_start3A_180 : memref<1x128x128xf32, #tpu.memory_space<vmem>> -> memref<128x128xf32, #tpu.memory_space<vmem>>
      %dma_start3A_182 = arith.constant 0 : i32
      %dma_start3A_183 = tpu.memref_slice %arg8[%rem3A_175, %dma_start3A_182] : memref<4x128xi32, #tpu.memory_space<vmem>> -> memref<1x128xi32, #tpu.memory_space<vmem>>
      %dma_start3A_184 = tpu.memref_squeeze %dma_start3A_183 : memref<1x128xi32, #tpu.memory_space<vmem>> -> memref<128xi32, #tpu.memory_space<vmem>>
      %dma_start3A_185 = arith.constant 0 : i32
      %dma_start3A_186 = arith.constant 0 : i32
      %dma_start3A_187 = tpu.memref_slice %arg10[%dma_start3A_185, %dma_start3A_186] : memref<10112x128xf32, #tpu.memory_space<vmem_shared>> -> memref<10112x128xf32, #tpu.memory_space<vmem_shared>>
      %dma_start3A_188 = tpu.memref_slice %arg14[%rem3A_177] : memref<3x!tpu.dma_semaphore, #tpu.memory_space<semaphore_mem>> -> memref<1x!tpu.dma_semaphore, #tpu.memory_space<semaphore_mem>>
      %dma_start3A_189 = tpu.memref_squeeze %dma_start3A_188 : memref<1x!tpu.dma_semaphore, #tpu.memory_space<semaphore_mem>> -> memref<!tpu.dma_semaphore, #tpu.memory_space<semaphore_mem>>
      tpu.enqueue_indirect_dma source(%dma_start3A_181 : memref<128x128xf32, #tpu.memory_space<vmem>>) target(%dma_start3A_187 : memref<10112x128xf32, #tpu.memory_space<vmem_shared>>) offsets(%dma_start3A_184 : memref<128xi32, #tpu.memory_space<vmem>>) semaphore(%dma_start3A_189 : memref<!tpu.dma_semaphore, #tpu.memory_space<semaphore_mem>>) {add = true}
      %add3A_190 = arith.constant 3 : i32
      %add3A_191 = arith.addi %scan3A_150, %add3A_190 : i32
      %lt3A = arith.constant 80 : i32
      %lt3A_192 = arith.cmpi slt, %add3A_191, %lt3A : i32
      %convert_element_type3A_193 = arith.extui %lt3A_192 : i1 to i32
      %cond3A_194 = arith.constant 0 : i32
      %cond3A_195 = arith.cmpi ne, %convert_element_type3A_193, %cond3A_194 : i32
      scf.if %cond3A_195 {
        %add3A_203 = arith.constant 3 : i32
        %add3A_204 = arith.addi %scan3A_150, %add3A_203 : i32
        %rem3A_205 = arith.constant 3 : i32
        %rem3A_206 = arith.remsi %add3A_204, %rem3A_205 : i32
        %rem3A_207 = arith.constant 3 : i32
        %rem3A_208 = arith.remsi %add3A_204, %rem3A_207 : i32
        %dma_start3A_209 = arith.constant 0 : i32
        %dma_start3A_210 = tpu.memref_slice %arg7[%rem3A_206, %dma_start3A_209] : memref<3x128xi32, #tpu.memory_space<vmem>> -> memref<1x128xi32, #tpu.memory_space<vmem>>
        %dma_start3A_211 = tpu.memref_squeeze %dma_start3A_210 : memref<1x128xi32, #tpu.memory_space<vmem>> -> memref<128xi32, #tpu.memory_space<vmem>>
        %dma_start3A_212 = arith.constant 0 : i32
        %dma_start3A_213 = tpu.memref_slice %arg2[%add3A, %add3A_204, %dma_start3A_212] : memref<32x80x128xi32, #tpu.memory_space<hbm>> -> memref<1x1x128xi32, #tpu.memory_space<hbm>>
        %dma_start3A_214 = tpu.memref_squeeze %dma_start3A_213 : memref<1x1x128xi32, #tpu.memory_space<hbm>> -> memref<128xi32, #tpu.memory_space<hbm>>
        %dma_start3A_215 = tpu.memref_slice %arg11[%rem3A_208] : memref<3x!tpu.dma_semaphore, #tpu.memory_space<semaphore_mem>> -> memref<1x!tpu.dma_semaphore, #tpu.memory_space<semaphore_mem>>
        %dma_start3A_216 = tpu.memref_squeeze %dma_start3A_215 : memref<1x!tpu.dma_semaphore, #tpu.memory_space<semaphore_mem>> -> memref<!tpu.dma_semaphore, #tpu.memory_space<semaphore_mem>>
        %dma_start3A_217 = arith.constant 0 : i32
        %dma_start3A_218 = tpu.memref_slice %arg7[%rem3A_206, %dma_start3A_217] : memref<3x128xi32, #tpu.memory_space<vmem>> -> memref<1x128xi32, #tpu.memory_space<vmem>>
        %dma_start3A_219 = tpu.memref_squeeze %dma_start3A_218 : memref<1x128xi32, #tpu.memory_space<vmem>> -> memref<128xi32, #tpu.memory_space<vmem>>
        %dma_start3A_220 = arith.constant 0 : i32
        %dma_start3A_221 = tpu.memref_slice %arg2[%add3A, %add3A_204, %dma_start3A_220] : memref<32x80x128xi32, #tpu.memory_space<hbm>> -> memref<1x1x128xi32, #tpu.memory_space<hbm>>
        %dma_start3A_222 = tpu.memref_squeeze %dma_start3A_221 : memref<1x1x128xi32, #tpu.memory_space<hbm>> -> memref<128xi32, #tpu.memory_space<hbm>>
        tpu.enqueue_dma source(%dma_start3A_222 : memref<128xi32, #tpu.memory_space<hbm>>) target(%dma_start3A_219 : memref<128xi32, #tpu.memory_space<vmem>>) target_semaphore(%dma_start3A_216 : memref<!tpu.dma_semaphore, #tpu.memory_space<semaphore_mem>>)
        %rem3A_223 = arith.constant 4 : i32
        %rem3A_224 = arith.remsi %add3A_204, %rem3A_223 : i32
        %rem3A_225 = arith.constant 4 : i32
        %rem3A_226 = arith.remsi %add3A_204, %rem3A_225 : i32
        %dma_start3A_227 = arith.constant 0 : i32
        %dma_start3A_228 = tpu.memref_slice %arg8[%rem3A_224, %dma_start3A_227] : memref<4x128xi32, #tpu.memory_space<vmem>> -> memref<1x128xi32, #tpu.memory_space<vmem>>
        %dma_start3A_229 = tpu.memref_squeeze %dma_start3A_228 : memref<1x128xi32, #tpu.memory_space<vmem>> -> memref<128xi32, #tpu.memory_space<vmem>>
        %dma_start3A_230 = arith.constant 0 : i32
        %dma_start3A_231 = tpu.memref_slice %arg3[%add3A, %add3A_204, %dma_start3A_230] : memref<32x80x128xi32, #tpu.memory_space<hbm>> -> memref<1x1x128xi32, #tpu.memory_space<hbm>>
        %dma_start3A_232 = tpu.memref_squeeze %dma_start3A_231 : memref<1x1x128xi32, #tpu.memory_space<hbm>> -> memref<128xi32, #tpu.memory_space<hbm>>
        %dma_start3A_233 = tpu.memref_slice %arg12[%rem3A_226] : memref<4x!tpu.dma_semaphore, #tpu.memory_space<semaphore_mem>> -> memref<1x!tpu.dma_semaphore, #tpu.memory_space<semaphore_mem>>
        %dma_start3A_234 = tpu.memref_squeeze %dma_start3A_233 : memref<1x!tpu.dma_semaphore, #tpu.memory_space<semaphore_mem>> -> memref<!tpu.dma_semaphore, #tpu.memory_space<semaphore_mem>>
        %dma_start3A_235 = arith.constant 0 : i32
        %dma_start3A_236 = tpu.memref_slice %arg8[%rem3A_224, %dma_start3A_235] : memref<4x128xi32, #tpu.memory_space<vmem>> -> memref<1x128xi32, #tpu.memory_space<vmem>>
        %dma_start3A_237 = tpu.memref_squeeze %dma_start3A_236 : memref<1x128xi32, #tpu.memory_space<vmem>> -> memref<128xi32, #tpu.memory_space<vmem>>
        %dma_start3A_238 = arith.constant 0 : i32
        %dma_start3A_239 = tpu.memref_slice %arg3[%add3A, %add3A_204, %dma_start3A_238] : memref<32x80x128xi32, #tpu.memory_space<hbm>> -> memref<1x1x128xi32, #tpu.memory_space<hbm>>
        %dma_start3A_240 = tpu.memref_squeeze %dma_start3A_239 : memref<1x1x128xi32, #tpu.memory_space<hbm>> -> memref<128xi32, #tpu.memory_space<hbm>>
        tpu.enqueue_dma source(%dma_start3A_240 : memref<128xi32, #tpu.memory_space<hbm>>) target(%dma_start3A_237 : memref<128xi32, #tpu.memory_space<vmem>>) target_semaphore(%dma_start3A_234 : memref<!tpu.dma_semaphore, #tpu.memory_space<semaphore_mem>>)
      } else {
      }
      %add3A_196 = arith.constant 2 : i32
      %add3A_197 = arith.addi %scan3A_150, %add3A_196 : i32
      %lt3A_198 = arith.constant 80 : i32
      %lt3A_199 = arith.cmpi slt, %add3A_197, %lt3A_198 : i32
      %convert_element_type3A_200 = arith.extui %lt3A_199 : i1 to i32
      %cond3A_201 = arith.constant 0 : i32
      %cond3A_202 = arith.cmpi ne, %convert_element_type3A_200, %cond3A_201 : i32
      scf.if %cond3A_202 {
        %add3A_203 = arith.constant 2 : i32
        %add3A_204 = arith.addi %scan3A_150, %add3A_203 : i32
        %rem3A_205 = arith.constant 3 : i32
        %rem3A_206 = arith.remsi %add3A_204, %rem3A_205 : i32
        %dma_wait3A_207 = arith.constant 0 : i32
        %dma_wait3A_208 = arith.constant 0 : i32
        %dma_wait3A_209 = arith.constant 0 : i32
        %dma_wait3A_210 = tpu.memref_slice %arg7[%dma_wait3A_208, %dma_wait3A_209] : memref<3x128xi32, #tpu.memory_space<vmem>> -> memref<1x128xi32, #tpu.memory_space<vmem>>
        %dma_wait3A_211 = tpu.memref_squeeze %dma_wait3A_210 : memref<1x128xi32, #tpu.memory_space<vmem>> -> memref<128xi32, #tpu.memory_space<vmem>>
        %dma_wait3A_212 = arith.constant 0 : i32
        %dma_wait3A_213 = tpu.memref_slice %arg2[%add3A, %dma_wait3A_207, %dma_wait3A_212] : memref<32x80x128xi32, #tpu.memory_space<hbm>> -> memref<1x1x128xi32, #tpu.memory_space<hbm>>
        %dma_wait3A_214 = tpu.memref_squeeze %dma_wait3A_213 : memref<1x1x128xi32, #tpu.memory_space<hbm>> -> memref<128xi32, #tpu.memory_space<hbm>>
        %dma_wait3A_215 = tpu.memref_slice %arg11[%rem3A_206] : memref<3x!tpu.dma_semaphore, #tpu.memory_space<semaphore_mem>> -> memref<1x!tpu.dma_semaphore, #tpu.memory_space<semaphore_mem>>
        %dma_wait3A_216 = tpu.memref_squeeze %dma_wait3A_215 : memref<1x!tpu.dma_semaphore, #tpu.memory_space<semaphore_mem>> -> memref<!tpu.dma_semaphore, #tpu.memory_space<semaphore_mem>>
        %dma_wait3A_217 = arith.constant 0 : i32
        %dma_wait3A_218 = tpu.memref_slice %arg7[%dma_wait3A_208, %dma_wait3A_217] : memref<3x128xi32, #tpu.memory_space<vmem>> -> memref<1x128xi32, #tpu.memory_space<vmem>>
        %dma_wait3A_219 = tpu.memref_squeeze %dma_wait3A_218 : memref<1x128xi32, #tpu.memory_space<vmem>> -> memref<128xi32, #tpu.memory_space<vmem>>
        %dma_wait3A_220 = arith.constant 0 : i32
        %dma_wait3A_221 = tpu.memref_slice %arg2[%add3A, %dma_wait3A_207, %dma_wait3A_220] : memref<32x80x128xi32, #tpu.memory_space<hbm>> -> memref<1x1x128xi32, #tpu.memory_space<hbm>>
        %dma_wait3A_222 = tpu.memref_squeeze %dma_wait3A_221 : memref<1x1x128xi32, #tpu.memory_space<hbm>> -> memref<128xi32, #tpu.memory_space<hbm>>
        tpu.wait_dma2 semaphore(%dma_wait3A_216 : memref<!tpu.dma_semaphore, #tpu.memory_space<semaphore_mem>>) src(%dma_wait3A_222 : memref<128xi32, #tpu.memory_space<hbm>>) dst(%dma_wait3A_219 : memref<128xi32, #tpu.memory_space<vmem>>)
        %rem3A_223 = arith.constant 4 : i32
        %rem3A_224 = arith.remsi %add3A_204, %rem3A_223 : i32
        %dma_wait3A_225 = arith.constant 0 : i32
        %dma_wait3A_226 = arith.constant 0 : i32
        %dma_wait3A_227 = arith.constant 0 : i32
        %dma_wait3A_228 = tpu.memref_slice %arg7[%dma_wait3A_226, %dma_wait3A_227] : memref<3x128xi32, #tpu.memory_space<vmem>> -> memref<1x128xi32, #tpu.memory_space<vmem>>
        %dma_wait3A_229 = tpu.memref_squeeze %dma_wait3A_228 : memref<1x128xi32, #tpu.memory_space<vmem>> -> memref<128xi32, #tpu.memory_space<vmem>>
        %dma_wait3A_230 = arith.constant 0 : i32
        %dma_wait3A_231 = tpu.memref_slice %arg2[%add3A, %dma_wait3A_225, %dma_wait3A_230] : memref<32x80x128xi32, #tpu.memory_space<hbm>> -> memref<1x1x128xi32, #tpu.memory_space<hbm>>
        %dma_wait3A_232 = tpu.memref_squeeze %dma_wait3A_231 : memref<1x1x128xi32, #tpu.memory_space<hbm>> -> memref<128xi32, #tpu.memory_space<hbm>>
        %dma_wait3A_233 = tpu.memref_slice %arg12[%rem3A_224] : memref<4x!tpu.dma_semaphore, #tpu.memory_space<semaphore_mem>> -> memref<1x!tpu.dma_semaphore, #tpu.memory_space<semaphore_mem>>
        %dma_wait3A_234 = tpu.memref_squeeze %dma_wait3A_233 : memref<1x!tpu.dma_semaphore, #tpu.memory_space<semaphore_mem>> -> memref<!tpu.dma_semaphore, #tpu.memory_space<semaphore_mem>>
        %dma_wait3A_235 = arith.constant 0 : i32
        %dma_wait3A_236 = tpu.memref_slice %arg7[%dma_wait3A_226, %dma_wait3A_235] : memref<3x128xi32, #tpu.memory_space<vmem>> -> memref<1x128xi32, #tpu.memory_space<vmem>>
        %dma_wait3A_237 = tpu.memref_squeeze %dma_wait3A_236 : memref<1x128xi32, #tpu.memory_space<vmem>> -> memref<128xi32, #tpu.memory_space<vmem>>
        %dma_wait3A_238 = arith.constant 0 : i32
        %dma_wait3A_239 = tpu.memref_slice %arg2[%add3A, %dma_wait3A_225, %dma_wait3A_238] : memref<32x80x128xi32, #tpu.memory_space<hbm>> -> memref<1x1x128xi32, #tpu.memory_space<hbm>>
        %dma_wait3A_240 = tpu.memref_squeeze %dma_wait3A_239 : memref<1x1x128xi32, #tpu.memory_space<hbm>> -> memref<128xi32, #tpu.memory_space<hbm>>
        tpu.wait_dma2 semaphore(%dma_wait3A_234 : memref<!tpu.dma_semaphore, #tpu.memory_space<semaphore_mem>>) src(%dma_wait3A_240 : memref<128xi32, #tpu.memory_space<hbm>>) dst(%dma_wait3A_237 : memref<128xi32, #tpu.memory_space<vmem>>)
        %add3A_241 = arith.constant 2 : i32
        %add3A_242 = arith.addi %scan3A_150, %add3A_241 : i32
        %rem3A_243 = arith.constant 3 : i32
        %rem3A_244 = arith.remsi %add3A_242, %rem3A_243 : i32
        %rem3A_245 = arith.constant 3 : i32
        %rem3A_246 = arith.remsi %add3A_242, %rem3A_245 : i32
        %rem3A_247 = arith.constant 3 : i32
        %rem3A_248 = arith.remsi %add3A_242, %rem3A_247 : i32
        %dma_start3A_249 = arith.constant 0 : i32
        %dma_start3A_250 = arith.constant 0 : i32
        %dma_start3A_251 = tpu.memref_slice %arg9[%rem3A_246, %dma_start3A_249, %dma_start3A_250] : memref<3x128x128xf32, #tpu.memory_space<vmem>> -> memref<1x128x128xf32, #tpu.memory_space<vmem>>
        %dma_start3A_252 = tpu.memref_squeeze %dma_start3A_251 : memref<1x128x128xf32, #tpu.memory_space<vmem>> -> memref<128x128xf32, #tpu.memory_space<vmem>>
        %dma_start3A_253 = arith.constant 0 : i32
        %dma_start3A_254 = tpu.memref_slice %arg7[%rem3A_244, %dma_start3A_253] : memref<3x128xi32, #tpu.memory_space<vmem>> -> memref<1x128xi32, #tpu.memory_space<vmem>>
        %dma_start3A_255 = tpu.memref_squeeze %dma_start3A_254 : memref<1x128xi32, #tpu.memory_space<vmem>> -> memref<128xi32, #tpu.memory_space<vmem>>
        %dma_start3A_256 = arith.constant 0 : i32
        %dma_start3A_257 = arith.constant 0 : i32
        %dma_start3A_258 = tpu.memref_slice %arg4[%dma_start3A_256, %dma_start3A_257] : memref<10112x128xf32, #tpu.memory_space<hbm>> -> memref<10112x128xf32, #tpu.memory_space<hbm>>
        %dma_start3A_259 = tpu.memref_slice %arg13[%rem3A_248] : memref<3x!tpu.dma_semaphore, #tpu.memory_space<semaphore_mem>> -> memref<1x!tpu.dma_semaphore, #tpu.memory_space<semaphore_mem>>
        %dma_start3A_260 = tpu.memref_squeeze %dma_start3A_259 : memref<1x!tpu.dma_semaphore, #tpu.memory_space<semaphore_mem>> -> memref<!tpu.dma_semaphore, #tpu.memory_space<semaphore_mem>>
        tpu.enqueue_indirect_dma source(%dma_start3A_258 : memref<10112x128xf32, #tpu.memory_space<hbm>>) target(%dma_start3A_252 : memref<128x128xf32, #tpu.memory_space<vmem>>) offsets(%dma_start3A_255 : memref<128xi32, #tpu.memory_space<vmem>>) semaphore(%dma_start3A_260 : memref<!tpu.dma_semaphore, #tpu.memory_space<semaphore_mem>>)
      } else {
      }
    }
    %scan3A_128 = arith.constant 80 : i32
    %rem3A_129 = arith.constant 79 : i32
    %rem3A_130 = arith.constant 3 : i32
    %rem3A_131 = arith.remsi %rem3A_129, %rem3A_130 : i32
    %dma_wait3A_132 = arith.constant 0 : i32
    %dma_wait3A_133 = arith.constant 0 : i32
    %dma_wait3A_134 = arith.constant 0 : i32
    %dma_wait3A_135 = tpu.memref_slice %arg9[%dma_wait3A_132, %dma_wait3A_133, %dma_wait3A_134] : memref<3x128x128xf32, #tpu.memory_space<vmem>> -> memref<1x128x128xf32, #tpu.memory_space<vmem>>
    %dma_wait3A_136 = tpu.memref_squeeze %dma_wait3A_135 : memref<1x128x128xf32, #tpu.memory_space<vmem>> -> memref<128x128xf32, #tpu.memory_space<vmem>>
    %dma_wait3A_137 = arith.constant 0 : i32
    %dma_wait3A_138 = arith.constant 0 : i32
    %dma_wait3A_139 = tpu.memref_slice %arg10[%dma_wait3A_137, %dma_wait3A_138] : memref<10112x128xf32, #tpu.memory_space<vmem_shared>> -> memref<128x128xf32, #tpu.memory_space<vmem_shared>>
    %dma_wait3A_140 = tpu.memref_slice %arg14[%rem3A_131] : memref<3x!tpu.dma_semaphore, #tpu.memory_space<semaphore_mem>> -> memref<1x!tpu.dma_semaphore, #tpu.memory_space<semaphore_mem>>
    %dma_wait3A_141 = tpu.memref_squeeze %dma_wait3A_140 : memref<1x!tpu.dma_semaphore, #tpu.memory_space<semaphore_mem>> -> memref<!tpu.dma_semaphore, #tpu.memory_space<semaphore_mem>>
    %dma_wait3A_142 = arith.constant 0 : i32
    %dma_wait3A_143 = arith.constant 0 : i32
    %dma_wait3A_144 = tpu.memref_slice %arg10[%dma_wait3A_142, %dma_wait3A_143] : memref<10112x128xf32, #tpu.memory_space<vmem_shared>> -> memref<128x128xf32, #tpu.memory_space<vmem_shared>>
    %dma_wait3A_145 = arith.constant 0 : i32
    %dma_wait3A_146 = arith.constant 0 : i32
    %dma_wait3A_147 = tpu.memref_slice %arg9[%dma_wait3A_132, %dma_wait3A_145, %dma_wait3A_146] : memref<3x128x128xf32, #tpu.memory_space<vmem>> -> memref<1x128x128xf32, #tpu.memory_space<vmem>>
    %dma_wait3A_148 = tpu.memref_squeeze %dma_wait3A_147 : memref<1x128x128xf32, #tpu.memory_space<vmem>> -> memref<128x128xf32, #tpu.memory_space<vmem>>
    tpu.wait_dma2 semaphore(%dma_wait3A_141 : memref<!tpu.dma_semaphore, #tpu.memory_space<semaphore_mem>>) src(%dma_wait3A_148 : memref<128x128xf32, #tpu.memory_space<vmem>>) dst(%dma_wait3A_144 : memref<128x128xf32, #tpu.memory_space<vmem_shared>>)
    %barrier3A_149 = arith.constant 0 : index
    tpu.barrier barrier_id(%barrier3A_149)
    "tpu.region"() ({
      %run_scoped3A = tpu.sem_alloc : memref<!tpu.dma_semaphore, #tpu.memory_space<semaphore_mem>>
      %dma_start3A_150 = arith.constant 0 : i32
      %dma_start3A_151 = tpu.memref_slice %arg6[%arg0, %mul3A_2, %dma_start3A_150] : memref<2x10112x128xf32, #tpu.memory_space<hbm>> -> memref<1x632x128xf32, #tpu.memory_space<hbm>>
      %dma_start3A_152 = tpu.memref_squeeze %dma_start3A_151 : memref<1x632x128xf32, #tpu.memory_space<hbm>> -> memref<632x128xf32, #tpu.memory_space<hbm>>
      %dma_start3A_153 = arith.constant 0 : i32
      %dma_start3A_154 = tpu.memref_slice %arg10[%mul3A_2, %dma_start3A_153] : memref<10112x128xf32, #tpu.memory_space<vmem_shared>> -> memref<632x128xf32, #tpu.memory_space<vmem_shared>>
      tpu.enqueue_dma source(%dma_start3A_154 : memref<632x128xf32, #tpu.memory_space<vmem_shared>>) target(%dma_start3A_152 : memref<632x128xf32, #tpu.memory_space<hbm>>) target_semaphore(%run_scoped3A : memref<!tpu.dma_semaphore, #tpu.memory_space<semaphore_mem>>)
      %dma_wait3A_155 = arith.constant 0 : i32
      %dma_wait3A_156 = tpu.memref_slice %arg6[%arg0, %mul3A_2, %dma_wait3A_155] : memref<2x10112x128xf32, #tpu.memory_space<hbm>> -> memref<1x632x128xf32, #tpu.memory_space<hbm>>
      %dma_wait3A_157 = tpu.memref_squeeze %dma_wait3A_156 : memref<1x632x128xf32, #tpu.memory_space<hbm>> -> memref<632x128xf32, #tpu.memory_space<hbm>>
      %dma_wait3A_158 = arith.constant 0 : i32
      %dma_wait3A_159 = tpu.memref_slice %arg10[%mul3A_2, %dma_wait3A_158] : memref<10112x128xf32, #tpu.memory_space<vmem_shared>> -> memref<632x128xf32, #tpu.memory_space<vmem_shared>>
      tpu.wait_dma2 semaphore(%run_scoped3A : memref<!tpu.dma_semaphore, #tpu.memory_space<semaphore_mem>>) src(%dma_wait3A_159 : memref<632x128xf32, #tpu.memory_space<vmem_shared>>) dst(%dma_wait3A_157 : memref<632x128xf32, #tpu.memory_space<hbm>>)
      tpu.yield
    }) : () -> ()
    return
  }
}

#map = affine_map<(d0, d1) -> (0, 0, 0)>
#map1 = affine_map<(d0, d1) -> (0, 0)>
module attributes {stable_mosaic.version = 14 : i64} {
  func.func @_agg_kernel(%arg0: i32, %arg1: i32, %arg2: memref<32x80x128xi32, #tpu.memory_space<hbm>>, %arg3: memref<32x80x128xi32, #tpu.memory_space<hbm>>, %arg4: memref<10112x128xf32, #tpu.memory_space<hbm>>, %arg5: memref<10112x128xf32, #tpu.memory_space<hbm>>, %arg6: memref<2x10112x128xf32, #tpu.memory_space<hbm>>, %arg7: memref<3x128xi32, #tpu.memory_space<vmem>>, %arg8: memref<4x128xi32, #tpu.memory_space<vmem>>, %arg9: memref<3x128x128xf32, #tpu.memory_space<vmem>>, %arg10: memref<10112x128xf32, #tpu.memory_space<vmem_shared>>, %arg11: memref<3x!tpu.dma_semaphore, #tpu.memory_space<semaphore_mem>>, %arg12: memref<4x!tpu.dma_semaphore, #tpu.memory_space<semaphore_mem>>, %arg13: memref<3x!tpu.dma_semaphore, #tpu.memory_space<semaphore_mem>>, %arg14: memref<3x!tpu.dma_semaphore, #tpu.memory_space<semaphore_mem>>) attributes {dimension_semantics = [#tpu.dimension_semantics<core_parallel>, #tpu.dimension_semantics<subcore_parallel>], iteration_bounds = array<i64: 2, 16>, scalar_prefetch = 0 : i64, scratch_operands = 8 : i64, tpu.core_type = #tpu.core_type<sc_vector_subcore>, window_params = [{transform_indices = #map}, {transform_indices = #map}, {transform_indices = #map1}, {transform_indices = #map1}, {transform_indices = #map}]} {
    %mul3A = arith.constant 16 : i32
    %mul3A_0 = arith.muli %arg0, %mul3A : i32
    %add3A = arith.addi %mul3A_0, %arg1 : i32
    %mul3A_1 = arith.constant 632 : i32
    %mul3A_2 = arith.muli %arg1, %mul3A_1 : i32
    "tpu.region"() ({
      %run_scoped3A = tpu.sem_alloc : memref<!tpu.dma_semaphore, #tpu.memory_space<semaphore_mem>>
      %dma_start3A_150 = arith.constant 0 : i32
      %dma_start3A_151 = tpu.memref_slice %arg10[%mul3A_2, %dma_start3A_150] : memref<10112x128xf32, #tpu.memory_space<vmem_shared>> -> memref<632x128xf32, #tpu.memory_space<vmem_shared>>
      %dma_start3A_152 = arith.constant 0 : i32
      %dma_start3A_153 = tpu.memref_slice %arg5[%mul3A_2, %dma_start3A_152] : memref<10112x128xf32, #tpu.memory_space<hbm>> -> memref<632x128xf32, #tpu.memory_space<hbm>>
      tpu.enqueue_dma source(%dma_start3A_153 : memref<632x128xf32, #tpu.memory_space<hbm>>) target(%dma_start3A_151 : memref<632x128xf32, #tpu.memory_space<vmem_shared>>) target_semaphore(%run_scoped3A : memref<!tpu.dma_semaphore, #tpu.memory_space<semaphore_mem>>)
      %dma_wait3A_154 = arith.constant 0 : i32
      %dma_wait3A_155 = tpu.memref_slice %arg10[%mul3A_2, %dma_wait3A_154] : memref<10112x128xf32, #tpu.memory_space<vmem_shared>> -> memref<632x128xf32, #tpu.memory_space<vmem_shared>>
      %dma_wait3A_156 = arith.constant 0 : i32
      %dma_wait3A_157 = tpu.memref_slice %arg5[%mul3A_2, %dma_wait3A_156] : memref<10112x128xf32, #tpu.memory_space<hbm>> -> memref<632x128xf32, #tpu.memory_space<hbm>>
      tpu.wait_dma2 semaphore(%run_scoped3A : memref<!tpu.dma_semaphore, #tpu.memory_space<semaphore_mem>>) src(%dma_wait3A_157 : memref<632x128xf32, #tpu.memory_space<hbm>>) dst(%dma_wait3A_155 : memref<632x128xf32, #tpu.memory_space<vmem_shared>>)
      tpu.yield
    }) : () -> ()
    %barrier3A = arith.constant 0 : index
    tpu.barrier barrier_id(%barrier3A)
    %scan3A = arith.constant 0 : i32
    %scan3A_3 = arith.constant 0 : i32
    %scan3A_4 = arith.constant 3 : i32
    %scan3A_5 = arith.addi %scan3A_3, %scan3A_4 : i32
    %scan3A_6 = arith.constant 1 : i32
    scf.for %scan3A_150 = %scan3A_3 to %scan3A_5 step %scan3A_6  : i32 {
      %rem3A_151 = arith.constant 3 : i32
      %rem3A_152 = arith.remsi %scan3A_150, %rem3A_151 : i32
      %rem3A_153 = arith.constant 3 : i32
      %rem3A_154 = arith.remsi %scan3A_150, %rem3A_153 : i32
      %dma_start3A_155 = arith.constant 0 : i32
      %dma_start3A_156 = tpu.memref_slice %arg7[%rem3A_152, %dma_start3A_155] : memref<3x128xi32, #tpu.memory_space<vmem>> -> memref<1x128xi32, #tpu.memory_space<vmem>>
      %dma_start3A_157 = tpu.memref_squeeze %dma_start3A_156 : memref<1x128xi32, #tpu.memory_space<vmem>> -> memref<128xi32, #tpu.memory_space<vmem>>
      %dma_start3A_158 = arith.constant 0 : i32
      %dma_start3A_159 = tpu.memref_slice %arg2[%add3A, %scan3A_150, %dma_start3A_158] : memref<32x80x128xi32, #tpu.memory_space<hbm>> -> memref<1x1x128xi32, #tpu.memory_space<hbm>>
      %dma_start3A_160 = tpu.memref_squeeze %dma_start3A_159 : memref<1x1x128xi32, #tpu.memory_space<hbm>> -> memref<128xi32, #tpu.memory_space<hbm>>
      %dma_start3A_161 = tpu.memref_slice %arg11[%rem3A_154] : memref<3x!tpu.dma_semaphore, #tpu.memory_space<semaphore_mem>> -> memref<1x!tpu.dma_semaphore, #tpu.memory_space<semaphore_mem>>
      %dma_start3A_162 = tpu.memref_squeeze %dma_start3A_161 : memref<1x!tpu.dma_semaphore, #tpu.memory_space<semaphore_mem>> -> memref<!tpu.dma_semaphore, #tpu.memory_space<semaphore_mem>>
      %dma_start3A_163 = arith.constant 0 : i32
      %dma_start3A_164 = tpu.memref_slice %arg7[%rem3A_152, %dma_start3A_163] : memref<3x128xi32, #tpu.memory_space<vmem>> -> memref<1x128xi32, #tpu.memory_space<vmem>>
      %dma_start3A_165 = tpu.memref_squeeze %dma_start3A_164 : memref<1x128xi32, #tpu.memory_space<vmem>> -> memref<128xi32, #tpu.memory_space<vmem>>
      %dma_start3A_166 = arith.constant 0 : i32
      %dma_start3A_167 = tpu.memref_slice %arg2[%add3A, %scan3A_150, %dma_start3A_166] : memref<32x80x128xi32, #tpu.memory_space<hbm>> -> memref<1x1x128xi32, #tpu.memory_space<hbm>>
      %dma_start3A_168 = tpu.memref_squeeze %dma_start3A_167 : memref<1x1x128xi32, #tpu.memory_space<hbm>> -> memref<128xi32, #tpu.memory_space<hbm>>
      tpu.enqueue_dma source(%dma_start3A_168 : memref<128xi32, #tpu.memory_space<hbm>>) target(%dma_start3A_165 : memref<128xi32, #tpu.memory_space<vmem>>) target_semaphore(%dma_start3A_162 : memref<!tpu.dma_semaphore, #tpu.memory_space<semaphore_mem>>)
      %rem3A_169 = arith.constant 4 : i32
      %rem3A_170 = arith.remsi %scan3A_150, %rem3A_169 : i32
      %rem3A_171 = arith.constant 4 : i32
      %rem3A_172 = arith.remsi %scan3A_150, %rem3A_171 : i32
      %dma_start3A_173 = arith.constant 0 : i32
      %dma_start3A_174 = tpu.memref_slice %arg8[%rem3A_170, %dma_start3A_173] : memref<4x128xi32, #tpu.memory_space<vmem>> -> memref<1x128xi32, #tpu.memory_space<vmem>>
      %dma_start3A_175 = tpu.memref_squeeze %dma_start3A_174 : memref<1x128xi32, #tpu.memory_space<vmem>> -> memref<128xi32, #tpu.memory_space<vmem>>
      %dma_start3A_176 = arith.constant 0 : i32
      %dma_start3A_177 = tpu.memref_slice %arg3[%add3A, %scan3A_150, %dma_start3A_176] : memref<32x80x128xi32, #tpu.memory_space<hbm>> -> memref<1x1x128xi32, #tpu.memory_space<hbm>>
      %dma_start3A_178 = tpu.memref_squeeze %dma_start3A_177 : memref<1x1x128xi32, #tpu.memory_space<hbm>> -> memref<128xi32, #tpu.memory_space<hbm>>
      %dma_start3A_179 = tpu.memref_slice %arg12[%rem3A_172] : memref<4x!tpu.dma_semaphore, #tpu.memory_space<semaphore_mem>> -> memref<1x!tpu.dma_semaphore, #tpu.memory_space<semaphore_mem>>
      %dma_start3A_180 = tpu.memref_squeeze %dma_start3A_179 : memref<1x!tpu.dma_semaphore, #tpu.memory_space<semaphore_mem>> -> memref<!tpu.dma_semaphore, #tpu.memory_space<semaphore_mem>>
      %dma_start3A_181 = arith.constant 0 : i32
      %dma_start3A_182 = tpu.memref_slice %arg8[%rem3A_170, %dma_start3A_181] : memref<4x128xi32, #tpu.memory_space<vmem>> -> memref<1x128xi32, #tpu.memory_space<vmem>>
      %dma_start3A_183 = tpu.memref_squeeze %dma_start3A_182 : memref<1x128xi32, #tpu.memory_space<vmem>> -> memref<128xi32, #tpu.memory_space<vmem>>
      %dma_start3A_184 = arith.constant 0 : i32
      %dma_start3A_185 = tpu.memref_slice %arg3[%add3A, %scan3A_150, %dma_start3A_184] : memref<32x80x128xi32, #tpu.memory_space<hbm>> -> memref<1x1x128xi32, #tpu.memory_space<hbm>>
      %dma_start3A_186 = tpu.memref_squeeze %dma_start3A_185 : memref<1x1x128xi32, #tpu.memory_space<hbm>> -> memref<128xi32, #tpu.memory_space<hbm>>
      tpu.enqueue_dma source(%dma_start3A_186 : memref<128xi32, #tpu.memory_space<hbm>>) target(%dma_start3A_183 : memref<128xi32, #tpu.memory_space<vmem>>) target_semaphore(%dma_start3A_180 : memref<!tpu.dma_semaphore, #tpu.memory_space<semaphore_mem>>)
    }
    %scan3A_7 = arith.constant 3 : i32
    %rem3A = arith.constant 0 : i32
    %rem3A_8 = arith.constant 3 : i32
    %rem3A_9 = arith.remsi %rem3A, %rem3A_8 : i32
    %dma_wait3A = arith.constant 0 : i32
    %dma_wait3A_10 = arith.constant 0 : i32
    %dma_wait3A_11 = arith.constant 0 : i32
    %dma_wait3A_12 = tpu.memref_slice %arg7[%dma_wait3A_10, %dma_wait3A_11] : memref<3x128xi32, #tpu.memory_space<vmem>> -> memref<1x128xi32, #tpu.memory_space<vmem>>
    %dma_wait3A_13 = tpu.memref_squeeze %dma_wait3A_12 : memref<1x128xi32, #tpu.memory_space<vmem>> -> memref<128xi32, #tpu.memory_space<vmem>>
    %dma_wait3A_14 = arith.constant 0 : i32
    %dma_wait3A_15 = tpu.memref_slice %arg2[%add3A, %dma_wait3A, %dma_wait3A_14] : memref<32x80x128xi32, #tpu.memory_space<hbm>> -> memref<1x1x128xi32, #tpu.memory_space<hbm>>
    %dma_wait3A_16 = tpu.memref_squeeze %dma_wait3A_15 : memref<1x1x128xi32, #tpu.memory_space<hbm>> -> memref<128xi32, #tpu.memory_space<hbm>>
    %dma_wait3A_17 = tpu.memref_slice %arg11[%rem3A_9] : memref<3x!tpu.dma_semaphore, #tpu.memory_space<semaphore_mem>> -> memref<1x!tpu.dma_semaphore, #tpu.memory_space<semaphore_mem>>
    %dma_wait3A_18 = tpu.memref_squeeze %dma_wait3A_17 : memref<1x!tpu.dma_semaphore, #tpu.memory_space<semaphore_mem>> -> memref<!tpu.dma_semaphore, #tpu.memory_space<semaphore_mem>>
    %dma_wait3A_19 = arith.constant 0 : i32
    %dma_wait3A_20 = tpu.memref_slice %arg7[%dma_wait3A_10, %dma_wait3A_19] : memref<3x128xi32, #tpu.memory_space<vmem>> -> memref<1x128xi32, #tpu.memory_space<vmem>>
    %dma_wait3A_21 = tpu.memref_squeeze %dma_wait3A_20 : memref<1x128xi32, #tpu.memory_space<vmem>> -> memref<128xi32, #tpu.memory_space<vmem>>
    %dma_wait3A_22 = arith.constant 0 : i32
    %dma_wait3A_23 = tpu.memref_slice %arg2[%add3A, %dma_wait3A, %dma_wait3A_22] : memref<32x80x128xi32, #tpu.memory_space<hbm>> -> memref<1x1x128xi32, #tpu.memory_space<hbm>>
    %dma_wait3A_24 = tpu.memref_squeeze %dma_wait3A_23 : memref<1x1x128xi32, #tpu.memory_space<hbm>> -> memref<128xi32, #tpu.memory_space<hbm>>
    tpu.wait_dma2 semaphore(%dma_wait3A_18 : memref<!tpu.dma_semaphore, #tpu.memory_space<semaphore_mem>>) src(%dma_wait3A_24 : memref<128xi32, #tpu.memory_space<hbm>>) dst(%dma_wait3A_21 : memref<128xi32, #tpu.memory_space<vmem>>)
    %rem3A_25 = arith.constant 0 : i32
    %rem3A_26 = arith.constant 4 : i32
    %rem3A_27 = arith.remsi %rem3A_25, %rem3A_26 : i32
    %dma_wait3A_28 = arith.constant 0 : i32
    %dma_wait3A_29 = arith.constant 0 : i32
    %dma_wait3A_30 = arith.constant 0 : i32
    %dma_wait3A_31 = tpu.memref_slice %arg7[%dma_wait3A_29, %dma_wait3A_30] : memref<3x128xi32, #tpu.memory_space<vmem>> -> memref<1x128xi32, #tpu.memory_space<vmem>>
    %dma_wait3A_32 = tpu.memref_squeeze %dma_wait3A_31 : memref<1x128xi32, #tpu.memory_space<vmem>> -> memref<128xi32, #tpu.memory_space<vmem>>
    %dma_wait3A_33 = arith.constant 0 : i32
    %dma_wait3A_34 = tpu.memref_slice %arg2[%add3A, %dma_wait3A_28, %dma_wait3A_33] : memref<32x80x128xi32, #tpu.memory_space<hbm>> -> memref<1x1x128xi32, #tpu.memory_space<hbm>>
    %dma_wait3A_35 = tpu.memref_squeeze %dma_wait3A_34 : memref<1x1x128xi32, #tpu.memory_space<hbm>> -> memref<128xi32, #tpu.memory_space<hbm>>
    %dma_wait3A_36 = tpu.memref_slice %arg12[%rem3A_27] : memref<4x!tpu.dma_semaphore, #tpu.memory_space<semaphore_mem>> -> memref<1x!tpu.dma_semaphore, #tpu.memory_space<semaphore_mem>>
    %dma_wait3A_37 = tpu.memref_squeeze %dma_wait3A_36 : memref<1x!tpu.dma_semaphore, #tpu.memory_space<semaphore_mem>> -> memref<!tpu.dma_semaphore, #tpu.memory_space<semaphore_mem>>
    %dma_wait3A_38 = arith.constant 0 : i32
    %dma_wait3A_39 = tpu.memref_slice %arg7[%dma_wait3A_29, %dma_wait3A_38] : memref<3x128xi32, #tpu.memory_space<vmem>> -> memref<1x128xi32, #tpu.memory_space<vmem>>
    %dma_wait3A_40 = tpu.memref_squeeze %dma_wait3A_39 : memref<1x128xi32, #tpu.memory_space<vmem>> -> memref<128xi32, #tpu.memory_space<vmem>>
    %dma_wait3A_41 = arith.constant 0 : i32
    %dma_wait3A_42 = tpu.memref_slice %arg2[%add3A, %dma_wait3A_28, %dma_wait3A_41] : memref<32x80x128xi32, #tpu.memory_space<hbm>> -> memref<1x1x128xi32, #tpu.memory_space<hbm>>
    %dma_wait3A_43 = tpu.memref_squeeze %dma_wait3A_42 : memref<1x1x128xi32, #tpu.memory_space<hbm>> -> memref<128xi32, #tpu.memory_space<hbm>>
    tpu.wait_dma2 semaphore(%dma_wait3A_37 : memref<!tpu.dma_semaphore, #tpu.memory_space<semaphore_mem>>) src(%dma_wait3A_43 : memref<128xi32, #tpu.memory_space<hbm>>) dst(%dma_wait3A_40 : memref<128xi32, #tpu.memory_space<vmem>>)
    %rem3A_44 = arith.constant 0 : i32
    %rem3A_45 = arith.constant 3 : i32
    %rem3A_46 = arith.remsi %rem3A_44, %rem3A_45 : i32
    %rem3A_47 = arith.constant 0 : i32
    %rem3A_48 = arith.constant 3 : i32
    %rem3A_49 = arith.remsi %rem3A_47, %rem3A_48 : i32
    %rem3A_50 = arith.constant 0 : i32
    %rem3A_51 = arith.constant 3 : i32
    %rem3A_52 = arith.remsi %rem3A_50, %rem3A_51 : i32
    %dma_start3A = arith.constant 0 : i32
    %dma_start3A_53 = arith.constant 0 : i32
    %dma_start3A_54 = tpu.memref_slice %arg9[%rem3A_49, %dma_start3A, %dma_start3A_53] : memref<3x128x128xf32, #tpu.memory_space<vmem>> -> memref<1x128x128xf32, #tpu.memory_space<vmem>>
    %dma_start3A_55 = tpu.memref_squeeze %dma_start3A_54 : memref<1x128x128xf32, #tpu.memory_space<vmem>> -> memref<128x128xf32, #tpu.memory_space<vmem>>
    %dma_start3A_56 = arith.constant 0 : i32
    %dma_start3A_57 = tpu.memref_slice %arg7[%rem3A_46, %dma_start3A_56] : memref<3x128xi32, #tpu.memory_space<vmem>> -> memref<1x128xi32, #tpu.memory_space<vmem>>
    %dma_start3A_58 = tpu.memref_squeeze %dma_start3A_57 : memref<1x128xi32, #tpu.memory_space<vmem>> -> memref<128xi32, #tpu.memory_space<vmem>>
    %dma_start3A_59 = arith.constant 0 : i32
    %dma_start3A_60 = arith.constant 0 : i32
    %dma_start3A_61 = tpu.memref_slice %arg4[%dma_start3A_59, %dma_start3A_60] : memref<10112x128xf32, #tpu.memory_space<hbm>> -> memref<10112x128xf32, #tpu.memory_space<hbm>>
    %dma_start3A_62 = tpu.memref_slice %arg13[%rem3A_52] : memref<3x!tpu.dma_semaphore, #tpu.memory_space<semaphore_mem>> -> memref<1x!tpu.dma_semaphore, #tpu.memory_space<semaphore_mem>>
    %dma_start3A_63 = tpu.memref_squeeze %dma_start3A_62 : memref<1x!tpu.dma_semaphore, #tpu.memory_space<semaphore_mem>> -> memref<!tpu.dma_semaphore, #tpu.memory_space<semaphore_mem>>
    tpu.enqueue_indirect_dma source(%dma_start3A_61 : memref<10112x128xf32, #tpu.memory_space<hbm>>) target(%dma_start3A_55 : memref<128x128xf32, #tpu.memory_space<vmem>>) offsets(%dma_start3A_58 : memref<128xi32, #tpu.memory_space<vmem>>) semaphore(%dma_start3A_63 : memref<!tpu.dma_semaphore, #tpu.memory_space<semaphore_mem>>)
    %rem3A_64 = arith.constant 1 : i32
    %rem3A_65 = arith.constant 3 : i32
    %rem3A_66 = arith.remsi %rem3A_64, %rem3A_65 : i32
    %dma_wait3A_67 = arith.constant 0 : i32
    %dma_wait3A_68 = arith.constant 0 : i32
    %dma_wait3A_69 = arith.constant 0 : i32
    %dma_wait3A_70 = tpu.memref_slice %arg7[%dma_wait3A_68, %dma_wait3A_69] : memref<3x128xi32, #tpu.memory_space<vmem>> -> memref<1x128xi32, #tpu.memory_space<vmem>>
    %dma_wait3A_71 = tpu.memref_squeeze %dma_wait3A_70 : memref<1x128xi32, #tpu.memory_space<vmem>> -> memref<128xi32, #tpu.memory_space<vmem>>
    %dma_wait3A_72 = arith.constant 0 : i32
    %dma_wait3A_73 = tpu.memref_slice %arg2[%add3A, %dma_wait3A_67, %dma_wait3A_72] : memref<32x80x128xi32, #tpu.memory_space<hbm>> -> memref<1x1x128xi32, #tpu.memory_space<hbm>>
    %dma_wait3A_74 = tpu.memref_squeeze %dma_wait3A_73 : memref<1x1x128xi32, #tpu.memory_space<hbm>> -> memref<128xi32, #tpu.memory_space<hbm>>
    %dma_wait3A_75 = tpu.memref_slice %arg11[%rem3A_66] : memref<3x!tpu.dma_semaphore, #tpu.memory_space<semaphore_mem>> -> memref<1x!tpu.dma_semaphore, #tpu.memory_space<semaphore_mem>>
    %dma_wait3A_76 = tpu.memref_squeeze %dma_wait3A_75 : memref<1x!tpu.dma_semaphore, #tpu.memory_space<semaphore_mem>> -> memref<!tpu.dma_semaphore, #tpu.memory_space<semaphore_mem>>
    %dma_wait3A_77 = arith.constant 0 : i32
    %dma_wait3A_78 = tpu.memref_slice %arg7[%dma_wait3A_68, %dma_wait3A_77] : memref<3x128xi32, #tpu.memory_space<vmem>> -> memref<1x128xi32, #tpu.memory_space<vmem>>
    %dma_wait3A_79 = tpu.memref_squeeze %dma_wait3A_78 : memref<1x128xi32, #tpu.memory_space<vmem>> -> memref<128xi32, #tpu.memory_space<vmem>>
    %dma_wait3A_80 = arith.constant 0 : i32
    %dma_wait3A_81 = tpu.memref_slice %arg2[%add3A, %dma_wait3A_67, %dma_wait3A_80] : memref<32x80x128xi32, #tpu.memory_space<hbm>> -> memref<1x1x128xi32, #tpu.memory_space<hbm>>
    %dma_wait3A_82 = tpu.memref_squeeze %dma_wait3A_81 : memref<1x1x128xi32, #tpu.memory_space<hbm>> -> memref<128xi32, #tpu.memory_space<hbm>>
    tpu.wait_dma2 semaphore(%dma_wait3A_76 : memref<!tpu.dma_semaphore, #tpu.memory_space<semaphore_mem>>) src(%dma_wait3A_82 : memref<128xi32, #tpu.memory_space<hbm>>) dst(%dma_wait3A_79 : memref<128xi32, #tpu.memory_space<vmem>>)
    %rem3A_83 = arith.constant 1 : i32
    %rem3A_84 = arith.constant 4 : i32
    %rem3A_85 = arith.remsi %rem3A_83, %rem3A_84 : i32
    %dma_wait3A_86 = arith.constant 0 : i32
    %dma_wait3A_87 = arith.constant 0 : i32
    %dma_wait3A_88 = arith.constant 0 : i32
    %dma_wait3A_89 = tpu.memref_slice %arg7[%dma_wait3A_87, %dma_wait3A_88] : memref<3x128xi32, #tpu.memory_space<vmem>> -> memref<1x128xi32, #tpu.memory_space<vmem>>
    %dma_wait3A_90 = tpu.memref_squeeze %dma_wait3A_89 : memref<1x128xi32, #tpu.memory_space<vmem>> -> memref<128xi32, #tpu.memory_space<vmem>>
    %dma_wait3A_91 = arith.constant 0 : i32
    %dma_wait3A_92 = tpu.memref_slice %arg2[%add3A, %dma_wait3A_86, %dma_wait3A_91] : memref<32x80x128xi32, #tpu.memory_space<hbm>> -> memref<1x1x128xi32, #tpu.memory_space<hbm>>
    %dma_wait3A_93 = tpu.memref_squeeze %dma_wait3A_92 : memref<1x1x128xi32, #tpu.memory_space<hbm>> -> memref<128xi32, #tpu.memory_space<hbm>>
    %dma_wait3A_94 = tpu.memref_slice %arg12[%rem3A_85] : memref<4x!tpu.dma_semaphore, #tpu.memory_space<semaphore_mem>> -> memref<1x!tpu.dma_semaphore, #tpu.memory_space<semaphore_mem>>
    %dma_wait3A_95 = tpu.memref_squeeze %dma_wait3A_94 : memref<1x!tpu.dma_semaphore, #tpu.memory_space<semaphore_mem>> -> memref<!tpu.dma_semaphore, #tpu.memory_space<semaphore_mem>>
    %dma_wait3A_96 = arith.constant 0 : i32
    %dma_wait3A_97 = tpu.memref_slice %arg7[%dma_wait3A_87, %dma_wait3A_96] : memref<3x128xi32, #tpu.memory_space<vmem>> -> memref<1x128xi32, #tpu.memory_space<vmem>>
    %dma_wait3A_98 = tpu.memref_squeeze %dma_wait3A_97 : memref<1x128xi32, #tpu.memory_space<vmem>> -> memref<128xi32, #tpu.memory_space<vmem>>
    %dma_wait3A_99 = arith.constant 0 : i32
    %dma_wait3A_100 = tpu.memref_slice %arg2[%add3A, %dma_wait3A_86, %dma_wait3A_99] : memref<32x80x128xi32, #tpu.memory_space<hbm>> -> memref<1x1x128xi32, #tpu.memory_space<hbm>>
    %dma_wait3A_101 = tpu.memref_squeeze %dma_wait3A_100 : memref<1x1x128xi32, #tpu.memory_space<hbm>> -> memref<128xi32, #tpu.memory_space<hbm>>
    tpu.wait_dma2 semaphore(%dma_wait3A_95 : memref<!tpu.dma_semaphore, #tpu.memory_space<semaphore_mem>>) src(%dma_wait3A_101 : memref<128xi32, #tpu.memory_space<hbm>>) dst(%dma_wait3A_98 : memref<128xi32, #tpu.memory_space<vmem>>)
    %rem3A_102 = arith.constant 1 : i32
    %rem3A_103 = arith.constant 3 : i32
    %rem3A_104 = arith.remsi %rem3A_102, %rem3A_103 : i32
    %rem3A_105 = arith.constant 1 : i32
    %rem3A_106 = arith.constant 3 : i32
    %rem3A_107 = arith.remsi %rem3A_105, %rem3A_106 : i32
    %rem3A_108 = arith.constant 1 : i32
    %rem3A_109 = arith.constant 3 : i32
    %rem3A_110 = arith.remsi %rem3A_108, %rem3A_109 : i32
    %dma_start3A_111 = arith.constant 0 : i32
    %dma_start3A_112 = arith.constant 0 : i32
    %dma_start3A_113 = tpu.memref_slice %arg9[%rem3A_107, %dma_start3A_111, %dma_start3A_112] : memref<3x128x128xf32, #tpu.memory_space<vmem>> -> memref<1x128x128xf32, #tpu.memory_space<vmem>>
    %dma_start3A_114 = tpu.memref_squeeze %dma_start3A_113 : memref<1x128x128xf32, #tpu.memory_space<vmem>> -> memref<128x128xf32, #tpu.memory_space<vmem>>
    %dma_start3A_115 = arith.constant 0 : i32
    %dma_start3A_116 = tpu.memref_slice %arg7[%rem3A_104, %dma_start3A_115] : memref<3x128xi32, #tpu.memory_space<vmem>> -> memref<1x128xi32, #tpu.memory_space<vmem>>
    %dma_start3A_117 = tpu.memref_squeeze %dma_start3A_116 : memref<1x128xi32, #tpu.memory_space<vmem>> -> memref<128xi32, #tpu.memory_space<vmem>>
    %dma_start3A_118 = arith.constant 0 : i32
    %dma_start3A_119 = arith.constant 0 : i32
    %dma_start3A_120 = tpu.memref_slice %arg4[%dma_start3A_118, %dma_start3A_119] : memref<10112x128xf32, #tpu.memory_space<hbm>> -> memref<10112x128xf32, #tpu.memory_space<hbm>>
    %dma_start3A_121 = tpu.memref_slice %arg13[%rem3A_110] : memref<3x!tpu.dma_semaphore, #tpu.memory_space<semaphore_mem>> -> memref<1x!tpu.dma_semaphore, #tpu.memory_space<semaphore_mem>>
    %dma_start3A_122 = tpu.memref_squeeze %dma_start3A_121 : memref<1x!tpu.dma_semaphore, #tpu.memory_space<semaphore_mem>> -> memref<!tpu.dma_semaphore, #tpu.memory_space<semaphore_mem>>
    tpu.enqueue_indirect_dma source(%dma_start3A_120 : memref<10112x128xf32, #tpu.memory_space<hbm>>) target(%dma_start3A_114 : memref<128x128xf32, #tpu.memory_space<vmem>>) offsets(%dma_start3A_117 : memref<128xi32, #tpu.memory_space<vmem>>) semaphore(%dma_start3A_122 : memref<!tpu.dma_semaphore, #tpu.memory_space<semaphore_mem>>)
    %scan3A_123 = arith.constant 0 : i32
    %scan3A_124 = arith.constant 0 : i32
    %scan3A_125 = arith.constant 80 : i32
    %scan3A_126 = arith.addi %scan3A_124, %scan3A_125 : i32
    %scan3A_127 = arith.constant 1 : i32
    scf.for %scan3A_150 = %scan3A_124 to %scan3A_126 step %scan3A_127  : i32 {
      %ge3A = arith.constant 1 : i32
      %ge3A_151 = arith.cmpi sge, %scan3A_150, %ge3A : i32
      %convert_element_type3A = arith.extui %ge3A_151 : i1 to i32
      %cond3A = arith.constant 0 : i32
      %cond3A_152 = arith.cmpi ne, %convert_element_type3A, %cond3A : i32
      scf.if %cond3A_152 {
        %sub3A = arith.constant 1 : i32
        %sub3A_203 = arith.subi %scan3A_150, %sub3A : i32
        %rem3A_204 = arith.constant 3 : i32
        %rem3A_205 = arith.remsi %sub3A_203, %rem3A_204 : i32
        %dma_wait3A_206 = arith.constant 0 : i32
        %dma_wait3A_207 = arith.constant 0 : i32
        %dma_wait3A_208 = arith.constant 0 : i32
        %dma_wait3A_209 = tpu.memref_slice %arg9[%dma_wait3A_206, %dma_wait3A_207, %dma_wait3A_208] : memref<3x128x128xf32, #tpu.memory_space<vmem>> -> memref<1x128x128xf32, #tpu.memory_space<vmem>>
        %dma_wait3A_210 = tpu.memref_squeeze %dma_wait3A_209 : memref<1x128x128xf32, #tpu.memory_space<vmem>> -> memref<128x128xf32, #tpu.memory_space<vmem>>
        %dma_wait3A_211 = arith.constant 0 : i32
        %dma_wait3A_212 = arith.constant 0 : i32
        %dma_wait3A_213 = tpu.memref_slice %arg10[%dma_wait3A_211, %dma_wait3A_212] : memref<10112x128xf32, #tpu.memory_space<vmem_shared>> -> memref<128x128xf32, #tpu.memory_space<vmem_shared>>
        %dma_wait3A_214 = tpu.memref_slice %arg14[%rem3A_205] : memref<3x!tpu.dma_semaphore, #tpu.memory_space<semaphore_mem>> -> memref<1x!tpu.dma_semaphore, #tpu.memory_space<semaphore_mem>>
        %dma_wait3A_215 = tpu.memref_squeeze %dma_wait3A_214 : memref<1x!tpu.dma_semaphore, #tpu.memory_space<semaphore_mem>> -> memref<!tpu.dma_semaphore, #tpu.memory_space<semaphore_mem>>
        %dma_wait3A_216 = arith.constant 0 : i32
        %dma_wait3A_217 = arith.constant 0 : i32
        %dma_wait3A_218 = tpu.memref_slice %arg10[%dma_wait3A_216, %dma_wait3A_217] : memref<10112x128xf32, #tpu.memory_space<vmem_shared>> -> memref<128x128xf32, #tpu.memory_space<vmem_shared>>
        %dma_wait3A_219 = arith.constant 0 : i32
        %dma_wait3A_220 = arith.constant 0 : i32
        %dma_wait3A_221 = tpu.memref_slice %arg9[%dma_wait3A_206, %dma_wait3A_219, %dma_wait3A_220] : memref<3x128x128xf32, #tpu.memory_space<vmem>> -> memref<1x128x128xf32, #tpu.memory_space<vmem>>
        %dma_wait3A_222 = tpu.memref_squeeze %dma_wait3A_221 : memref<1x128x128xf32, #tpu.memory_space<vmem>> -> memref<128x128xf32, #tpu.memory_space<vmem>>
        tpu.wait_dma2 semaphore(%dma_wait3A_215 : memref<!tpu.dma_semaphore, #tpu.memory_space<semaphore_mem>>) src(%dma_wait3A_222 : memref<128x128xf32, #tpu.memory_space<vmem>>) dst(%dma_wait3A_218 : memref<128x128xf32, #tpu.memory_space<vmem_shared>>)
      } else {
      }
      %rem3A_153 = arith.constant 3 : i32
      %rem3A_154 = arith.remsi %scan3A_150, %rem3A_153 : i32
      %dma_wait3A_155 = arith.constant 0 : i32
      %dma_wait3A_156 = arith.constant 0 : i32
      %dma_wait3A_157 = arith.constant 0 : i32
      %dma_wait3A_158 = tpu.memref_slice %arg9[%dma_wait3A_155, %dma_wait3A_156, %dma_wait3A_157] : memref<3x128x128xf32, #tpu.memory_space<vmem>> -> memref<1x128x128xf32, #tpu.memory_space<vmem>>
      %dma_wait3A_159 = tpu.memref_squeeze %dma_wait3A_158 : memref<1x128x128xf32, #tpu.memory_space<vmem>> -> memref<128x128xf32, #tpu.memory_space<vmem>>
      %dma_wait3A_160 = arith.constant 0 : i32
      %dma_wait3A_161 = arith.constant 0 : i32
      %dma_wait3A_162 = tpu.memref_slice %arg4[%dma_wait3A_160, %dma_wait3A_161] : memref<10112x128xf32, #tpu.memory_space<hbm>> -> memref<128x128xf32, #tpu.memory_space<hbm>>
      %dma_wait3A_163 = tpu.memref_slice %arg13[%rem3A_154] : memref<3x!tpu.dma_semaphore, #tpu.memory_space<semaphore_mem>> -> memref<1x!tpu.dma_semaphore, #tpu.memory_space<semaphore_mem>>
      %dma_wait3A_164 = tpu.memref_squeeze %dma_wait3A_163 : memref<1x!tpu.dma_semaphore, #tpu.memory_space<semaphore_mem>> -> memref<!tpu.dma_semaphore, #tpu.memory_space<semaphore_mem>>
      %dma_wait3A_165 = arith.constant 0 : i32
      %dma_wait3A_166 = arith.constant 0 : i32
      %dma_wait3A_167 = tpu.memref_slice %arg9[%dma_wait3A_155, %dma_wait3A_165, %dma_wait3A_166] : memref<3x128x128xf32, #tpu.memory_space<vmem>> -> memref<1x128x128xf32, #tpu.memory_space<vmem>>
      %dma_wait3A_168 = tpu.memref_squeeze %dma_wait3A_167 : memref<1x128x128xf32, #tpu.memory_space<vmem>> -> memref<128x128xf32, #tpu.memory_space<vmem>>
      %dma_wait3A_169 = arith.constant 0 : i32
      %dma_wait3A_170 = arith.constant 0 : i32
      %dma_wait3A_171 = tpu.memref_slice %arg4[%dma_wait3A_169, %dma_wait3A_170] : memref<10112x128xf32, #tpu.memory_space<hbm>> -> memref<128x128xf32, #tpu.memory_space<hbm>>
      tpu.wait_dma2 semaphore(%dma_wait3A_164 : memref<!tpu.dma_semaphore, #tpu.memory_space<semaphore_mem>>) src(%dma_wait3A_171 : memref<128x128xf32, #tpu.memory_space<hbm>>) dst(%dma_wait3A_168 : memref<128x128xf32, #tpu.memory_space<vmem>>)
      %rem3A_172 = arith.constant 3 : i32
      %rem3A_173 = arith.remsi %scan3A_150, %rem3A_172 : i32
      %rem3A_174 = arith.constant 4 : i32
      %rem3A_175 = arith.remsi %scan3A_150, %rem3A_174 : i32
      %rem3A_176 = arith.constant 3 : i32
      %rem3A_177 = arith.remsi %scan3A_150, %rem3A_176 : i32
      %dma_start3A_178 = arith.constant 0 : i32
      %dma_start3A_179 = arith.constant 0 : i32
      %dma_start3A_180 = tpu.memref_slice %arg9[%rem3A_173, %dma_start3A_178, %dma_start3A_179] : memref<3x128x128xf32, #tpu.memory_space<vmem>> -> memref<1x128x128xf32, #tpu.memory_space<vmem>>
      %dma_start3A_181 = tpu.memref_squeeze %dma_start3A_180 : memref<1x128x128xf32, #tpu.memory_space<vmem>> -> memref<128x128xf32, #tpu.memory_space<vmem>>
      %dma_start3A_182 = arith.constant 0 : i32
      %dma_start3A_183 = tpu.memref_slice %arg8[%rem3A_175, %dma_start3A_182] : memref<4x128xi32, #tpu.memory_space<vmem>> -> memref<1x128xi32, #tpu.memory_space<vmem>>
      %dma_start3A_184 = tpu.memref_squeeze %dma_start3A_183 : memref<1x128xi32, #tpu.memory_space<vmem>> -> memref<128xi32, #tpu.memory_space<vmem>>
      %dma_start3A_185 = arith.constant 0 : i32
      %dma_start3A_186 = arith.constant 0 : i32
      %dma_start3A_187 = tpu.memref_slice %arg10[%dma_start3A_185, %dma_start3A_186] : memref<10112x128xf32, #tpu.memory_space<vmem_shared>> -> memref<10112x128xf32, #tpu.memory_space<vmem_shared>>
      %dma_start3A_188 = tpu.memref_slice %arg14[%rem3A_177] : memref<3x!tpu.dma_semaphore, #tpu.memory_space<semaphore_mem>> -> memref<1x!tpu.dma_semaphore, #tpu.memory_space<semaphore_mem>>
      %dma_start3A_189 = tpu.memref_squeeze %dma_start3A_188 : memref<1x!tpu.dma_semaphore, #tpu.memory_space<semaphore_mem>> -> memref<!tpu.dma_semaphore, #tpu.memory_space<semaphore_mem>>
      tpu.enqueue_indirect_dma source(%dma_start3A_181 : memref<128x128xf32, #tpu.memory_space<vmem>>) target(%dma_start3A_187 : memref<10112x128xf32, #tpu.memory_space<vmem_shared>>) offsets(%dma_start3A_184 : memref<128xi32, #tpu.memory_space<vmem>>) semaphore(%dma_start3A_189 : memref<!tpu.dma_semaphore, #tpu.memory_space<semaphore_mem>>) {add = true}
      %add3A_190 = arith.constant 3 : i32
      %add3A_191 = arith.addi %scan3A_150, %add3A_190 : i32
      %lt3A = arith.constant 80 : i32
      %lt3A_192 = arith.cmpi slt, %add3A_191, %lt3A : i32
      %convert_element_type3A_193 = arith.extui %lt3A_192 : i1 to i32
      %cond3A_194 = arith.constant 0 : i32
      %cond3A_195 = arith.cmpi ne, %convert_element_type3A_193, %cond3A_194 : i32
      scf.if %cond3A_195 {
        %add3A_203 = arith.constant 3 : i32
        %add3A_204 = arith.addi %scan3A_150, %add3A_203 : i32
        %rem3A_205 = arith.constant 3 : i32
        %rem3A_206 = arith.remsi %add3A_204, %rem3A_205 : i32
        %rem3A_207 = arith.constant 3 : i32
        %rem3A_208 = arith.remsi %add3A_204, %rem3A_207 : i32
        %dma_start3A_209 = arith.constant 0 : i32
        %dma_start3A_210 = tpu.memref_slice %arg7[%rem3A_206, %dma_start3A_209] : memref<3x128xi32, #tpu.memory_space<vmem>> -> memref<1x128xi32, #tpu.memory_space<vmem>>
        %dma_start3A_211 = tpu.memref_squeeze %dma_start3A_210 : memref<1x128xi32, #tpu.memory_space<vmem>> -> memref<128xi32, #tpu.memory_space<vmem>>
        %dma_start3A_212 = arith.constant 0 : i32
        %dma_start3A_213 = tpu.memref_slice %arg2[%add3A, %add3A_204, %dma_start3A_212] : memref<32x80x128xi32, #tpu.memory_space<hbm>> -> memref<1x1x128xi32, #tpu.memory_space<hbm>>
        %dma_start3A_214 = tpu.memref_squeeze %dma_start3A_213 : memref<1x1x128xi32, #tpu.memory_space<hbm>> -> memref<128xi32, #tpu.memory_space<hbm>>
        %dma_start3A_215 = tpu.memref_slice %arg11[%rem3A_208] : memref<3x!tpu.dma_semaphore, #tpu.memory_space<semaphore_mem>> -> memref<1x!tpu.dma_semaphore, #tpu.memory_space<semaphore_mem>>
        %dma_start3A_216 = tpu.memref_squeeze %dma_start3A_215 : memref<1x!tpu.dma_semaphore, #tpu.memory_space<semaphore_mem>> -> memref<!tpu.dma_semaphore, #tpu.memory_space<semaphore_mem>>
        %dma_start3A_217 = arith.constant 0 : i32
        %dma_start3A_218 = tpu.memref_slice %arg7[%rem3A_206, %dma_start3A_217] : memref<3x128xi32, #tpu.memory_space<vmem>> -> memref<1x128xi32, #tpu.memory_space<vmem>>
        %dma_start3A_219 = tpu.memref_squeeze %dma_start3A_218 : memref<1x128xi32, #tpu.memory_space<vmem>> -> memref<128xi32, #tpu.memory_space<vmem>>
        %dma_start3A_220 = arith.constant 0 : i32
        %dma_start3A_221 = tpu.memref_slice %arg2[%add3A, %add3A_204, %dma_start3A_220] : memref<32x80x128xi32, #tpu.memory_space<hbm>> -> memref<1x1x128xi32, #tpu.memory_space<hbm>>
        %dma_start3A_222 = tpu.memref_squeeze %dma_start3A_221 : memref<1x1x128xi32, #tpu.memory_space<hbm>> -> memref<128xi32, #tpu.memory_space<hbm>>
        tpu.enqueue_dma source(%dma_start3A_222 : memref<128xi32, #tpu.memory_space<hbm>>) target(%dma_start3A_219 : memref<128xi32, #tpu.memory_space<vmem>>) target_semaphore(%dma_start3A_216 : memref<!tpu.dma_semaphore, #tpu.memory_space<semaphore_mem>>)
        %rem3A_223 = arith.constant 4 : i32
        %rem3A_224 = arith.remsi %add3A_204, %rem3A_223 : i32
        %rem3A_225 = arith.constant 4 : i32
        %rem3A_226 = arith.remsi %add3A_204, %rem3A_225 : i32
        %dma_start3A_227 = arith.constant 0 : i32
        %dma_start3A_228 = tpu.memref_slice %arg8[%rem3A_224, %dma_start3A_227] : memref<4x128xi32, #tpu.memory_space<vmem>> -> memref<1x128xi32, #tpu.memory_space<vmem>>
        %dma_start3A_229 = tpu.memref_squeeze %dma_start3A_228 : memref<1x128xi32, #tpu.memory_space<vmem>> -> memref<128xi32, #tpu.memory_space<vmem>>
        %dma_start3A_230 = arith.constant 0 : i32
        %dma_start3A_231 = tpu.memref_slice %arg3[%add3A, %add3A_204, %dma_start3A_230] : memref<32x80x128xi32, #tpu.memory_space<hbm>> -> memref<1x1x128xi32, #tpu.memory_space<hbm>>
        %dma_start3A_232 = tpu.memref_squeeze %dma_start3A_231 : memref<1x1x128xi32, #tpu.memory_space<hbm>> -> memref<128xi32, #tpu.memory_space<hbm>>
        %dma_start3A_233 = tpu.memref_slice %arg12[%rem3A_226] : memref<4x!tpu.dma_semaphore, #tpu.memory_space<semaphore_mem>> -> memref<1x!tpu.dma_semaphore, #tpu.memory_space<semaphore_mem>>
        %dma_start3A_234 = tpu.memref_squeeze %dma_start3A_233 : memref<1x!tpu.dma_semaphore, #tpu.memory_space<semaphore_mem>> -> memref<!tpu.dma_semaphore, #tpu.memory_space<semaphore_mem>>
        %dma_start3A_235 = arith.constant 0 : i32
        %dma_start3A_236 = tpu.memref_slice %arg8[%rem3A_224, %dma_start3A_235] : memref<4x128xi32, #tpu.memory_space<vmem>> -> memref<1x128xi32, #tpu.memory_space<vmem>>
        %dma_start3A_237 = tpu.memref_squeeze %dma_start3A_236 : memref<1x128xi32, #tpu.memory_space<vmem>> -> memref<128xi32, #tpu.memory_space<vmem>>
        %dma_start3A_238 = arith.constant 0 : i32
        %dma_start3A_239 = tpu.memref_slice %arg3[%add3A, %add3A_204, %dma_start3A_238] : memref<32x80x128xi32, #tpu.memory_space<hbm>> -> memref<1x1x128xi32, #tpu.memory_space<hbm>>
        %dma_start3A_240 = tpu.memref_squeeze %dma_start3A_239 : memref<1x1x128xi32, #tpu.memory_space<hbm>> -> memref<128xi32, #tpu.memory_space<hbm>>
        tpu.enqueue_dma source(%dma_start3A_240 : memref<128xi32, #tpu.memory_space<hbm>>) target(%dma_start3A_237 : memref<128xi32, #tpu.memory_space<vmem>>) target_semaphore(%dma_start3A_234 : memref<!tpu.dma_semaphore, #tpu.memory_space<semaphore_mem>>)
      } else {
      }
      %add3A_196 = arith.constant 2 : i32
      %add3A_197 = arith.addi %scan3A_150, %add3A_196 : i32
      %lt3A_198 = arith.constant 80 : i32
      %lt3A_199 = arith.cmpi slt, %add3A_197, %lt3A_198 : i32
      %convert_element_type3A_200 = arith.extui %lt3A_199 : i1 to i32
      %cond3A_201 = arith.constant 0 : i32
      %cond3A_202 = arith.cmpi ne, %convert_element_type3A_200, %cond3A_201 : i32
      scf.if %cond3A_202 {
        %add3A_203 = arith.constant 2 : i32
        %add3A_204 = arith.addi %scan3A_150, %add3A_203 : i32
        %rem3A_205 = arith.constant 3 : i32
        %rem3A_206 = arith.remsi %add3A_204, %rem3A_205 : i32
        %dma_wait3A_207 = arith.constant 0 : i32
        %dma_wait3A_208 = arith.constant 0 : i32
        %dma_wait3A_209 = arith.constant 0 : i32
        %dma_wait3A_210 = tpu.memref_slice %arg7[%dma_wait3A_208, %dma_wait3A_209] : memref<3x128xi32, #tpu.memory_space<vmem>> -> memref<1x128xi32, #tpu.memory_space<vmem>>
        %dma_wait3A_211 = tpu.memref_squeeze %dma_wait3A_210 : memref<1x128xi32, #tpu.memory_space<vmem>> -> memref<128xi32, #tpu.memory_space<vmem>>
        %dma_wait3A_212 = arith.constant 0 : i32
        %dma_wait3A_213 = tpu.memref_slice %arg2[%add3A, %dma_wait3A_207, %dma_wait3A_212] : memref<32x80x128xi32, #tpu.memory_space<hbm>> -> memref<1x1x128xi32, #tpu.memory_space<hbm>>
        %dma_wait3A_214 = tpu.memref_squeeze %dma_wait3A_213 : memref<1x1x128xi32, #tpu.memory_space<hbm>> -> memref<128xi32, #tpu.memory_space<hbm>>
        %dma_wait3A_215 = tpu.memref_slice %arg11[%rem3A_206] : memref<3x!tpu.dma_semaphore, #tpu.memory_space<semaphore_mem>> -> memref<1x!tpu.dma_semaphore, #tpu.memory_space<semaphore_mem>>
        %dma_wait3A_216 = tpu.memref_squeeze %dma_wait3A_215 : memref<1x!tpu.dma_semaphore, #tpu.memory_space<semaphore_mem>> -> memref<!tpu.dma_semaphore, #tpu.memory_space<semaphore_mem>>
        %dma_wait3A_217 = arith.constant 0 : i32
        %dma_wait3A_218 = tpu.memref_slice %arg7[%dma_wait3A_208, %dma_wait3A_217] : memref<3x128xi32, #tpu.memory_space<vmem>> -> memref<1x128xi32, #tpu.memory_space<vmem>>
        %dma_wait3A_219 = tpu.memref_squeeze %dma_wait3A_218 : memref<1x128xi32, #tpu.memory_space<vmem>> -> memref<128xi32, #tpu.memory_space<vmem>>
        %dma_wait3A_220 = arith.constant 0 : i32
        %dma_wait3A_221 = tpu.memref_slice %arg2[%add3A, %dma_wait3A_207, %dma_wait3A_220] : memref<32x80x128xi32, #tpu.memory_space<hbm>> -> memref<1x1x128xi32, #tpu.memory_space<hbm>>
        %dma_wait3A_222 = tpu.memref_squeeze %dma_wait3A_221 : memref<1x1x128xi32, #tpu.memory_space<hbm>> -> memref<128xi32, #tpu.memory_space<hbm>>
        tpu.wait_dma2 semaphore(%dma_wait3A_216 : memref<!tpu.dma_semaphore, #tpu.memory_space<semaphore_mem>>) src(%dma_wait3A_222 : memref<128xi32, #tpu.memory_space<hbm>>) dst(%dma_wait3A_219 : memref<128xi32, #tpu.memory_space<vmem>>)
        %rem3A_223 = arith.constant 4 : i32
        %rem3A_224 = arith.remsi %add3A_204, %rem3A_223 : i32
        %dma_wait3A_225 = arith.constant 0 : i32
        %dma_wait3A_226 = arith.constant 0 : i32
        %dma_wait3A_227 = arith.constant 0 : i32
        %dma_wait3A_228 = tpu.memref_slice %arg7[%dma_wait3A_226, %dma_wait3A_227] : memref<3x128xi32, #tpu.memory_space<vmem>> -> memref<1x128xi32, #tpu.memory_space<vmem>>
        %dma_wait3A_229 = tpu.memref_squeeze %dma_wait3A_228 : memref<1x128xi32, #tpu.memory_space<vmem>> -> memref<128xi32, #tpu.memory_space<vmem>>
        %dma_wait3A_230 = arith.constant 0 : i32
        %dma_wait3A_231 = tpu.memref_slice %arg2[%add3A, %dma_wait3A_225, %dma_wait3A_230] : memref<32x80x128xi32, #tpu.memory_space<hbm>> -> memref<1x1x128xi32, #tpu.memory_space<hbm>>
        %dma_wait3A_232 = tpu.memref_squeeze %dma_wait3A_231 : memref<1x1x128xi32, #tpu.memory_space<hbm>> -> memref<128xi32, #tpu.memory_space<hbm>>
        %dma_wait3A_233 = tpu.memref_slice %arg12[%rem3A_224] : memref<4x!tpu.dma_semaphore, #tpu.memory_space<semaphore_mem>> -> memref<1x!tpu.dma_semaphore, #tpu.memory_space<semaphore_mem>>
        %dma_wait3A_234 = tpu.memref_squeeze %dma_wait3A_233 : memref<1x!tpu.dma_semaphore, #tpu.memory_space<semaphore_mem>> -> memref<!tpu.dma_semaphore, #tpu.memory_space<semaphore_mem>>
        %dma_wait3A_235 = arith.constant 0 : i32
        %dma_wait3A_236 = tpu.memref_slice %arg7[%dma_wait3A_226, %dma_wait3A_235] : memref<3x128xi32, #tpu.memory_space<vmem>> -> memref<1x128xi32, #tpu.memory_space<vmem>>
        %dma_wait3A_237 = tpu.memref_squeeze %dma_wait3A_236 : memref<1x128xi32, #tpu.memory_space<vmem>> -> memref<128xi32, #tpu.memory_space<vmem>>
        %dma_wait3A_238 = arith.constant 0 : i32
        %dma_wait3A_239 = tpu.memref_slice %arg2[%add3A, %dma_wait3A_225, %dma_wait3A_238] : memref<32x80x128xi32, #tpu.memory_space<hbm>> -> memref<1x1x128xi32, #tpu.memory_space<hbm>>
        %dma_wait3A_240 = tpu.memref_squeeze %dma_wait3A_239 : memref<1x1x128xi32, #tpu.memory_space<hbm>> -> memref<128xi32, #tpu.memory_space<hbm>>
        tpu.wait_dma2 semaphore(%dma_wait3A_234 : memref<!tpu.dma_semaphore, #tpu.memory_space<semaphore_mem>>) src(%dma_wait3A_240 : memref<128xi32, #tpu.memory_space<hbm>>) dst(%dma_wait3A_237 : memref<128xi32, #tpu.memory_space<vmem>>)
        %add3A_241 = arith.constant 2 : i32
        %add3A_242 = arith.addi %scan3A_150, %add3A_241 : i32
        %rem3A_243 = arith.constant 3 : i32
        %rem3A_244 = arith.remsi %add3A_242, %rem3A_243 : i32
        %rem3A_245 = arith.constant 3 : i32
        %rem3A_246 = arith.remsi %add3A_242, %rem3A_245 : i32
        %rem3A_247 = arith.constant 3 : i32
        %rem3A_248 = arith.remsi %add3A_242, %rem3A_247 : i32
        %dma_start3A_249 = arith.constant 0 : i32
        %dma_start3A_250 = arith.constant 0 : i32
        %dma_start3A_251 = tpu.memref_slice %arg9[%rem3A_246, %dma_start3A_249, %dma_start3A_250] : memref<3x128x128xf32, #tpu.memory_space<vmem>> -> memref<1x128x128xf32, #tpu.memory_space<vmem>>
        %dma_start3A_252 = tpu.memref_squeeze %dma_start3A_251 : memref<1x128x128xf32, #tpu.memory_space<vmem>> -> memref<128x128xf32, #tpu.memory_space<vmem>>
        %dma_start3A_253 = arith.constant 0 : i32
        %dma_start3A_254 = tpu.memref_slice %arg7[%rem3A_244, %dma_start3A_253] : memref<3x128xi32, #tpu.memory_space<vmem>> -> memref<1x128xi32, #tpu.memory_space<vmem>>
        %dma_start3A_255 = tpu.memref_squeeze %dma_start3A_254 : memref<1x128xi32, #tpu.memory_space<vmem>> -> memref<128xi32, #tpu.memory_space<vmem>>
        %dma_start3A_256 = arith.constant 0 : i32
        %dma_start3A_257 = arith.constant 0 : i32
        %dma_start3A_258 = tpu.memref_slice %arg4[%dma_start3A_256, %dma_start3A_257] : memref<10112x128xf32, #tpu.memory_space<hbm>> -> memref<10112x128xf32, #tpu.memory_space<hbm>>
        %dma_start3A_259 = tpu.memref_slice %arg13[%rem3A_248] : memref<3x!tpu.dma_semaphore, #tpu.memory_space<semaphore_mem>> -> memref<1x!tpu.dma_semaphore, #tpu.memory_space<semaphore_mem>>
        %dma_start3A_260 = tpu.memref_squeeze %dma_start3A_259 : memref<1x!tpu.dma_semaphore, #tpu.memory_space<semaphore_mem>> -> memref<!tpu.dma_semaphore, #tpu.memory_space<semaphore_mem>>
        tpu.enqueue_indirect_dma source(%dma_start3A_258 : memref<10112x128xf32, #tpu.memory_space<hbm>>) target(%dma_start3A_252 : memref<128x128xf32, #tpu.memory_space<vmem>>) offsets(%dma_start3A_255 : memref<128xi32, #tpu.memory_space<vmem>>) semaphore(%dma_start3A_260 : memref<!tpu.dma_semaphore, #tpu.memory_space<semaphore_mem>>)
      } else {
      }
    }
    %scan3A_128 = arith.constant 80 : i32
    %rem3A_129 = arith.constant 79 : i32
    %rem3A_130 = arith.constant 3 : i32
    %rem3A_131 = arith.remsi %rem3A_129, %rem3A_130 : i32
    %dma_wait3A_132 = arith.constant 0 : i32
    %dma_wait3A_133 = arith.constant 0 : i32
    %dma_wait3A_134 = arith.constant 0 : i32
    %dma_wait3A_135 = tpu.memref_slice %arg9[%dma_wait3A_132, %dma_wait3A_133, %dma_wait3A_134] : memref<3x128x128xf32, #tpu.memory_space<vmem>> -> memref<1x128x128xf32, #tpu.memory_space<vmem>>
    %dma_wait3A_136 = tpu.memref_squeeze %dma_wait3A_135 : memref<1x128x128xf32, #tpu.memory_space<vmem>> -> memref<128x128xf32, #tpu.memory_space<vmem>>
    %dma_wait3A_137 = arith.constant 0 : i32
    %dma_wait3A_138 = arith.constant 0 : i32
    %dma_wait3A_139 = tpu.memref_slice %arg10[%dma_wait3A_137, %dma_wait3A_138] : memref<10112x128xf32, #tpu.memory_space<vmem_shared>> -> memref<128x128xf32, #tpu.memory_space<vmem_shared>>
    %dma_wait3A_140 = tpu.memref_slice %arg14[%rem3A_131] : memref<3x!tpu.dma_semaphore, #tpu.memory_space<semaphore_mem>> -> memref<1x!tpu.dma_semaphore, #tpu.memory_space<semaphore_mem>>
    %dma_wait3A_141 = tpu.memref_squeeze %dma_wait3A_140 : memref<1x!tpu.dma_semaphore, #tpu.memory_space<semaphore_mem>> -> memref<!tpu.dma_semaphore, #tpu.memory_space<semaphore_mem>>
    %dma_wait3A_142 = arith.constant 0 : i32
    %dma_wait3A_143 = arith.constant 0 : i32
    %dma_wait3A_144 = tpu.memref_slice %arg10[%dma_wait3A_142, %dma_wait3A_143] : memref<10112x128xf32, #tpu.memory_space<vmem_shared>> -> memref<128x128xf32, #tpu.memory_space<vmem_shared>>
    %dma_wait3A_145 = arith.constant 0 : i32
    %dma_wait3A_146 = arith.constant 0 : i32
    %dma_wait3A_147 = tpu.memref_slice %arg9[%dma_wait3A_132, %dma_wait3A_145, %dma_wait3A_146] : memref<3x128x128xf32, #tpu.memory_space<vmem>> -> memref<1x128x128xf32, #tpu.memory_space<vmem>>
    %dma_wait3A_148 = tpu.memref_squeeze %dma_wait3A_147 : memref<1x128x128xf32, #tpu.memory_space<vmem>> -> memref<128x128xf32, #tpu.memory_space<vmem>>
    tpu.wait_dma2 semaphore(%dma_wait3A_141 : memref<!tpu.dma_semaphore, #tpu.memory_space<semaphore_mem>>) src(%dma_wait3A_148 : memref<128x128xf32, #tpu.memory_space<vmem>>) dst(%dma_wait3A_144 : memref<128x128xf32, #tpu.memory_space<vmem_shared>>)
    %barrier3A_149 = arith.constant 0 : index
    tpu.barrier barrier_id(%barrier3A_149)
    "tpu.region"() ({
      %run_scoped3A = tpu.sem_alloc : memref<!tpu.dma_semaphore, #tpu.memory_space<semaphore_mem>>
      %dma_start3A_150 = arith.constant 0 : i32
      %dma_start3A_151 = tpu.memref_slice %arg6[%arg0, %mul3A_2, %dma_start3A_150] : memref<2x10112x128xf32, #tpu.memory_space<hbm>> -> memref<1x632x128xf32, #tpu.memory_space<hbm>>
      %dma_start3A_152 = tpu.memref_squeeze %dma_start3A_151 : memref<1x632x128xf32, #tpu.memory_space<hbm>> -> memref<632x128xf32, #tpu.memory_space<hbm>>
      %dma_start3A_153 = arith.constant 0 : i32
      %dma_start3A_154 = tpu.memref_slice %arg10[%mul3A_2, %dma_start3A_153] : memref<10112x128xf32, #tpu.memory_space<vmem_shared>> -> memref<632x128xf32, #tpu.memory_space<vmem_shared>>
      tpu.enqueue_dma source(%dma_start3A_154 : memref<632x128xf32, #tpu.memory_space<vmem_shared>>) target(%dma_start3A_152 : memref<632x128xf32, #tpu.memory_space<hbm>>) target_semaphore(%run_scoped3A : memref<!tpu.dma_semaphore, #tpu.memory_space<semaphore_mem>>)
      %dma_wait3A_155 = arith.constant 0 : i32
      %dma_wait3A_156 = tpu.memref_slice %arg6[%arg0, %mul3A_2, %dma_wait3A_155] : memref<2x10112x128xf32, #tpu.memory_space<hbm>> -> memref<1x632x128xf32, #tpu.memory_space<hbm>>
      %dma_wait3A_157 = tpu.memref_squeeze %dma_wait3A_156 : memref<1x632x128xf32, #tpu.memory_space<hbm>> -> memref<632x128xf32, #tpu.memory_space<hbm>>
      %dma_wait3A_158 = arith.constant 0 : i32
      %dma_wait3A_159 = tpu.memref_slice %arg10[%mul3A_2, %dma_wait3A_158] : memref<10112x128xf32, #tpu.memory_space<vmem_shared>> -> memref<632x128xf32, #tpu.memory_space<vmem_shared>>
      tpu.wait_dma2 semaphore(%run_scoped3A : memref<!tpu.dma_semaphore, #tpu.memory_space<semaphore_mem>>) src(%dma_wait3A_159 : memref<632x128xf32, #tpu.memory_space<vmem_shared>>) dst(%dma_wait3A_157 : memref<632x128xf32, #tpu.memory_space<hbm>>)
      tpu.yield
    }) : () -> ()
    return
  }
}

#map = affine_map<(d0, d1) -> (0, 0, 0)>
#map1 = affine_map<(d0, d1) -> (0, 0)>
module attributes {stable_mosaic.version = 14 : i64} {
  func.func @_agg_kernel(%arg0: i32, %arg1: i32, %arg2: memref<32x80x128xi32, #tpu.memory_space<hbm>>, %arg3: memref<32x80x128xi32, #tpu.memory_space<hbm>>, %arg4: memref<10112x128xf32, #tpu.memory_space<hbm>>, %arg5: memref<10112x128xf32, #tpu.memory_space<hbm>>, %arg6: memref<2x10112x128xf32, #tpu.memory_space<hbm>>, %arg7: memref<3x128xi32, #tpu.memory_space<vmem>>, %arg8: memref<4x128xi32, #tpu.memory_space<vmem>>, %arg9: memref<3x128x128xf32, #tpu.memory_space<vmem>>, %arg10: memref<10112x128xf32, #tpu.memory_space<vmem_shared>>, %arg11: memref<3x!tpu.dma_semaphore, #tpu.memory_space<semaphore_mem>>, %arg12: memref<4x!tpu.dma_semaphore, #tpu.memory_space<semaphore_mem>>, %arg13: memref<3x!tpu.dma_semaphore, #tpu.memory_space<semaphore_mem>>, %arg14: memref<3x!tpu.dma_semaphore, #tpu.memory_space<semaphore_mem>>) attributes {dimension_semantics = [#tpu.dimension_semantics<core_parallel>, #tpu.dimension_semantics<subcore_parallel>], iteration_bounds = array<i64: 2, 16>, scalar_prefetch = 0 : i64, scratch_operands = 8 : i64, tpu.core_type = #tpu.core_type<sc_vector_subcore>, window_params = [{transform_indices = #map}, {transform_indices = #map}, {transform_indices = #map1}, {transform_indices = #map1}, {transform_indices = #map}]} {
    %mul3A = arith.constant 16 : i32
    %mul3A_0 = arith.muli %arg0, %mul3A : i32
    %add3A = arith.addi %mul3A_0, %arg1 : i32
    %mul3A_1 = arith.constant 632 : i32
    %mul3A_2 = arith.muli %arg1, %mul3A_1 : i32
    "tpu.region"() ({
      %run_scoped3A = tpu.sem_alloc : memref<!tpu.dma_semaphore, #tpu.memory_space<semaphore_mem>>
      %dma_start3A_150 = arith.constant 0 : i32
      %dma_start3A_151 = tpu.memref_slice %arg10[%mul3A_2, %dma_start3A_150] : memref<10112x128xf32, #tpu.memory_space<vmem_shared>> -> memref<632x128xf32, #tpu.memory_space<vmem_shared>>
      %dma_start3A_152 = arith.constant 0 : i32
      %dma_start3A_153 = tpu.memref_slice %arg5[%mul3A_2, %dma_start3A_152] : memref<10112x128xf32, #tpu.memory_space<hbm>> -> memref<632x128xf32, #tpu.memory_space<hbm>>
      tpu.enqueue_dma source(%dma_start3A_153 : memref<632x128xf32, #tpu.memory_space<hbm>>) target(%dma_start3A_151 : memref<632x128xf32, #tpu.memory_space<vmem_shared>>) target_semaphore(%run_scoped3A : memref<!tpu.dma_semaphore, #tpu.memory_space<semaphore_mem>>)
      %dma_wait3A_154 = arith.constant 0 : i32
      %dma_wait3A_155 = tpu.memref_slice %arg10[%mul3A_2, %dma_wait3A_154] : memref<10112x128xf32, #tpu.memory_space<vmem_shared>> -> memref<632x128xf32, #tpu.memory_space<vmem_shared>>
      %dma_wait3A_156 = arith.constant 0 : i32
      %dma_wait3A_157 = tpu.memref_slice %arg5[%mul3A_2, %dma_wait3A_156] : memref<10112x128xf32, #tpu.memory_space<hbm>> -> memref<632x128xf32, #tpu.memory_space<hbm>>
      tpu.wait_dma2 semaphore(%run_scoped3A : memref<!tpu.dma_semaphore, #tpu.memory_space<semaphore_mem>>) src(%dma_wait3A_157 : memref<632x128xf32, #tpu.memory_space<hbm>>) dst(%dma_wait3A_155 : memref<632x128xf32, #tpu.memory_space<vmem_shared>>)
      tpu.yield
    }) : () -> ()
    %barrier3A = arith.constant 0 : index
    tpu.barrier barrier_id(%barrier3A)
    %scan3A = arith.constant 0 : i32
    %scan3A_3 = arith.constant 0 : i32
    %scan3A_4 = arith.constant 3 : i32
    %scan3A_5 = arith.addi %scan3A_3, %scan3A_4 : i32
    %scan3A_6 = arith.constant 1 : i32
    scf.for %scan3A_150 = %scan3A_3 to %scan3A_5 step %scan3A_6  : i32 {
      %rem3A_151 = arith.constant 3 : i32
      %rem3A_152 = arith.remsi %scan3A_150, %rem3A_151 : i32
      %rem3A_153 = arith.constant 3 : i32
      %rem3A_154 = arith.remsi %scan3A_150, %rem3A_153 : i32
      %dma_start3A_155 = arith.constant 0 : i32
      %dma_start3A_156 = tpu.memref_slice %arg7[%rem3A_152, %dma_start3A_155] : memref<3x128xi32, #tpu.memory_space<vmem>> -> memref<1x128xi32, #tpu.memory_space<vmem>>
      %dma_start3A_157 = tpu.memref_squeeze %dma_start3A_156 : memref<1x128xi32, #tpu.memory_space<vmem>> -> memref<128xi32, #tpu.memory_space<vmem>>
      %dma_start3A_158 = arith.constant 0 : i32
      %dma_start3A_159 = tpu.memref_slice %arg2[%add3A, %scan3A_150, %dma_start3A_158] : memref<32x80x128xi32, #tpu.memory_space<hbm>> -> memref<1x1x128xi32, #tpu.memory_space<hbm>>
      %dma_start3A_160 = tpu.memref_squeeze %dma_start3A_159 : memref<1x1x128xi32, #tpu.memory_space<hbm>> -> memref<128xi32, #tpu.memory_space<hbm>>
      %dma_start3A_161 = tpu.memref_slice %arg11[%rem3A_154] : memref<3x!tpu.dma_semaphore, #tpu.memory_space<semaphore_mem>> -> memref<1x!tpu.dma_semaphore, #tpu.memory_space<semaphore_mem>>
      %dma_start3A_162 = tpu.memref_squeeze %dma_start3A_161 : memref<1x!tpu.dma_semaphore, #tpu.memory_space<semaphore_mem>> -> memref<!tpu.dma_semaphore, #tpu.memory_space<semaphore_mem>>
      %dma_start3A_163 = arith.constant 0 : i32
      %dma_start3A_164 = tpu.memref_slice %arg7[%rem3A_152, %dma_start3A_163] : memref<3x128xi32, #tpu.memory_space<vmem>> -> memref<1x128xi32, #tpu.memory_space<vmem>>
      %dma_start3A_165 = tpu.memref_squeeze %dma_start3A_164 : memref<1x128xi32, #tpu.memory_space<vmem>> -> memref<128xi32, #tpu.memory_space<vmem>>
      %dma_start3A_166 = arith.constant 0 : i32
      %dma_start3A_167 = tpu.memref_slice %arg2[%add3A, %scan3A_150, %dma_start3A_166] : memref<32x80x128xi32, #tpu.memory_space<hbm>> -> memref<1x1x128xi32, #tpu.memory_space<hbm>>
      %dma_start3A_168 = tpu.memref_squeeze %dma_start3A_167 : memref<1x1x128xi32, #tpu.memory_space<hbm>> -> memref<128xi32, #tpu.memory_space<hbm>>
      tpu.enqueue_dma source(%dma_start3A_168 : memref<128xi32, #tpu.memory_space<hbm>>) target(%dma_start3A_165 : memref<128xi32, #tpu.memory_space<vmem>>) target_semaphore(%dma_start3A_162 : memref<!tpu.dma_semaphore, #tpu.memory_space<semaphore_mem>>)
      %rem3A_169 = arith.constant 4 : i32
      %rem3A_170 = arith.remsi %scan3A_150, %rem3A_169 : i32
      %rem3A_171 = arith.constant 4 : i32
      %rem3A_172 = arith.remsi %scan3A_150, %rem3A_171 : i32
      %dma_start3A_173 = arith.constant 0 : i32
      %dma_start3A_174 = tpu.memref_slice %arg8[%rem3A_170, %dma_start3A_173] : memref<4x128xi32, #tpu.memory_space<vmem>> -> memref<1x128xi32, #tpu.memory_space<vmem>>
      %dma_start3A_175 = tpu.memref_squeeze %dma_start3A_174 : memref<1x128xi32, #tpu.memory_space<vmem>> -> memref<128xi32, #tpu.memory_space<vmem>>
      %dma_start3A_176 = arith.constant 0 : i32
      %dma_start3A_177 = tpu.memref_slice %arg3[%add3A, %scan3A_150, %dma_start3A_176] : memref<32x80x128xi32, #tpu.memory_space<hbm>> -> memref<1x1x128xi32, #tpu.memory_space<hbm>>
      %dma_start3A_178 = tpu.memref_squeeze %dma_start3A_177 : memref<1x1x128xi32, #tpu.memory_space<hbm>> -> memref<128xi32, #tpu.memory_space<hbm>>
      %dma_start3A_179 = tpu.memref_slice %arg12[%rem3A_172] : memref<4x!tpu.dma_semaphore, #tpu.memory_space<semaphore_mem>> -> memref<1x!tpu.dma_semaphore, #tpu.memory_space<semaphore_mem>>
      %dma_start3A_180 = tpu.memref_squeeze %dma_start3A_179 : memref<1x!tpu.dma_semaphore, #tpu.memory_space<semaphore_mem>> -> memref<!tpu.dma_semaphore, #tpu.memory_space<semaphore_mem>>
      %dma_start3A_181 = arith.constant 0 : i32
      %dma_start3A_182 = tpu.memref_slice %arg8[%rem3A_170, %dma_start3A_181] : memref<4x128xi32, #tpu.memory_space<vmem>> -> memref<1x128xi32, #tpu.memory_space<vmem>>
      %dma_start3A_183 = tpu.memref_squeeze %dma_start3A_182 : memref<1x128xi32, #tpu.memory_space<vmem>> -> memref<128xi32, #tpu.memory_space<vmem>>
      %dma_start3A_184 = arith.constant 0 : i32
      %dma_start3A_185 = tpu.memref_slice %arg3[%add3A, %scan3A_150, %dma_start3A_184] : memref<32x80x128xi32, #tpu.memory_space<hbm>> -> memref<1x1x128xi32, #tpu.memory_space<hbm>>
      %dma_start3A_186 = tpu.memref_squeeze %dma_start3A_185 : memref<1x1x128xi32, #tpu.memory_space<hbm>> -> memref<128xi32, #tpu.memory_space<hbm>>
      tpu.enqueue_dma source(%dma_start3A_186 : memref<128xi32, #tpu.memory_space<hbm>>) target(%dma_start3A_183 : memref<128xi32, #tpu.memory_space<vmem>>) target_semaphore(%dma_start3A_180 : memref<!tpu.dma_semaphore, #tpu.memory_space<semaphore_mem>>)
    }
    %scan3A_7 = arith.constant 3 : i32
    %rem3A = arith.constant 0 : i32
    %rem3A_8 = arith.constant 3 : i32
    %rem3A_9 = arith.remsi %rem3A, %rem3A_8 : i32
    %dma_wait3A = arith.constant 0 : i32
    %dma_wait3A_10 = arith.constant 0 : i32
    %dma_wait3A_11 = arith.constant 0 : i32
    %dma_wait3A_12 = tpu.memref_slice %arg7[%dma_wait3A_10, %dma_wait3A_11] : memref<3x128xi32, #tpu.memory_space<vmem>> -> memref<1x128xi32, #tpu.memory_space<vmem>>
    %dma_wait3A_13 = tpu.memref_squeeze %dma_wait3A_12 : memref<1x128xi32, #tpu.memory_space<vmem>> -> memref<128xi32, #tpu.memory_space<vmem>>
    %dma_wait3A_14 = arith.constant 0 : i32
    %dma_wait3A_15 = tpu.memref_slice %arg2[%add3A, %dma_wait3A, %dma_wait3A_14] : memref<32x80x128xi32, #tpu.memory_space<hbm>> -> memref<1x1x128xi32, #tpu.memory_space<hbm>>
    %dma_wait3A_16 = tpu.memref_squeeze %dma_wait3A_15 : memref<1x1x128xi32, #tpu.memory_space<hbm>> -> memref<128xi32, #tpu.memory_space<hbm>>
    %dma_wait3A_17 = tpu.memref_slice %arg11[%rem3A_9] : memref<3x!tpu.dma_semaphore, #tpu.memory_space<semaphore_mem>> -> memref<1x!tpu.dma_semaphore, #tpu.memory_space<semaphore_mem>>
    %dma_wait3A_18 = tpu.memref_squeeze %dma_wait3A_17 : memref<1x!tpu.dma_semaphore, #tpu.memory_space<semaphore_mem>> -> memref<!tpu.dma_semaphore, #tpu.memory_space<semaphore_mem>>
    %dma_wait3A_19 = arith.constant 0 : i32
    %dma_wait3A_20 = tpu.memref_slice %arg7[%dma_wait3A_10, %dma_wait3A_19] : memref<3x128xi32, #tpu.memory_space<vmem>> -> memref<1x128xi32, #tpu.memory_space<vmem>>
    %dma_wait3A_21 = tpu.memref_squeeze %dma_wait3A_20 : memref<1x128xi32, #tpu.memory_space<vmem>> -> memref<128xi32, #tpu.memory_space<vmem>>
    %dma_wait3A_22 = arith.constant 0 : i32
    %dma_wait3A_23 = tpu.memref_slice %arg2[%add3A, %dma_wait3A, %dma_wait3A_22] : memref<32x80x128xi32, #tpu.memory_space<hbm>> -> memref<1x1x128xi32, #tpu.memory_space<hbm>>
    %dma_wait3A_24 = tpu.memref_squeeze %dma_wait3A_23 : memref<1x1x128xi32, #tpu.memory_space<hbm>> -> memref<128xi32, #tpu.memory_space<hbm>>
    tpu.wait_dma2 semaphore(%dma_wait3A_18 : memref<!tpu.dma_semaphore, #tpu.memory_space<semaphore_mem>>) src(%dma_wait3A_24 : memref<128xi32, #tpu.memory_space<hbm>>) dst(%dma_wait3A_21 : memref<128xi32, #tpu.memory_space<vmem>>)
    %rem3A_25 = arith.constant 0 : i32
    %rem3A_26 = arith.constant 4 : i32
    %rem3A_27 = arith.remsi %rem3A_25, %rem3A_26 : i32
    %dma_wait3A_28 = arith.constant 0 : i32
    %dma_wait3A_29 = arith.constant 0 : i32
    %dma_wait3A_30 = arith.constant 0 : i32
    %dma_wait3A_31 = tpu.memref_slice %arg7[%dma_wait3A_29, %dma_wait3A_30] : memref<3x128xi32, #tpu.memory_space<vmem>> -> memref<1x128xi32, #tpu.memory_space<vmem>>
    %dma_wait3A_32 = tpu.memref_squeeze %dma_wait3A_31 : memref<1x128xi32, #tpu.memory_space<vmem>> -> memref<128xi32, #tpu.memory_space<vmem>>
    %dma_wait3A_33 = arith.constant 0 : i32
    %dma_wait3A_34 = tpu.memref_slice %arg2[%add3A, %dma_wait3A_28, %dma_wait3A_33] : memref<32x80x128xi32, #tpu.memory_space<hbm>> -> memref<1x1x128xi32, #tpu.memory_space<hbm>>
    %dma_wait3A_35 = tpu.memref_squeeze %dma_wait3A_34 : memref<1x1x128xi32, #tpu.memory_space<hbm>> -> memref<128xi32, #tpu.memory_space<hbm>>
    %dma_wait3A_36 = tpu.memref_slice %arg12[%rem3A_27] : memref<4x!tpu.dma_semaphore, #tpu.memory_space<semaphore_mem>> -> memref<1x!tpu.dma_semaphore, #tpu.memory_space<semaphore_mem>>
    %dma_wait3A_37 = tpu.memref_squeeze %dma_wait3A_36 : memref<1x!tpu.dma_semaphore, #tpu.memory_space<semaphore_mem>> -> memref<!tpu.dma_semaphore, #tpu.memory_space<semaphore_mem>>
    %dma_wait3A_38 = arith.constant 0 : i32
    %dma_wait3A_39 = tpu.memref_slice %arg7[%dma_wait3A_29, %dma_wait3A_38] : memref<3x128xi32, #tpu.memory_space<vmem>> -> memref<1x128xi32, #tpu.memory_space<vmem>>
    %dma_wait3A_40 = tpu.memref_squeeze %dma_wait3A_39 : memref<1x128xi32, #tpu.memory_space<vmem>> -> memref<128xi32, #tpu.memory_space<vmem>>
    %dma_wait3A_41 = arith.constant 0 : i32
    %dma_wait3A_42 = tpu.memref_slice %arg2[%add3A, %dma_wait3A_28, %dma_wait3A_41] : memref<32x80x128xi32, #tpu.memory_space<hbm>> -> memref<1x1x128xi32, #tpu.memory_space<hbm>>
    %dma_wait3A_43 = tpu.memref_squeeze %dma_wait3A_42 : memref<1x1x128xi32, #tpu.memory_space<hbm>> -> memref<128xi32, #tpu.memory_space<hbm>>
    tpu.wait_dma2 semaphore(%dma_wait3A_37 : memref<!tpu.dma_semaphore, #tpu.memory_space<semaphore_mem>>) src(%dma_wait3A_43 : memref<128xi32, #tpu.memory_space<hbm>>) dst(%dma_wait3A_40 : memref<128xi32, #tpu.memory_space<vmem>>)
    %rem3A_44 = arith.constant 0 : i32
    %rem3A_45 = arith.constant 3 : i32
    %rem3A_46 = arith.remsi %rem3A_44, %rem3A_45 : i32
    %rem3A_47 = arith.constant 0 : i32
    %rem3A_48 = arith.constant 3 : i32
    %rem3A_49 = arith.remsi %rem3A_47, %rem3A_48 : i32
    %rem3A_50 = arith.constant 0 : i32
    %rem3A_51 = arith.constant 3 : i32
    %rem3A_52 = arith.remsi %rem3A_50, %rem3A_51 : i32
    %dma_start3A = arith.constant 0 : i32
    %dma_start3A_53 = arith.constant 0 : i32
    %dma_start3A_54 = tpu.memref_slice %arg9[%rem3A_49, %dma_start3A, %dma_start3A_53] : memref<3x128x128xf32, #tpu.memory_space<vmem>> -> memref<1x128x128xf32, #tpu.memory_space<vmem>>
    %dma_start3A_55 = tpu.memref_squeeze %dma_start3A_54 : memref<1x128x128xf32, #tpu.memory_space<vmem>> -> memref<128x128xf32, #tpu.memory_space<vmem>>
    %dma_start3A_56 = arith.constant 0 : i32
    %dma_start3A_57 = tpu.memref_slice %arg7[%rem3A_46, %dma_start3A_56] : memref<3x128xi32, #tpu.memory_space<vmem>> -> memref<1x128xi32, #tpu.memory_space<vmem>>
    %dma_start3A_58 = tpu.memref_squeeze %dma_start3A_57 : memref<1x128xi32, #tpu.memory_space<vmem>> -> memref<128xi32, #tpu.memory_space<vmem>>
    %dma_start3A_59 = arith.constant 0 : i32
    %dma_start3A_60 = arith.constant 0 : i32
    %dma_start3A_61 = tpu.memref_slice %arg4[%dma_start3A_59, %dma_start3A_60] : memref<10112x128xf32, #tpu.memory_space<hbm>> -> memref<10112x128xf32, #tpu.memory_space<hbm>>
    %dma_start3A_62 = tpu.memref_slice %arg13[%rem3A_52] : memref<3x!tpu.dma_semaphore, #tpu.memory_space<semaphore_mem>> -> memref<1x!tpu.dma_semaphore, #tpu.memory_space<semaphore_mem>>
    %dma_start3A_63 = tpu.memref_squeeze %dma_start3A_62 : memref<1x!tpu.dma_semaphore, #tpu.memory_space<semaphore_mem>> -> memref<!tpu.dma_semaphore, #tpu.memory_space<semaphore_mem>>
    tpu.enqueue_indirect_dma source(%dma_start3A_61 : memref<10112x128xf32, #tpu.memory_space<hbm>>) target(%dma_start3A_55 : memref<128x128xf32, #tpu.memory_space<vmem>>) offsets(%dma_start3A_58 : memref<128xi32, #tpu.memory_space<vmem>>) semaphore(%dma_start3A_63 : memref<!tpu.dma_semaphore, #tpu.memory_space<semaphore_mem>>)
    %rem3A_64 = arith.constant 1 : i32
    %rem3A_65 = arith.constant 3 : i32
    %rem3A_66 = arith.remsi %rem3A_64, %rem3A_65 : i32
    %dma_wait3A_67 = arith.constant 0 : i32
    %dma_wait3A_68 = arith.constant 0 : i32
    %dma_wait3A_69 = arith.constant 0 : i32
    %dma_wait3A_70 = tpu.memref_slice %arg7[%dma_wait3A_68, %dma_wait3A_69] : memref<3x128xi32, #tpu.memory_space<vmem>> -> memref<1x128xi32, #tpu.memory_space<vmem>>
    %dma_wait3A_71 = tpu.memref_squeeze %dma_wait3A_70 : memref<1x128xi32, #tpu.memory_space<vmem>> -> memref<128xi32, #tpu.memory_space<vmem>>
    %dma_wait3A_72 = arith.constant 0 : i32
    %dma_wait3A_73 = tpu.memref_slice %arg2[%add3A, %dma_wait3A_67, %dma_wait3A_72] : memref<32x80x128xi32, #tpu.memory_space<hbm>> -> memref<1x1x128xi32, #tpu.memory_space<hbm>>
    %dma_wait3A_74 = tpu.memref_squeeze %dma_wait3A_73 : memref<1x1x128xi32, #tpu.memory_space<hbm>> -> memref<128xi32, #tpu.memory_space<hbm>>
    %dma_wait3A_75 = tpu.memref_slice %arg11[%rem3A_66] : memref<3x!tpu.dma_semaphore, #tpu.memory_space<semaphore_mem>> -> memref<1x!tpu.dma_semaphore, #tpu.memory_space<semaphore_mem>>
    %dma_wait3A_76 = tpu.memref_squeeze %dma_wait3A_75 : memref<1x!tpu.dma_semaphore, #tpu.memory_space<semaphore_mem>> -> memref<!tpu.dma_semaphore, #tpu.memory_space<semaphore_mem>>
    %dma_wait3A_77 = arith.constant 0 : i32
    %dma_wait3A_78 = tpu.memref_slice %arg7[%dma_wait3A_68, %dma_wait3A_77] : memref<3x128xi32, #tpu.memory_space<vmem>> -> memref<1x128xi32, #tpu.memory_space<vmem>>
    %dma_wait3A_79 = tpu.memref_squeeze %dma_wait3A_78 : memref<1x128xi32, #tpu.memory_space<vmem>> -> memref<128xi32, #tpu.memory_space<vmem>>
    %dma_wait3A_80 = arith.constant 0 : i32
    %dma_wait3A_81 = tpu.memref_slice %arg2[%add3A, %dma_wait3A_67, %dma_wait3A_80] : memref<32x80x128xi32, #tpu.memory_space<hbm>> -> memref<1x1x128xi32, #tpu.memory_space<hbm>>
    %dma_wait3A_82 = tpu.memref_squeeze %dma_wait3A_81 : memref<1x1x128xi32, #tpu.memory_space<hbm>> -> memref<128xi32, #tpu.memory_space<hbm>>
    tpu.wait_dma2 semaphore(%dma_wait3A_76 : memref<!tpu.dma_semaphore, #tpu.memory_space<semaphore_mem>>) src(%dma_wait3A_82 : memref<128xi32, #tpu.memory_space<hbm>>) dst(%dma_wait3A_79 : memref<128xi32, #tpu.memory_space<vmem>>)
    %rem3A_83 = arith.constant 1 : i32
    %rem3A_84 = arith.constant 4 : i32
    %rem3A_85 = arith.remsi %rem3A_83, %rem3A_84 : i32
    %dma_wait3A_86 = arith.constant 0 : i32
    %dma_wait3A_87 = arith.constant 0 : i32
    %dma_wait3A_88 = arith.constant 0 : i32
    %dma_wait3A_89 = tpu.memref_slice %arg7[%dma_wait3A_87, %dma_wait3A_88] : memref<3x128xi32, #tpu.memory_space<vmem>> -> memref<1x128xi32, #tpu.memory_space<vmem>>
    %dma_wait3A_90 = tpu.memref_squeeze %dma_wait3A_89 : memref<1x128xi32, #tpu.memory_space<vmem>> -> memref<128xi32, #tpu.memory_space<vmem>>
    %dma_wait3A_91 = arith.constant 0 : i32
    %dma_wait3A_92 = tpu.memref_slice %arg2[%add3A, %dma_wait3A_86, %dma_wait3A_91] : memref<32x80x128xi32, #tpu.memory_space<hbm>> -> memref<1x1x128xi32, #tpu.memory_space<hbm>>
    %dma_wait3A_93 = tpu.memref_squeeze %dma_wait3A_92 : memref<1x1x128xi32, #tpu.memory_space<hbm>> -> memref<128xi32, #tpu.memory_space<hbm>>
    %dma_wait3A_94 = tpu.memref_slice %arg12[%rem3A_85] : memref<4x!tpu.dma_semaphore, #tpu.memory_space<semaphore_mem>> -> memref<1x!tpu.dma_semaphore, #tpu.memory_space<semaphore_mem>>
    %dma_wait3A_95 = tpu.memref_squeeze %dma_wait3A_94 : memref<1x!tpu.dma_semaphore, #tpu.memory_space<semaphore_mem>> -> memref<!tpu.dma_semaphore, #tpu.memory_space<semaphore_mem>>
    %dma_wait3A_96 = arith.constant 0 : i32
    %dma_wait3A_97 = tpu.memref_slice %arg7[%dma_wait3A_87, %dma_wait3A_96] : memref<3x128xi32, #tpu.memory_space<vmem>> -> memref<1x128xi32, #tpu.memory_space<vmem>>
    %dma_wait3A_98 = tpu.memref_squeeze %dma_wait3A_97 : memref<1x128xi32, #tpu.memory_space<vmem>> -> memref<128xi32, #tpu.memory_space<vmem>>
    %dma_wait3A_99 = arith.constant 0 : i32
    %dma_wait3A_100 = tpu.memref_slice %arg2[%add3A, %dma_wait3A_86, %dma_wait3A_99] : memref<32x80x128xi32, #tpu.memory_space<hbm>> -> memref<1x1x128xi32, #tpu.memory_space<hbm>>
    %dma_wait3A_101 = tpu.memref_squeeze %dma_wait3A_100 : memref<1x1x128xi32, #tpu.memory_space<hbm>> -> memref<128xi32, #tpu.memory_space<hbm>>
    tpu.wait_dma2 semaphore(%dma_wait3A_95 : memref<!tpu.dma_semaphore, #tpu.memory_space<semaphore_mem>>) src(%dma_wait3A_101 : memref<128xi32, #tpu.memory_space<hbm>>) dst(%dma_wait3A_98 : memref<128xi32, #tpu.memory_space<vmem>>)
    %rem3A_102 = arith.constant 1 : i32
    %rem3A_103 = arith.constant 3 : i32
    %rem3A_104 = arith.remsi %rem3A_102, %rem3A_103 : i32
    %rem3A_105 = arith.constant 1 : i32
    %rem3A_106 = arith.constant 3 : i32
    %rem3A_107 = arith.remsi %rem3A_105, %rem3A_106 : i32
    %rem3A_108 = arith.constant 1 : i32
    %rem3A_109 = arith.constant 3 : i32
    %rem3A_110 = arith.remsi %rem3A_108, %rem3A_109 : i32
    %dma_start3A_111 = arith.constant 0 : i32
    %dma_start3A_112 = arith.constant 0 : i32
    %dma_start3A_113 = tpu.memref_slice %arg9[%rem3A_107, %dma_start3A_111, %dma_start3A_112] : memref<3x128x128xf32, #tpu.memory_space<vmem>> -> memref<1x128x128xf32, #tpu.memory_space<vmem>>
    %dma_start3A_114 = tpu.memref_squeeze %dma_start3A_113 : memref<1x128x128xf32, #tpu.memory_space<vmem>> -> memref<128x128xf32, #tpu.memory_space<vmem>>
    %dma_start3A_115 = arith.constant 0 : i32
    %dma_start3A_116 = tpu.memref_slice %arg7[%rem3A_104, %dma_start3A_115] : memref<3x128xi32, #tpu.memory_space<vmem>> -> memref<1x128xi32, #tpu.memory_space<vmem>>
    %dma_start3A_117 = tpu.memref_squeeze %dma_start3A_116 : memref<1x128xi32, #tpu.memory_space<vmem>> -> memref<128xi32, #tpu.memory_space<vmem>>
    %dma_start3A_118 = arith.constant 0 : i32
    %dma_start3A_119 = arith.constant 0 : i32
    %dma_start3A_120 = tpu.memref_slice %arg4[%dma_start3A_118, %dma_start3A_119] : memref<10112x128xf32, #tpu.memory_space<hbm>> -> memref<10112x128xf32, #tpu.memory_space<hbm>>
    %dma_start3A_121 = tpu.memref_slice %arg13[%rem3A_110] : memref<3x!tpu.dma_semaphore, #tpu.memory_space<semaphore_mem>> -> memref<1x!tpu.dma_semaphore, #tpu.memory_space<semaphore_mem>>
    %dma_start3A_122 = tpu.memref_squeeze %dma_start3A_121 : memref<1x!tpu.dma_semaphore, #tpu.memory_space<semaphore_mem>> -> memref<!tpu.dma_semaphore, #tpu.memory_space<semaphore_mem>>
    tpu.enqueue_indirect_dma source(%dma_start3A_120 : memref<10112x128xf32, #tpu.memory_space<hbm>>) target(%dma_start3A_114 : memref<128x128xf32, #tpu.memory_space<vmem>>) offsets(%dma_start3A_117 : memref<128xi32, #tpu.memory_space<vmem>>) semaphore(%dma_start3A_122 : memref<!tpu.dma_semaphore, #tpu.memory_space<semaphore_mem>>)
    %scan3A_123 = arith.constant 0 : i32
    %scan3A_124 = arith.constant 0 : i32
    %scan3A_125 = arith.constant 80 : i32
    %scan3A_126 = arith.addi %scan3A_124, %scan3A_125 : i32
    %scan3A_127 = arith.constant 1 : i32
    scf.for %scan3A_150 = %scan3A_124 to %scan3A_126 step %scan3A_127  : i32 {
      %ge3A = arith.constant 1 : i32
      %ge3A_151 = arith.cmpi sge, %scan3A_150, %ge3A : i32
      %convert_element_type3A = arith.extui %ge3A_151 : i1 to i32
      %cond3A = arith.constant 0 : i32
      %cond3A_152 = arith.cmpi ne, %convert_element_type3A, %cond3A : i32
      scf.if %cond3A_152 {
        %sub3A = arith.constant 1 : i32
        %sub3A_203 = arith.subi %scan3A_150, %sub3A : i32
        %rem3A_204 = arith.constant 3 : i32
        %rem3A_205 = arith.remsi %sub3A_203, %rem3A_204 : i32
        %dma_wait3A_206 = arith.constant 0 : i32
        %dma_wait3A_207 = arith.constant 0 : i32
        %dma_wait3A_208 = arith.constant 0 : i32
        %dma_wait3A_209 = tpu.memref_slice %arg9[%dma_wait3A_206, %dma_wait3A_207, %dma_wait3A_208] : memref<3x128x128xf32, #tpu.memory_space<vmem>> -> memref<1x128x128xf32, #tpu.memory_space<vmem>>
        %dma_wait3A_210 = tpu.memref_squeeze %dma_wait3A_209 : memref<1x128x128xf32, #tpu.memory_space<vmem>> -> memref<128x128xf32, #tpu.memory_space<vmem>>
        %dma_wait3A_211 = arith.constant 0 : i32
        %dma_wait3A_212 = arith.constant 0 : i32
        %dma_wait3A_213 = tpu.memref_slice %arg10[%dma_wait3A_211, %dma_wait3A_212] : memref<10112x128xf32, #tpu.memory_space<vmem_shared>> -> memref<128x128xf32, #tpu.memory_space<vmem_shared>>
        %dma_wait3A_214 = tpu.memref_slice %arg14[%rem3A_205] : memref<3x!tpu.dma_semaphore, #tpu.memory_space<semaphore_mem>> -> memref<1x!tpu.dma_semaphore, #tpu.memory_space<semaphore_mem>>
        %dma_wait3A_215 = tpu.memref_squeeze %dma_wait3A_214 : memref<1x!tpu.dma_semaphore, #tpu.memory_space<semaphore_mem>> -> memref<!tpu.dma_semaphore, #tpu.memory_space<semaphore_mem>>
        %dma_wait3A_216 = arith.constant 0 : i32
        %dma_wait3A_217 = arith.constant 0 : i32
        %dma_wait3A_218 = tpu.memref_slice %arg10[%dma_wait3A_216, %dma_wait3A_217] : memref<10112x128xf32, #tpu.memory_space<vmem_shared>> -> memref<128x128xf32, #tpu.memory_space<vmem_shared>>
        %dma_wait3A_219 = arith.constant 0 : i32
        %dma_wait3A_220 = arith.constant 0 : i32
        %dma_wait3A_221 = tpu.memref_slice %arg9[%dma_wait3A_206, %dma_wait3A_219, %dma_wait3A_220] : memref<3x128x128xf32, #tpu.memory_space<vmem>> -> memref<1x128x128xf32, #tpu.memory_space<vmem>>
        %dma_wait3A_222 = tpu.memref_squeeze %dma_wait3A_221 : memref<1x128x128xf32, #tpu.memory_space<vmem>> -> memref<128x128xf32, #tpu.memory_space<vmem>>
        tpu.wait_dma2 semaphore(%dma_wait3A_215 : memref<!tpu.dma_semaphore, #tpu.memory_space<semaphore_mem>>) src(%dma_wait3A_222 : memref<128x128xf32, #tpu.memory_space<vmem>>) dst(%dma_wait3A_218 : memref<128x128xf32, #tpu.memory_space<vmem_shared>>)
      } else {
      }
      %rem3A_153 = arith.constant 3 : i32
      %rem3A_154 = arith.remsi %scan3A_150, %rem3A_153 : i32
      %dma_wait3A_155 = arith.constant 0 : i32
      %dma_wait3A_156 = arith.constant 0 : i32
      %dma_wait3A_157 = arith.constant 0 : i32
      %dma_wait3A_158 = tpu.memref_slice %arg9[%dma_wait3A_155, %dma_wait3A_156, %dma_wait3A_157] : memref<3x128x128xf32, #tpu.memory_space<vmem>> -> memref<1x128x128xf32, #tpu.memory_space<vmem>>
      %dma_wait3A_159 = tpu.memref_squeeze %dma_wait3A_158 : memref<1x128x128xf32, #tpu.memory_space<vmem>> -> memref<128x128xf32, #tpu.memory_space<vmem>>
      %dma_wait3A_160 = arith.constant 0 : i32
      %dma_wait3A_161 = arith.constant 0 : i32
      %dma_wait3A_162 = tpu.memref_slice %arg4[%dma_wait3A_160, %dma_wait3A_161] : memref<10112x128xf32, #tpu.memory_space<hbm>> -> memref<128x128xf32, #tpu.memory_space<hbm>>
      %dma_wait3A_163 = tpu.memref_slice %arg13[%rem3A_154] : memref<3x!tpu.dma_semaphore, #tpu.memory_space<semaphore_mem>> -> memref<1x!tpu.dma_semaphore, #tpu.memory_space<semaphore_mem>>
      %dma_wait3A_164 = tpu.memref_squeeze %dma_wait3A_163 : memref<1x!tpu.dma_semaphore, #tpu.memory_space<semaphore_mem>> -> memref<!tpu.dma_semaphore, #tpu.memory_space<semaphore_mem>>
      %dma_wait3A_165 = arith.constant 0 : i32
      %dma_wait3A_166 = arith.constant 0 : i32
      %dma_wait3A_167 = tpu.memref_slice %arg9[%dma_wait3A_155, %dma_wait3A_165, %dma_wait3A_166] : memref<3x128x128xf32, #tpu.memory_space<vmem>> -> memref<1x128x128xf32, #tpu.memory_space<vmem>>
      %dma_wait3A_168 = tpu.memref_squeeze %dma_wait3A_167 : memref<1x128x128xf32, #tpu.memory_space<vmem>> -> memref<128x128xf32, #tpu.memory_space<vmem>>
      %dma_wait3A_169 = arith.constant 0 : i32
      %dma_wait3A_170 = arith.constant 0 : i32
      %dma_wait3A_171 = tpu.memref_slice %arg4[%dma_wait3A_169, %dma_wait3A_170] : memref<10112x128xf32, #tpu.memory_space<hbm>> -> memref<128x128xf32, #tpu.memory_space<hbm>>
      tpu.wait_dma2 semaphore(%dma_wait3A_164 : memref<!tpu.dma_semaphore, #tpu.memory_space<semaphore_mem>>) src(%dma_wait3A_171 : memref<128x128xf32, #tpu.memory_space<hbm>>) dst(%dma_wait3A_168 : memref<128x128xf32, #tpu.memory_space<vmem>>)
      %rem3A_172 = arith.constant 3 : i32
      %rem3A_173 = arith.remsi %scan3A_150, %rem3A_172 : i32
      %rem3A_174 = arith.constant 4 : i32
      %rem3A_175 = arith.remsi %scan3A_150, %rem3A_174 : i32
      %rem3A_176 = arith.constant 3 : i32
      %rem3A_177 = arith.remsi %scan3A_150, %rem3A_176 : i32
      %dma_start3A_178 = arith.constant 0 : i32
      %dma_start3A_179 = arith.constant 0 : i32
      %dma_start3A_180 = tpu.memref_slice %arg9[%rem3A_173, %dma_start3A_178, %dma_start3A_179] : memref<3x128x128xf32, #tpu.memory_space<vmem>> -> memref<1x128x128xf32, #tpu.memory_space<vmem>>
      %dma_start3A_181 = tpu.memref_squeeze %dma_start3A_180 : memref<1x128x128xf32, #tpu.memory_space<vmem>> -> memref<128x128xf32, #tpu.memory_space<vmem>>
      %dma_start3A_182 = arith.constant 0 : i32
      %dma_start3A_183 = tpu.memref_slice %arg8[%rem3A_175, %dma_start3A_182] : memref<4x128xi32, #tpu.memory_space<vmem>> -> memref<1x128xi32, #tpu.memory_space<vmem>>
      %dma_start3A_184 = tpu.memref_squeeze %dma_start3A_183 : memref<1x128xi32, #tpu.memory_space<vmem>> -> memref<128xi32, #tpu.memory_space<vmem>>
      %dma_start3A_185 = arith.constant 0 : i32
      %dma_start3A_186 = arith.constant 0 : i32
      %dma_start3A_187 = tpu.memref_slice %arg10[%dma_start3A_185, %dma_start3A_186] : memref<10112x128xf32, #tpu.memory_space<vmem_shared>> -> memref<10112x128xf32, #tpu.memory_space<vmem_shared>>
      %dma_start3A_188 = tpu.memref_slice %arg14[%rem3A_177] : memref<3x!tpu.dma_semaphore, #tpu.memory_space<semaphore_mem>> -> memref<1x!tpu.dma_semaphore, #tpu.memory_space<semaphore_mem>>
      %dma_start3A_189 = tpu.memref_squeeze %dma_start3A_188 : memref<1x!tpu.dma_semaphore, #tpu.memory_space<semaphore_mem>> -> memref<!tpu.dma_semaphore, #tpu.memory_space<semaphore_mem>>
      tpu.enqueue_indirect_dma source(%dma_start3A_181 : memref<128x128xf32, #tpu.memory_space<vmem>>) target(%dma_start3A_187 : memref<10112x128xf32, #tpu.memory_space<vmem_shared>>) offsets(%dma_start3A_184 : memref<128xi32, #tpu.memory_space<vmem>>) semaphore(%dma_start3A_189 : memref<!tpu.dma_semaphore, #tpu.memory_space<semaphore_mem>>) {add = true}
      %add3A_190 = arith.constant 3 : i32
      %add3A_191 = arith.addi %scan3A_150, %add3A_190 : i32
      %lt3A = arith.constant 80 : i32
      %lt3A_192 = arith.cmpi slt, %add3A_191, %lt3A : i32
      %convert_element_type3A_193 = arith.extui %lt3A_192 : i1 to i32
      %cond3A_194 = arith.constant 0 : i32
      %cond3A_195 = arith.cmpi ne, %convert_element_type3A_193, %cond3A_194 : i32
      scf.if %cond3A_195 {
        %add3A_203 = arith.constant 3 : i32
        %add3A_204 = arith.addi %scan3A_150, %add3A_203 : i32
        %rem3A_205 = arith.constant 3 : i32
        %rem3A_206 = arith.remsi %add3A_204, %rem3A_205 : i32
        %rem3A_207 = arith.constant 3 : i32
        %rem3A_208 = arith.remsi %add3A_204, %rem3A_207 : i32
        %dma_start3A_209 = arith.constant 0 : i32
        %dma_start3A_210 = tpu.memref_slice %arg7[%rem3A_206, %dma_start3A_209] : memref<3x128xi32, #tpu.memory_space<vmem>> -> memref<1x128xi32, #tpu.memory_space<vmem>>
        %dma_start3A_211 = tpu.memref_squeeze %dma_start3A_210 : memref<1x128xi32, #tpu.memory_space<vmem>> -> memref<128xi32, #tpu.memory_space<vmem>>
        %dma_start3A_212 = arith.constant 0 : i32
        %dma_start3A_213 = tpu.memref_slice %arg2[%add3A, %add3A_204, %dma_start3A_212] : memref<32x80x128xi32, #tpu.memory_space<hbm>> -> memref<1x1x128xi32, #tpu.memory_space<hbm>>
        %dma_start3A_214 = tpu.memref_squeeze %dma_start3A_213 : memref<1x1x128xi32, #tpu.memory_space<hbm>> -> memref<128xi32, #tpu.memory_space<hbm>>
        %dma_start3A_215 = tpu.memref_slice %arg11[%rem3A_208] : memref<3x!tpu.dma_semaphore, #tpu.memory_space<semaphore_mem>> -> memref<1x!tpu.dma_semaphore, #tpu.memory_space<semaphore_mem>>
        %dma_start3A_216 = tpu.memref_squeeze %dma_start3A_215 : memref<1x!tpu.dma_semaphore, #tpu.memory_space<semaphore_mem>> -> memref<!tpu.dma_semaphore, #tpu.memory_space<semaphore_mem>>
        %dma_start3A_217 = arith.constant 0 : i32
        %dma_start3A_218 = tpu.memref_slice %arg7[%rem3A_206, %dma_start3A_217] : memref<3x128xi32, #tpu.memory_space<vmem>> -> memref<1x128xi32, #tpu.memory_space<vmem>>
        %dma_start3A_219 = tpu.memref_squeeze %dma_start3A_218 : memref<1x128xi32, #tpu.memory_space<vmem>> -> memref<128xi32, #tpu.memory_space<vmem>>
        %dma_start3A_220 = arith.constant 0 : i32
        %dma_start3A_221 = tpu.memref_slice %arg2[%add3A, %add3A_204, %dma_start3A_220] : memref<32x80x128xi32, #tpu.memory_space<hbm>> -> memref<1x1x128xi32, #tpu.memory_space<hbm>>
        %dma_start3A_222 = tpu.memref_squeeze %dma_start3A_221 : memref<1x1x128xi32, #tpu.memory_space<hbm>> -> memref<128xi32, #tpu.memory_space<hbm>>
        tpu.enqueue_dma source(%dma_start3A_222 : memref<128xi32, #tpu.memory_space<hbm>>) target(%dma_start3A_219 : memref<128xi32, #tpu.memory_space<vmem>>) target_semaphore(%dma_start3A_216 : memref<!tpu.dma_semaphore, #tpu.memory_space<semaphore_mem>>)
        %rem3A_223 = arith.constant 4 : i32
        %rem3A_224 = arith.remsi %add3A_204, %rem3A_223 : i32
        %rem3A_225 = arith.constant 4 : i32
        %rem3A_226 = arith.remsi %add3A_204, %rem3A_225 : i32
        %dma_start3A_227 = arith.constant 0 : i32
        %dma_start3A_228 = tpu.memref_slice %arg8[%rem3A_224, %dma_start3A_227] : memref<4x128xi32, #tpu.memory_space<vmem>> -> memref<1x128xi32, #tpu.memory_space<vmem>>
        %dma_start3A_229 = tpu.memref_squeeze %dma_start3A_228 : memref<1x128xi32, #tpu.memory_space<vmem>> -> memref<128xi32, #tpu.memory_space<vmem>>
        %dma_start3A_230 = arith.constant 0 : i32
        %dma_start3A_231 = tpu.memref_slice %arg3[%add3A, %add3A_204, %dma_start3A_230] : memref<32x80x128xi32, #tpu.memory_space<hbm>> -> memref<1x1x128xi32, #tpu.memory_space<hbm>>
        %dma_start3A_232 = tpu.memref_squeeze %dma_start3A_231 : memref<1x1x128xi32, #tpu.memory_space<hbm>> -> memref<128xi32, #tpu.memory_space<hbm>>
        %dma_start3A_233 = tpu.memref_slice %arg12[%rem3A_226] : memref<4x!tpu.dma_semaphore, #tpu.memory_space<semaphore_mem>> -> memref<1x!tpu.dma_semaphore, #tpu.memory_space<semaphore_mem>>
        %dma_start3A_234 = tpu.memref_squeeze %dma_start3A_233 : memref<1x!tpu.dma_semaphore, #tpu.memory_space<semaphore_mem>> -> memref<!tpu.dma_semaphore, #tpu.memory_space<semaphore_mem>>
        %dma_start3A_235 = arith.constant 0 : i32
        %dma_start3A_236 = tpu.memref_slice %arg8[%rem3A_224, %dma_start3A_235] : memref<4x128xi32, #tpu.memory_space<vmem>> -> memref<1x128xi32, #tpu.memory_space<vmem>>
        %dma_start3A_237 = tpu.memref_squeeze %dma_start3A_236 : memref<1x128xi32, #tpu.memory_space<vmem>> -> memref<128xi32, #tpu.memory_space<vmem>>
        %dma_start3A_238 = arith.constant 0 : i32
        %dma_start3A_239 = tpu.memref_slice %arg3[%add3A, %add3A_204, %dma_start3A_238] : memref<32x80x128xi32, #tpu.memory_space<hbm>> -> memref<1x1x128xi32, #tpu.memory_space<hbm>>
        %dma_start3A_240 = tpu.memref_squeeze %dma_start3A_239 : memref<1x1x128xi32, #tpu.memory_space<hbm>> -> memref<128xi32, #tpu.memory_space<hbm>>
        tpu.enqueue_dma source(%dma_start3A_240 : memref<128xi32, #tpu.memory_space<hbm>>) target(%dma_start3A_237 : memref<128xi32, #tpu.memory_space<vmem>>) target_semaphore(%dma_start3A_234 : memref<!tpu.dma_semaphore, #tpu.memory_space<semaphore_mem>>)
      } else {
      }
      %add3A_196 = arith.constant 2 : i32
      %add3A_197 = arith.addi %scan3A_150, %add3A_196 : i32
      %lt3A_198 = arith.constant 80 : i32
      %lt3A_199 = arith.cmpi slt, %add3A_197, %lt3A_198 : i32
      %convert_element_type3A_200 = arith.extui %lt3A_199 : i1 to i32
      %cond3A_201 = arith.constant 0 : i32
      %cond3A_202 = arith.cmpi ne, %convert_element_type3A_200, %cond3A_201 : i32
      scf.if %cond3A_202 {
        %add3A_203 = arith.constant 2 : i32
        %add3A_204 = arith.addi %scan3A_150, %add3A_203 : i32
        %rem3A_205 = arith.constant 3 : i32
        %rem3A_206 = arith.remsi %add3A_204, %rem3A_205 : i32
        %dma_wait3A_207 = arith.constant 0 : i32
        %dma_wait3A_208 = arith.constant 0 : i32
        %dma_wait3A_209 = arith.constant 0 : i32
        %dma_wait3A_210 = tpu.memref_slice %arg7[%dma_wait3A_208, %dma_wait3A_209] : memref<3x128xi32, #tpu.memory_space<vmem>> -> memref<1x128xi32, #tpu.memory_space<vmem>>
        %dma_wait3A_211 = tpu.memref_squeeze %dma_wait3A_210 : memref<1x128xi32, #tpu.memory_space<vmem>> -> memref<128xi32, #tpu.memory_space<vmem>>
        %dma_wait3A_212 = arith.constant 0 : i32
        %dma_wait3A_213 = tpu.memref_slice %arg2[%add3A, %dma_wait3A_207, %dma_wait3A_212] : memref<32x80x128xi32, #tpu.memory_space<hbm>> -> memref<1x1x128xi32, #tpu.memory_space<hbm>>
        %dma_wait3A_214 = tpu.memref_squeeze %dma_wait3A_213 : memref<1x1x128xi32, #tpu.memory_space<hbm>> -> memref<128xi32, #tpu.memory_space<hbm>>
        %dma_wait3A_215 = tpu.memref_slice %arg11[%rem3A_206] : memref<3x!tpu.dma_semaphore, #tpu.memory_space<semaphore_mem>> -> memref<1x!tpu.dma_semaphore, #tpu.memory_space<semaphore_mem>>
        %dma_wait3A_216 = tpu.memref_squeeze %dma_wait3A_215 : memref<1x!tpu.dma_semaphore, #tpu.memory_space<semaphore_mem>> -> memref<!tpu.dma_semaphore, #tpu.memory_space<semaphore_mem>>
        %dma_wait3A_217 = arith.constant 0 : i32
        %dma_wait3A_218 = tpu.memref_slice %arg7[%dma_wait3A_208, %dma_wait3A_217] : memref<3x128xi32, #tpu.memory_space<vmem>> -> memref<1x128xi32, #tpu.memory_space<vmem>>
        %dma_wait3A_219 = tpu.memref_squeeze %dma_wait3A_218 : memref<1x128xi32, #tpu.memory_space<vmem>> -> memref<128xi32, #tpu.memory_space<vmem>>
        %dma_wait3A_220 = arith.constant 0 : i32
        %dma_wait3A_221 = tpu.memref_slice %arg2[%add3A, %dma_wait3A_207, %dma_wait3A_220] : memref<32x80x128xi32, #tpu.memory_space<hbm>> -> memref<1x1x128xi32, #tpu.memory_space<hbm>>
        %dma_wait3A_222 = tpu.memref_squeeze %dma_wait3A_221 : memref<1x1x128xi32, #tpu.memory_space<hbm>> -> memref<128xi32, #tpu.memory_space<hbm>>
        tpu.wait_dma2 semaphore(%dma_wait3A_216 : memref<!tpu.dma_semaphore, #tpu.memory_space<semaphore_mem>>) src(%dma_wait3A_222 : memref<128xi32, #tpu.memory_space<hbm>>) dst(%dma_wait3A_219 : memref<128xi32, #tpu.memory_space<vmem>>)
        %rem3A_223 = arith.constant 4 : i32
        %rem3A_224 = arith.remsi %add3A_204, %rem3A_223 : i32
        %dma_wait3A_225 = arith.constant 0 : i32
        %dma_wait3A_226 = arith.constant 0 : i32
        %dma_wait3A_227 = arith.constant 0 : i32
        %dma_wait3A_228 = tpu.memref_slice %arg7[%dma_wait3A_226, %dma_wait3A_227] : memref<3x128xi32, #tpu.memory_space<vmem>> -> memref<1x128xi32, #tpu.memory_space<vmem>>
        %dma_wait3A_229 = tpu.memref_squeeze %dma_wait3A_228 : memref<1x128xi32, #tpu.memory_space<vmem>> -> memref<128xi32, #tpu.memory_space<vmem>>
        %dma_wait3A_230 = arith.constant 0 : i32
        %dma_wait3A_231 = tpu.memref_slice %arg2[%add3A, %dma_wait3A_225, %dma_wait3A_230] : memref<32x80x128xi32, #tpu.memory_space<hbm>> -> memref<1x1x128xi32, #tpu.memory_space<hbm>>
        %dma_wait3A_232 = tpu.memref_squeeze %dma_wait3A_231 : memref<1x1x128xi32, #tpu.memory_space<hbm>> -> memref<128xi32, #tpu.memory_space<hbm>>
        %dma_wait3A_233 = tpu.memref_slice %arg12[%rem3A_224] : memref<4x!tpu.dma_semaphore, #tpu.memory_space<semaphore_mem>> -> memref<1x!tpu.dma_semaphore, #tpu.memory_space<semaphore_mem>>
        %dma_wait3A_234 = tpu.memref_squeeze %dma_wait3A_233 : memref<1x!tpu.dma_semaphore, #tpu.memory_space<semaphore_mem>> -> memref<!tpu.dma_semaphore, #tpu.memory_space<semaphore_mem>>
        %dma_wait3A_235 = arith.constant 0 : i32
        %dma_wait3A_236 = tpu.memref_slice %arg7[%dma_wait3A_226, %dma_wait3A_235] : memref<3x128xi32, #tpu.memory_space<vmem>> -> memref<1x128xi32, #tpu.memory_space<vmem>>
        %dma_wait3A_237 = tpu.memref_squeeze %dma_wait3A_236 : memref<1x128xi32, #tpu.memory_space<vmem>> -> memref<128xi32, #tpu.memory_space<vmem>>
        %dma_wait3A_238 = arith.constant 0 : i32
        %dma_wait3A_239 = tpu.memref_slice %arg2[%add3A, %dma_wait3A_225, %dma_wait3A_238] : memref<32x80x128xi32, #tpu.memory_space<hbm>> -> memref<1x1x128xi32, #tpu.memory_space<hbm>>
        %dma_wait3A_240 = tpu.memref_squeeze %dma_wait3A_239 : memref<1x1x128xi32, #tpu.memory_space<hbm>> -> memref<128xi32, #tpu.memory_space<hbm>>
        tpu.wait_dma2 semaphore(%dma_wait3A_234 : memref<!tpu.dma_semaphore, #tpu.memory_space<semaphore_mem>>) src(%dma_wait3A_240 : memref<128xi32, #tpu.memory_space<hbm>>) dst(%dma_wait3A_237 : memref<128xi32, #tpu.memory_space<vmem>>)
        %add3A_241 = arith.constant 2 : i32
        %add3A_242 = arith.addi %scan3A_150, %add3A_241 : i32
        %rem3A_243 = arith.constant 3 : i32
        %rem3A_244 = arith.remsi %add3A_242, %rem3A_243 : i32
        %rem3A_245 = arith.constant 3 : i32
        %rem3A_246 = arith.remsi %add3A_242, %rem3A_245 : i32
        %rem3A_247 = arith.constant 3 : i32
        %rem3A_248 = arith.remsi %add3A_242, %rem3A_247 : i32
        %dma_start3A_249 = arith.constant 0 : i32
        %dma_start3A_250 = arith.constant 0 : i32
        %dma_start3A_251 = tpu.memref_slice %arg9[%rem3A_246, %dma_start3A_249, %dma_start3A_250] : memref<3x128x128xf32, #tpu.memory_space<vmem>> -> memref<1x128x128xf32, #tpu.memory_space<vmem>>
        %dma_start3A_252 = tpu.memref_squeeze %dma_start3A_251 : memref<1x128x128xf32, #tpu.memory_space<vmem>> -> memref<128x128xf32, #tpu.memory_space<vmem>>
        %dma_start3A_253 = arith.constant 0 : i32
        %dma_start3A_254 = tpu.memref_slice %arg7[%rem3A_244, %dma_start3A_253] : memref<3x128xi32, #tpu.memory_space<vmem>> -> memref<1x128xi32, #tpu.memory_space<vmem>>
        %dma_start3A_255 = tpu.memref_squeeze %dma_start3A_254 : memref<1x128xi32, #tpu.memory_space<vmem>> -> memref<128xi32, #tpu.memory_space<vmem>>
        %dma_start3A_256 = arith.constant 0 : i32
        %dma_start3A_257 = arith.constant 0 : i32
        %dma_start3A_258 = tpu.memref_slice %arg4[%dma_start3A_256, %dma_start3A_257] : memref<10112x128xf32, #tpu.memory_space<hbm>> -> memref<10112x128xf32, #tpu.memory_space<hbm>>
        %dma_start3A_259 = tpu.memref_slice %arg13[%rem3A_248] : memref<3x!tpu.dma_semaphore, #tpu.memory_space<semaphore_mem>> -> memref<1x!tpu.dma_semaphore, #tpu.memory_space<semaphore_mem>>
        %dma_start3A_260 = tpu.memref_squeeze %dma_start3A_259 : memref<1x!tpu.dma_semaphore, #tpu.memory_space<semaphore_mem>> -> memref<!tpu.dma_semaphore, #tpu.memory_space<semaphore_mem>>
        tpu.enqueue_indirect_dma source(%dma_start3A_258 : memref<10112x128xf32, #tpu.memory_space<hbm>>) target(%dma_start3A_252 : memref<128x128xf32, #tpu.memory_space<vmem>>) offsets(%dma_start3A_255 : memref<128xi32, #tpu.memory_space<vmem>>) semaphore(%dma_start3A_260 : memref<!tpu.dma_semaphore, #tpu.memory_space<semaphore_mem>>)
      } else {
      }
    }
    %scan3A_128 = arith.constant 80 : i32
    %rem3A_129 = arith.constant 79 : i32
    %rem3A_130 = arith.constant 3 : i32
    %rem3A_131 = arith.remsi %rem3A_129, %rem3A_130 : i32
    %dma_wait3A_132 = arith.constant 0 : i32
    %dma_wait3A_133 = arith.constant 0 : i32
    %dma_wait3A_134 = arith.constant 0 : i32
    %dma_wait3A_135 = tpu.memref_slice %arg9[%dma_wait3A_132, %dma_wait3A_133, %dma_wait3A_134] : memref<3x128x128xf32, #tpu.memory_space<vmem>> -> memref<1x128x128xf32, #tpu.memory_space<vmem>>
    %dma_wait3A_136 = tpu.memref_squeeze %dma_wait3A_135 : memref<1x128x128xf32, #tpu.memory_space<vmem>> -> memref<128x128xf32, #tpu.memory_space<vmem>>
    %dma_wait3A_137 = arith.constant 0 : i32
    %dma_wait3A_138 = arith.constant 0 : i32
    %dma_wait3A_139 = tpu.memref_slice %arg10[%dma_wait3A_137, %dma_wait3A_138] : memref<10112x128xf32, #tpu.memory_space<vmem_shared>> -> memref<128x128xf32, #tpu.memory_space<vmem_shared>>
    %dma_wait3A_140 = tpu.memref_slice %arg14[%rem3A_131] : memref<3x!tpu.dma_semaphore, #tpu.memory_space<semaphore_mem>> -> memref<1x!tpu.dma_semaphore, #tpu.memory_space<semaphore_mem>>
    %dma_wait3A_141 = tpu.memref_squeeze %dma_wait3A_140 : memref<1x!tpu.dma_semaphore, #tpu.memory_space<semaphore_mem>> -> memref<!tpu.dma_semaphore, #tpu.memory_space<semaphore_mem>>
    %dma_wait3A_142 = arith.constant 0 : i32
    %dma_wait3A_143 = arith.constant 0 : i32
    %dma_wait3A_144 = tpu.memref_slice %arg10[%dma_wait3A_142, %dma_wait3A_143] : memref<10112x128xf32, #tpu.memory_space<vmem_shared>> -> memref<128x128xf32, #tpu.memory_space<vmem_shared>>
    %dma_wait3A_145 = arith.constant 0 : i32
    %dma_wait3A_146 = arith.constant 0 : i32
    %dma_wait3A_147 = tpu.memref_slice %arg9[%dma_wait3A_132, %dma_wait3A_145, %dma_wait3A_146] : memref<3x128x128xf32, #tpu.memory_space<vmem>> -> memref<1x128x128xf32, #tpu.memory_space<vmem>>
    %dma_wait3A_148 = tpu.memref_squeeze %dma_wait3A_147 : memref<1x128x128xf32, #tpu.memory_space<vmem>> -> memref<128x128xf32, #tpu.memory_space<vmem>>
    tpu.wait_dma2 semaphore(%dma_wait3A_141 : memref<!tpu.dma_semaphore, #tpu.memory_space<semaphore_mem>>) src(%dma_wait3A_148 : memref<128x128xf32, #tpu.memory_space<vmem>>) dst(%dma_wait3A_144 : memref<128x128xf32, #tpu.memory_space<vmem_shared>>)
    %barrier3A_149 = arith.constant 0 : index
    tpu.barrier barrier_id(%barrier3A_149)
    "tpu.region"() ({
      %run_scoped3A = tpu.sem_alloc : memref<!tpu.dma_semaphore, #tpu.memory_space<semaphore_mem>>
      %dma_start3A_150 = arith.constant 0 : i32
      %dma_start3A_151 = tpu.memref_slice %arg6[%arg0, %mul3A_2, %dma_start3A_150] : memref<2x10112x128xf32, #tpu.memory_space<hbm>> -> memref<1x632x128xf32, #tpu.memory_space<hbm>>
      %dma_start3A_152 = tpu.memref_squeeze %dma_start3A_151 : memref<1x632x128xf32, #tpu.memory_space<hbm>> -> memref<632x128xf32, #tpu.memory_space<hbm>>
      %dma_start3A_153 = arith.constant 0 : i32
      %dma_start3A_154 = tpu.memref_slice %arg10[%mul3A_2, %dma_start3A_153] : memref<10112x128xf32, #tpu.memory_space<vmem_shared>> -> memref<632x128xf32, #tpu.memory_space<vmem_shared>>
      tpu.enqueue_dma source(%dma_start3A_154 : memref<632x128xf32, #tpu.memory_space<vmem_shared>>) target(%dma_start3A_152 : memref<632x128xf32, #tpu.memory_space<hbm>>) target_semaphore(%run_scoped3A : memref<!tpu.dma_semaphore, #tpu.memory_space<semaphore_mem>>)
      %dma_wait3A_155 = arith.constant 0 : i32
      %dma_wait3A_156 = tpu.memref_slice %arg6[%arg0, %mul3A_2, %dma_wait3A_155] : memref<2x10112x128xf32, #tpu.memory_space<hbm>> -> memref<1x632x128xf32, #tpu.memory_space<hbm>>
      %dma_wait3A_157 = tpu.memref_squeeze %dma_wait3A_156 : memref<1x632x128xf32, #tpu.memory_space<hbm>> -> memref<632x128xf32, #tpu.memory_space<hbm>>
      %dma_wait3A_158 = arith.constant 0 : i32
      %dma_wait3A_159 = tpu.memref_slice %arg10[%mul3A_2, %dma_wait3A_158] : memref<10112x128xf32, #tpu.memory_space<vmem_shared>> -> memref<632x128xf32, #tpu.memory_space<vmem_shared>>
      tpu.wait_dma2 semaphore(%run_scoped3A : memref<!tpu.dma_semaphore, #tpu.memory_space<semaphore_mem>>) src(%dma_wait3A_159 : memref<632x128xf32, #tpu.memory_space<vmem_shared>>) dst(%dma_wait3A_157 : memref<632x128xf32, #tpu.memory_space<hbm>>)
      tpu.yield
    }) : () -> ()
    return
  }
}

module attributes {stable_mosaic.version = 14 : i64} {
  func.func @_pre_body(%arg0: memref<2x10112x128xf32, #tpu.memory_space<vmem>>, %arg1: memref<10112x128xf32, #tpu.memory_space<vmem>>, %arg2: memref<128x128xf32, #tpu.memory_space<vmem>>, %arg3: memref<10112x128xf32, #tpu.memory_space<vmem>>, %arg4: memref<10112x1xf32, #tpu.memory_space<vmem>>, %arg5: memref<10112x1xf32, #tpu.memory_space<vmem>>) attributes {dimension_semantics = [], scalar_prefetch = 0 : i64, scratch_operands = 0 : i64, tpu.core_type = #tpu.core_type<tc>} {
    %get3A = arith.constant 0 : index
    %get3A_0 = arith.constant 0 : index
    %get3A_1 = arith.constant 0 : index
    %get3A_2 = vector.load %arg0[%get3A, %get3A_0, %get3A_1] : memref<2x10112x128xf32, #tpu.memory_space<vmem>>, vector<1x10112x1xf32>
    %get3A_3 = vector.shape_cast %get3A_2 : vector<1x10112x1xf32> to vector<10112x1xf32>
    %get3A_4 = arith.constant 1 : index
    %get3A_5 = arith.constant 0 : index
    %get3A_6 = arith.constant 0 : index
    %get3A_7 = vector.load %arg0[%get3A_4, %get3A_5, %get3A_6] : memref<2x10112x128xf32, #tpu.memory_space<vmem>>, vector<1x10112x1xf32>
    %get3A_8 = vector.shape_cast %get3A_7 : vector<1x10112x1xf32> to vector<10112x1xf32>
    %add3A = arith.addf %get3A_3, %get3A_8 : vector<10112x1xf32>
    %get3A_9 = arith.constant 0 : index
    %get3A_10 = arith.constant 0 : index
    %get3A_11 = arith.constant 1 : index
    %get3A_12 = vector.load %arg0[%get3A_9, %get3A_10, %get3A_11] : memref<2x10112x128xf32, #tpu.memory_space<vmem>>, vector<1x10112x1xf32>
    %get3A_13 = vector.shape_cast %get3A_12 : vector<1x10112x1xf32> to vector<10112x1xf32>
    %get3A_14 = arith.constant 1 : index
    %get3A_15 = arith.constant 0 : index
    %get3A_16 = arith.constant 1 : index
    %get3A_17 = vector.load %arg0[%get3A_14, %get3A_15, %get3A_16] : memref<2x10112x128xf32, #tpu.memory_space<vmem>>, vector<1x10112x1xf32>
    %get3A_18 = vector.shape_cast %get3A_17 : vector<1x10112x1xf32> to vector<10112x1xf32>
    %add3A_19 = arith.addf %get3A_13, %get3A_18 : vector<10112x1xf32>
    %add3A_20 = arith.constant 1.000000e+00 : f32
    %add3A_21 = vector.broadcast %add3A_20 : f32 to vector<10112x1xf32>
    %add3A_22 = arith.addf %add3A, %add3A_21 : vector<10112x1xf32>
    %rsqrt3A = math.rsqrt %add3A_22 : vector<10112x1xf32>
    %swap3A = arith.constant 0 : index
    %swap3A_23 = arith.constant 0 : index
    %swap3A_24 = vector.load %arg4[%swap3A, %swap3A_23] : memref<10112x1xf32, #tpu.memory_space<vmem>>, vector<10112x1xf32>
    tpu.vector_store %arg4[%swap3A, %swap3A_23], %rsqrt3A {strides = array<i32>} : memref<10112x1xf32, #tpu.memory_space<vmem>>, vector<10112x1xf32>,
    %add3A_25 = arith.constant 1.000000e+00 : f32
    %add3A_26 = vector.broadcast %add3A_25 : f32 to vector<10112x1xf32>
    %add3A_27 = arith.addf %add3A_19, %add3A_26 : vector<10112x1xf32>
    %rsqrt3A_28 = math.rsqrt %add3A_27 : vector<10112x1xf32>
    %swap3A_29 = arith.constant 0 : index
    %swap3A_30 = arith.constant 0 : index
    %swap3A_31 = vector.load %arg5[%swap3A_29, %swap3A_30] : memref<10112x1xf32, #tpu.memory_space<vmem>>, vector<10112x1xf32>
    tpu.vector_store %arg5[%swap3A_29, %swap3A_30], %rsqrt3A_28 {strides = array<i32>} : memref<10112x1xf32, #tpu.memory_space<vmem>>, vector<10112x1xf32>,
    %get3A_32 = arith.constant 0 : index
    %get3A_33 = arith.constant 0 : index
    %get3A_34 = vector.load %arg1[%get3A_32, %get3A_33] : memref<10112x128xf32, #tpu.memory_space<vmem>>, vector<10112x128xf32>
    %mul3A = vector.broadcast %rsqrt3A : vector<10112x1xf32> to vector<10112x128xf32>
    %mul3A_35 = arith.mulf %get3A_34, %mul3A : vector<10112x128xf32>
    %get3A_36 = arith.constant 0 : index
    %get3A_37 = arith.constant 0 : index
    %get3A_38 = vector.load %arg2[%get3A_36, %get3A_37] : memref<128x128xf32, #tpu.memory_space<vmem>>, vector<128x128xf32>
    %dot_general3A = arith.constant dense<0.000000e+00> : vector<10112x128xf32>
    %dot_general3A_39 = tpu.matmul %mul3A_35, %get3A_38, %dot_general3A {dimension_numbers = #tpu.dot_dimension_numbers<[1], [0], [0], [1], [0, 0, 1, 1], [], []>, transpose_lhs_hint = false} : vector<10112x128xf32>, vector<128x128xf32>, vector<10112x128xf32> -> vector<10112x128xf32>
    %swap3A_40 = arith.constant 0 : index
    %swap3A_41 = arith.constant 0 : index
    %swap3A_42 = vector.load %arg3[%swap3A_40, %swap3A_41] : memref<10112x128xf32, #tpu.memory_space<vmem>>, vector<10112x128xf32>
    tpu.vector_store %arg3[%swap3A_40, %swap3A_41], %dot_general3A_39 {strides = array<i32>} : memref<10112x128xf32, #tpu.memory_space<vmem>>, vector<10112x128xf32>,
    return
  }
}

module attributes {stable_mosaic.version = 14 : i64} {
  func.func @_mid_body(%arg0: memref<2x10112x128xf32, #tpu.memory_space<vmem>>, %arg1: memref<10112x128xf32, #tpu.memory_space<vmem>>, %arg2: memref<10112x1xf32, #tpu.memory_space<vmem>>, %arg3: memref<1x128xf32, #tpu.memory_space<vmem>>, %arg4: memref<10112x1xf32, #tpu.memory_space<vmem>>, %arg5: memref<128x128xf32, #tpu.memory_space<vmem>>, %arg6: memref<10112x128xf32, #tpu.memory_space<vmem>>) attributes {dimension_semantics = [], scalar_prefetch = 0 : i64, scratch_operands = 0 : i64, tpu.core_type = #tpu.core_type<tc>} {
    %get3A = arith.constant 0 : index
    %get3A_0 = arith.constant 0 : index
    %get3A_1 = arith.constant 0 : index
    %get3A_2 = vector.load %arg0[%get3A, %get3A_0, %get3A_1] : memref<2x10112x128xf32, #tpu.memory_space<vmem>>, vector<1x10112x128xf32>
    %get3A_3 = vector.shape_cast %get3A_2 : vector<1x10112x128xf32> to vector<10112x128xf32>
    %get3A_4 = arith.constant 1 : index
    %get3A_5 = arith.constant 0 : index
    %get3A_6 = arith.constant 0 : index
    %get3A_7 = vector.load %arg0[%get3A_4, %get3A_5, %get3A_6] : memref<2x10112x128xf32, #tpu.memory_space<vmem>>, vector<1x10112x128xf32>
    %get3A_8 = vector.shape_cast %get3A_7 : vector<1x10112x128xf32> to vector<10112x128xf32>
    %add3A = arith.addf %get3A_3, %get3A_8 : vector<10112x128xf32>
    %get3A_9 = arith.constant 0 : index
    %get3A_10 = arith.constant 0 : index
    %get3A_11 = vector.load %arg1[%get3A_9, %get3A_10] : memref<10112x128xf32, #tpu.memory_space<vmem>>, vector<10112x128xf32>
    %add3A_12 = arith.addf %add3A, %get3A_11 : vector<10112x128xf32>
    %get3A_13 = arith.constant 0 : index
    %get3A_14 = arith.constant 0 : index
    %get3A_15 = vector.load %arg2[%get3A_13, %get3A_14] : memref<10112x1xf32, #tpu.memory_space<vmem>>, vector<10112x1xf32>
    %mul3A = vector.broadcast %get3A_15 : vector<10112x1xf32> to vector<10112x128xf32>
    %mul3A_16 = arith.mulf %add3A_12, %mul3A : vector<10112x128xf32>
    %get3A_17 = arith.constant 0 : index
    %get3A_18 = arith.constant 0 : index
    %get3A_19 = vector.load %arg3[%get3A_17, %get3A_18] : memref<1x128xf32, #tpu.memory_space<vmem>>, vector<1x128xf32>
    %add3A_20 = vector.broadcast %get3A_19 : vector<1x128xf32> to vector<10112x128xf32>
    %add3A_21 = arith.addf %mul3A_16, %add3A_20 : vector<10112x128xf32>
    %max3A = arith.constant 0.000000e+00 : f32
    %max3A_22 = vector.broadcast %max3A : f32 to vector<10112x128xf32>
    %max3A_23 = arith.maximumf %add3A_21, %max3A_22 : vector<10112x128xf32>
    %get3A_24 = arith.constant 0 : index
    %get3A_25 = arith.constant 0 : index
    %get3A_26 = vector.load %arg4[%get3A_24, %get3A_25] : memref<10112x1xf32, #tpu.memory_space<vmem>>, vector<10112x1xf32>
    %mul3A_27 = vector.broadcast %get3A_26 : vector<10112x1xf32> to vector<10112x128xf32>
    %mul3A_28 = arith.mulf %max3A_23, %mul3A_27 : vector<10112x128xf32>
    %get3A_29 = arith.constant 0 : index
    %get3A_30 = arith.constant 0 : index
    %get3A_31 = vector.load %arg5[%get3A_29, %get3A_30] : memref<128x128xf32, #tpu.memory_space<vmem>>, vector<128x128xf32>
    %dot_general3A = arith.constant dense<0.000000e+00> : vector<10112x128xf32>
    %dot_general3A_32 = tpu.matmul %mul3A_28, %get3A_31, %dot_general3A {dimension_numbers = #tpu.dot_dimension_numbers<[1], [0], [0], [1], [0, 0, 1, 1], [], []>, transpose_lhs_hint = false} : vector<10112x128xf32>, vector<128x128xf32>, vector<10112x128xf32> -> vector<10112x128xf32>
    %swap3A = arith.constant 0 : index
    %swap3A_33 = arith.constant 0 : index
    %swap3A_34 = vector.load %arg6[%swap3A, %swap3A_33] : memref<10112x128xf32, #tpu.memory_space<vmem>>, vector<10112x128xf32>
    tpu.vector_store %arg6[%swap3A, %swap3A_33], %dot_general3A_32 {strides = array<i32>} : memref<10112x128xf32, #tpu.memory_space<vmem>>, vector<10112x128xf32>,
    return
  }
}

module attributes {stable_mosaic.version = 14 : i64} {
  func.func @_fin_body(%arg0: memref<2x10112x128xf32, #tpu.memory_space<vmem>>, %arg1: memref<10112x128xf32, #tpu.memory_space<vmem>>, %arg2: memref<10112x1xf32, #tpu.memory_space<vmem>>, %arg3: memref<1x128xf32, #tpu.memory_space<vmem>>, %arg4: memref<10112x128xf32, #tpu.memory_space<vmem>>) attributes {dimension_semantics = [], scalar_prefetch = 0 : i64, scratch_operands = 0 : i64, tpu.core_type = #tpu.core_type<tc>} {
    %get3A = arith.constant 0 : index
    %get3A_0 = arith.constant 0 : index
    %get3A_1 = arith.constant 0 : index
    %get3A_2 = vector.load %arg0[%get3A, %get3A_0, %get3A_1] : memref<2x10112x128xf32, #tpu.memory_space<vmem>>, vector<1x10112x128xf32>
    %get3A_3 = vector.shape_cast %get3A_2 : vector<1x10112x128xf32> to vector<10112x128xf32>
    %get3A_4 = arith.constant 1 : index
    %get3A_5 = arith.constant 0 : index
    %get3A_6 = arith.constant 0 : index
    %get3A_7 = vector.load %arg0[%get3A_4, %get3A_5, %get3A_6] : memref<2x10112x128xf32, #tpu.memory_space<vmem>>, vector<1x10112x128xf32>
    %get3A_8 = vector.shape_cast %get3A_7 : vector<1x10112x128xf32> to vector<10112x128xf32>
    %add3A = arith.addf %get3A_3, %get3A_8 : vector<10112x128xf32>
    %get3A_9 = arith.constant 0 : index
    %get3A_10 = arith.constant 0 : index
    %get3A_11 = vector.load %arg1[%get3A_9, %get3A_10] : memref<10112x128xf32, #tpu.memory_space<vmem>>, vector<10112x128xf32>
    %add3A_12 = arith.addf %add3A, %get3A_11 : vector<10112x128xf32>
    %get3A_13 = arith.constant 0 : index
    %get3A_14 = arith.constant 0 : index
    %get3A_15 = vector.load %arg2[%get3A_13, %get3A_14] : memref<10112x1xf32, #tpu.memory_space<vmem>>, vector<10112x1xf32>
    %mul3A = vector.broadcast %get3A_15 : vector<10112x1xf32> to vector<10112x128xf32>
    %mul3A_16 = arith.mulf %add3A_12, %mul3A : vector<10112x128xf32>
    %get3A_17 = arith.constant 0 : index
    %get3A_18 = arith.constant 0 : index
    %get3A_19 = vector.load %arg3[%get3A_17, %get3A_18] : memref<1x128xf32, #tpu.memory_space<vmem>>, vector<1x128xf32>
    %add3A_20 = vector.broadcast %get3A_19 : vector<1x128xf32> to vector<10112x128xf32>
    %add3A_21 = arith.addf %mul3A_16, %add3A_20 : vector<10112x128xf32>
    %swap3A = arith.constant 0 : index
    %swap3A_22 = arith.constant 0 : index
    %swap3A_23 = vector.load %arg4[%swap3A, %swap3A_22] : memref<10112x128xf32, #tpu.memory_space<vmem>>, vector<10112x128xf32>
    tpu.vector_store %arg4[%swap3A, %swap3A_22], %add3A_21 {strides = array<i32>} : memref<10112x128xf32, #tpu.memory_space<vmem>>, vector<10112x128xf32>,
    return
  }
}

</mosaic_0001>

<sc_bundles>
// kernel: kernel.12.cloned.1.call-start
scs
__scs_entry_jumppad:
0x0: {  	(pc) =	sbr.rel $0x88, $3  }
0x1: {  	(tag) =	ssettag $0x0;
	lr =	simm.s32 $0x1  }
0x2: {  	[smem:$0x3F99] =	sst lr;
	_ =	strace $0xD0000000  }
0x3: {  	_ = 	snop  }
0x4: {  	_ = 	snop  }
0x5: {  	_ = 	snop  }
0x6: {  	_ = 	snop  }
0x7: {  	_ = 	snop  }
__scs_overlays_trampoline_lowered:
0x8: {  	[smem:$0x3FA8] =	sst s0  }
0x9: {  	[smem:$0x3FA9] =	sst s1  }
0xa: {  	[smem:$0x3FAA] =	sst s2  }
0xb: {  	[smem:$0x3FAB] =	sst s3  }
0xc: {  	[smem:$0x3FAC] =	sst s4  }
0xd: {  	[smem:$0x3FAD] =	sst s5  }
0xe: {  	[smem:$0x3FAE] =	sst s6  }
0xf: {  	[smem:$0x3FAF] =	sst s7  }
0x10: {  	[smem:$0x3FB0] =	sst s8  }
0x11: {  	[smem:$0x3FB1] =	sst s9;
	s0 =	simm.s32 @!p0 $0x0  }
0x12: {  	s1 =	sld [smem:$0x3F97];
	s0 =	simm.s32 @p0 $0x1  }
0x13: {  	[smem:$0x3FB2] =	sst s0;
	s0 =	simm.s32 @!p1 $0x0  }
0x14: {  	s2 =	sld [smem:$0x3F96];
	s0 =	simm.s32 @p1 $0x1  }
0x15: {  	[smem:$0x3FB3] =	sst s0;
	s0 =	simm.s32 @!p2 $0x0  }
0x16: {  	s3 =	sld [smem:$0x3FDB];
	s0 =	simm.s32 @p2 $0x1  }
0x17: {  	s4 =	simm.s32 $0x1BF5;
	[smem:$0x3FB5] =	sst s0  }
0x18: {  	s0 =	sld [smem:$0x3F98];
	_ =	swait.ge [sflag:s4], $0x0  }
0x19: {  	s7 =	sld [smem:$0x3F99]  }
0x1a: {  	s8 =	sadd.s32 $0xFFFFE003, lr  }
0x1b: {  	s9 =	sadd.s32 $0xFFFFFEF7, lr;
	s5 =	simm.s32 $0xFFFFFFFF;
	p2 =	slt.u32 s8, $0xFFFFF086  }
0x1c: {  	p1 =	slt.u32 s9, $0xF7A;
	s5 =	simm.s32 @!p2 $0x0  }
0x1d: {  	s5 =	simm.s32 @p1 $0x1;
	p0 =	seq.s32 s7, s2  }
0x1e: {  	s7 =	smul.u32 @!p0 $0xF7A, s2;
	p2 =	seq.s32 @!p0 s5, $0x0  }
0x1f: {  	s9 =	smul.u32 $0xF7A, s1;
	s8 =	simm.s32 @!p0 $0x1BF5;
	p2 =	por !p2, p0  }
0x20: {  	[sflag:s8] =	ssyncset.s32 @!p0 $0xFFFFF086;
	s6 =	sadd.s32 @!p0 s3, s7;
	s7 =	simm.s32 @!p0 $0x108  }
0x21: {  	s3 =	sadd.s32 s3, s9;
	s6 =	sadd.s32 @!p0 $0x88, s6;
	s7 =	simm.s32 @p2 $0x1082  }
0x22: {  	[simem:s7], [sflag:s8] =	dma.local @!p0 [hbm:s6], $0xF7A  }
0x23: {  	s9 =	sor.u32 $0xD0000000, s2;
	s6 =	simm.s32 $0x108;
	_ =	swait.ge @!p0 [sflag:s8], $0x0  }
0x24: {  	s3 =	sadd.s32 $0x88, s3;
	s6 =	simm.s32 @!p1 $0x1082;
	[sflag:s4] =	ssyncset.s32 $0xFFFFF086  }
0x25: {  	[simem:s6], [sflag:s4] =	dma.local [hbm:s3], $0xF7A  }
0x26: {  	[smem:$0x3F99] =	sst s1;
	(tag) =	ssettag s2;
	_ =	strace s9  }
0x27: {  	s1 =	sld [smem:$0x3FA9]  }
0x28: {  	s2 =	sld [smem:$0x3FAA]  }
0x29: {  	s4 =	sld [smem:$0x3FAC]  }
0x2a: {  	p0 =	seq.s32 s5, $0x0;
	s5 =	sld [smem:$0x3FAD]  }
0x2b: {  	s6 =	sld [smem:$0x3FAE]  }
0x2c: {  	s7 =	sld [smem:$0x3FAF]  }
0x2d: {  	s3 =	simm.s32 $0x108;
	s8 =	sld [smem:$0x3FB0]  }
0x2e: {  	s3 =	simm.s32 @!p0 $0x1082;
	s9 =	sld [smem:$0x3FB1]  }
0x2f: {  	lr =	sadd.s32 s0, s3;
	s0 =	sld [smem:$0x3FA8]  }
0x30: {  	s3 =	sld [smem:$0x3FAB]  }
0x31: {  	[smem:$0x3FB4] =	sst s10  }
0x32: {  	s10 =	sld [smem:$0x3FB2];
	_ =	sdelay $0x3  }
0x33: {  	p0 =	seq.s32 s10, $0x1;
	s10 =	sld [smem:$0x3FB4];
	_ =	sdelay $0x3  }
0x34: {  	[smem:$0x3FB4] =	sst s10  }
0x35: {  	s10 =	sld [smem:$0x3FB3];
	_ =	sdelay $0x3  }
0x36: {  	p1 =	seq.s32 s10, $0x1;
	s10 =	sld [smem:$0x3FB4];
	_ =	sdelay $0x3  }
0x37: {  	[smem:$0x3FB4] =	sst s10  }
0x38: {  	s10 =	sld [smem:$0x3FB5]  }
0x39: {  	_ = 	snop;
	(pc) =	sbr.ind lr, $3  }
0x3a: {  	_ = 	snop  }
0x3b: {  	_ = 	snop  }
0x3c: {  	p2 =	seq.s32 s10, $0x1;
	s10 =	sld [smem:$0x3FB4]  }
0x3d: {  	_ =	shalt  }
0x3e: {  	_ =	shalt  }
0x3f: {  	_ =	shalt  }
0x40: {  	_ =	shalt  }
0x41: {  	_ =	shalt  }
0x42: {  	_ =	shalt  }
0x43: {  	_ =	shalt  }
0x44: {  	_ =	shalt  }
0x45: {  	_ =	shalt  }
0x46: {  	_ =	shalt  }
0x47: {  	_ =	shalt  }
0x48: {  	_ =	shalt  }
0x49: {  	_ =	shalt  }
0x4a: {  	_ =	shalt  }
0x4b: {  	_ =	shalt  }
0x4c: {  	_ =	shalt  }
0x4d: {  	_ =	shalt  }
0x4e: {  	_ =	shalt  }
0x4f: {  	_ =	shalt  }
0x50: {  	_ =	shalt  }
0x51: {  	_ =	shalt  }
0x52: {  	_ =	shalt  }
0x53: {  	_ =	shalt  }
0x54: {  	_ =	shalt  }
0x55: {  	_ =	shalt  }
0x56: {  	_ =	shalt  }
0x57: {  	_ =	shalt  }
0x58: {  	_ =	shalt  }
0x59: {  	_ =	shalt  }
0x5a: {  	_ =	shalt  }
0x5b: {  	_ =	shalt  }
0x5c: {  	_ =	shalt  }
0x5d: {  	_ =	shalt  }
0x5e: {  	_ =	shalt  }
0x5f: {  	_ =	shalt  }
0x60: {  	_ =	shalt  }
0x61: {  	_ =	shalt  }
0x62: {  	_ =	shalt  }
0x63: {  	_ =	shalt  }
0x64: {  	_ =	shalt  }
0x65: {  	_ =	shalt  }
0x66: {  	_ =	shalt  }
0x67: {  	_ =	shalt  }
0x68: {  	_ =	shalt  }
0x69: {  	_ =	shalt  }
0x6a: {  	_ =	shalt  }
0x6b: {  	_ =	shalt  }
0x6c: {  	_ =	shalt  }
0x6d: {  	_ =	shalt  }
0x6e: {  	_ =	shalt  }
0x6f: {  	_ =	shalt  }
0x70: {  	_ =	shalt  }
0x71: {  	_ =	shalt  }
0x72: {  	_ =	shalt  }
0x73: {  	_ =	shalt  }
0x74: {  	_ =	shalt  }
0x75: {  	_ =	shalt  }
0x76: {  	_ =	shalt  }
0x77: {  	_ =	shalt  }
0x78: {  	_ =	shalt  }
0x79: {  	_ =	shalt  }
0x7a: {  	_ =	shalt  }
0x7b: {  	_ =	shalt  }
0x7c: {  	_ =	shalt  }
0x7d: {  	_ =	shalt  }
0x7e: {  	_ =	shalt  }
0x7f: {  	_ =	shalt  }
0x80: {  	_ =	shalt  }
0x81: {  	_ =	shalt  }
0x82: {  	_ =	shalt  }
0x83: {  	_ =	shalt  }
0x84: {  	_ =	shalt  }
0x85: {  	_ =	shalt  }
0x86: {  	_ =	shalt  }
0x87: {  	_ =	shalt  }
.Lfunc_end0:
.L_simem_size_0:
called_computation_lowered:
.L_overlay_start_0:
0x88: {  	s2 =	sld [smem:$0x3FD9]  }
0x89: {  	s3 =	sld [smem:$0x3FFE];
	_ =	sdelay $0x1  }
0x8a: {  	s1 =	srdreg.scid  }
0x8b: {  	s0 =	sand.u32 $0x1, s1  }
0x8c: {  	s17 =	sshll.u32 s0, $0xA;
	s2 =	sadd.s32 s3, s2  }
0x8d: {  	s2 =	sadd.s32 s2, s17  }
0x8e: {  	[smem:$0x3FC0] =	sst s2  }
0x8f: {  	_ = 	snop  }
0x90: {  	s2 =	sld [smem:$0x3FD0];
	(tm) =	ssettm $0x1  }
0x91: {  	s18 =	sld [smem:$0x3FFB];
	_ =	sdelay $0x3  }
0x92: {  	_ =	strace s18  }
0x93: {  	s3 =	sld [smem:$0x3FFC];
	_ =	sdelay $0x3  }
0x94: {  	_ =	strace s3  }
0x95: {  	s3 =	sld [smem:$0x3FFD];
	_ =	sdelay $0x3  }
0x96: {  	_ =	strace s3  }
0x97: {  	_ =	strace $0x8FFFFFFF  }
0x98: {  	s19 =	sld [smem:$0x3FDB];
	_ =	sdelay $0x1  }
0x99: {  	s4 =	simm.s32 $_scs_section_size  }
0x9a: {  	s5 =	simm.s32 $_size__tile_overlayer_lowered;
	s6 =	simm.s32 $_tile_overlayer_lowered  }
0x9b: {  	s22 =	simm.s32 $0x1BFF;
	s21 =	sshll.u32 s6, $0x1;
	s3 =	sadd.s32 s4, s19  }
0x9c: {  	s7 =	simm.s32 $0x0;
	s20 =	sshll.u32 s5, $0x1;
	s5 =	sadd.s32 s21, s3  }
0x9d: {  	[timem:s7], [sflag:s22] =	dma.local [hbm:s5], s20  }
0x9e: {  	_ =	swait.ge [sflag:s22], s20  }
0x9f: {  	s4 =	ssub.s32 $0x0, s20;
	[sflag:s22] =	ssyncset.done $0x0  }
0xa0: {  	[sflag:s22] =	ssyncadd.s32 s4;
	_ =	sdelay $0x1  }
0xa1: {  	s23 =	simm.s32 $0x1B8B  }
0xa2: {  	_ =	swait.ge [sflag:s23], $0x1  }
0xa3: {  	[sflag:s23] =	ssyncset.done $0x0  }
0xa4: {  	s25 =	simm.s32 $0x1B8E;
	s24 =	sld [smem:$0x3FFE];
	[sflag:s23] =	ssyncadd.s32 $0xFFFFFFFF  }
0xa5: {  	s26 =	simm.s32 $execute0_lowered;
	[smem:$0x3FD2] =	sst s25  }
0xa6: {  	s5 =	sshll.u32 s26, $0x1;
	_ =	strace $0x80000046;
	[dreg:$0x1] =	wrdreg $0xFFFFFFFF  }
0xa7: {  	s28 =	simm.s32 $_size_execute0_lowered;
	s3 =	sadd.s32 s3, s5;
	[dreg:$0x0] =	wrdreg $0x0  }
0xa8: {  	s5 =	sshll.u32 s28, $0x1;
	[dreg:$0x2] =	wrdreg s3  }
0xa9: {  	[dreg:$0x3] =	wrdreg s5  }
0xaa: {  	[dreg:$0x4] =	wrdreg $0xC0  }
0xab: {  	_ =	task [dreg:s7], $0x5FFFF  }
0xac: {  	[dreg:$0x1] =	wrdreg $0xFFFFFFFF  }
0xad: {  	[dreg:$0x0] =	wrdreg $0x60  }
0xae: {  	[dreg:$0x2] =	wrdreg s24  }
0xaf: {  	[dreg:$0x3] =	wrdreg s2  }
0xb0: {  	[dreg:$0x4] =	wrdreg $0xAA000  }
0xb1: {  	[dreg:$0x5] =	wrdreg $0x9  }
0xb2: {  	_ =	task.clear_ibuf [dreg:s7], $0x6FFFF;
	_ =	strace $0x90000046  }
0xb3: {  	s29 =	simm.s32 $0x9;
	_ =	strace $0x80000048  }
0xb4: {  	_ =	swait.ge [sflag:s29], $0x1  }
0xb5: {  	[sflag:s29] =	ssyncadd.s32 $0xFFFFFFFF  }
0xb6: {  	_ =	strace $0x90000048  }
0xb7: {  	_ =	sfence  }
0xb8: {  	s30 =	sld [smem:$0x0];
	_ =	sdelay $0x2  }
0xb9: {  	s31 =	sshll.u32 s1, $0xD;
	s1 =	sshrl.u32 s1, $0x2  }
0xba: {  	s3 =	sand.u32 $0x4000, s31;
	s1 =	sadd.s32 s1, s30  }
0xbb: {  	s0 =	sor.u32 s3, s0;
	s1 =	sshll.u32 s1, $0x11  }
0xbc: {  	s0 =	sor.u32 s1, s0  }
0xbd: {  	s0 =	sadd.s32 $0x8F2B, s0  }
0xbe: {  	[sflag:s0] =	ssyncadd.remote.s32 $0x1  }
0xbf: {  	_ =	sfence.sel $0xFFFF  }
0xc0: {  	[dreg:$0x0] =	wrdreg $0xFFFFFFFF;
	(pc) =	sbr.abs _section_cstart, $3  }
0xc1: {  	[dreg:$0x1] =	wrdreg $0xFFFFFFFF  }
0xc2: {  	_ =	task.clear_ibuf [dreg:s7], $0x2FFFF;
	_ =	strace $0x9FFFFFFF  }
0xc3: {  	(tm) =	ssettm $0x7FFFFFFF  }
tec
execute0_lowered:
.L_overlay_start_1:
0x0: {  	(tag) =	ssettag $0x1  }
0x1: {  	s9 =	rddreg [dreg:$0x0]  }
0x2: {  	s0 =	srdreg.scid;
	s2 =	rddreg [dreg:$0x1]  }
0x3: {  	s3 =	rddreg [dreg:$0x2];
	s5 =	simm.s32 $0x0;
	s18 =	simm.s32 $0x2800  }
0x4: {  	s19 =	simm.s32 $0x80;
	s20 =	simm.s32 $0x7;
	s21 =	simm.s32 $0x4  }
0x5: {  	s22 =	simm.s32 $0x5;
	s8 =	sand.u32 $0x1, s0;
	s0 =	stileid.u32  }
0x6: {  	s23 =	simm.s32 $0x0;
	[smem:$0x7FF] =	sst s5;
	s10 =	smul.u32 $0x13C00, s0  }
0x7: {  	s6 =	sadd.s32 $0xE400, s9;
	s7 =	sadd.s32 $0xDC00, s9;
	s13 =	smul.u32 $0x13C000, s8  }
0x8: {  	s1 =	sshll.u32 s8, $0x4;
	s8 =	ssub.s32 $0x2, s8;
	s29 =	smul.u32 $0x4F000, s0  }
0x9: {  	s31 =	sshll.u32 s0, $0x6;
	s1 =	sor.u32 s0, s1;
	s15 =	sshrl.u32 s8, $0x1  }
0xa: {  	s4 =	smul.u32 $0x2800, s1;
	s1 =	rddreg [dreg:$0x3];
	_ =	strace $0x80000047  }
0xb: {  	s14 =	sshrl.u32 s10, $0x3;
	s10 =	sadd.s32 s10, s13;
	s15 =	ssub.s32 s8, s15  }
0xc: {  	s30 =	sshrl.u32 s29, $0x2;
	s14 =	sadd.s32 s14, s9;
	s10 =	sshrl.u32 s10, $0x3  }
.Ltmp0:
0xd: {  	s17 =	sadd.s32 s30, s3;
	s13 =	smax.u32 s15, $0x1;
	(pc) =	sbr.rel .LBB2_1-.Ltmp0, $4  }
0xe: {  	s15 =	simm.s32 $0x8;
	s11 =	sshrl.u32 s4, $0x3;
	s16 =	sadd.s32 s10, s9  }
0xf: {  	s8 =	sadd.s32 $0xEC00, s14;
	s14 =	sshrl.u32 s17, $0x3;
	s17 =	simm.s32 $0x6A00  }
0x10: {  	s12 =	sadd.s32 s11, s9;
	s9 =	sor.u32 $0x1C08, s31;
	s11 =	sadd.s32 s2, s11  }
0x11: {  	s10 =	sadd.s32 $0x3C00, s12;
	s12 =	sadd.s32 $0x36400, s16;
	s16 =	simm.s32 $0x2A00  }
.LBB2_6:
0x12: {  	_ =	swait.ge [sflag:s20], $0x4000  }
0x13: {  	[sflag:s20] =	ssyncset.done $0x0  }
0x14: {  	[sflag:s20] =	ssyncadd.s32 $0xFFFFC000  }
0x15: {  	_ =	swait.ge [sflag:s20], $0x4000  }
0x16: {  	[sflag:s20] =	ssyncset.done $0x0  }
0x17: {  	[sflag:s20] =	ssyncadd.s32 $0xFFFFC000  }
0x18: {  	_ =	swait.ge [sflag:s21], $0x4000  }
0x19: {  	[sflag:s21] =	ssyncset.done $0x0  }
0x1a: {  	[sflag:s21] =	ssyncadd.s32 $0xFFFFC000  }
0x1b: {  	_ =	swait.ge [sflag:s22], $0x4000  }
0x1c: {  	s23 =	sadd.s32 $0x1, s23;
	[sflag:s22] =	ssyncset.done $0x0  }
0x1d: {  	p0 =	sne.s32 s23, s13;
	[sflag:s22] =	ssyncadd.s32 $0xFFFFC000  }
.Ltmp1:
0x1e: {  	[bflag:$0x0] =	sbarrier.arrive $0xFFFF;
	(pc) =	sbr.rel @!p0 .LBB2_7-.Ltmp1, $4  }
0x1f: {  	[hbm:s12], [sflag:s9] =	dma.local [spmem:s14], $0x2780  }
0x20: {  	_ =	swait.ge [sflag:s15], $0x2780  }
0x21: {  	[sflag:s15] =	ssyncset.done $0x0  }
0x22: {  	[sflag:s15] =	ssyncadd.s32 $0xFFFFD880  }
.LBB2_1:
0x23: {  	[spmem:s14], [sflag:s9] =	dma.local [hbm:s8], $0x2780  }
0x24: {  	_ =	swait.ge [sflag:s15], $0x2780  }
0x25: {  	[sflag:s15] =	ssyncset.done $0x0  }
0x26: {  	[sflag:s15] =	ssyncadd.s32 $0xFFFFD880  }
0x27: {  	[tilespmem:s16], [sflag:$0x8] =	stream.linear.gather [hbm4b:s6+s5], $0x4000, $0x38;
	[tilespmem:$0x1E600] =	vst v63  }
0x28: {  	_ =	swait.ge [sflag:s15], $0x4000  }
0x29: {  	[sflag:s15] =	ssyncset.done $0x0  }
0x2a: {  	[sflag:s15] =	ssyncadd.s32 $0xFFFFC000  }
0x2b: {  	[tilespmem:s17], [sflag:$0x8] =	stream.linear.gather [hbm4b:s7+s5], $0x4000, $0x38;
	[tilespmem:$0x1E600] =	vst v63  }
0x2c: {  	_ =	swait.ge [sflag:s15], $0x4000  }
0x2d: {  	[sflag:s15] =	ssyncset.done $0x0  }
0x2e: {  	[sflag:s15] =	ssyncadd.s32 $0xFFFFC000  }
0x2f: {  	[tilespmem:s5], [sflag:$0x8] =	stream.linear.gather [hbm4b:s10+s5], $0x2800, $0x38;
	[tilespmem:$0x1E600] =	vst v63  }
.Ltmp2:
0x30: {  	_ =	swait.ge [sflag:s15], $0x2800;
	(pc) =	sbr.rel .LBB2_2-.Ltmp2, $4  }
0x31: {  	[sflag:s15] =	ssyncset.done $0x0  }
0x32: {  	[sflag:s15] =	ssyncadd.s32 $0xFFFFD800  }
0x33: {  	s24 =	simm.s32 $0x0;
	[bflag:$0x0] =	sbarrier.arrive $0xFFFF  }
0x34: {  	[tilespmem:s18], [sflag:$0x1] =	stream.linear.gather [hbm4b:s11+s5], $0x80, $0x38;
	[tilespmem:$0x1E600] =	vst v63  }
.LBB2_4:
0x35: {  	s25 =	sadd.s32 $0x1, s24  }
0x36: {  	s28 =	smov.u32 s24;
	s26 =	smul.u32 $0xAB, s25  }
0x37: {  	s28 =	smov.u32 @p0 s24  }
0x38: {  	s31 =	sand.u32 $0xFF, s28;
	s26 =	sshrl.u32 s26, $0x9  }
0x39: {  	s29 =	sshll.u32 s25, $0x7;
	s31 =	smul.u32 $0xAB, s31;
	s26 =	sand.u32 $0x7F, s26  }
0x3a: {  	s30 =	sand.u32 $0x7C00, s29;
	s26 =	smul.u32 $0x3, s26  }
0x3b: {  	s29 =	sand.u32 $0x380, s29;
	s30 =	sadd.s32 s4, s30  }
0x3c: {  	s29 =	sor.u32 s29, s30;
	s31 =	sshrl.u32 s31, $0x9;
	s26 =	ssub.s32 s25, s26  }
0x3d: {  	s29 =	sshrl.u32 s29, $0x3;
	s31 =	smul.u32 $0x3, s31;
	s26 =	sand.u32 $0xFF, s26  }
0x3e: {  	s29 =	sadd.s32 s2, s29;
	s30 =	sshll.u32 s26, $0x7  }
0x3f: {  	s31 =	ssub.s32 s28, s31;
	s26 =	sadd.s32 $0x1, s26;
	s30 =	sor.u32 $0x2800, s30  }
0x40: {  	[tilespmem:s30], [sflag:s26] =	stream.linear.gather [hbm4b:s29+s5], $0x80, $0x38;
	[tilespmem:$0x1E600] =	vst v63  }
0x41: {  	s26 =	sand.u32 $0xFF, s31  }
.LBB2_5:
0x42: {  	s24 =	sshll.u32 s24, $0x7  }
0x43: {  	p0 =	slt.u32 s25, $0x50;
	s24 =	sand.u32 $0x3FFFFF80, s24  }
0x44: {  	[spmem:s3] =	stream.indirect.scatter.add.f32 [tilespmem:s16], [sflag:$0x7], $0x80, s24, s19, $0xb8;
	[tilespmem:$0x1E600] =	vst v63  }
.Ltmp3:
0x45: {  	s29 =	sadd.s32 $0x1, s26;
	(pc) =	sbr.rel @!p0 .LBB2_6-.Ltmp3, $4  }
0x46: {  	_ =	swait.ge [sflag:s29], $0x80  }
0x47: {  	s28 =	sshll.u32 s26, $0x7;
	s31 =	sadd.s32 $0x4, s26;
	[sflag:s29] =	ssyncset.done $0x0  }
0x48: {  	s30 =	sadd.s32 $0x2800, s28;
	s24 =	smov.u32 s25;
	[sflag:s29] =	ssyncadd.s32 $0xFFFFFF80  }
0x49: {  	[spmem:s3] =	stream.indirect.scatter.add.f32 [tilespmem:s17], [sflag:s31], $0x80, s30, s19, $0xb8;
	[tilespmem:$0x1E600] =	vst v63  }
.LBB2_2:
0x4a: {  	p0 =	sgt.u32 s24, $0x1  }
0x4b: {  	s25 =	sadd.s32 @p0 $0xFFFFFFFE, s24  }
0x4c: {  	s26 =	sand.u32 @p0 $0xFF, s25  }
0x4d: {  	s26 =	smul.u32 @p0 $0xAB, s26;
	_ =	sdelay $0x1  }
0x4e: {  	s26 =	sshrl.u32 @p0 s26, $0x9  }
0x4f: {  	s26 =	smul.u32 @p0 $0x3, s26  }
0x50: {  	s28 =	simm.s32 @p0 $0x7;
	p1 =	seq.s32 @p0 s24, $0x4F  }
0x51: {  	_ =	swait.ge @p0 [sflag:s28], $0x4000;
	p1 =	por !p0, !p1;
	s25 =	ssub.s32 @p0 s25, s26  }
.Ltmp4:
0x52: {  	[sflag:s28] =	ssyncset.done @p0 $0x0;
	s25 =	sor.u32 @p0 $0x4, s25;
	(pc) =	sbr.rel @p1 .LBB2_4-.Ltmp4, $4  }
0x53: {  	[sflag:s28] =	ssyncadd.s32 @p0 $0xFFFFC000;
	s25 =	sand.u32 @p0 $0xFF, s25  }
0x54: {  	_ =	swait.ge @p0 [sflag:s25], $0x4000  }
0x55: {  	[sflag:s25] =	ssyncset.done @p0 $0x0  }
0x56: {  	[sflag:s25] =	ssyncadd.s32 @p0 $0xFFFFC000  }
.Ltmp5:
0x57: {  	(pc) =	sbr.rel .LBB2_5-.Ltmp5, $2  }
0x58: {  	_ =	sdelay $0x2  }
0x59: {  	s25 =	simm.s32 @p0 $0x50;
	s26 =	simm.s32 @p0 $0x1  }
.LBB2_7:
0x5a: {  	_ =	sfence.sel $0x180000  }
0x5b: {  	[bflag:$0x0] =	sbarrier.arrive $0xFFFF  }
0x5c: {  	p0 =	sne.s32 s0, $0x0;
	_ =	strace $0x90000047  }
0x5d: {  	s0 =	sadd.s32 @!p0 $0x100000, s1;
	[bflag:$0x2] =	sbarrier.arrive $0xFFFF  }
0x5e: {  	[sflag:s0] =	ssyncadd.tile.s32 @!p0 $0x1;
	_ =	shalt  }
.Lfunc_end2:
_tile_overlayer_lowered:
.L_overlay_start_2:
0x5f: {  	(tag) =	ssettag $0x2  }
0x60: {  	s0 =	rddreg [dreg:$0x0];
	s2 =	stileid.u32  }
0x61: {  	s1 =	rddreg [dreg:$0x1];
	p0 =	sne.s32 s2, $0x0  }
0x62: {  	s3 =	rddreg [dreg:$0x2];
	[bflag:$0x3] =	sbarrier.arrive $0xFFFF;
	s2 =	simm.s32 @!p0 $0x1C08  }
0x63: {  	[timem:s3], [sflag:s2] =	dma.local @!p0 [hbm:s0], s1  }
0x64: {  	s0 =	simm.s32 @!p0 $0x8  }
0x65: {  	_ =	swait.ge @!p0 [sflag:s0], s1  }
0x66: {  	s1 =	ssub.s32 @!p0 $0x0, s1;
	[sflag:s0] =	ssyncset.done @!p0 $0x0  }
0x67: {  	[sflag:s0] =	ssyncadd.s32 @!p0 s1  }
0x68: {  	[bflag:$0x3] =	sbarrier.arrive $0xFFFF  }
0x69: {  	_ =	shalt  }

// kernel: kernel.15.cloned.1.call-start
scs
__scs_entry_jumppad:
0x0: {  	(pc) =	sbr.rel $0x88, $3  }
0x1: {  	(tag) =	ssettag $0x0;
	lr =	simm.s32 $0x1  }
0x2: {  	[smem:$0x3F99] =	sst lr;
	_ =	strace $0xD0000000  }
0x3: {  	_ = 	snop  }
0x4: {  	_ = 	snop  }
0x5: {  	_ = 	snop  }
0x6: {  	_ = 	snop  }
0x7: {  	_ = 	snop  }
__scs_overlays_trampoline_lowered:
0x8: {  	[smem:$0x3FA8] =	sst s0  }
0x9: {  	[smem:$0x3FA9] =	sst s1  }
0xa: {  	[smem:$0x3FAA] =	sst s2  }
0xb: {  	[smem:$0x3FAB] =	sst s3  }
0xc: {  	[smem:$0x3FAC] =	sst s4  }
0xd: {  	[smem:$0x3FAD] =	sst s5  }
0xe: {  	[smem:$0x3FAE] =	sst s6  }
0xf: {  	[smem:$0x3FAF] =	sst s7  }
0x10: {  	[smem:$0x3FB0] =	sst s8  }
0x11: {  	[smem:$0x3FB1] =	sst s9;
	s0 =	simm.s32 @!p0 $0x0  }
0x12: {  	s1 =	sld [smem:$0x3F97];
	s0 =	simm.s32 @p0 $0x1  }
0x13: {  	[smem:$0x3FB2] =	sst s0;
	s0 =	simm.s32 @!p1 $0x0  }
0x14: {  	s2 =	sld [smem:$0x3F96];
	s0 =	simm.s32 @p1 $0x1  }
0x15: {  	[smem:$0x3FB3] =	sst s0;
	s0 =	simm.s32 @!p2 $0x0  }
0x16: {  	s3 =	sld [smem:$0x3FDB];
	s0 =	simm.s32 @p2 $0x1  }
0x17: {  	s4 =	simm.s32 $0x1BF5;
	[smem:$0x3FB5] =	sst s0  }
0x18: {  	s0 =	sld [smem:$0x3F98];
	_ =	swait.ge [sflag:s4], $0x0  }
0x19: {  	s7 =	sld [smem:$0x3F99]  }
0x1a: {  	s8 =	sadd.s32 $0xFFFFE003, lr  }
0x1b: {  	s9 =	sadd.s32 $0xFFFFFEF7, lr;
	s5 =	simm.s32 $0xFFFFFFFF;
	p2 =	slt.u32 s8, $0xFFFFF086  }
0x1c: {  	p1 =	slt.u32 s9, $0xF7A;
	s5 =	simm.s32 @!p2 $0x0  }
0x1d: {  	s5 =	simm.s32 @p1 $0x1;
	p0 =	seq.s32 s7, s2  }
0x1e: {  	s7 =	smul.u32 @!p0 $0xF7A, s2;
	p2 =	seq.s32 @!p0 s5, $0x0  }
0x1f: {  	s9 =	smul.u32 $0xF7A, s1;
	s8 =	simm.s32 @!p0 $0x1BF5;
	p2 =	por !p2, p0  }
0x20: {  	[sflag:s8] =	ssyncset.s32 @!p0 $0xFFFFF086;
	s6 =	sadd.s32 @!p0 s3, s7;
	s7 =	simm.s32 @!p0 $0x108  }
0x21: {  	s3 =	sadd.s32 s3, s9;
	s6 =	sadd.s32 @!p0 $0x88, s6;
	s7 =	simm.s32 @p2 $0x1082  }
0x22: {  	[simem:s7], [sflag:s8] =	dma.local @!p0 [hbm:s6], $0xF7A  }
0x23: {  	s9 =	sor.u32 $0xD0000000, s2;
	s6 =	simm.s32 $0x108;
	_ =	swait.ge @!p0 [sflag:s8], $0x0  }
0x24: {  	s3 =	sadd.s32 $0x88, s3;
	s6 =	simm.s32 @!p1 $0x1082;
	[sflag:s4] =	ssyncset.s32 $0xFFFFF086  }
0x25: {  	[simem:s6], [sflag:s4] =	dma.local [hbm:s3], $0xF7A  }
0x26: {  	[smem:$0x3F99] =	sst s1;
	(tag) =	ssettag s2;
	_ =	strace s9  }
0x27: {  	s1 =	sld [smem:$0x3FA9]  }
0x28: {  	s2 =	sld [smem:$0x3FAA]  }
0x29: {  	s4 =	sld [smem:$0x3FAC]  }
0x2a: {  	p0 =	seq.s32 s5, $0x0;
	s5 =	sld [smem:$0x3FAD]  }
0x2b: {  	s6 =	sld [smem:$0x3FAE]  }
0x2c: {  	s7 =	sld [smem:$0x3FAF]  }
0x2d: {  	s3 =	simm.s32 $0x108;
	s8 =	sld [smem:$0x3FB0]  }
0x2e: {  	s3 =	simm.s32 @!p0 $0x1082;
	s9 =	sld [smem:$0x3FB1]  }
0x2f: {  	lr =	sadd.s32 s0, s3;
	s0 =	sld [smem:$0x3FA8]  }
0x30: {  	s3 =	sld [smem:$0x3FAB]  }
0x31: {  	[smem:$0x3FB4] =	sst s10  }
0x32: {  	s10 =	sld [smem:$0x3FB2];
	_ =	sdelay $0x3  }
0x33: {  	p0 =	seq.s32 s10, $0x1;
	s10 =	sld [smem:$0x3FB4];
	_ =	sdelay $0x3  }
0x34: {  	[smem:$0x3FB4] =	sst s10  }
0x35: {  	s10 =	sld [smem:$0x3FB3];
	_ =	sdelay $0x3  }
0x36: {  	p1 =	seq.s32 s10, $0x1;
	s10 =	sld [smem:$0x3FB4];
	_ =	sdelay $0x3  }
0x37: {  	[smem:$0x3FB4] =	sst s10  }
0x38: {  	s10 =	sld [smem:$0x3FB5]  }
0x39: {  	_ = 	snop;
	(pc) =	sbr.ind lr, $3  }
0x3a: {  	_ = 	snop  }
0x3b: {  	_ = 	snop  }
0x3c: {  	p2 =	seq.s32 s10, $0x1;
	s10 =	sld [smem:$0x3FB4]  }
0x3d: {  	_ =	shalt  }
0x3e: {  	_ =	shalt  }
0x3f: {  	_ =	shalt  }
0x40: {  	_ =	shalt  }
0x41: {  	_ =	shalt  }
0x42: {  	_ =	shalt  }
0x43: {  	_ =	shalt  }
0x44: {  	_ =	shalt  }
0x45: {  	_ =	shalt  }
0x46: {  	_ =	shalt  }
0x47: {  	_ =	shalt  }
0x48: {  	_ =	shalt  }
0x49: {  	_ =	shalt  }
0x4a: {  	_ =	shalt  }
0x4b: {  	_ =	shalt  }
0x4c: {  	_ =	shalt  }
0x4d: {  	_ =	shalt  }
0x4e: {  	_ =	shalt  }
0x4f: {  	_ =	shalt  }
0x50: {  	_ =	shalt  }
0x51: {  	_ =	shalt  }
0x52: {  	_ =	shalt  }
0x53: {  	_ =	shalt  }
0x54: {  	_ =	shalt  }
0x55: {  	_ =	shalt  }
0x56: {  	_ =	shalt  }
0x57: {  	_ =	shalt  }
0x58: {  	_ =	shalt  }
0x59: {  	_ =	shalt  }
0x5a: {  	_ =	shalt  }
0x5b: {  	_ =	shalt  }
0x5c: {  	_ =	shalt  }
0x5d: {  	_ =	shalt  }
0x5e: {  	_ =	shalt  }
0x5f: {  	_ =	shalt  }
0x60: {  	_ =	shalt  }
0x61: {  	_ =	shalt  }
0x62: {  	_ =	shalt  }
0x63: {  	_ =	shalt  }
0x64: {  	_ =	shalt  }
0x65: {  	_ =	shalt  }
0x66: {  	_ =	shalt  }
0x67: {  	_ =	shalt  }
0x68: {  	_ =	shalt  }
0x69: {  	_ =	shalt  }
0x6a: {  	_ =	shalt  }
0x6b: {  	_ =	shalt  }
0x6c: {  	_ =	shalt  }
0x6d: {  	_ =	shalt  }
0x6e: {  	_ =	shalt  }
0x6f: {  	_ =	shalt  }
0x70: {  	_ =	shalt  }
0x71: {  	_ =	shalt  }
0x72: {  	_ =	shalt  }
0x73: {  	_ =	shalt  }
0x74: {  	_ =	shalt  }
0x75: {  	_ =	shalt  }
0x76: {  	_ =	shalt  }
0x77: {  	_ =	shalt  }
0x78: {  	_ =	shalt  }
0x79: {  	_ =	shalt  }
0x7a: {  	_ =	shalt  }
0x7b: {  	_ =	shalt  }
0x7c: {  	_ =	shalt  }
0x7d: {  	_ =	shalt  }
0x7e: {  	_ =	shalt  }
0x7f: {  	_ =	shalt  }
0x80: {  	_ =	shalt  }
0x81: {  	_ =	shalt  }
0x82: {  	_ =	shalt  }
0x83: {  	_ =	shalt  }
0x84: {  	_ =	shalt  }
0x85: {  	_ =	shalt  }
0x86: {  	_ =	shalt  }
0x87: {  	_ =	shalt  }
.Lfunc_end0:
.L_simem_size_0:
called_computation.1_lowered:
.L_overlay_start_0:
0x88: {  	s2 =	sld [smem:$0x3FD9]  }
0x89: {  	s3 =	sld [smem:$0x3FFE];
	_ =	sdelay $0x1  }
0x8a: {  	s1 =	srdreg.scid  }
0x8b: {  	s0 =	sand.u32 $0x1, s1  }
0x8c: {  	s17 =	sshll.u32 s0, $0xA;
	s2 =	sadd.s32 s3, s2  }
0x8d: {  	s2 =	sadd.s32 s2, s17  }
0x8e: {  	[smem:$0x3FC0] =	sst s2  }
0x8f: {  	_ = 	snop  }
0x90: {  	s2 =	sld [smem:$0x3FD0];
	(tm) =	ssettm $0x1  }
0x91: {  	s18 =	sld [smem:$0x3FFB];
	_ =	sdelay $0x3  }
0x92: {  	_ =	strace s18  }
0x93: {  	s3 =	sld [smem:$0x3FFC];
	_ =	sdelay $0x3  }
0x94: {  	_ =	strace s3  }
0x95: {  	s3 =	sld [smem:$0x3FFD];
	_ =	sdelay $0x3  }
0x96: {  	_ =	strace s3  }
0x97: {  	_ =	strace $0x8FFFFFFF  }
0x98: {  	s19 =	sld [smem:$0x3FDB];
	_ =	sdelay $0x1  }
0x99: {  	s4 =	simm.s32 $_scs_section_size  }
0x9a: {  	s5 =	simm.s32 $_size__tile_overlayer_lowered;
	s6 =	simm.s32 $_tile_overlayer_lowered  }
0x9b: {  	s22 =	simm.s32 $0x1BFF;
	s21 =	sshll.u32 s6, $0x1;
	s3 =	sadd.s32 s4, s19  }
0x9c: {  	s7 =	simm.s32 $0x0;
	s20 =	sshll.u32 s5, $0x1;
	s5 =	sadd.s32 s21, s3  }
0x9d: {  	[timem:s7], [sflag:s22] =	dma.local [hbm:s5], s20  }
0x9e: {  	_ =	swait.ge [sflag:s22], s20  }
0x9f: {  	s4 =	ssub.s32 $0x0, s20;
	[sflag:s22] =	ssyncset.done $0x0  }
0xa0: {  	[sflag:s22] =	ssyncadd.s32 s4;
	_ =	sdelay $0x1  }
0xa1: {  	s23 =	simm.s32 $0x1B8B  }
0xa2: {  	_ =	swait.ge [sflag:s23], $0x1  }
0xa3: {  	[sflag:s23] =	ssyncset.done $0x0  }
0xa4: {  	s25 =	simm.s32 $0x1B8E;
	s24 =	sld [smem:$0x3FFE];
	[sflag:s23] =	ssyncadd.s32 $0xFFFFFFFF  }
0xa5: {  	s26 =	simm.s32 $execute0_lowered;
	[smem:$0x3FD2] =	sst s25  }
0xa6: {  	s5 =	sshll.u32 s26, $0x1;
	_ =	strace $0x80000049;
	[dreg:$0x1] =	wrdreg $0xFFFFFFFF  }
0xa7: {  	s28 =	simm.s32 $_size_execute0_lowered;
	s3 =	sadd.s32 s3, s5;
	[dreg:$0x0] =	wrdreg $0x0  }
0xa8: {  	s5 =	sshll.u32 s28, $0x1;
	[dreg:$0x2] =	wrdreg s3  }
0xa9: {  	[dreg:$0x3] =	wrdreg s5  }
0xaa: {  	[dreg:$0x4] =	wrdreg $0xC0  }
0xab: {  	_ =	task [dreg:s7], $0x5FFFF  }
0xac: {  	[dreg:$0x1] =	wrdreg $0xFFFFFFFF  }
0xad: {  	[dreg:$0x0] =	wrdreg $0x60  }
0xae: {  	[dreg:$0x2] =	wrdreg s24  }
0xaf: {  	[dreg:$0x3] =	wrdreg s2  }
0xb0: {  	[dreg:$0x4] =	wrdreg $0xC4000  }
0xb1: {  	[dreg:$0x5] =	wrdreg $0x9  }
0xb2: {  	_ =	task.clear_ibuf [dreg:s7], $0x6FFFF;
	_ =	strace $0x90000049  }
0xb3: {  	s29 =	simm.s32 $0x9;
	_ =	strace $0x8000004B  }
0xb4: {  	_ =	swait.ge [sflag:s29], $0x1  }
0xb5: {  	[sflag:s29] =	ssyncadd.s32 $0xFFFFFFFF  }
0xb6: {  	_ =	strace $0x9000004B  }
0xb7: {  	_ =	sfence  }
0xb8: {  	s30 =	sld [smem:$0x0];
	_ =	sdelay $0x2  }
0xb9: {  	s31 =	sshll.u32 s1, $0xD;
	s1 =	sshrl.u32 s1, $0x2  }
0xba: {  	s3 =	sand.u32 $0x4000, s31;
	s1 =	sadd.s32 s1, s30  }
0xbb: {  	s0 =	sor.u32 s3, s0;
	s1 =	sshll.u32 s1, $0x11  }
0xbc: {  	s0 =	sor.u32 s1, s0  }
0xbd: {  	s0 =	sadd.s32 $0x8F2B, s0  }
0xbe: {  	[sflag:s0] =	ssyncadd.remote.s32 $0x1  }
0xbf: {  	_ =	sfence.sel $0xFFFF  }
0xc0: {  	[dreg:$0x0] =	wrdreg $0xFFFFFFFF;
	(pc) =	sbr.abs _section_cstart, $3  }
0xc1: {  	[dreg:$0x1] =	wrdreg $0xFFFFFFFF  }
0xc2: {  	_ =	task.clear_ibuf [dreg:s7], $0x2FFFF;
	_ =	strace $0x9FFFFFFF  }
0xc3: {  	(tm) =	ssettm $0x7FFFFFFF  }
tec
execute0_lowered:
.L_overlay_start_1:
0x0: {  	(tag) =	ssettag $0x1  }
0x1: {  	s0 =	rddreg [dreg:$0x0]  }
0x2: {  	s2 =	rddreg [dreg:$0x1]  }
0x3: {  	s3 =	rddreg [dreg:$0x2]  }
0x4: {  	s12 =	stileid.u32;
	s1 =	srdreg.scid  }
0x5: {  	s4 =	simm.s32 $0x0;
	s19 =	simm.s32 $0xE;
	s21 =	simm.s32 $0x80  }
0x6: {  	s29 =	simm.s32 $0x2;
	s30 =	simm.s32 $0x5;
	s6 =	smul.u32 $0x13C00, s12  }
0x7: {  	s1 =	sand.u32 $0x1, s1;
	[smem:$0x7FF] =	sst s4;
	s10 =	smul.u32 $0x4F000, s12  }
0x8: {  	s5 =	sadd.s32 $0x3C00, s0;
	s28 =	sshll.u32 s12, $0x6;
	s7 =	smul.u32 $0x13C000, s1  }
0x9: {  	_ =	strace $0x8000004A;
	s9 =	ssub.s32 $0x2, s1;
	s1 =	sshll.u32 s1, $0x4  }
0xa: {  	s8 =	sshrl.u32 s6, $0x3;
	s24 =	sshrl.u32 s9, $0x1;
	s1 =	sor.u32 s12, s1  }
0xb: {  	s25 =	sshrl.u32 s10, $0x2;
	s7 =	sadd.s32 s6, s7;
	s6 =	sadd.s32 $0x36400, s0  }
0xc: {  	s8 =	sadd.s32 s8, s0;
	s11 =	ssub.s32 s9, s24;
	s26 =	sadd.s32 s25, s3  }
0xd: {  	s9 =	sor.u32 $0x1C0E, s28;
	s25 =	simm.s32 $0x1;
	s7 =	sshrl.u32 s7, $0x3  }
0xe: {  	s8 =	sadd.s32 $0xEC00, s8;
	s11 =	smax.u32 s11, $0x1;
	s18 =	sshrl.u32 s26, $0x3  }
0xf: {  	s26 =	simm.s32 $0x4;
	s0 =	sadd.s32 s7, s0;
	s7 =	smul.u32 $0x2800, s1  }
.Ltmp0:
0x10: {  	[dreg:$0x4] =	wrdreg s8;
	s0 =	sadd.s32 $0x5DC00, s0;
	(pc) =	sbr.rel .LBB2_1-.Ltmp0, $4  }
0x11: {  	s1 =	simm.s32 $0x0;
	[dreg:$0x5] =	wrdreg s0;
	s31 =	sshrl.u32 s7, $0x3  }
0x12: {  	s12 =	sadd.s32 s5, s31;
	s15 =	sor.u32 $0x10, s31;
	s13 =	sadd.s32 s2, s31  }
0x13: {  	s0 =	sor.u32 $0x20, s31;
	s14 =	sadd.s32 s5, s15;
	s15 =	sadd.s32 s2, s15  }
0x14: {  	s16 =	sadd.s32 s5, s0;
	s17 =	sadd.s32 s2, s0;
	s0 =	simm.s32 $0xC  }
.LBB2_7:
0x15: {  	_ =	swait.ge [sflag:s0], $0x4000  }
0x16: {  	[sflag:s0] =	ssyncset.done $0x0  }
0x17: {  	s1 =	sadd.s32 $0x1, s1;
	[sflag:s0] =	ssyncadd.s32 $0xFFFFC000  }
0x18: {  	p0 =	sne.s32 s1, s11;
	[bflag:$0x0] =	sbarrier.arrive $0xFFFF  }
.Ltmp1:
0x19: {  	s8 =	rddreg [dreg:$0x5];
	(pc) =	sbr.rel @!p0 .LBB2_8-.Ltmp1, $4  }
0x1a: {  	[hbm:s8], [sflag:s9] =	dma.local [spmem:s18], $0x2780  }
0x1b: {  	_ =	swait.ge [sflag:s19], $0x2780  }
0x1c: {  	[sflag:s19] =	ssyncset.done $0x0  }
0x1d: {  	[sflag:s19] =	ssyncadd.s32 $0xFFFFD880  }
.LBB2_1:
0x1e: {  	s8 =	rddreg [dreg:$0x4]  }
0x1f: {  	[spmem:s18], [sflag:s9] =	dma.local [hbm:s8], $0x2780  }
0x20: {  	_ =	swait.ge [sflag:s19], $0x2780  }
0x21: {  	[sflag:s19] =	ssyncset.done $0x0  }
0x22: {  	[sflag:s19] =	ssyncadd.s32 $0xFFFFD880  }
0x23: {  	[bflag:$0x0] =	sbarrier.arrive $0xFFFF  }
0x24: {  	[tilespmem:s4], [sflag:$0x1] =	stream.linear.gather [hbm4b:s12+s4], $0x80, $0x38;
	v63 =	vld [tilespmem:$0x0]  }
0x25: {  	s20 =	simm.s32 $0x200  }
0x26: {  	[tilespmem:s20], [sflag:$0x4] =	stream.linear.gather [hbm4b:s13+s4], $0x80, $0x38;
	v63 =	vld [tilespmem:$0x0]  }
0x27: {  	_ = 	snop  }
0x28: {  	[tilespmem:s21], [sflag:$0x2] =	stream.linear.gather [hbm4b:s14+s4], $0x80, $0x38;
	v63 =	vld [tilespmem:$0x0]  }
0x29: {  	s22 =	simm.s32 $0x280  }
0x2a: {  	[tilespmem:s22], [sflag:$0x5] =	stream.linear.gather [hbm4b:s15+s4], $0x80, $0x38;
	v63 =	vld [tilespmem:$0x0]  }
0x2b: {  	s23 =	simm.s32 $0x100  }
0x2c: {  	[tilespmem:s23], [sflag:$0x3] =	stream.linear.gather [hbm4b:s16+s4], $0x80, $0x38;
	v63 =	vld [tilespmem:$0x0]  }
0x2d: {  	s24 =	simm.s32 $0x300  }
0x2e: {  	[tilespmem:s24], [sflag:$0x6] =	stream.linear.gather [hbm4b:s17+s4], $0x80, $0x38;
	v63 =	vld [tilespmem:$0x0]  }
0x2f: {  	_ =	swait.ge [sflag:s25], $0x80  }
0x30: {  	[sflag:s25] =	ssyncset.done $0x0  }
0x31: {  	[sflag:s25] =	ssyncadd.s32 $0xFFFFFF80  }
0x32: {  	_ =	swait.ge [sflag:s26], $0x80  }
0x33: {  	[sflag:s26] =	ssyncset.done $0x0  }
0x34: {  	s28 =	simm.s32 $0x400;
	[sflag:s26] =	ssyncadd.s32 $0xFFFFFF80  }
0x35: {  	[tilespmem:s28], [sflag:$0x8] =	stream.indirect.gather [hbm4b:s6+s21], $0x80, s4, s21, $0xb8;
	v63 =	vld [tilespmem:$0x0]  }
0x36: {  	_ =	swait.ge [sflag:s29], $0x80  }
0x37: {  	[sflag:s29] =	ssyncset.done $0x0  }
.Ltmp2:
0x38: {  	[sflag:s29] =	ssyncadd.s32 $0xFFFFFF80;
	(pc) =	sbr.rel .LBB2_2-.Ltmp2, $4  }
0x39: {  	_ =	swait.ge [sflag:s30], $0x80  }
0x3a: {  	s31 =	simm.s32 $0x4400;
	s20 =	simm.s32 $0x180;
	[sflag:s30] =	ssyncset.done $0x0  }
0x3b: {  	s22 =	simm.s32 $0x0;
	s23 =	simm.s32 $0x0;
	[sflag:s30] =	ssyncadd.s32 $0xFFFFFF80  }
0x3c: {  	[tilespmem:s31], [sflag:$0x9] =	stream.indirect.gather [hbm4b:s6+s21], $0x80, s21, s21, $0xb8;
	v63 =	vld [tilespmem:$0x0]  }
.LBB2_3:
0x3d: {  	s24 =	sadd.s32 $0x3, s23  }
0x3e: {  	s28 =	smul.u32 $0xAB, s24;
	_ =	sdelay $0x1  }
0x3f: {  	s28 =	sshrl.u32 s28, $0x9  }
0x40: {  	s28 =	sand.u32 $0x7F, s28  }
0x41: {  	s31 =	sand.u32 $0x7C00, s20;
	s28 =	smul.u32 $0x3, s28  }
0x42: {  	s8 =	sand.u32 $0x380, s20;
	s31 =	sadd.s32 s7, s31  }
0x43: {  	s8 =	sor.u32 s8, s31;
	s28 =	ssub.s32 s24, s28  }
0x44: {  	s8 =	sshrl.u32 s8, $0x3;
	s28 =	sand.u32 $0xFF, s28  }
0x45: {  	s10 =	sadd.s32 s5, s8;
	s31 =	sshll.u32 s28, $0x7;
	s28 =	sadd.s32 $0x1, s28  }
0x46: {  	[tilespmem:s31], [sflag:s28] =	stream.linear.gather [hbm4b:s10+s4], $0x80, $0x38;
	v63 =	vld [tilespmem:$0x0]  }
0x47: {  	s31 =	sand.u32 $0x3, s24  }
0x48: {  	s24 =	sshll.u32 s31, $0x7  }
0x49: {  	s8 =	sadd.s32 s2, s8;
	s10 =	sor.u32 $0x4, s31;
	s24 =	sor.u32 $0x200, s24  }
0x4a: {  	[tilespmem:s24], [sflag:s10] =	stream.linear.gather [hbm4b:s8+s4], $0x80, $0x38;
	v63 =	vld [tilespmem:$0x0]  }
.LBB2_5:
0x4b: {  	s8 =	sadd.s32 $0x2, s23  }
0x4c: {  	s10 =	smul.u32 $0xAB, s8;
	_ =	sdelay $0x1  }
0x4d: {  	s10 =	sshrl.u32 s10, $0x9  }
0x4e: {  	s10 =	sand.u32 $0x7F, s10  }
0x4f: {  	s10 =	smul.u32 $0x3, s10;
	_ =	sdelay $0x1  }
0x50: {  	s10 =	ssub.s32 s8, s10  }
0x51: {  	s10 =	sand.u32 $0xFF, s10  }
0x52: {  	s24 =	sadd.s32 $0x1, s10  }
0x53: {  	_ =	swait.ge [sflag:s24], $0x80  }
0x54: {  	s8 =	sand.u32 $0x3, s8;
	[sflag:s24] =	ssyncset.done $0x0  }
0x55: {  	s8 =	sor.u32 $0x4, s8;
	[sflag:s24] =	ssyncadd.s32 $0xFFFFFF80  }
0x56: {  	_ =	swait.ge [sflag:s8], $0x80  }
0x57: {  	s28 =	sshll.u32 s10, $0xE;
	s31 =	sshll.u32 s10, $0x7;
	[sflag:s8] =	ssyncset.done $0x0  }
0x58: {  	s10 =	sor.u32 $0x8, s10;
	[sflag:s8] =	ssyncadd.s32 $0xFFFFFF80;
	s8 =	sor.u32 $0x400, s28  }
0x59: {  	[tilespmem:s8], [sflag:s10] =	stream.indirect.gather [hbm4b:s6+s21], $0x80, s31, s21, $0xb8;
	v63 =	vld [tilespmem:$0x0]  }
.LBB2_6:
0x5a: {  	s23 =	sadd.s32 $0x1, s23  }
0x5b: {  	p0 =	sne.s32 s23, $0x50  }
.Ltmp3:
0x5c: {  	_ = 	snop;
	(pc) =	sbr.rel @!p0 .LBB2_7-.Ltmp3, $2  }
0x5d: {  	_ =	sdelay $0x2  }
0x5e: {  	s20 =	sadd.s32 $0x80, s20;
	s22 =	sadd.s32 $0x200, s22  }
.LBB2_2:
0x5f: {  	p0 =	seq.s32 s23, $0x0  }
0x60: {  	s24 =	sadd.s32 @!p0 $0xFFFFFFFF, s23  }
0x61: {  	s28 =	sand.u32 @!p0 $0xFF, s24  }
0x62: {  	s28 =	smul.u32 @!p0 $0xAB, s28  }
0x63: {  	s31 =	smul.u32 @!p0 $0xAB, s23  }
0x64: {  	s28 =	sshrl.u32 @!p0 s28, $0x9  }
0x65: {  	s31 =	sshrl.u32 @!p0 s31, $0x9;
	s28 =	smul.u32 @!p0 $0x3, s28  }
0x66: {  	s31 =	sand.u32 @!p0 $0x7F, s31  }
0x67: {  	s24 =	ssub.s32 @!p0 s24, s28;
	s28 =	smul.u32 @!p0 $0x3, s31  }
0x68: {  	s24 =	sand.u32 @!p0 $0xFF, s24  }
0x69: {  	s24 =	sadd.s32 @!p0 $0xB, s24;
	s28 =	ssub.s32 @!p0 s23, s28  }
0x6a: {  	_ =	swait.ge @!p0 [sflag:s24], $0x4000;
	s28 =	sand.u32 @!p0 $0xFF, s28  }
0x6b: {  	[sflag:s24] =	ssyncset.done @!p0 $0x0;
	s28 =	simm.s32 @p0 $0x0  }
0x6c: {  	[sflag:s24] =	ssyncadd.s32 @!p0 $0xFFFFC000;
	s10 =	sadd.s32 $0x8, s28;
	p0 =	sgt.u32 s23, $0x4C  }
.Ltmp4:
0x6d: {  	_ =	swait.ge [sflag:s10], $0x4000;
	(pc) =	sbr.rel @!p0 .LBB2_3-.Ltmp4, $4  }
0x6e: {  	s8 =	sand.u32 $0x600, s22;
	[sflag:s10] =	ssyncset.done $0x0  }
0x6f: {  	s31 =	sshrl.u32 s8, $0x2;
	[sflag:s10] =	ssyncadd.s32 $0xFFFFC000;
	s10 =	sshll.u32 s28, $0xE  }
0x70: {  	s31 =	sor.u32 $0x200, s31;
	s28 =	sadd.s32 $0xB, s28;
	s24 =	sor.u32 $0x400, s10  }
0x71: {  	[spmem:s3] =	stream.indirect.scatter.add.f32 [tilespmem:s24], [sflag:s28], $0x80, s31, s21, $0xb8;
	v63 =	vld [tilespmem:$0x0]  }
0x72: {  	p0 =	sne.s32 s23, $0x4D  }
.Ltmp5:
0x73: {  	_ = 	snop;
	(pc) =	sbr.rel @p0 .LBB2_6-.Ltmp5, $4  }
.Ltmp6:
0x74: {  	_ = 	snop;
	(pc) =	sbr.rel @!p0 .LBB2_5-.Ltmp6, $4  }
0x75: {  	_ = 	snop  }
0x76: {  	_ = 	snop  }
0x77: {  	_ = 	snop  }
0x78: {  	_ = 	snop  }
.LBB2_8:
0x79: {  	_ =	sfence.sel $0x180000  }
0x7a: {  	[bflag:$0x0] =	sbarrier.arrive $0xFFFF  }
0x7b: {  	_ =	strace $0x9000004A  }
0x7c: {  	s0 =	stileid.u32;
	[bflag:$0x2] =	sbarrier.arrive $0xFFFF  }
0x7d: {  	p0 =	sne.s32 s0, $0x0;
	s0 =	rddreg [dreg:$0x3]  }
0x7e: {  	s0 =	sadd.s32 @!p0 $0x100000, s0  }
0x7f: {  	[sflag:s0] =	ssyncadd.tile.s32 @!p0 $0x1;
	_ =	shalt  }
.Lfunc_end2:
_tile_overlayer_lowered:
.L_overlay_start_2:
0x80: {  	(tag) =	ssettag $0x2  }
0x81: {  	s0 =	rddreg [dreg:$0x0];
	s2 =	stileid.u32  }
0x82: {  	s1 =	rddreg [dreg:$0x1];
	p0 =	sne.s32 s2, $0x0  }
0x83: {  	s3 =	rddreg [dreg:$0x2];
	[bflag:$0x3] =	sbarrier.arrive $0xFFFF;
	s2 =	simm.s32 @!p0 $0x1C0E  }
0x84: {  	[timem:s3], [sflag:s2] =	dma.local @!p0 [hbm:s0], s1  }
0x85: {  	s0 =	simm.s32 @!p0 $0xE  }
0x86: {  	_ =	swait.ge @!p0 [sflag:s0], s1  }
0x87: {  	s1 =	ssub.s32 @!p0 $0x0, s1;
	[sflag:s0] =	ssyncset.done @!p0 $0x0  }
0x88: {  	[sflag:s0] =	ssyncadd.s32 @!p0 s1  }
0x89: {  	[bflag:$0x3] =	sbarrier.arrive $0xFFFF  }
0x8a: {  	_ =	shalt  }

// kernel: kernel.18.cloned.1.call-start
scs
__scs_entry_jumppad:
0x0: {  	(pc) =	sbr.rel $0x88, $3  }
0x1: {  	(tag) =	ssettag $0x0;
	lr =	simm.s32 $0x1  }
0x2: {  	[smem:$0x3F99] =	sst lr;
	_ =	strace $0xD0000000  }
0x3: {  	_ = 	snop  }
0x4: {  	_ = 	snop  }
0x5: {  	_ = 	snop  }
0x6: {  	_ = 	snop  }
0x7: {  	_ = 	snop  }
__scs_overlays_trampoline_lowered:
0x8: {  	[smem:$0x3FA8] =	sst s0  }
0x9: {  	[smem:$0x3FA9] =	sst s1  }
0xa: {  	[smem:$0x3FAA] =	sst s2  }
0xb: {  	[smem:$0x3FAB] =	sst s3  }
0xc: {  	[smem:$0x3FAC] =	sst s4  }
0xd: {  	[smem:$0x3FAD] =	sst s5  }
0xe: {  	[smem:$0x3FAE] =	sst s6  }
0xf: {  	[smem:$0x3FAF] =	sst s7  }
0x10: {  	[smem:$0x3FB0] =	sst s8  }
0x11: {  	[smem:$0x3FB1] =	sst s9;
	s0 =	simm.s32 @!p0 $0x0  }
0x12: {  	s1 =	sld [smem:$0x3F97];
	s0 =	simm.s32 @p0 $0x1  }
0x13: {  	[smem:$0x3FB2] =	sst s0;
	s0 =	simm.s32 @!p1 $0x0  }
0x14: {  	s2 =	sld [smem:$0x3F96];
	s0 =	simm.s32 @p1 $0x1  }
0x15: {  	[smem:$0x3FB3] =	sst s0;
	s0 =	simm.s32 @!p2 $0x0  }
0x16: {  	s3 =	sld [smem:$0x3FDB];
	s0 =	simm.s32 @p2 $0x1  }
0x17: {  	s4 =	simm.s32 $0x1BF5;
	[smem:$0x3FB5] =	sst s0  }
0x18: {  	s0 =	sld [smem:$0x3F98];
	_ =	swait.ge [sflag:s4], $0x0  }
0x19: {  	s7 =	sld [smem:$0x3F99]  }
0x1a: {  	s8 =	sadd.s32 $0xFFFFE003, lr  }
0x1b: {  	s9 =	sadd.s32 $0xFFFFFEF7, lr;
	s5 =	simm.s32 $0xFFFFFFFF;
	p2 =	slt.u32 s8, $0xFFFFF086  }
0x1c: {  	p1 =	slt.u32 s9, $0xF7A;
	s5 =	simm.s32 @!p2 $0x0  }
0x1d: {  	s5 =	simm.s32 @p1 $0x1;
	p0 =	seq.s32 s7, s2  }
0x1e: {  	s7 =	smul.u32 @!p0 $0xF7A, s2;
	p2 =	seq.s32 @!p0 s5, $0x0  }
0x1f: {  	s9 =	smul.u32 $0xF7A, s1;
	s8 =	simm.s32 @!p0 $0x1BF5;
	p2 =	por !p2, p0  }
0x20: {  	[sflag:s8] =	ssyncset.s32 @!p0 $0xFFFFF086;
	s6 =	sadd.s32 @!p0 s3, s7;
	s7 =	simm.s32 @!p0 $0x108  }
0x21: {  	s3 =	sadd.s32 s3, s9;
	s6 =	sadd.s32 @!p0 $0x88, s6;
	s7 =	simm.s32 @p2 $0x1082  }
0x22: {  	[simem:s7], [sflag:s8] =	dma.local @!p0 [hbm:s6], $0xF7A  }
0x23: {  	s9 =	sor.u32 $0xD0000000, s2;
	s6 =	simm.s32 $0x108;
	_ =	swait.ge @!p0 [sflag:s8], $0x0  }
0x24: {  	s3 =	sadd.s32 $0x88, s3;
	s6 =	simm.s32 @!p1 $0x1082;
	[sflag:s4] =	ssyncset.s32 $0xFFFFF086  }
0x25: {  	[simem:s6], [sflag:s4] =	dma.local [hbm:s3], $0xF7A  }
0x26: {  	[smem:$0x3F99] =	sst s1;
	(tag) =	ssettag s2;
	_ =	strace s9  }
0x27: {  	s1 =	sld [smem:$0x3FA9]  }
0x28: {  	s2 =	sld [smem:$0x3FAA]  }
0x29: {  	s4 =	sld [smem:$0x3FAC]  }
0x2a: {  	p0 =	seq.s32 s5, $0x0;
	s5 =	sld [smem:$0x3FAD]  }
0x2b: {  	s6 =	sld [smem:$0x3FAE]  }
0x2c: {  	s7 =	sld [smem:$0x3FAF]  }
0x2d: {  	s3 =	simm.s32 $0x108;
	s8 =	sld [smem:$0x3FB0]  }
0x2e: {  	s3 =	simm.s32 @!p0 $0x1082;
	s9 =	sld [smem:$0x3FB1]  }
0x2f: {  	lr =	sadd.s32 s0, s3;
	s0 =	sld [smem:$0x3FA8]  }
0x30: {  	s3 =	sld [smem:$0x3FAB]  }
0x31: {  	[smem:$0x3FB4] =	sst s10  }
0x32: {  	s10 =	sld [smem:$0x3FB2];
	_ =	sdelay $0x3  }
0x33: {  	p0 =	seq.s32 s10, $0x1;
	s10 =	sld [smem:$0x3FB4];
	_ =	sdelay $0x3  }
0x34: {  	[smem:$0x3FB4] =	sst s10  }
0x35: {  	s10 =	sld [smem:$0x3FB3];
	_ =	sdelay $0x3  }
0x36: {  	p1 =	seq.s32 s10, $0x1;
	s10 =	sld [smem:$0x3FB4];
	_ =	sdelay $0x3  }
0x37: {  	[smem:$0x3FB4] =	sst s10  }
0x38: {  	s10 =	sld [smem:$0x3FB5]  }
0x39: {  	_ = 	snop;
	(pc) =	sbr.ind lr, $3  }
0x3a: {  	_ = 	snop  }
0x3b: {  	_ = 	snop  }
0x3c: {  	p2 =	seq.s32 s10, $0x1;
	s10 =	sld [smem:$0x3FB4]  }
0x3d: {  	_ =	shalt  }
0x3e: {  	_ =	shalt  }
0x3f: {  	_ =	shalt  }
0x40: {  	_ =	shalt  }
0x41: {  	_ =	shalt  }
0x42: {  	_ =	shalt  }
0x43: {  	_ =	shalt  }
0x44: {  	_ =	shalt  }
0x45: {  	_ =	shalt  }
0x46: {  	_ =	shalt  }
0x47: {  	_ =	shalt  }
0x48: {  	_ =	shalt  }
0x49: {  	_ =	shalt  }
0x4a: {  	_ =	shalt  }
0x4b: {  	_ =	shalt  }
0x4c: {  	_ =	shalt  }
0x4d: {  	_ =	shalt  }
0x4e: {  	_ =	shalt  }
0x4f: {  	_ =	shalt  }
0x50: {  	_ =	shalt  }
0x51: {  	_ =	shalt  }
0x52: {  	_ =	shalt  }
0x53: {  	_ =	shalt  }
0x54: {  	_ =	shalt  }
0x55: {  	_ =	shalt  }
0x56: {  	_ =	shalt  }
0x57: {  	_ =	shalt  }
0x58: {  	_ =	shalt  }
0x59: {  	_ =	shalt  }
0x5a: {  	_ =	shalt  }
0x5b: {  	_ =	shalt  }
0x5c: {  	_ =	shalt  }
0x5d: {  	_ =	shalt  }
0x5e: {  	_ =	shalt  }
0x5f: {  	_ =	shalt  }
0x60: {  	_ =	shalt  }
0x61: {  	_ =	shalt  }
0x62: {  	_ =	shalt  }
0x63: {  	_ =	shalt  }
0x64: {  	_ =	shalt  }
0x65: {  	_ =	shalt  }
0x66: {  	_ =	shalt  }
0x67: {  	_ =	shalt  }
0x68: {  	_ =	shalt  }
0x69: {  	_ =	shalt  }
0x6a: {  	_ =	shalt  }
0x6b: {  	_ =	shalt  }
0x6c: {  	_ =	shalt  }
0x6d: {  	_ =	shalt  }
0x6e: {  	_ =	shalt  }
0x6f: {  	_ =	shalt  }
0x70: {  	_ =	shalt  }
0x71: {  	_ =	shalt  }
0x72: {  	_ =	shalt  }
0x73: {  	_ =	shalt  }
0x74: {  	_ =	shalt  }
0x75: {  	_ =	shalt  }
0x76: {  	_ =	shalt  }
0x77: {  	_ =	shalt  }
0x78: {  	_ =	shalt  }
0x79: {  	_ =	shalt  }
0x7a: {  	_ =	shalt  }
0x7b: {  	_ =	shalt  }
0x7c: {  	_ =	shalt  }
0x7d: {  	_ =	shalt  }
0x7e: {  	_ =	shalt  }
0x7f: {  	_ =	shalt  }
0x80: {  	_ =	shalt  }
0x81: {  	_ =	shalt  }
0x82: {  	_ =	shalt  }
0x83: {  	_ =	shalt  }
0x84: {  	_ =	shalt  }
0x85: {  	_ =	shalt  }
0x86: {  	_ =	shalt  }
0x87: {  	_ =	shalt  }
.Lfunc_end0:
.L_simem_size_0:
called_computation.2_lowered:
.L_overlay_start_0:
0x88: {  	s2 =	sld [smem:$0x3FD9]  }
0x89: {  	s3 =	sld [smem:$0x3FFE];
	_ =	sdelay $0x1  }
0x8a: {  	s1 =	srdreg.scid  }
0x8b: {  	s0 =	sand.u32 $0x1, s1  }
0x8c: {  	s17 =	sshll.u32 s0, $0xA;
	s2 =	sadd.s32 s3, s2  }
0x8d: {  	s2 =	sadd.s32 s2, s17  }
0x8e: {  	[smem:$0x3FC0] =	sst s2  }
0x8f: {  	_ = 	snop  }
0x90: {  	s2 =	sld [smem:$0x3FD0];
	(tm) =	ssettm $0x1  }
0x91: {  	s18 =	sld [smem:$0x3FFB];
	_ =	sdelay $0x3  }
0x92: {  	_ =	strace s18  }
0x93: {  	s3 =	sld [smem:$0x3FFC];
	_ =	sdelay $0x3  }
0x94: {  	_ =	strace s3  }
0x95: {  	s3 =	sld [smem:$0x3FFD];
	_ =	sdelay $0x3  }
0x96: {  	_ =	strace s3  }
0x97: {  	_ =	strace $0x8FFFFFFF  }
0x98: {  	s19 =	sld [smem:$0x3FDB];
	_ =	sdelay $0x1  }
0x99: {  	s4 =	simm.s32 $_scs_section_size  }
0x9a: {  	s5 =	simm.s32 $_size__tile_overlayer_lowered;
	s6 =	simm.s32 $_tile_overlayer_lowered  }
0x9b: {  	s22 =	simm.s32 $0x1BFF;
	s21 =	sshll.u32 s6, $0x1;
	s3 =	sadd.s32 s4, s19  }
0x9c: {  	s7 =	simm.s32 $0x0;
	s20 =	sshll.u32 s5, $0x1;
	s5 =	sadd.s32 s21, s3  }
0x9d: {  	[timem:s7], [sflag:s22] =	dma.local [hbm:s5], s20  }
0x9e: {  	_ =	swait.ge [sflag:s22], s20  }
0x9f: {  	s4 =	ssub.s32 $0x0, s20;
	[sflag:s22] =	ssyncset.done $0x0  }
0xa0: {  	[sflag:s22] =	ssyncadd.s32 s4;
	_ =	sdelay $0x1  }
0xa1: {  	s23 =	simm.s32 $0x1B8B  }
0xa2: {  	_ =	swait.ge [sflag:s23], $0x1  }
0xa3: {  	[sflag:s23] =	ssyncset.done $0x0  }
0xa4: {  	s25 =	simm.s32 $0x1B8E;
	s24 =	sld [smem:$0x3FFE];
	[sflag:s23] =	ssyncadd.s32 $0xFFFFFFFF  }
0xa5: {  	s26 =	simm.s32 $execute0_lowered;
	[smem:$0x3FD2] =	sst s25  }
0xa6: {  	s5 =	sshll.u32 s26, $0x1;
	_ =	strace $0x8000004C;
	[dreg:$0x1] =	wrdreg $0xFFFFFFFF  }
0xa7: {  	s28 =	simm.s32 $_size_execute0_lowered;
	s3 =	sadd.s32 s3, s5;
	[dreg:$0x0] =	wrdreg $0x0  }
0xa8: {  	s5 =	sshll.u32 s28, $0x1;
	[dreg:$0x2] =	wrdreg s3  }
0xa9: {  	[dreg:$0x3] =	wrdreg s5  }
0xaa: {  	[dreg:$0x4] =	wrdreg $0xC0  }
0xab: {  	_ =	task [dreg:s7], $0x5FFFF  }
0xac: {  	[dreg:$0x1] =	wrdreg $0xFFFFFFFF  }
0xad: {  	[dreg:$0x0] =	wrdreg $0x60  }
0xae: {  	[dreg:$0x2] =	wrdreg s24  }
0xaf: {  	[dreg:$0x3] =	wrdreg s2  }
0xb0: {  	[dreg:$0x4] =	wrdreg $0xC4000  }
0xb1: {  	[dreg:$0x5] =	wrdreg $0x9  }
0xb2: {  	_ =	task.clear_ibuf [dreg:s7], $0x6FFFF;
	_ =	strace $0x9000004C  }
0xb3: {  	s29 =	simm.s32 $0x9;
	_ =	strace $0x8000004E  }
0xb4: {  	_ =	swait.ge [sflag:s29], $0x1  }
0xb5: {  	[sflag:s29] =	ssyncadd.s32 $0xFFFFFFFF  }
0xb6: {  	_ =	strace $0x9000004E  }
0xb7: {  	_ =	sfence  }
0xb8: {  	s30 =	sld [smem:$0x0];
	_ =	sdelay $0x2  }
0xb9: {  	s31 =	sshll.u32 s1, $0xD;
	s1 =	sshrl.u32 s1, $0x2  }
0xba: {  	s3 =	sand.u32 $0x4000, s31;
	s1 =	sadd.s32 s1, s30  }
0xbb: {  	s0 =	sor.u32 s3, s0;
	s1 =	sshll.u32 s1, $0x11  }
0xbc: {  	s0 =	sor.u32 s1, s0  }
0xbd: {  	s0 =	sadd.s32 $0x8F2B, s0  }
0xbe: {  	[sflag:s0] =	ssyncadd.remote.s32 $0x1  }
0xbf: {  	_ =	sfence.sel $0xFFFF  }
0xc0: {  	[dreg:$0x0] =	wrdreg $0xFFFFFFFF;
	(pc) =	sbr.abs _section_cstart, $3  }
0xc1: {  	[dreg:$0x1] =	wrdreg $0xFFFFFFFF  }
0xc2: {  	_ =	task.clear_ibuf [dreg:s7], $0x2FFFF;
	_ =	strace $0x9FFFFFFF  }
0xc3: {  	(tm) =	ssettm $0x7FFFFFFF  }
tec
execute0_lowered:
.L_overlay_start_1:
0x0: {  	(tag) =	ssettag $0x1  }
0x1: {  	s0 =	rddreg [dreg:$0x0]  }
0x2: {  	s2 =	rddreg [dreg:$0x1]  }
0x3: {  	s3 =	rddreg [dreg:$0x2]  }
0x4: {  	s12 =	stileid.u32;
	s1 =	srdreg.scid  }
0x5: {  	s4 =	simm.s32 $0x0;
	s19 =	simm.s32 $0xE;
	s21 =	simm.s32 $0x80  }
0x6: {  	s29 =	simm.s32 $0x2;
	s30 =	simm.s32 $0x5;
	s6 =	smul.u32 $0x13C00, s12  }
0x7: {  	s1 =	sand.u32 $0x1, s1;
	[smem:$0x7FF] =	sst s4;
	s10 =	smul.u32 $0x4F000, s12  }
0x8: {  	s5 =	sadd.s32 $0x3C00, s0;
	s28 =	sshll.u32 s12, $0x6;
	s7 =	smul.u32 $0x13C000, s1  }
0x9: {  	_ =	strace $0x8000004D;
	s9 =	ssub.s32 $0x2, s1;
	s1 =	sshll.u32 s1, $0x4  }
0xa: {  	s8 =	sshrl.u32 s6, $0x3;
	s24 =	sshrl.u32 s9, $0x1;
	s1 =	sor.u32 s12, s1  }
0xb: {  	s25 =	sshrl.u32 s10, $0x2;
	s7 =	sadd.s32 s6, s7;
	s6 =	sadd.s32 $0x36400, s0  }
0xc: {  	s8 =	sadd.s32 s8, s0;
	s11 =	ssub.s32 s9, s24;
	s26 =	sadd.s32 s25, s3  }
0xd: {  	s9 =	sor.u32 $0x1C0E, s28;
	s25 =	simm.s32 $0x1;
	s7 =	sshrl.u32 s7, $0x3  }
0xe: {  	s8 =	sadd.s32 $0xEC00, s8;
	s11 =	smax.u32 s11, $0x1;
	s18 =	sshrl.u32 s26, $0x3  }
0xf: {  	s26 =	simm.s32 $0x4;
	s0 =	sadd.s32 s7, s0;
	s7 =	smul.u32 $0x2800, s1  }
.Ltmp0:
0x10: {  	[dreg:$0x4] =	wrdreg s8;
	s0 =	sadd.s32 $0x5DC00, s0;
	(pc) =	sbr.rel .LBB2_1-.Ltmp0, $4  }
0x11: {  	s1 =	simm.s32 $0x0;
	[dreg:$0x5] =	wrdreg s0;
	s31 =	sshrl.u32 s7, $0x3  }
0x12: {  	s12 =	sadd.s32 s5, s31;
	s15 =	sor.u32 $0x10, s31;
	s13 =	sadd.s32 s2, s31  }
0x13: {  	s0 =	sor.u32 $0x20, s31;
	s14 =	sadd.s32 s5, s15;
	s15 =	sadd.s32 s2, s15  }
0x14: {  	s16 =	sadd.s32 s5, s0;
	s17 =	sadd.s32 s2, s0;
	s0 =	simm.s32 $0xC  }
.LBB2_7:
0x15: {  	_ =	swait.ge [sflag:s0], $0x4000  }
0x16: {  	[sflag:s0] =	ssyncset.done $0x0  }
0x17: {  	s1 =	sadd.s32 $0x1, s1;
	[sflag:s0] =	ssyncadd.s32 $0xFFFFC000  }
0x18: {  	p0 =	sne.s32 s1, s11;
	[bflag:$0x0] =	sbarrier.arrive $0xFFFF  }
.Ltmp1:
0x19: {  	s8 =	rddreg [dreg:$0x5];
	(pc) =	sbr.rel @!p0 .LBB2_8-.Ltmp1, $4  }
0x1a: {  	[hbm:s8], [sflag:s9] =	dma.local [spmem:s18], $0x2780  }
0x1b: {  	_ =	swait.ge [sflag:s19], $0x2780  }
0x1c: {  	[sflag:s19] =	ssyncset.done $0x0  }
0x1d: {  	[sflag:s19] =	ssyncadd.s32 $0xFFFFD880  }
.LBB2_1:
0x1e: {  	s8 =	rddreg [dreg:$0x4]  }
0x1f: {  	[spmem:s18], [sflag:s9] =	dma.local [hbm:s8], $0x2780  }
0x20: {  	_ =	swait.ge [sflag:s19], $0x2780  }
0x21: {  	[sflag:s19] =	ssyncset.done $0x0  }
0x22: {  	[sflag:s19] =	ssyncadd.s32 $0xFFFFD880  }
0x23: {  	[bflag:$0x0] =	sbarrier.arrive $0xFFFF  }
0x24: {  	[tilespmem:s4], [sflag:$0x1] =	stream.linear.gather [hbm4b:s12+s4], $0x80, $0x38;
	v63 =	vld [tilespmem:$0x0]  }
0x25: {  	s20 =	simm.s32 $0x200  }
0x26: {  	[tilespmem:s20], [sflag:$0x4] =	stream.linear.gather [hbm4b:s13+s4], $0x80, $0x38;
	v63 =	vld [tilespmem:$0x0]  }
0x27: {  	_ = 	snop  }
0x28: {  	[tilespmem:s21], [sflag:$0x2] =	stream.linear.gather [hbm4b:s14+s4], $0x80, $0x38;
	v63 =	vld [tilespmem:$0x0]  }
0x29: {  	s22 =	simm.s32 $0x280  }
0x2a: {  	[tilespmem:s22], [sflag:$0x5] =	stream.linear.gather [hbm4b:s15+s4], $0x80, $0x38;
	v63 =	vld [tilespmem:$0x0]  }
0x2b: {  	s23 =	simm.s32 $0x100  }
0x2c: {  	[tilespmem:s23], [sflag:$0x3] =	stream.linear.gather [hbm4b:s16+s4], $0x80, $0x38;
	v63 =	vld [tilespmem:$0x0]  }
0x2d: {  	s24 =	simm.s32 $0x300  }
0x2e: {  	[tilespmem:s24], [sflag:$0x6] =	stream.linear.gather [hbm4b:s17+s4], $0x80, $0x38;
	v63 =	vld [tilespmem:$0x0]  }
0x2f: {  	_ =	swait.ge [sflag:s25], $0x80  }
0x30: {  	[sflag:s25] =	ssyncset.done $0x0  }
0x31: {  	[sflag:s25] =	ssyncadd.s32 $0xFFFFFF80  }
0x32: {  	_ =	swait.ge [sflag:s26], $0x80  }
0x33: {  	[sflag:s26] =	ssyncset.done $0x0  }
0x34: {  	s28 =	simm.s32 $0x400;
	[sflag:s26] =	ssyncadd.s32 $0xFFFFFF80  }
0x35: {  	[tilespmem:s28], [sflag:$0x8] =	stream.indirect.gather [hbm4b:s6+s21], $0x80, s4, s21, $0xb8;
	v63 =	vld [tilespmem:$0x0]  }
0x36: {  	_ =	swait.ge [sflag:s29], $0x80  }
0x37: {  	[sflag:s29] =	ssyncset.done $0x0  }
.Ltmp2:
0x38: {  	[sflag:s29] =	ssyncadd.s32 $0xFFFFFF80;
	(pc) =	sbr.rel .LBB2_2-.Ltmp2, $4  }
0x39: {  	_ =	swait.ge [sflag:s30], $0x80  }
0x3a: {  	s31 =	simm.s32 $0x4400;
	s20 =	simm.s32 $0x180;
	[sflag:s30] =	ssyncset.done $0x0  }
0x3b: {  	s22 =	simm.s32 $0x0;
	s23 =	simm.s32 $0x0;
	[sflag:s30] =	ssyncadd.s32 $0xFFFFFF80  }
0x3c: {  	[tilespmem:s31], [sflag:$0x9] =	stream.indirect.gather [hbm4b:s6+s21], $0x80, s21, s21, $0xb8;
	v63 =	vld [tilespmem:$0x0]  }
.LBB2_3:
0x3d: {  	s24 =	sadd.s32 $0x3, s23  }
0x3e: {  	s28 =	smul.u32 $0xAB, s24;
	_ =	sdelay $0x1  }
0x3f: {  	s28 =	sshrl.u32 s28, $0x9  }
0x40: {  	s28 =	sand.u32 $0x7F, s28  }
0x41: {  	s31 =	sand.u32 $0x7C00, s20;
	s28 =	smul.u32 $0x3, s28  }
0x42: {  	s8 =	sand.u32 $0x380, s20;
	s31 =	sadd.s32 s7, s31  }
0x43: {  	s8 =	sor.u32 s8, s31;
	s28 =	ssub.s32 s24, s28  }
0x44: {  	s8 =	sshrl.u32 s8, $0x3;
	s28 =	sand.u32 $0xFF, s28  }
0x45: {  	s10 =	sadd.s32 s5, s8;
	s31 =	sshll.u32 s28, $0x7;
	s28 =	sadd.s32 $0x1, s28  }
0x46: {  	[tilespmem:s31], [sflag:s28] =	stream.linear.gather [hbm4b:s10+s4], $0x80, $0x38;
	v63 =	vld [tilespmem:$0x0]  }
0x47: {  	s31 =	sand.u32 $0x3, s24  }
0x48: {  	s24 =	sshll.u32 s31, $0x7  }
0x49: {  	s8 =	sadd.s32 s2, s8;
	s10 =	sor.u32 $0x4, s31;
	s24 =	sor.u32 $0x200, s24  }
0x4a: {  	[tilespmem:s24], [sflag:s10] =	stream.linear.gather [hbm4b:s8+s4], $0x80, $0x38;
	v63 =	vld [tilespmem:$0x0]  }
.LBB2_5:
0x4b: {  	s8 =	sadd.s32 $0x2, s23  }
0x4c: {  	s10 =	smul.u32 $0xAB, s8;
	_ =	sdelay $0x1  }
0x4d: {  	s10 =	sshrl.u32 s10, $0x9  }
0x4e: {  	s10 =	sand.u32 $0x7F, s10  }
0x4f: {  	s10 =	smul.u32 $0x3, s10;
	_ =	sdelay $0x1  }
0x50: {  	s10 =	ssub.s32 s8, s10  }
0x51: {  	s10 =	sand.u32 $0xFF, s10  }
0x52: {  	s24 =	sadd.s32 $0x1, s10  }
0x53: {  	_ =	swait.ge [sflag:s24], $0x80  }
0x54: {  	s8 =	sand.u32 $0x3, s8;
	[sflag:s24] =	ssyncset.done $0x0  }
0x55: {  	s8 =	sor.u32 $0x4, s8;
	[sflag:s24] =	ssyncadd.s32 $0xFFFFFF80  }
0x56: {  	_ =	swait.ge [sflag:s8], $0x80  }
0x57: {  	s28 =	sshll.u32 s10, $0xE;
	s31 =	sshll.u32 s10, $0x7;
	[sflag:s8] =	ssyncset.done $0x0  }
0x58: {  	s10 =	sor.u32 $0x8, s10;
	[sflag:s8] =	ssyncadd.s32 $0xFFFFFF80;
	s8 =	sor.u32 $0x400, s28  }
0x59: {  	[tilespmem:s8], [sflag:s10] =	stream.indirect.gather [hbm4b:s6+s21], $0x80, s31, s21, $0xb8;
	v63 =	vld [tilespmem:$0x0]  }
.LBB2_6:
0x5a: {  	s23 =	sadd.s32 $0x1, s23  }
0x5b: {  	p0 =	sne.s32 s23, $0x50  }
.Ltmp3:
0x5c: {  	_ = 	snop;
	(pc) =	sbr.rel @!p0 .LBB2_7-.Ltmp3, $2  }
0x5d: {  	_ =	sdelay $0x2  }
0x5e: {  	s20 =	sadd.s32 $0x80, s20;
	s22 =	sadd.s32 $0x200, s22  }
.LBB2_2:
0x5f: {  	p0 =	seq.s32 s23, $0x0  }
0x60: {  	s24 =	sadd.s32 @!p0 $0xFFFFFFFF, s23  }
0x61: {  	s28 =	sand.u32 @!p0 $0xFF, s24  }
0x62: {  	s28 =	smul.u32 @!p0 $0xAB, s28  }
0x63: {  	s31 =	smul.u32 @!p0 $0xAB, s23  }
0x64: {  	s28 =	sshrl.u32 @!p0 s28, $0x9  }
0x65: {  	s31 =	sshrl.u32 @!p0 s31, $0x9;
	s28 =	smul.u32 @!p0 $0x3, s28  }
0x66: {  	s31 =	sand.u32 @!p0 $0x7F, s31  }
0x67: {  	s24 =	ssub.s32 @!p0 s24, s28;
	s28 =	smul.u32 @!p0 $0x3, s31  }
0x68: {  	s24 =	sand.u32 @!p0 $0xFF, s24  }
0x69: {  	s24 =	sadd.s32 @!p0 $0xB, s24;
	s28 =	ssub.s32 @!p0 s23, s28  }
0x6a: {  	_ =	swait.ge @!p0 [sflag:s24], $0x4000;
	s28 =	sand.u32 @!p0 $0xFF, s28  }
0x6b: {  	[sflag:s24] =	ssyncset.done @!p0 $0x0;
	s28 =	simm.s32 @p0 $0x0  }
0x6c: {  	[sflag:s24] =	ssyncadd.s32 @!p0 $0xFFFFC000;
	s10 =	sadd.s32 $0x8, s28;
	p0 =	sgt.u32 s23, $0x4C  }
.Ltmp4:
0x6d: {  	_ =	swait.ge [sflag:s10], $0x4000;
	(pc) =	sbr.rel @!p0 .LBB2_3-.Ltmp4, $4  }
0x6e: {  	s8 =	sand.u32 $0x600, s22;
	[sflag:s10] =	ssyncset.done $0x0  }
0x6f: {  	s31 =	sshrl.u32 s8, $0x2;
	[sflag:s10] =	ssyncadd.s32 $0xFFFFC000;
	s10 =	sshll.u32 s28, $0xE  }
0x70: {  	s31 =	sor.u32 $0x200, s31;
	s28 =	sadd.s32 $0xB, s28;
	s24 =	sor.u32 $0x400, s10  }
0x71: {  	[spmem:s3] =	stream.indirect.scatter.add.f32 [tilespmem:s24], [sflag:s28], $0x80, s31, s21, $0xb8;
	v63 =	vld [tilespmem:$0x0]  }
0x72: {  	p0 =	sne.s32 s23, $0x4D  }
.Ltmp5:
0x73: {  	_ = 	snop;
	(pc) =	sbr.rel @p0 .LBB2_6-.Ltmp5, $4  }
.Ltmp6:
0x74: {  	_ = 	snop;
	(pc) =	sbr.rel @!p0 .LBB2_5-.Ltmp6, $4  }
0x75: {  	_ = 	snop  }
0x76: {  	_ = 	snop  }
0x77: {  	_ = 	snop  }
0x78: {  	_ = 	snop  }
.LBB2_8:
0x79: {  	_ =	sfence.sel $0x180000  }
0x7a: {  	[bflag:$0x0] =	sbarrier.arrive $0xFFFF  }
0x7b: {  	_ =	strace $0x9000004D  }
0x7c: {  	s0 =	stileid.u32;
	[bflag:$0x2] =	sbarrier.arrive $0xFFFF  }
0x7d: {  	p0 =	sne.s32 s0, $0x0;
	s0 =	rddreg [dreg:$0x3]  }
0x7e: {  	s0 =	sadd.s32 @!p0 $0x100000, s0  }
0x7f: {  	[sflag:s0] =	ssyncadd.tile.s32 @!p0 $0x1;
	_ =	shalt  }
.Lfunc_end2:
_tile_overlayer_lowered:
.L_overlay_start_2:
0x80: {  	(tag) =	ssettag $0x2  }
0x81: {  	s0 =	rddreg [dreg:$0x0];
	s2 =	stileid.u32  }
0x82: {  	s1 =	rddreg [dreg:$0x1];
	p0 =	sne.s32 s2, $0x0  }
0x83: {  	s3 =	rddreg [dreg:$0x2];
	[bflag:$0x3] =	sbarrier.arrive $0xFFFF;
	s2 =	simm.s32 @!p0 $0x1C0E  }
0x84: {  	[timem:s3], [sflag:s2] =	dma.local @!p0 [hbm:s0], s1  }
0x85: {  	s0 =	simm.s32 @!p0 $0xE  }
0x86: {  	_ =	swait.ge @!p0 [sflag:s0], s1  }
0x87: {  	s1 =	ssub.s32 @!p0 $0x0, s1;
	[sflag:s0] =	ssyncset.done @!p0 $0x0  }
0x88: {  	[sflag:s0] =	ssyncadd.s32 @!p0 s1  }
0x89: {  	[bflag:$0x3] =	sbarrier.arrive $0xFFFF  }
0x8a: {  	_ =	shalt  }

// kernel: kernel.21.cloned.1.call-start
scs
__scs_entry_jumppad:
0x0: {  	(pc) =	sbr.rel $0x88, $3  }
0x1: {  	(tag) =	ssettag $0x0;
	lr =	simm.s32 $0x1  }
0x2: {  	[smem:$0x3F99] =	sst lr;
	_ =	strace $0xD0000000  }
0x3: {  	_ = 	snop  }
0x4: {  	_ = 	snop  }
0x5: {  	_ = 	snop  }
0x6: {  	_ = 	snop  }
0x7: {  	_ = 	snop  }
__scs_overlays_trampoline_lowered:
0x8: {  	[smem:$0x3FA8] =	sst s0  }
0x9: {  	[smem:$0x3FA9] =	sst s1  }
0xa: {  	[smem:$0x3FAA] =	sst s2  }
0xb: {  	[smem:$0x3FAB] =	sst s3  }
0xc: {  	[smem:$0x3FAC] =	sst s4  }
0xd: {  	[smem:$0x3FAD] =	sst s5  }
0xe: {  	[smem:$0x3FAE] =	sst s6  }
0xf: {  	[smem:$0x3FAF] =	sst s7  }
0x10: {  	[smem:$0x3FB0] =	sst s8  }
0x11: {  	[smem:$0x3FB1] =	sst s9;
	s0 =	simm.s32 @!p0 $0x0  }
0x12: {  	s1 =	sld [smem:$0x3F97];
	s0 =	simm.s32 @p0 $0x1  }
0x13: {  	[smem:$0x3FB2] =	sst s0;
	s0 =	simm.s32 @!p1 $0x0  }
0x14: {  	s2 =	sld [smem:$0x3F96];
	s0 =	simm.s32 @p1 $0x1  }
0x15: {  	[smem:$0x3FB3] =	sst s0;
	s0 =	simm.s32 @!p2 $0x0  }
0x16: {  	s3 =	sld [smem:$0x3FDB];
	s0 =	simm.s32 @p2 $0x1  }
0x17: {  	s4 =	simm.s32 $0x1BF5;
	[smem:$0x3FB5] =	sst s0  }
0x18: {  	s0 =	sld [smem:$0x3F98];
	_ =	swait.ge [sflag:s4], $0x0  }
0x19: {  	s7 =	sld [smem:$0x3F99]  }
0x1a: {  	s8 =	sadd.s32 $0xFFFFE003, lr  }
0x1b: {  	s9 =	sadd.s32 $0xFFFFFEF7, lr;
	s5 =	simm.s32 $0xFFFFFFFF;
	p2 =	slt.u32 s8, $0xFFFFF086  }
0x1c: {  	p1 =	slt.u32 s9, $0xF7A;
	s5 =	simm.s32 @!p2 $0x0  }
0x1d: {  	s5 =	simm.s32 @p1 $0x1;
	p0 =	seq.s32 s7, s2  }
0x1e: {  	s7 =	smul.u32 @!p0 $0xF7A, s2;
	p2 =	seq.s32 @!p0 s5, $0x0  }
0x1f: {  	s9 =	smul.u32 $0xF7A, s1;
	s8 =	simm.s32 @!p0 $0x1BF5;
	p2 =	por !p2, p0  }
0x20: {  	[sflag:s8] =	ssyncset.s32 @!p0 $0xFFFFF086;
	s6 =	sadd.s32 @!p0 s3, s7;
	s7 =	simm.s32 @!p0 $0x108  }
0x21: {  	s3 =	sadd.s32 s3, s9;
	s6 =	sadd.s32 @!p0 $0x88, s6;
	s7 =	simm.s32 @p2 $0x1082  }
0x22: {  	[simem:s7], [sflag:s8] =	dma.local @!p0 [hbm:s6], $0xF7A  }
0x23: {  	s9 =	sor.u32 $0xD0000000, s2;
	s6 =	simm.s32 $0x108;
	_ =	swait.ge @!p0 [sflag:s8], $0x0  }
0x24: {  	s3 =	sadd.s32 $0x88, s3;
	s6 =	simm.s32 @!p1 $0x1082;
	[sflag:s4] =	ssyncset.s32 $0xFFFFF086  }
0x25: {  	[simem:s6], [sflag:s4] =	dma.local [hbm:s3], $0xF7A  }
0x26: {  	[smem:$0x3F99] =	sst s1;
	(tag) =	ssettag s2;
	_ =	strace s9  }
0x27: {  	s1 =	sld [smem:$0x3FA9]  }
0x28: {  	s2 =	sld [smem:$0x3FAA]  }
0x29: {  	s4 =	sld [smem:$0x3FAC]  }
0x2a: {  	p0 =	seq.s32 s5, $0x0;
	s5 =	sld [smem:$0x3FAD]  }
0x2b: {  	s6 =	sld [smem:$0x3FAE]  }
0x2c: {  	s7 =	sld [smem:$0x3FAF]  }
0x2d: {  	s3 =	simm.s32 $0x108;
	s8 =	sld [smem:$0x3FB0]  }
0x2e: {  	s3 =	simm.s32 @!p0 $0x1082;
	s9 =	sld [smem:$0x3FB1]  }
0x2f: {  	lr =	sadd.s32 s0, s3;
	s0 =	sld [smem:$0x3FA8]  }
0x30: {  	s3 =	sld [smem:$0x3FAB]  }
0x31: {  	[smem:$0x3FB4] =	sst s10  }
0x32: {  	s10 =	sld [smem:$0x3FB2];
	_ =	sdelay $0x3  }
0x33: {  	p0 =	seq.s32 s10, $0x1;
	s10 =	sld [smem:$0x3FB4];
	_ =	sdelay $0x3  }
0x34: {  	[smem:$0x3FB4] =	sst s10  }
0x35: {  	s10 =	sld [smem:$0x3FB3];
	_ =	sdelay $0x3  }
0x36: {  	p1 =	seq.s32 s10, $0x1;
	s10 =	sld [smem:$0x3FB4];
	_ =	sdelay $0x3  }
0x37: {  	[smem:$0x3FB4] =	sst s10  }
0x38: {  	s10 =	sld [smem:$0x3FB5]  }
0x39: {  	_ = 	snop;
	(pc) =	sbr.ind lr, $3  }
0x3a: {  	_ = 	snop  }
0x3b: {  	_ = 	snop  }
0x3c: {  	p2 =	seq.s32 s10, $0x1;
	s10 =	sld [smem:$0x3FB4]  }
0x3d: {  	_ =	shalt  }
0x3e: {  	_ =	shalt  }
0x3f: {  	_ =	shalt  }
0x40: {  	_ =	shalt  }
0x41: {  	_ =	shalt  }
0x42: {  	_ =	shalt  }
0x43: {  	_ =	shalt  }
0x44: {  	_ =	shalt  }
0x45: {  	_ =	shalt  }
0x46: {  	_ =	shalt  }
0x47: {  	_ =	shalt  }
0x48: {  	_ =	shalt  }
0x49: {  	_ =	shalt  }
0x4a: {  	_ =	shalt  }
0x4b: {  	_ =	shalt  }
0x4c: {  	_ =	shalt  }
0x4d: {  	_ =	shalt  }
0x4e: {  	_ =	shalt  }
0x4f: {  	_ =	shalt  }
0x50: {  	_ =	shalt  }
0x51: {  	_ =	shalt  }
0x52: {  	_ =	shalt  }
0x53: {  	_ =	shalt  }
0x54: {  	_ =	shalt  }
0x55: {  	_ =	shalt  }
0x56: {  	_ =	shalt  }
0x57: {  	_ =	shalt  }
0x58: {  	_ =	shalt  }
0x59: {  	_ =	shalt  }
0x5a: {  	_ =	shalt  }
0x5b: {  	_ =	shalt  }
0x5c: {  	_ =	shalt  }
0x5d: {  	_ =	shalt  }
0x5e: {  	_ =	shalt  }
0x5f: {  	_ =	shalt  }
0x60: {  	_ =	shalt  }
0x61: {  	_ =	shalt  }
0x62: {  	_ =	shalt  }
0x63: {  	_ =	shalt  }
0x64: {  	_ =	shalt  }
0x65: {  	_ =	shalt  }
0x66: {  	_ =	shalt  }
0x67: {  	_ =	shalt  }
0x68: {  	_ =	shalt  }
0x69: {  	_ =	shalt  }
0x6a: {  	_ =	shalt  }
0x6b: {  	_ =	shalt  }
0x6c: {  	_ =	shalt  }
0x6d: {  	_ =	shalt  }
0x6e: {  	_ =	shalt  }
0x6f: {  	_ =	shalt  }
0x70: {  	_ =	shalt  }
0x71: {  	_ =	shalt  }
0x72: {  	_ =	shalt  }
0x73: {  	_ =	shalt  }
0x74: {  	_ =	shalt  }
0x75: {  	_ =	shalt  }
0x76: {  	_ =	shalt  }
0x77: {  	_ =	shalt  }
0x78: {  	_ =	shalt  }
0x79: {  	_ =	shalt  }
0x7a: {  	_ =	shalt  }
0x7b: {  	_ =	shalt  }
0x7c: {  	_ =	shalt  }
0x7d: {  	_ =	shalt  }
0x7e: {  	_ =	shalt  }
0x7f: {  	_ =	shalt  }
0x80: {  	_ =	shalt  }
0x81: {  	_ =	shalt  }
0x82: {  	_ =	shalt  }
0x83: {  	_ =	shalt  }
0x84: {  	_ =	shalt  }
0x85: {  	_ =	shalt  }
0x86: {  	_ =	shalt  }
0x87: {  	_ =	shalt  }
.Lfunc_end0:
.L_simem_size_0:
called_computation.3_lowered:
.L_overlay_start_0:
0x88: {  	s2 =	sld [smem:$0x3FD9]  }
0x89: {  	s3 =	sld [smem:$0x3FFE];
	_ =	sdelay $0x1  }
0x8a: {  	s1 =	srdreg.scid  }
0x8b: {  	s0 =	sand.u32 $0x1, s1  }
0x8c: {  	s17 =	sshll.u32 s0, $0xA;
	s2 =	sadd.s32 s3, s2  }
0x8d: {  	s2 =	sadd.s32 s2, s17  }
0x8e: {  	[smem:$0x3FC0] =	sst s2  }
0x8f: {  	_ = 	snop  }
0x90: {  	s2 =	sld [smem:$0x3FD0];
	(tm) =	ssettm $0x1  }
0x91: {  	s18 =	sld [smem:$0x3FFB];
	_ =	sdelay $0x3  }
0x92: {  	_ =	strace s18  }
0x93: {  	s3 =	sld [smem:$0x3FFC];
	_ =	sdelay $0x3  }
0x94: {  	_ =	strace s3  }
0x95: {  	s3 =	sld [smem:$0x3FFD];
	_ =	sdelay $0x3  }
0x96: {  	_ =	strace s3  }
0x97: {  	_ =	strace $0x8FFFFFFF  }
0x98: {  	s19 =	sld [smem:$0x3FDB];
	_ =	sdelay $0x1  }
0x99: {  	s4 =	simm.s32 $_scs_section_size  }
0x9a: {  	s5 =	simm.s32 $_size__tile_overlayer_lowered;
	s6 =	simm.s32 $_tile_overlayer_lowered  }
0x9b: {  	s22 =	simm.s32 $0x1BFF;
	s21 =	sshll.u32 s6, $0x1;
	s3 =	sadd.s32 s4, s19  }
0x9c: {  	s7 =	simm.s32 $0x0;
	s20 =	sshll.u32 s5, $0x1;
	s5 =	sadd.s32 s21, s3  }
0x9d: {  	[timem:s7], [sflag:s22] =	dma.local [hbm:s5], s20  }
0x9e: {  	_ =	swait.ge [sflag:s22], s20  }
0x9f: {  	s4 =	ssub.s32 $0x0, s20;
	[sflag:s22] =	ssyncset.done $0x0  }
0xa0: {  	[sflag:s22] =	ssyncadd.s32 s4;
	_ =	sdelay $0x1  }
0xa1: {  	s23 =	simm.s32 $0x1B8B  }
0xa2: {  	_ =	swait.ge [sflag:s23], $0x1  }
0xa3: {  	[sflag:s23] =	ssyncset.done $0x0  }
0xa4: {  	s25 =	simm.s32 $0x1B8E;
	s24 =	sld [smem:$0x3FFE];
	[sflag:s23] =	ssyncadd.s32 $0xFFFFFFFF  }
0xa5: {  	s26 =	simm.s32 $execute0_lowered;
	[smem:$0x3FD2] =	sst s25  }
0xa6: {  	s5 =	sshll.u32 s26, $0x1;
	_ =	strace $0x8000004F;
	[dreg:$0x1] =	wrdreg $0xFFFFFFFF  }
0xa7: {  	s28 =	simm.s32 $_size_execute0_lowered;
	s3 =	sadd.s32 s3, s5;
	[dreg:$0x0] =	wrdreg $0x0  }
0xa8: {  	s5 =	sshll.u32 s28, $0x1;
	[dreg:$0x2] =	wrdreg s3  }
0xa9: {  	[dreg:$0x3] =	wrdreg s5  }
0xaa: {  	[dreg:$0x4] =	wrdreg $0xC0  }
0xab: {  	_ =	task [dreg:s7], $0x5FFFF  }
0xac: {  	[dreg:$0x1] =	wrdreg $0xFFFFFFFF  }
0xad: {  	[dreg:$0x0] =	wrdreg $0x60  }
0xae: {  	[dreg:$0x2] =	wrdreg s24  }
0xaf: {  	[dreg:$0x3] =	wrdreg s2  }
0xb0: {  	[dreg:$0x4] =	wrdreg $0xC4000  }
0xb1: {  	[dreg:$0x5] =	wrdreg $0x9  }
0xb2: {  	_ =	task.clear_ibuf [dreg:s7], $0x6FFFF;
	_ =	strace $0x9000004F  }
0xb3: {  	s29 =	simm.s32 $0x9;
	_ =	strace $0x80000051  }
0xb4: {  	_ =	swait.ge [sflag:s29], $0x1  }
0xb5: {  	[sflag:s29] =	ssyncadd.s32 $0xFFFFFFFF  }
0xb6: {  	_ =	strace $0x90000051  }
0xb7: {  	_ =	sfence  }
0xb8: {  	s30 =	sld [smem:$0x0];
	_ =	sdelay $0x2  }
0xb9: {  	s31 =	sshll.u32 s1, $0xD;
	s1 =	sshrl.u32 s1, $0x2  }
0xba: {  	s3 =	sand.u32 $0x4000, s31;
	s1 =	sadd.s32 s1, s30  }
0xbb: {  	s0 =	sor.u32 s3, s0;
	s1 =	sshll.u32 s1, $0x11  }
0xbc: {  	s0 =	sor.u32 s1, s0  }
0xbd: {  	s0 =	sadd.s32 $0x8F2B, s0  }
0xbe: {  	[sflag:s0] =	ssyncadd.remote.s32 $0x1  }
0xbf: {  	_ =	sfence.sel $0xFFFF  }
0xc0: {  	[dreg:$0x0] =	wrdreg $0xFFFFFFFF;
	(pc) =	sbr.abs _section_cstart, $3  }
0xc1: {  	[dreg:$0x1] =	wrdreg $0xFFFFFFFF  }
0xc2: {  	_ =	task.clear_ibuf [dreg:s7], $0x2FFFF;
	_ =	strace $0x9FFFFFFF  }
0xc3: {  	(tm) =	ssettm $0x7FFFFFFF  }
tec
execute0_lowered:
.L_overlay_start_1:
0x0: {  	(tag) =	ssettag $0x1  }
0x1: {  	s0 =	rddreg [dreg:$0x0]  }
0x2: {  	s2 =	rddreg [dreg:$0x1]  }
0x3: {  	s3 =	rddreg [dreg:$0x2]  }
0x4: {  	s12 =	stileid.u32;
	s1 =	srdreg.scid  }
0x5: {  	s4 =	simm.s32 $0x0;
	s19 =	simm.s32 $0xE;
	s21 =	simm.s32 $0x80  }
0x6: {  	s29 =	simm.s32 $0x2;
	s30 =	simm.s32 $0x5;
	s6 =	smul.u32 $0x13C00, s12  }
0x7: {  	s1 =	sand.u32 $0x1, s1;
	[smem:$0x7FF] =	sst s4;
	s10 =	smul.u32 $0x4F000, s12  }
0x8: {  	s5 =	sadd.s32 $0x3C00, s0;
	s28 =	sshll.u32 s12, $0x6;
	s7 =	smul.u32 $0x13C000, s1  }
0x9: {  	_ =	strace $0x80000050;
	s9 =	ssub.s32 $0x2, s1;
	s1 =	sshll.u32 s1, $0x4  }
0xa: {  	s8 =	sshrl.u32 s6, $0x3;
	s24 =	sshrl.u32 s9, $0x1;
	s1 =	sor.u32 s12, s1  }
0xb: {  	s25 =	sshrl.u32 s10, $0x2;
	s7 =	sadd.s32 s6, s7;
	s6 =	sadd.s32 $0x36400, s0  }
0xc: {  	s8 =	sadd.s32 s8, s0;
	s11 =	ssub.s32 s9, s24;
	s26 =	sadd.s32 s25, s3  }
0xd: {  	s9 =	sor.u32 $0x1C0E, s28;
	s25 =	simm.s32 $0x1;
	s7 =	sshrl.u32 s7, $0x3  }
0xe: {  	s8 =	sadd.s32 $0xEC00, s8;
	s11 =	smax.u32 s11, $0x1;
	s18 =	sshrl.u32 s26, $0x3  }
0xf: {  	s26 =	simm.s32 $0x4;
	s0 =	sadd.s32 s7, s0;
	s7 =	smul.u32 $0x2800, s1  }
.Ltmp0:
0x10: {  	[dreg:$0x4] =	wrdreg s8;
	s0 =	sadd.s32 $0x5DC00, s0;
	(pc) =	sbr.rel .LBB2_1-.Ltmp0, $4  }
0x11: {  	s1 =	simm.s32 $0x0;
	[dreg:$0x5] =	wrdreg s0;
	s31 =	sshrl.u32 s7, $0x3  }
0x12: {  	s12 =	sadd.s32 s5, s31;
	s15 =	sor.u32 $0x10, s31;
	s13 =	sadd.s32 s2, s31  }
0x13: {  	s0 =	sor.u32 $0x20, s31;
	s14 =	sadd.s32 s5, s15;
	s15 =	sadd.s32 s2, s15  }
0x14: {  	s16 =	sadd.s32 s5, s0;
	s17 =	sadd.s32 s2, s0;
	s0 =	simm.s32 $0xC  }
.LBB2_7:
0x15: {  	_ =	swait.ge [sflag:s0], $0x4000  }
0x16: {  	[sflag:s0] =	ssyncset.done $0x0  }
0x17: {  	s1 =	sadd.s32 $0x1, s1;
	[sflag:s0] =	ssyncadd.s32 $0xFFFFC000  }
0x18: {  	p0 =	sne.s32 s1, s11;
	[bflag:$0x0] =	sbarrier.arrive $0xFFFF  }
.Ltmp1:
0x19: {  	s8 =	rddreg [dreg:$0x5];
	(pc) =	sbr.rel @!p0 .LBB2_8-.Ltmp1, $4  }
0x1a: {  	[hbm:s8], [sflag:s9] =	dma.local [spmem:s18], $0x2780  }
0x1b: {  	_ =	swait.ge [sflag:s19], $0x2780  }
0x1c: {  	[sflag:s19] =	ssyncset.done $0x0  }
0x1d: {  	[sflag:s19] =	ssyncadd.s32 $0xFFFFD880  }
.LBB2_1:
0x1e: {  	s8 =	rddreg [dreg:$0x4]  }
0x1f: {  	[spmem:s18], [sflag:s9] =	dma.local [hbm:s8], $0x2780  }
0x20: {  	_ =	swait.ge [sflag:s19], $0x2780  }
0x21: {  	[sflag:s19] =	ssyncset.done $0x0  }
0x22: {  	[sflag:s19] =	ssyncadd.s32 $0xFFFFD880  }
0x23: {  	[bflag:$0x0] =	sbarrier.arrive $0xFFFF  }
0x24: {  	[tilespmem:s4], [sflag:$0x1] =	stream.linear.gather [hbm4b:s12+s4], $0x80, $0x38;
	v63 =	vld [tilespmem:$0x0]  }
0x25: {  	s20 =	simm.s32 $0x200  }
0x26: {  	[tilespmem:s20], [sflag:$0x4] =	stream.linear.gather [hbm4b:s13+s4], $0x80, $0x38;
	v63 =	vld [tilespmem:$0x0]  }
0x27: {  	_ = 	snop  }
0x28: {  	[tilespmem:s21], [sflag:$0x2] =	stream.linear.gather [hbm4b:s14+s4], $0x80, $0x38;
	v63 =	vld [tilespmem:$0x0]  }
0x29: {  	s22 =	simm.s32 $0x280  }
0x2a: {  	[tilespmem:s22], [sflag:$0x5] =	stream.linear.gather [hbm4b:s15+s4], $0x80, $0x38;
	v63 =	vld [tilespmem:$0x0]  }
0x2b: {  	s23 =	simm.s32 $0x100  }
0x2c: {  	[tilespmem:s23], [sflag:$0x3] =	stream.linear.gather [hbm4b:s16+s4], $0x80, $0x38;
	v63 =	vld [tilespmem:$0x0]  }
0x2d: {  	s24 =	simm.s32 $0x300  }
0x2e: {  	[tilespmem:s24], [sflag:$0x6] =	stream.linear.gather [hbm4b:s17+s4], $0x80, $0x38;
	v63 =	vld [tilespmem:$0x0]  }
0x2f: {  	_ =	swait.ge [sflag:s25], $0x80  }
0x30: {  	[sflag:s25] =	ssyncset.done $0x0  }
0x31: {  	[sflag:s25] =	ssyncadd.s32 $0xFFFFFF80  }
0x32: {  	_ =	swait.ge [sflag:s26], $0x80  }
0x33: {  	[sflag:s26] =	ssyncset.done $0x0  }
0x34: {  	s28 =	simm.s32 $0x400;
	[sflag:s26] =	ssyncadd.s32 $0xFFFFFF80  }
0x35: {  	[tilespmem:s28], [sflag:$0x8] =	stream.indirect.gather [hbm4b:s6+s21], $0x80, s4, s21, $0xb8;
	v63 =	vld [tilespmem:$0x0]  }
0x36: {  	_ =	swait.ge [sflag:s29], $0x80  }
0x37: {  	[sflag:s29] =	ssyncset.done $0x0  }
.Ltmp2:
0x38: {  	[sflag:s29] =	ssyncadd.s32 $0xFFFFFF80;
	(pc) =	sbr.rel .LBB2_2-.Ltmp2, $4  }
0x39: {  	_ =	swait.ge [sflag:s30], $0x80  }
0x3a: {  	s31 =	simm.s32 $0x4400;
	s20 =	simm.s32 $0x180;
	[sflag:s30] =	ssyncset.done $0x0  }
0x3b: {  	s22 =	simm.s32 $0x0;
	s23 =	simm.s32 $0x0;
	[sflag:s30] =	ssyncadd.s32 $0xFFFFFF80  }
0x3c: {  	[tilespmem:s31], [sflag:$0x9] =	stream.indirect.gather [hbm4b:s6+s21], $0x80, s21, s21, $0xb8;
	v63 =	vld [tilespmem:$0x0]  }
.LBB2_3:
0x3d: {  	s24 =	sadd.s32 $0x3, s23  }
0x3e: {  	s28 =	smul.u32 $0xAB, s24;
	_ =	sdelay $0x1  }
0x3f: {  	s28 =	sshrl.u32 s28, $0x9  }
0x40: {  	s28 =	sand.u32 $0x7F, s28  }
0x41: {  	s31 =	sand.u32 $0x7C00, s20;
	s28 =	smul.u32 $0x3, s28  }
0x42: {  	s8 =	sand.u32 $0x380, s20;
	s31 =	sadd.s32 s7, s31  }
0x43: {  	s8 =	sor.u32 s8, s31;
	s28 =	ssub.s32 s24, s28  }
0x44: {  	s8 =	sshrl.u32 s8, $0x3;
	s28 =	sand.u32 $0xFF, s28  }
0x45: {  	s10 =	sadd.s32 s5, s8;
	s31 =	sshll.u32 s28, $0x7;
	s28 =	sadd.s32 $0x1, s28  }
0x46: {  	[tilespmem:s31], [sflag:s28] =	stream.linear.gather [hbm4b:s10+s4], $0x80, $0x38;
	v63 =	vld [tilespmem:$0x0]  }
0x47: {  	s31 =	sand.u32 $0x3, s24  }
0x48: {  	s24 =	sshll.u32 s31, $0x7  }
0x49: {  	s8 =	sadd.s32 s2, s8;
	s10 =	sor.u32 $0x4, s31;
	s24 =	sor.u32 $0x200, s24  }
0x4a: {  	[tilespmem:s24], [sflag:s10] =	stream.linear.gather [hbm4b:s8+s4], $0x80, $0x38;
	v63 =	vld [tilespmem:$0x0]  }
.LBB2_5:
0x4b: {  	s8 =	sadd.s32 $0x2, s23  }
0x4c: {  	s10 =	smul.u32 $0xAB, s8;
	_ =	sdelay $0x1  }
0x4d: {  	s10 =	sshrl.u32 s10, $0x9  }
0x4e: {  	s10 =	sand.u32 $0x7F, s10  }
0x4f: {  	s10 =	smul.u32 $0x3, s10;
	_ =	sdelay $0x1  }
0x50: {  	s10 =	ssub.s32 s8, s10  }
0x51: {  	s10 =	sand.u32 $0xFF, s10  }
0x52: {  	s24 =	sadd.s32 $0x1, s10  }
0x53: {  	_ =	swait.ge [sflag:s24], $0x80  }
0x54: {  	s8 =	sand.u32 $0x3, s8;
	[sflag:s24] =	ssyncset.done $0x0  }
0x55: {  	s8 =	sor.u32 $0x4, s8;
	[sflag:s24] =	ssyncadd.s32 $0xFFFFFF80  }
0x56: {  	_ =	swait.ge [sflag:s8], $0x80  }
0x57: {  	s28 =	sshll.u32 s10, $0xE;
	s31 =	sshll.u32 s10, $0x7;
	[sflag:s8] =	ssyncset.done $0x0  }
0x58: {  	s10 =	sor.u32 $0x8, s10;
	[sflag:s8] =	ssyncadd.s32 $0xFFFFFF80;
	s8 =	sor.u32 $0x400, s28  }
0x59: {  	[tilespmem:s8], [sflag:s10] =	stream.indirect.gather [hbm4b:s6+s21], $0x80, s31, s21, $0xb8;
	v63 =	vld [tilespmem:$0x0]  }
.LBB2_6:
0x5a: {  	s23 =	sadd.s32 $0x1, s23  }
0x5b: {  	p0 =	sne.s32 s23, $0x50  }
.Ltmp3:
0x5c: {  	_ = 	snop;
	(pc) =	sbr.rel @!p0 .LBB2_7-.Ltmp3, $2  }
0x5d: {  	_ =	sdelay $0x2  }
0x5e: {  	s20 =	sadd.s32 $0x80, s20;
	s22 =	sadd.s32 $0x200, s22  }
.LBB2_2:
0x5f: {  	p0 =	seq.s32 s23, $0x0  }
0x60: {  	s24 =	sadd.s32 @!p0 $0xFFFFFFFF, s23  }
0x61: {  	s28 =	sand.u32 @!p0 $0xFF, s24  }
0x62: {  	s28 =	smul.u32 @!p0 $0xAB, s28  }
0x63: {  	s31 =	smul.u32 @!p0 $0xAB, s23  }
0x64: {  	s28 =	sshrl.u32 @!p0 s28, $0x9  }
0x65: {  	s31 =	sshrl.u32 @!p0 s31, $0x9;
	s28 =	smul.u32 @!p0 $0x3, s28  }
0x66: {  	s31 =	sand.u32 @!p0 $0x7F, s31  }
0x67: {  	s24 =	ssub.s32 @!p0 s24, s28;
	s28 =	smul.u32 @!p0 $0x3, s31  }
0x68: {  	s24 =	sand.u32 @!p0 $0xFF, s24  }
0x69: {  	s24 =	sadd.s32 @!p0 $0xB, s24;
	s28 =	ssub.s32 @!p0 s23, s28  }
0x6a: {  	_ =	swait.ge @!p0 [sflag:s24], $0x4000;
	s28 =	sand.u32 @!p0 $0xFF, s28  }
0x6b: {  	[sflag:s24] =	ssyncset.done @!p0 $0x0;
	s28 =	simm.s32 @p0 $0x0  }
0x6c: {  	[sflag:s24] =	ssyncadd.s32 @!p0 $0xFFFFC000;
	s10 =	sadd.s32 $0x8, s28;
	p0 =	sgt.u32 s23, $0x4C  }
.Ltmp4:
0x6d: {  	_ =	swait.ge [sflag:s10], $0x4000;
	(pc) =	sbr.rel @!p0 .LBB2_3-.Ltmp4, $4  }
0x6e: {  	s8 =	sand.u32 $0x600, s22;
	[sflag:s10] =	ssyncset.done $0x0  }
0x6f: {  	s31 =	sshrl.u32 s8, $0x2;
	[sflag:s10] =	ssyncadd.s32 $0xFFFFC000;
	s10 =	sshll.u32 s28, $0xE  }
0x70: {  	s31 =	sor.u32 $0x200, s31;
	s28 =	sadd.s32 $0xB, s28;
	s24 =	sor.u32 $0x400, s10  }
0x71: {  	[spmem:s3] =	stream.indirect.scatter.add.f32 [tilespmem:s24], [sflag:s28], $0x80, s31, s21, $0xb8;
	v63 =	vld [tilespmem:$0x0]  }
0x72: {  	p0 =	sne.s32 s23, $0x4D  }
.Ltmp5:
0x73: {  	_ = 	snop;
	(pc) =	sbr.rel @p0 .LBB2_6-.Ltmp5, $4  }
.Ltmp6:
0x74: {  	_ = 	snop;
	(pc) =	sbr.rel @!p0 .LBB2_5-.Ltmp6, $4  }
0x75: {  	_ = 	snop  }
0x76: {  	_ = 	snop  }
0x77: {  	_ = 	snop  }
0x78: {  	_ = 	snop  }
.LBB2_8:
0x79: {  	_ =	sfence.sel $0x180000  }
0x7a: {  	[bflag:$0x0] =	sbarrier.arrive $0xFFFF  }
0x7b: {  	_ =	strace $0x90000050  }
0x7c: {  	s0 =	stileid.u32;
	[bflag:$0x2] =	sbarrier.arrive $0xFFFF  }
0x7d: {  	p0 =	sne.s32 s0, $0x0;
	s0 =	rddreg [dreg:$0x3]  }
0x7e: {  	s0 =	sadd.s32 @!p0 $0x100000, s0  }
0x7f: {  	[sflag:s0] =	ssyncadd.tile.s32 @!p0 $0x1;
	_ =	shalt  }
.Lfunc_end2:
_tile_overlayer_lowered:
.L_overlay_start_2:
0x80: {  	(tag) =	ssettag $0x2  }
0x81: {  	s0 =	rddreg [dreg:$0x0];
	s2 =	stileid.u32  }
0x82: {  	s1 =	rddreg [dreg:$0x1];
	p0 =	sne.s32 s2, $0x0  }
0x83: {  	s3 =	rddreg [dreg:$0x2];
	[bflag:$0x3] =	sbarrier.arrive $0xFFFF;
	s2 =	simm.s32 @!p0 $0x1C0E  }
0x84: {  	[timem:s3], [sflag:s2] =	dma.local @!p0 [hbm:s0], s1  }
0x85: {  	s0 =	simm.s32 @!p0 $0xE  }
0x86: {  	_ =	swait.ge @!p0 [sflag:s0], s1  }
0x87: {  	s1 =	ssub.s32 @!p0 $0x0, s1;
	[sflag:s0] =	ssyncset.done @!p0 $0x0  }
0x88: {  	[sflag:s0] =	ssyncadd.s32 @!p0 s1  }
0x89: {  	[bflag:$0x3] =	sbarrier.arrive $0xFFFF  }
0x8a: {  	_ =	shalt  }

// kernel: kernel.24.cloned.1.call-start
scs
__scs_entry_jumppad:
0x0: {  	(pc) =	sbr.rel $0x88, $3  }
0x1: {  	(tag) =	ssettag $0x0;
	lr =	simm.s32 $0x1  }
0x2: {  	[smem:$0x3F99] =	sst lr;
	_ =	strace $0xD0000000  }
0x3: {  	_ = 	snop  }
0x4: {  	_ = 	snop  }
0x5: {  	_ = 	snop  }
0x6: {  	_ = 	snop  }
0x7: {  	_ = 	snop  }
__scs_overlays_trampoline_lowered:
0x8: {  	[smem:$0x3FA8] =	sst s0  }
0x9: {  	[smem:$0x3FA9] =	sst s1  }
0xa: {  	[smem:$0x3FAA] =	sst s2  }
0xb: {  	[smem:$0x3FAB] =	sst s3  }
0xc: {  	[smem:$0x3FAC] =	sst s4  }
0xd: {  	[smem:$0x3FAD] =	sst s5  }
0xe: {  	[smem:$0x3FAE] =	sst s6  }
0xf: {  	[smem:$0x3FAF] =	sst s7  }
0x10: {  	[smem:$0x3FB0] =	sst s8  }
0x11: {  	[smem:$0x3FB1] =	sst s9;
	s0 =	simm.s32 @!p0 $0x0  }
0x12: {  	s1 =	sld [smem:$0x3F97];
	s0 =	simm.s32 @p0 $0x1  }
0x13: {  	[smem:$0x3FB2] =	sst s0;
	s0 =	simm.s32 @!p1 $0x0  }
0x14: {  	s2 =	sld [smem:$0x3F96];
	s0 =	simm.s32 @p1 $0x1  }
0x15: {  	[smem:$0x3FB3] =	sst s0;
	s0 =	simm.s32 @!p2 $0x0  }
0x16: {  	s3 =	sld [smem:$0x3FDB];
	s0 =	simm.s32 @p2 $0x1  }
0x17: {  	s4 =	simm.s32 $0x1BF5;
	[smem:$0x3FB5] =	sst s0  }
0x18: {  	s0 =	sld [smem:$0x3F98];
	_ =	swait.ge [sflag:s4], $0x0  }
0x19: {  	s7 =	sld [smem:$0x3F99]  }
0x1a: {  	s8 =	sadd.s32 $0xFFFFE003, lr  }
0x1b: {  	s9 =	sadd.s32 $0xFFFFFEF7, lr;
	s5 =	simm.s32 $0xFFFFFFFF;
	p2 =	slt.u32 s8, $0xFFFFF086  }
0x1c: {  	p1 =	slt.u32 s9, $0xF7A;
	s5 =	simm.s32 @!p2 $0x0  }
0x1d: {  	s5 =	simm.s32 @p1 $0x1;
	p0 =	seq.s32 s7, s2  }
0x1e: {  	s7 =	smul.u32 @!p0 $0xF7A, s2;
	p2 =	seq.s32 @!p0 s5, $0x0  }
0x1f: {  	s9 =	smul.u32 $0xF7A, s1;
	s8 =	simm.s32 @!p0 $0x1BF5;
	p2 =	por !p2, p0  }
0x20: {  	[sflag:s8] =	ssyncset.s32 @!p0 $0xFFFFF086;
	s6 =	sadd.s32 @!p0 s3, s7;
	s7 =	simm.s32 @!p0 $0x108  }
0x21: {  	s3 =	sadd.s32 s3, s9;
	s6 =	sadd.s32 @!p0 $0x88, s6;
	s7 =	simm.s32 @p2 $0x1082  }
0x22: {  	[simem:s7], [sflag:s8] =	dma.local @!p0 [hbm:s6], $0xF7A  }
0x23: {  	s9 =	sor.u32 $0xD0000000, s2;
	s6 =	simm.s32 $0x108;
	_ =	swait.ge @!p0 [sflag:s8], $0x0  }
0x24: {  	s3 =	sadd.s32 $0x88, s3;
	s6 =	simm.s32 @!p1 $0x1082;
	[sflag:s4] =	ssyncset.s32 $0xFFFFF086  }
0x25: {  	[simem:s6], [sflag:s4] =	dma.local [hbm:s3], $0xF7A  }
0x26: {  	[smem:$0x3F99] =	sst s1;
	(tag) =	ssettag s2;
	_ =	strace s9  }
0x27: {  	s1 =	sld [smem:$0x3FA9]  }
0x28: {  	s2 =	sld [smem:$0x3FAA]  }
0x29: {  	s4 =	sld [smem:$0x3FAC]  }
0x2a: {  	p0 =	seq.s32 s5, $0x0;
	s5 =	sld [smem:$0x3FAD]  }
0x2b: {  	s6 =	sld [smem:$0x3FAE]  }
0x2c: {  	s7 =	sld [smem:$0x3FAF]  }
0x2d: {  	s3 =	simm.s32 $0x108;
	s8 =	sld [smem:$0x3FB0]  }
0x2e: {  	s3 =	simm.s32 @!p0 $0x1082;
	s9 =	sld [smem:$0x3FB1]  }
0x2f: {  	lr =	sadd.s32 s0, s3;
	s0 =	sld [smem:$0x3FA8]  }
0x30: {  	s3 =	sld [smem:$0x3FAB]  }
0x31: {  	[smem:$0x3FB4] =	sst s10  }
0x32: {  	s10 =	sld [smem:$0x3FB2];
	_ =	sdelay $0x3  }
0x33: {  	p0 =	seq.s32 s10, $0x1;
	s10 =	sld [smem:$0x3FB4];
	_ =	sdelay $0x3  }
0x34: {  	[smem:$0x3FB4] =	sst s10  }
0x35: {  	s10 =	sld [smem:$0x3FB3];
	_ =	sdelay $0x3  }
0x36: {  	p1 =	seq.s32 s10, $0x1;
	s10 =	sld [smem:$0x3FB4];
	_ =	sdelay $0x3  }
0x37: {  	[smem:$0x3FB4] =	sst s10  }
0x38: {  	s10 =	sld [smem:$0x3FB5]  }
0x39: {  	_ = 	snop;
	(pc) =	sbr.ind lr, $3  }
0x3a: {  	_ = 	snop  }
0x3b: {  	_ = 	snop  }
0x3c: {  	p2 =	seq.s32 s10, $0x1;
	s10 =	sld [smem:$0x3FB4]  }
0x3d: {  	_ =	shalt  }
0x3e: {  	_ =	shalt  }
0x3f: {  	_ =	shalt  }
0x40: {  	_ =	shalt  }
0x41: {  	_ =	shalt  }
0x42: {  	_ =	shalt  }
0x43: {  	_ =	shalt  }
0x44: {  	_ =	shalt  }
0x45: {  	_ =	shalt  }
0x46: {  	_ =	shalt  }
0x47: {  	_ =	shalt  }
0x48: {  	_ =	shalt  }
0x49: {  	_ =	shalt  }
0x4a: {  	_ =	shalt  }
0x4b: {  	_ =	shalt  }
0x4c: {  	_ =	shalt  }
0x4d: {  	_ =	shalt  }
0x4e: {  	_ =	shalt  }
0x4f: {  	_ =	shalt  }
0x50: {  	_ =	shalt  }
0x51: {  	_ =	shalt  }
0x52: {  	_ =	shalt  }
0x53: {  	_ =	shalt  }
0x54: {  	_ =	shalt  }
0x55: {  	_ =	shalt  }
0x56: {  	_ =	shalt  }
0x57: {  	_ =	shalt  }
0x58: {  	_ =	shalt  }
0x59: {  	_ =	shalt  }
0x5a: {  	_ =	shalt  }
0x5b: {  	_ =	shalt  }
0x5c: {  	_ =	shalt  }
0x5d: {  	_ =	shalt  }
0x5e: {  	_ =	shalt  }
0x5f: {  	_ =	shalt  }
0x60: {  	_ =	shalt  }
0x61: {  	_ =	shalt  }
0x62: {  	_ =	shalt  }
0x63: {  	_ =	shalt  }
0x64: {  	_ =	shalt  }
0x65: {  	_ =	shalt  }
0x66: {  	_ =	shalt  }
0x67: {  	_ =	shalt  }
0x68: {  	_ =	shalt  }
0x69: {  	_ =	shalt  }
0x6a: {  	_ =	shalt  }
0x6b: {  	_ =	shalt  }
0x6c: {  	_ =	shalt  }
0x6d: {  	_ =	shalt  }
0x6e: {  	_ =	shalt  }
0x6f: {  	_ =	shalt  }
0x70: {  	_ =	shalt  }
0x71: {  	_ =	shalt  }
0x72: {  	_ =	shalt  }
0x73: {  	_ =	shalt  }
0x74: {  	_ =	shalt  }
0x75: {  	_ =	shalt  }
0x76: {  	_ =	shalt  }
0x77: {  	_ =	shalt  }
0x78: {  	_ =	shalt  }
0x79: {  	_ =	shalt  }
0x7a: {  	_ =	shalt  }
0x7b: {  	_ =	shalt  }
0x7c: {  	_ =	shalt  }
0x7d: {  	_ =	shalt  }
0x7e: {  	_ =	shalt  }
0x7f: {  	_ =	shalt  }
0x80: {  	_ =	shalt  }
0x81: {  	_ =	shalt  }
0x82: {  	_ =	shalt  }
0x83: {  	_ =	shalt  }
0x84: {  	_ =	shalt  }
0x85: {  	_ =	shalt  }
0x86: {  	_ =	shalt  }
0x87: {  	_ =	shalt  }
.Lfunc_end0:
.L_simem_size_0:
called_computation.4_lowered:
.L_overlay_start_0:
0x88: {  	s2 =	sld [smem:$0x3FD9]  }
0x89: {  	s3 =	sld [smem:$0x3FFE];
	_ =	sdelay $0x1  }
0x8a: {  	s1 =	srdreg.scid  }
0x8b: {  	s0 =	sand.u32 $0x1, s1  }
0x8c: {  	s17 =	sshll.u32 s0, $0xA;
	s2 =	sadd.s32 s3, s2  }
0x8d: {  	s2 =	sadd.s32 s2, s17  }
0x8e: {  	[smem:$0x3FC0] =	sst s2  }
0x8f: {  	_ = 	snop  }
0x90: {  	s2 =	sld [smem:$0x3FD0];
	(tm) =	ssettm $0x1  }
0x91: {  	s18 =	sld [smem:$0x3FFB];
	_ =	sdelay $0x3  }
0x92: {  	_ =	strace s18  }
0x93: {  	s3 =	sld [smem:$0x3FFC];
	_ =	sdelay $0x3  }
0x94: {  	_ =	strace s3  }
0x95: {  	s3 =	sld [smem:$0x3FFD];
	_ =	sdelay $0x3  }
0x96: {  	_ =	strace s3  }
0x97: {  	_ =	strace $0x8FFFFFFF  }
0x98: {  	s19 =	sld [smem:$0x3FDB];
	_ =	sdelay $0x1  }
0x99: {  	s4 =	simm.s32 $_scs_section_size  }
0x9a: {  	s5 =	simm.s32 $_size__tile_overlayer_lowered;
	s6 =	simm.s32 $_tile_overlayer_lowered  }
0x9b: {  	s22 =	simm.s32 $0x1BFF;
	s21 =	sshll.u32 s6, $0x1;
	s3 =	sadd.s32 s4, s19  }
0x9c: {  	s7 =	simm.s32 $0x0;
	s20 =	sshll.u32 s5, $0x1;
	s5 =	sadd.s32 s21, s3  }
0x9d: {  	[timem:s7], [sflag:s22] =	dma.local [hbm:s5], s20  }
0x9e: {  	_ =	swait.ge [sflag:s22], s20  }
0x9f: {  	s4 =	ssub.s32 $0x0, s20;
	[sflag:s22] =	ssyncset.done $0x0  }
0xa0: {  	[sflag:s22] =	ssyncadd.s32 s4;
	_ =	sdelay $0x1  }
0xa1: {  	s23 =	simm.s32 $0x1B8B  }
0xa2: {  	_ =	swait.ge [sflag:s23], $0x1  }
0xa3: {  	[sflag:s23] =	ssyncset.done $0x0  }
0xa4: {  	s25 =	simm.s32 $0x1B8E;
	s24 =	sld [smem:$0x3FFE];
	[sflag:s23] =	ssyncadd.s32 $0xFFFFFFFF  }
0xa5: {  	s26 =	simm.s32 $execute0_lowered;
	[smem:$0x3FD2] =	sst s25  }
0xa6: {  	s5 =	sshll.u32 s26, $0x1;
	_ =	strace $0x80000052;
	[dreg:$0x1] =	wrdreg $0xFFFFFFFF  }
0xa7: {  	s28 =	simm.s32 $_size_execute0_lowered;
	s3 =	sadd.s32 s3, s5;
	[dreg:$0x0] =	wrdreg $0x0  }
0xa8: {  	s5 =	sshll.u32 s28, $0x1;
	[dreg:$0x2] =	wrdreg s3  }
0xa9: {  	[dreg:$0x3] =	wrdreg s5  }
0xaa: {  	[dreg:$0x4] =	wrdreg $0xC0  }
0xab: {  	_ =	task [dreg:s7], $0x5FFFF  }
0xac: {  	[dreg:$0x1] =	wrdreg $0xFFFFFFFF  }
0xad: {  	[dreg:$0x0] =	wrdreg $0x60  }
0xae: {  	[dreg:$0x2] =	wrdreg s24  }
0xaf: {  	[dreg:$0x3] =	wrdreg s2  }
0xb0: {  	[dreg:$0x4] =	wrdreg $0xC4000  }
0xb1: {  	[dreg:$0x5] =	wrdreg $0x9  }
0xb2: {  	_ =	task.clear_ibuf [dreg:s7], $0x6FFFF;
	_ =	strace $0x90000052  }
0xb3: {  	s29 =	simm.s32 $0x9;
	_ =	strace $0x80000054  }
0xb4: {  	_ =	swait.ge [sflag:s29], $0x1  }
0xb5: {  	[sflag:s29] =	ssyncadd.s32 $0xFFFFFFFF  }
0xb6: {  	_ =	strace $0x90000054  }
0xb7: {  	_ =	sfence  }
0xb8: {  	s30 =	sld [smem:$0x0];
	_ =	sdelay $0x2  }
0xb9: {  	s31 =	sshll.u32 s1, $0xD;
	s1 =	sshrl.u32 s1, $0x2  }
0xba: {  	s3 =	sand.u32 $0x4000, s31;
	s1 =	sadd.s32 s1, s30  }
0xbb: {  	s0 =	sor.u32 s3, s0;
	s1 =	sshll.u32 s1, $0x11  }
0xbc: {  	s0 =	sor.u32 s1, s0  }
0xbd: {  	s0 =	sadd.s32 $0x8F2B, s0  }
0xbe: {  	[sflag:s0] =	ssyncadd.remote.s32 $0x1  }
0xbf: {  	_ =	sfence.sel $0xFFFF  }
0xc0: {  	[dreg:$0x0] =	wrdreg $0xFFFFFFFF;
	(pc) =	sbr.abs _section_cstart, $3  }
0xc1: {  	[dreg:$0x1] =	wrdreg $0xFFFFFFFF  }
0xc2: {  	_ =	task.clear_ibuf [dreg:s7], $0x2FFFF;
	_ =	strace $0x9FFFFFFF  }
0xc3: {  	(tm) =	ssettm $0x7FFFFFFF  }
tec
execute0_lowered:
.L_overlay_start_1:
0x0: {  	(tag) =	ssettag $0x1  }
0x1: {  	s0 =	rddreg [dreg:$0x0]  }
0x2: {  	s2 =	rddreg [dreg:$0x1]  }
0x3: {  	s3 =	rddreg [dreg:$0x2]  }
0x4: {  	s12 =	stileid.u32;
	s1 =	srdreg.scid  }
0x5: {  	s4 =	simm.s32 $0x0;
	s19 =	simm.s32 $0xE;
	s21 =	simm.s32 $0x80  }
0x6: {  	s29 =	simm.s32 $0x2;
	s30 =	simm.s32 $0x5;
	s6 =	smul.u32 $0x13C00, s12  }
0x7: {  	s1 =	sand.u32 $0x1, s1;
	[smem:$0x7FF] =	sst s4;
	s10 =	smul.u32 $0x4F000, s12  }
0x8: {  	s5 =	sadd.s32 $0x3C00, s0;
	s28 =	sshll.u32 s12, $0x6;
	s7 =	smul.u32 $0x13C000, s1  }
0x9: {  	_ =	strace $0x80000053;
	s9 =	ssub.s32 $0x2, s1;
	s1 =	sshll.u32 s1, $0x4  }
0xa: {  	s8 =	sshrl.u32 s6, $0x3;
	s24 =	sshrl.u32 s9, $0x1;
	s1 =	sor.u32 s12, s1  }
0xb: {  	s25 =	sshrl.u32 s10, $0x2;
	s7 =	sadd.s32 s6, s7;
	s6 =	sadd.s32 $0x36400, s0  }
0xc: {  	s8 =	sadd.s32 s8, s0;
	s11 =	ssub.s32 s9, s24;
	s26 =	sadd.s32 s25, s3  }
0xd: {  	s9 =	sor.u32 $0x1C0E, s28;
	s25 =	simm.s32 $0x1;
	s7 =	sshrl.u32 s7, $0x3  }
0xe: {  	s8 =	sadd.s32 $0xEC00, s8;
	s11 =	smax.u32 s11, $0x1;
	s18 =	sshrl.u32 s26, $0x3  }
0xf: {  	s26 =	simm.s32 $0x4;
	s0 =	sadd.s32 s7, s0;
	s7 =	smul.u32 $0x2800, s1  }
.Ltmp0:
0x10: {  	[dreg:$0x4] =	wrdreg s8;
	s0 =	sadd.s32 $0x5DC00, s0;
	(pc) =	sbr.rel .LBB2_1-.Ltmp0, $4  }
0x11: {  	s1 =	simm.s32 $0x0;
	[dreg:$0x5] =	wrdreg s0;
	s31 =	sshrl.u32 s7, $0x3  }
0x12: {  	s12 =	sadd.s32 s5, s31;
	s15 =	sor.u32 $0x10, s31;
	s13 =	sadd.s32 s2, s31  }
0x13: {  	s0 =	sor.u32 $0x20, s31;
	s14 =	sadd.s32 s5, s15;
	s15 =	sadd.s32 s2, s15  }
0x14: {  	s16 =	sadd.s32 s5, s0;
	s17 =	sadd.s32 s2, s0;
	s0 =	simm.s32 $0xC  }
.LBB2_7:
0x15: {  	_ =	swait.ge [sflag:s0], $0x4000  }
0x16: {  	[sflag:s0] =	ssyncset.done $0x0  }
0x17: {  	s1 =	sadd.s32 $0x1, s1;
	[sflag:s0] =	ssyncadd.s32 $0xFFFFC000  }
0x18: {  	p0 =	sne.s32 s1, s11;
	[bflag:$0x0] =	sbarrier.arrive $0xFFFF  }
.Ltmp1:
0x19: {  	s8 =	rddreg [dreg:$0x5];
	(pc) =	sbr.rel @!p0 .LBB2_8-.Ltmp1, $4  }
0x1a: {  	[hbm:s8], [sflag:s9] =	dma.local [spmem:s18], $0x2780  }
0x1b: {  	_ =	swait.ge [sflag:s19], $0x2780  }
0x1c: {  	[sflag:s19] =	ssyncset.done $0x0  }
0x1d: {  	[sflag:s19] =	ssyncadd.s32 $0xFFFFD880  }
.LBB2_1:
0x1e: {  	s8 =	rddreg [dreg:$0x4]  }
0x1f: {  	[spmem:s18], [sflag:s9] =	dma.local [hbm:s8], $0x2780  }
0x20: {  	_ =	swait.ge [sflag:s19], $0x2780  }
0x21: {  	[sflag:s19] =	ssyncset.done $0x0  }
0x22: {  	[sflag:s19] =	ssyncadd.s32 $0xFFFFD880  }
0x23: {  	[bflag:$0x0] =	sbarrier.arrive $0xFFFF  }
0x24: {  	[tilespmem:s4], [sflag:$0x1] =	stream.linear.gather [hbm4b:s12+s4], $0x80, $0x38;
	v63 =	vld [tilespmem:$0x0]  }
0x25: {  	s20 =	simm.s32 $0x200  }
0x26: {  	[tilespmem:s20], [sflag:$0x4] =	stream.linear.gather [hbm4b:s13+s4], $0x80, $0x38;
	v63 =	vld [tilespmem:$0x0]  }
0x27: {  	_ = 	snop  }
0x28: {  	[tilespmem:s21], [sflag:$0x2] =	stream.linear.gather [hbm4b:s14+s4], $0x80, $0x38;
	v63 =	vld [tilespmem:$0x0]  }
0x29: {  	s22 =	simm.s32 $0x280  }
0x2a: {  	[tilespmem:s22], [sflag:$0x5] =	stream.linear.gather [hbm4b:s15+s4], $0x80, $0x38;
	v63 =	vld [tilespmem:$0x0]  }
0x2b: {  	s23 =	simm.s32 $0x100  }
0x2c: {  	[tilespmem:s23], [sflag:$0x3] =	stream.linear.gather [hbm4b:s16+s4], $0x80, $0x38;
	v63 =	vld [tilespmem:$0x0]  }
0x2d: {  	s24 =	simm.s32 $0x300  }
0x2e: {  	[tilespmem:s24], [sflag:$0x6] =	stream.linear.gather [hbm4b:s17+s4], $0x80, $0x38;
	v63 =	vld [tilespmem:$0x0]  }
0x2f: {  	_ =	swait.ge [sflag:s25], $0x80  }
0x30: {  	[sflag:s25] =	ssyncset.done $0x0  }
0x31: {  	[sflag:s25] =	ssyncadd.s32 $0xFFFFFF80  }
0x32: {  	_ =	swait.ge [sflag:s26], $0x80  }
0x33: {  	[sflag:s26] =	ssyncset.done $0x0  }
0x34: {  	s28 =	simm.s32 $0x400;
	[sflag:s26] =	ssyncadd.s32 $0xFFFFFF80  }
0x35: {  	[tilespmem:s28], [sflag:$0x8] =	stream.indirect.gather [hbm4b:s6+s21], $0x80, s4, s21, $0xb8;
	v63 =	vld [tilespmem:$0x0]  }
0x36: {  	_ =	swait.ge [sflag:s29], $0x80  }
0x37: {  	[sflag:s29] =	ssyncset.done $0x0  }
.Ltmp2:
0x38: {  	[sflag:s29] =	ssyncadd.s32 $0xFFFFFF80;
	(pc) =	sbr.rel .LBB2_2-.Ltmp2, $4  }
0x39: {  	_ =	swait.ge [sflag:s30], $0x80  }
0x3a: {  	s31 =	simm.s32 $0x4400;
	s20 =	simm.s32 $0x180;
	[sflag:s30] =	ssyncset.done $0x0  }
0x3b: {  	s22 =	simm.s32 $0x0;
	s23 =	simm.s32 $0x0;
	[sflag:s30] =	ssyncadd.s32 $0xFFFFFF80  }
0x3c: {  	[tilespmem:s31], [sflag:$0x9] =	stream.indirect.gather [hbm4b:s6+s21], $0x80, s21, s21, $0xb8;
	v63 =	vld [tilespmem:$0x0]  }
.LBB2_3:
0x3d: {  	s24 =	sadd.s32 $0x3, s23  }
0x3e: {  	s28 =	smul.u32 $0xAB, s24;
	_ =	sdelay $0x1  }
0x3f: {  	s28 =	sshrl.u32 s28, $0x9  }
0x40: {  	s28 =	sand.u32 $0x7F, s28  }
0x41: {  	s31 =	sand.u32 $0x7C00, s20;
	s28 =	smul.u32 $0x3, s28  }
0x42: {  	s8 =	sand.u32 $0x380, s20;
	s31 =	sadd.s32 s7, s31  }
0x43: {  	s8 =	sor.u32 s8, s31;
	s28 =	ssub.s32 s24, s28  }
0x44: {  	s8 =	sshrl.u32 s8, $0x3;
	s28 =	sand.u32 $0xFF, s28  }
0x45: {  	s10 =	sadd.s32 s5, s8;
	s31 =	sshll.u32 s28, $0x7;
	s28 =	sadd.s32 $0x1, s28  }
0x46: {  	[tilespmem:s31], [sflag:s28] =	stream.linear.gather [hbm4b:s10+s4], $0x80, $0x38;
	v63 =	vld [tilespmem:$0x0]  }
0x47: {  	s31 =	sand.u32 $0x3, s24  }
0x48: {  	s24 =	sshll.u32 s31, $0x7  }
0x49: {  	s8 =	sadd.s32 s2, s8;
	s10 =	sor.u32 $0x4, s31;
	s24 =	sor.u32 $0x200, s24  }
0x4a: {  	[tilespmem:s24], [sflag:s10] =	stream.linear.gather [hbm4b:s8+s4], $0x80, $0x38;
	v63 =	vld [tilespmem:$0x0]  }
.LBB2_5:
0x4b: {  	s8 =	sadd.s32 $0x2, s23  }
0x4c: {  	s10 =	smul.u32 $0xAB, s8;
	_ =	sdelay $0x1  }
0x4d: {  	s10 =	sshrl.u32 s10, $0x9  }
0x4e: {  	s10 =	sand.u32 $0x7F, s10  }
0x4f: {  	s10 =	smul.u32 $0x3, s10;
	_ =	sdelay $0x1  }
0x50: {  	s10 =	ssub.s32 s8, s10  }
0x51: {  	s10 =	sand.u32 $0xFF, s10  }
0x52: {  	s24 =	sadd.s32 $0x1, s10  }
0x53: {  	_ =	swait.ge [sflag:s24], $0x80  }
0x54: {  	s8 =	sand.u32 $0x3, s8;
	[sflag:s24] =	ssyncset.done $0x0  }
0x55: {  	s8 =	sor.u32 $0x4, s8;
	[sflag:s24] =	ssyncadd.s32 $0xFFFFFF80  }
0x56: {  	_ =	swait.ge [sflag:s8], $0x80  }
0x57: {  	s28 =	sshll.u32 s10, $0xE;
	s31 =	sshll.u32 s10, $0x7;
	[sflag:s8] =	ssyncset.done $0x0  }
0x58: {  	s10 =	sor.u32 $0x8, s10;
	[sflag:s8] =	ssyncadd.s32 $0xFFFFFF80;
	s8 =	sor.u32 $0x400, s28  }
0x59: {  	[tilespmem:s8], [sflag:s10] =	stream.indirect.gather [hbm4b:s6+s21], $0x80, s31, s21, $0xb8;
	v63 =	vld [tilespmem:$0x0]  }
.LBB2_6:
0x5a: {  	s23 =	sadd.s32 $0x1, s23  }
0x5b: {  	p0 =	sne.s32 s23, $0x50  }
.Ltmp3:
0x5c: {  	_ = 	snop;
	(pc) =	sbr.rel @!p0 .LBB2_7-.Ltmp3, $2  }
0x5d: {  	_ =	sdelay $0x2  }
0x5e: {  	s20 =	sadd.s32 $0x80, s20;
	s22 =	sadd.s32 $0x200, s22  }
.LBB2_2:
0x5f: {  	p0 =	seq.s32 s23, $0x0  }
0x60: {  	s24 =	sadd.s32 @!p0 $0xFFFFFFFF, s23  }
0x61: {  	s28 =	sand.u32 @!p0 $0xFF, s24  }
0x62: {  	s28 =	smul.u32 @!p0 $0xAB, s28  }
0x63: {  	s31 =	smul.u32 @!p0 $0xAB, s23  }
0x64: {  	s28 =	sshrl.u32 @!p0 s28, $0x9  }
0x65: {  	s31 =	sshrl.u32 @!p0 s31, $0x9;
	s28 =	smul.u32 @!p0 $0x3, s28  }
0x66: {  	s31 =	sand.u32 @!p0 $0x7F, s31  }
0x67: {  	s24 =	ssub.s32 @!p0 s24, s28;
	s28 =	smul.u32 @!p0 $0x3, s31  }
0x68: {  	s24 =	sand.u32 @!p0 $0xFF, s24  }
0x69: {  	s24 =	sadd.s32 @!p0 $0xB, s24;
	s28 =	ssub.s32 @!p0 s23, s28  }
0x6a: {  	_ =	swait.ge @!p0 [sflag:s24], $0x4000;
	s28 =	sand.u32 @!p0 $0xFF, s28  }
0x6b: {  	[sflag:s24] =	ssyncset.done @!p0 $0x0;
	s28 =	simm.s32 @p0 $0x0  }
0x6c: {  	[sflag:s24] =	ssyncadd.s32 @!p0 $0xFFFFC000;
	s10 =	sadd.s32 $0x8, s28;
	p0 =	sgt.u32 s23, $0x4C  }
.Ltmp4:
0x6d: {  	_ =	swait.ge [sflag:s10], $0x4000;
	(pc) =	sbr.rel @!p0 .LBB2_3-.Ltmp4, $4  }
0x6e: {  	s8 =	sand.u32 $0x600, s22;
	[sflag:s10] =	ssyncset.done $0x0  }
0x6f: {  	s31 =	sshrl.u32 s8, $0x2;
	[sflag:s10] =	ssyncadd.s32 $0xFFFFC000;
	s10 =	sshll.u32 s28, $0xE  }
0x70: {  	s31 =	sor.u32 $0x200, s31;
	s28 =	sadd.s32 $0xB, s28;
	s24 =	sor.u32 $0x400, s10  }
0x71: {  	[spmem:s3] =	stream.indirect.scatter.add.f32 [tilespmem:s24], [sflag:s28], $0x80, s31, s21, $0xb8;
	v63 =	vld [tilespmem:$0x0]  }
0x72: {  	p0 =	sne.s32 s23, $0x4D  }
.Ltmp5:
0x73: {  	_ = 	snop;
	(pc) =	sbr.rel @p0 .LBB2_6-.Ltmp5, $4  }
.Ltmp6:
0x74: {  	_ = 	snop;
	(pc) =	sbr.rel @!p0 .LBB2_5-.Ltmp6, $4  }
0x75: {  	_ = 	snop  }
0x76: {  	_ = 	snop  }
0x77: {  	_ = 	snop  }
0x78: {  	_ = 	snop  }
.LBB2_8:
0x79: {  	_ =	sfence.sel $0x180000  }
0x7a: {  	[bflag:$0x0] =	sbarrier.arrive $0xFFFF  }
0x7b: {  	_ =	strace $0x90000053  }
0x7c: {  	s0 =	stileid.u32;
	[bflag:$0x2] =	sbarrier.arrive $0xFFFF  }
0x7d: {  	p0 =	sne.s32 s0, $0x0;
	s0 =	rddreg [dreg:$0x3]  }
0x7e: {  	s0 =	sadd.s32 @!p0 $0x100000, s0  }
0x7f: {  	[sflag:s0] =	ssyncadd.tile.s32 @!p0 $0x1;
	_ =	shalt  }
.Lfunc_end2:
_tile_overlayer_lowered:
.L_overlay_start_2:
0x80: {  	(tag) =	ssettag $0x2  }
0x81: {  	s0 =	rddreg [dreg:$0x0];
	s2 =	stileid.u32  }
0x82: {  	s1 =	rddreg [dreg:$0x1];
	p0 =	sne.s32 s2, $0x0  }
0x83: {  	s3 =	rddreg [dreg:$0x2];
	[bflag:$0x3] =	sbarrier.arrive $0xFFFF;
	s2 =	simm.s32 @!p0 $0x1C0E  }
0x84: {  	[timem:s3], [sflag:s2] =	dma.local @!p0 [hbm:s0], s1  }
0x85: {  	s0 =	simm.s32 @!p0 $0xE  }
0x86: {  	_ =	swait.ge @!p0 [sflag:s0], s1  }
0x87: {  	s1 =	ssub.s32 @!p0 $0x0, s1;
	[sflag:s0] =	ssyncset.done @!p0 $0x0  }
0x88: {  	[sflag:s0] =	ssyncadd.s32 @!p0 s1  }
0x89: {  	[bflag:$0x3] =	sbarrier.arrive $0xFFFF  }
0x8a: {  	_ =	shalt  }

</sc_bundles>
